<compile_context>
chip_gen: v7x
topology: tpu7x:2x2x1
jax: 0.10.2.dev20260603
libtpu: 0.0.44.dev20260713+nightly
codegen_flags: <defaults>
</compile_context>

<pallas_src>
import functools

import numpy as np
import jax
import jax.numpy as jnp
from jax import lax
from jax.experimental import pallas as pl
from jax.experimental.pallas import tpu as pltpu
from jax.experimental.pallas import tpu_sc as plsc

_N, _L, _C = 128, 8192, 20
_ROWS = _N * _L
_NW = 32
_CHUNK = 2048

_SC_NCHUNK = 6
_SC_ROWS = _NW * _SC_NCHUNK * _CHUNK
_ROWS_PER_W = _SC_ROWS // _NW
_GROUPS = _CHUNK // 16

_BLKR = 64
_TC_ROWS = _ROWS - _SC_ROWS
_TC_CHUNKS = _TC_ROWS // (_BLKR * 128)

_V0, _V1, _V2 = 0.0024, 0.0763, 0.8426
_IZ_EDGE0 = float(1.0 / np.float32(0.9213))
_IZ_EDGE1 = float(1.0 / np.float32(0.9976))


def _smooth_table() -> np.ndarray:
    vals = np.array([_V0, _V1, _V2, _V1, _V0], dtype=np.float32)
    tab = np.zeros((20, 21), dtype=np.float32)
    for i in range(20):
        for k in range(5):
            p = i + k - 2
            if 0 <= p < 20:
                tab[i, p] += vals[k]
    return tab / tab.sum(axis=1, keepdims=True)


_TABLE = np.zeros(8192, dtype=np.float32)
_TABLE[:6720] = np.tile(_smooth_table().reshape(-1, 1), (1, 16)).reshape(-1)


@functools.partial(
    pl.kernel,
    out_type=jax.ShapeDtypeStruct((_NW * 16,), jnp.float32),
    mesh=plsc.VectorSubcoreMesh(core_axis_name="c", subcore_axis_name="s"),
    compiler_params=pltpu.CompilerParams(needs_layout_passes=False),
    scratch_types=[
        pltpu.VMEM((_C * _CHUNK // 128, 128), jnp.float32),
        pltpu.VMEM((_C * _CHUNK // 128, 128), jnp.float32),
        pltpu.VMEM((_CHUNK // 128, 128), jnp.float32),
        pltpu.VMEM((_CHUNK // 128, 128), jnp.float32),
        pltpu.VMEM((8192,), jnp.float32),
        pltpu.VMEM((16,), jnp.float32),
        pltpu.SemaphoreType.DMA,
        pltpu.SemaphoreType.DMA,
        pltpu.SemaphoreType.DMA,
        pltpu.SemaphoreType.DMA,
    ],
)
def _edm_sc(x_hbm, t_hbm, tab_hbm, out_hbm,
            xba, xbb, tba, tbb, tab_v, acc_v,
            sxa, sxb, sta, stb):
    wid = lax.axis_index("s") * 2 + lax.axis_index("c")
    base_row = wid * _ROWS_PER_W
    lane = lax.broadcasted_iota(jnp.int32, (16,), 0)

    def start(ch, xbuf, tbuf, sx, st):
        row0 = base_row + ch * _CHUNK
        for c in range(_C):
            off = pl.multiple_of((c * _ROWS + row0) // 128, 16)
            pltpu.make_async_copy(
                x_hbm.at[pl.ds(off, _CHUNK // 128), :],
                xbuf.at[pl.ds(c * (_CHUNK // 128), _CHUNK // 128), :],
                sx).start()
        pltpu.make_async_copy(
            t_hbm.at[pl.ds(pl.multiple_of(row0 // 128, 16), _CHUNK // 128), :],
            tbuf, st).start()

    def wait(xbuf, tbuf, sx, st):
        pltpu.make_async_copy(
            x_hbm.at[pl.ds(0, _C * _CHUNK // 128), :], xbuf, sx).wait()
        pltpu.make_async_copy(
            t_hbm.at[pl.ds(0, _CHUNK // 128), :], tbuf, st).wait()

    def compute(xbuf, tbuf):
        @pl.loop(0, _GROUPS)
        def _(g):
            grow = g // 8
            gcol = (g % 8) * 16
            t = tbuf[grow, pl.ds(gcol, 16)]
            f = t * 100.0 - 100.0
            xi = f.astype(jnp.int32)
            xi = jnp.minimum(jnp.maximum(xi, 0), 399)
            bin336 = jnp.right_shift(xi * 3277, 16) * (21 * 16) + lane
            run = jnp.zeros((16,), jnp.float32)
            ssq = jnp.zeros((16,), jnp.float32)
            for c in range(_C):
                xc = xbuf[c * (_CHUNK // 128) + grow, pl.ds(gcol, 16)]
                sc = plsc.load_gather(tab_v, [bin336 + 16 * c])
                run = run + (xc - sc)
                ssq = ssq + run * run
            y = ssq * (1.0 / 20.0) + 1e-6
            r = plsc.bitcast(
                jnp.int32(0x5F3759DF)
                - jnp.right_shift(plsc.bitcast(y, jnp.int32), 1),
                jnp.float32)
            for _ in range(3):
                r = r * (1.5 - 0.5 * y * r * r)
            acc_v[...] = acc_v[...] + y * r

    pltpu.sync_copy(tab_hbm, tab_v)
    acc_v[...] = jnp.zeros((16,), jnp.float32)
    start(0, xba, tba, sxa, sta)

    @pl.loop(0, _SC_NCHUNK, step=2)
    def _(ch):
        start(ch + 1, xbb, tbb, sxb, stb)
        wait(xba, tba, sxa, sta)
        compute(xba, tba)

        @pl.when(ch + 2 < _SC_NCHUNK)
        def _():
            start(ch + 2, xba, tba, sxa, sta)

        wait(xbb, tbb, sxb, stb)
        compute(xbb, tbb)

    pltpu.sync_copy(acc_v, out_hbm.at[pl.ds(wid * 16, 16)])


def _tc_body(*refs):
    x_refs = refs[:_C]
    t_ref = refs[_C]
    out_ref = refs[_C + 1]
    i = pl.program_id(0)

    t = t_ref[...]
    f = t * 100.0 - 100.0
    xi = f.astype(jnp.int32)
    xi = jnp.minimum(jnp.maximum(xi, 0), 399)
    b = jnp.right_shift(xi * 3277, 16)
    inz = jnp.where(jnp.logical_or(b == 0, b == 19), _IZ_EDGE0, 1.0)
    inz = jnp.where(jnp.logical_or(b == 1, b == 18), _IZ_EDGE1, inz)

    run = jnp.zeros((_BLKR, 128), jnp.float32)
    ssq = jnp.zeros((_BLKR, 128), jnp.float32)
    for c in range(_C):
        a = jnp.abs(c - b)
        s = jnp.where(a == 0, _V2, 0.0)
        s = jnp.where(a == 1, _V1, s)
        s = jnp.where(a == 2, _V0, s)
        run = run + (x_refs[c][...] - s * inz)
        ssq = ssq + run * run

    y = ssq * (1.0 / 20.0) + 1e-6
    val = jnp.sqrt(y)

    @pl.when(i == 0)
    def _():
        out_ref[...] = jnp.zeros_like(out_ref)

    out_ref[...] = out_ref[...] + val


_edm_tc = pl.pallas_call(
    _tc_body,
    grid=(_TC_CHUNKS,),
    in_specs=[
        pl.BlockSpec((_BLKR, 128),
                     functools.partial(
                         lambda c_, i: (c_ * (_ROWS // (128 * _BLKR))
                                        + _SC_ROWS // (128 * _BLKR) + i, 0),
                         c))
        for c in range(_C)
    ] + [
        pl.BlockSpec((_BLKR, 128),
                     lambda i: (_SC_ROWS // (128 * _BLKR) + i, 0)),
    ],
    out_specs=pl.BlockSpec((_BLKR, 128), lambda i: (0, 0)),
    out_shape=jax.ShapeDtypeStruct((_BLKR, 128), jnp.float32),
)


def kernel(input, target):
    x = input.transpose(2, 0, 1).reshape(_C * _ROWS // 128, 128)
    t = target.reshape(_ROWS // 128, 128)
    parts_sc = _edm_sc(x, t, jnp.asarray(_TABLE))
    parts_tc = _edm_tc(*([x] * _C), t)
    return (jnp.sum(parts_sc) + jnp.sum(parts_tc)) * (1.0 / _ROWS)

# --- scband reference (transcript-rebuilt; emitter-appended) ---
"""Pipeline reference for scband-frame-edmloss-29162827939882 (READ-ONLY COPY).

The authoritative reference and input builder live on the scoring server;
editing this copy changes nothing except your own understanding.
"""

import jax, jax.numpy as jnp
import numpy as np

STEP = 0.2
SMOOTH = True
NBINS = int(4 / STEP)  # 20


def _smooth_label(onehot):
    # onehot: (..., 20). Faithful port of smoothLabel/smoothLabel3 (vectorized over leading dims).
    idx = jnp.argmax(onehot, axis=-1)  # (...)
    vals = jnp.array([0.0024, 0.0763, 0.8426, 0.0763, 0.0024], dtype=jnp.float32)
    offs = idx[..., None] + jnp.arange(5)  # (..., 5), offsets idx+0 .. idx+4
    oh = jax.nn.one_hot(offs, onehot.shape[-1] + 4, dtype=jnp.float32)  # (..., 5, 24)
    smooth_dis = jnp.einsum('...ko,k->...o', oh, vals)  # scatter-set equivalent (indices distinct)
    smooth_dis = smooth_dis[..., 2:22]
    return smooth_dis / jnp.sum(smooth_dis, axis=-1, keepdims=True)


def _float_to_onehot(x, step=STEP, s=SMOOTH):
    x_i = (x * 100.0 - 100.0).astype(jnp.int32)
    x_i = jnp.where(x_i >= 400, 399, x_i)
    x_i = jnp.where(x_i <= 0, 0, x_i)
    x_i = x_i // int(step * 100)
    oh = jax.nn.one_hot(x_i, int(4 / step), dtype=jnp.float32)  # (..., 1, 20)
    oh = jnp.squeeze(oh, axis=-2)  # (..., 20)
    if s:
        oh = _smooth_label(oh)
    return oh


def setup_inputs(seed: int = 0) -> dict:
    key = jax.random.key(seed)
    k1, k2 = jax.random.split(key)
    inp = jax.random.uniform(k1, (128, 8192, 20), dtype=jnp.float32)
    # target values in [1, 5) so bins span the full range (torch code maps x*100-100 into [0,400))
    tgt = jax.random.uniform(k2, (128, 8192, 1), dtype=jnp.float32) * 4.0 + 1.0
    return {"input": inp, "target": tgt}


def reference(input, target):
    # input is 3D (N, L, C) so it is used directly (torch branch: len(input.shape) != 2)
    input_ = input
    target_ = _float_to_onehot(jax.lax.stop_gradient(target), STEP, SMOOTH)
    cdf_input = jnp.cumsum(input_, axis=-1)
    cdf_target = jnp.cumsum(target_, axis=-1)
    cdf_diff = cdf_input - cdf_target
    samplewise_emd = jnp.sqrt(jnp.mean(jnp.square(cdf_diff), axis=-1) + 1e-06)
    return jnp.mean(samplewise_emd)

if __name__ == "__main__":
    import jax
    _d = setup_inputs()
    print(jax.jit(kernel)(*tuple(_d.values())))

</pallas_src>

<mosaic_0001>
#map = affine_map<(d0, d1) -> (0, 0)>
#map1 = affine_map<(d0, d1) -> (0)>
module attributes {stable_mosaic.version = 14 : i64} {
  func.func @_edm_sc(%arg0: i32, %arg1: i32, %arg2: memref<163840x128xf32, #tpu.memory_space<hbm>>, %arg3: memref<8192x128xf32, #tpu.memory_space<hbm>>, %arg4: memref<8192xf32, #tpu.memory_space<hbm>>, %arg5: memref<512xf32, #tpu.memory_space<hbm>>, %arg6: memref<320x128xf32, #tpu.memory_space<vmem>>, %arg7: memref<320x128xf32, #tpu.memory_space<vmem>>, %arg8: memref<16x128xf32, #tpu.memory_space<vmem>>, %arg9: memref<16x128xf32, #tpu.memory_space<vmem>>, %arg10: memref<8192xf32, #tpu.memory_space<vmem>>, %arg11: memref<16xf32, #tpu.memory_space<vmem>>, %arg12: memref<!tpu.dma_semaphore, #tpu.memory_space<semaphore_mem>>, %arg13: memref<!tpu.dma_semaphore, #tpu.memory_space<semaphore_mem>>, %arg14: memref<!tpu.dma_semaphore, #tpu.memory_space<semaphore_mem>>, %arg15: memref<!tpu.dma_semaphore, #tpu.memory_space<semaphore_mem>>) attributes {dimension_semantics = [#tpu.dimension_semantics<core_parallel>, #tpu.dimension_semantics<subcore_parallel>], iteration_bounds = array<i64: 2, 16>, scalar_prefetch = 0 : i64, scratch_operands = 10 : i64, tpu.core_type = #tpu.core_type<sc_vector_subcore>, window_params = [{transform_indices = #map}, {transform_indices = #map}, {transform_indices = #map1}, {transform_indices = #map1}]} {
    %mul3A = arith.constant 2 : i32
    %mul3A_0 = arith.muli %arg1, %mul3A : i32
    %add3A = arith.addi %mul3A_0, %arg0 : i32
    %mul3A_1 = arith.constant 12288 : i32
    %mul3A_2 = arith.muli %add3A, %mul3A_1 : i32
    %iota3A = tpu.iota {dimensions = array<i32: 0>} : vector<16xi32>
    "tpu.region"() ({
      %run_scoped3A = tpu.sem_alloc : memref<!tpu.dma_semaphore, #tpu.memory_space<semaphore_mem>>
      tpu.enqueue_dma source(%arg4 : memref<8192xf32, #tpu.memory_space<hbm>>) target(%arg10 : memref<8192xf32, #tpu.memory_space<vmem>>) target_semaphore(%run_scoped3A : memref<!tpu.dma_semaphore, #tpu.memory_space<semaphore_mem>>)
      tpu.wait_dma2 semaphore(%run_scoped3A : memref<!tpu.dma_semaphore, #tpu.memory_space<semaphore_mem>>) src(%arg4 : memref<8192xf32, #tpu.memory_space<hbm>>) dst(%arg10 : memref<8192xf32, #tpu.memory_space<vmem>>)
      tpu.yield
    }) : () -> ()
    %broadcast_in_dim3A = arith.constant 0.000000e+00 : f32
    %broadcast_in_dim3A_3 = vector.broadcast %broadcast_in_dim3A : f32 to vector<16xf32>
    %swap3A = arith.constant 0 : index
    %swap3A_4 = tpu.vector_load %arg11[%swap3A] {strides = array<i32>} : memref<16xf32, #tpu.memory_space<vmem>>, vector<16xf32>,
    tpu.vector_store %arg11[%swap3A], %broadcast_in_dim3A_3 {strides = array<i32>} : memref<16xf32, #tpu.memory_space<vmem>>, vector<16xf32>,
    %add3A_5 = arith.constant 0 : i32
    %add3A_6 = arith.addi %mul3A_2, %add3A_5 : i32
    %add3A_7 = arith.constant 0 : i32
    %add3A_8 = arith.addi %add3A_7, %add3A_6 : i32
    %jit3A = arith.constant 128 : i32
    %div3A = arith.divsi %add3A_8, %jit3A : i32
    %sign3A = arith.constant 0 : i32
    %sign3A_9 = arith.cmpi sgt, %add3A_8, %sign3A : i32
    %sign3A_10 = arith.extui %sign3A_9 : i1 to i32
    %sign3A_11 = arith.constant 0 : i32
    %sign3A_12 = arith.cmpi slt, %add3A_8, %sign3A_11 : i32
    %sign3A_13 = arith.extui %sign3A_12 : i1 to i32
    %sign3A_14 = arith.subi %sign3A_10, %sign3A_13 : i32
    %sign3A_15 = arith.constant 0 : i32
    %sign3A_16 = arith.cmpi sgt, %jit3A, %sign3A_15 : i32
    %sign3A_17 = arith.extui %sign3A_16 : i1 to i32
    %sign3A_18 = arith.constant 0 : i32
    %sign3A_19 = arith.cmpi slt, %jit3A, %sign3A_18 : i32
    %sign3A_20 = arith.extui %sign3A_19 : i1 to i32
    %sign3A_21 = arith.subi %sign3A_17, %sign3A_20 : i32
    %ne3A = arith.cmpi ne, %sign3A_14, %sign3A_21 : i32
    %rem3A = arith.remsi %add3A_8, %jit3A : i32
    %ne3A_22 = arith.constant 0 : i32
    %ne3A_23 = arith.cmpi ne, %rem3A, %ne3A_22 : i32
    %and3A = arith.andi %ne3A, %ne3A_23 : i1
    %sub3A = arith.constant 1 : i32
    %sub3A_24 = arith.subi %div3A, %sub3A : i32
    %select_n3A = arith.select %and3A, %sub3A_24, %div3A : i32
    %multiple_of3A = tpu.assume_multiple %select_n3A, 16 : i32
    %dma_start3A = arith.constant 0 : i32
    %dma_start3A_25 = arith.constant 0 : i32
    %dma_start3A_26 = tpu.memref_slice %arg6[%dma_start3A, %dma_start3A_25] : memref<320x128xf32, #tpu.memory_space<vmem>> -> memref<16x128xf32, #tpu.memory_space<vmem>>
    %dma_start3A_27 = arith.constant 0 : i32
    %dma_start3A_28 = tpu.memref_slice %arg2[%multiple_of3A, %dma_start3A_27] : memref<163840x128xf32, #tpu.memory_space<hbm>> -> memref<16x128xf32, #tpu.memory_space<hbm>>
    %dma_start3A_29 = arith.constant 0 : i32
    %dma_start3A_30 = arith.constant 0 : i32
    %dma_start3A_31 = tpu.memref_slice %arg6[%dma_start3A_29, %dma_start3A_30] : memref<320x128xf32, #tpu.memory_space<vmem>> -> memref<16x128xf32, #tpu.memory_space<vmem>>
    %dma_start3A_32 = arith.constant 0 : i32
    %dma_start3A_33 = tpu.memref_slice %arg2[%multiple_of3A, %dma_start3A_32] : memref<163840x128xf32, #tpu.memory_space<hbm>> -> memref<16x128xf32, #tpu.memory_space<hbm>>
    tpu.enqueue_dma source(%dma_start3A_33 : memref<16x128xf32, #tpu.memory_space<hbm>>) target(%dma_start3A_31 : memref<16x128xf32, #tpu.memory_space<vmem>>) target_semaphore(%arg12 : memref<!tpu.dma_semaphore, #tpu.memory_space<semaphore_mem>>)
    %add3A_34 = arith.constant 1048576 : i32
    %add3A_35 = arith.addi %add3A_34, %add3A_6 : i32
    %jit3A_36 = arith.constant 128 : i32
    %div3A_37 = arith.divsi %add3A_35, %jit3A_36 : i32
    %sign3A_38 = arith.constant 0 : i32
    %sign3A_39 = arith.cmpi sgt, %add3A_35, %sign3A_38 : i32
    %sign3A_40 = arith.extui %sign3A_39 : i1 to i32
    %sign3A_41 = arith.constant 0 : i32
    %sign3A_42 = arith.cmpi slt, %add3A_35, %sign3A_41 : i32
    %sign3A_43 = arith.extui %sign3A_42 : i1 to i32
    %sign3A_44 = arith.subi %sign3A_40, %sign3A_43 : i32
    %sign3A_45 = arith.constant 0 : i32
    %sign3A_46 = arith.cmpi sgt, %jit3A_36, %sign3A_45 : i32
    %sign3A_47 = arith.extui %sign3A_46 : i1 to i32
    %sign3A_48 = arith.constant 0 : i32
    %sign3A_49 = arith.cmpi slt, %jit3A_36, %sign3A_48 : i32
    %sign3A_50 = arith.extui %sign3A_49 : i1 to i32
    %sign3A_51 = arith.subi %sign3A_47, %sign3A_50 : i32
    %ne3A_52 = arith.cmpi ne, %sign3A_44, %sign3A_51 : i32
    %rem3A_53 = arith.remsi %add3A_35, %jit3A_36 : i32
    %ne3A_54 = arith.constant 0 : i32
    %ne3A_55 = arith.cmpi ne, %rem3A_53, %ne3A_54 : i32
    %and3A_56 = arith.andi %ne3A_52, %ne3A_55 : i1
    %sub3A_57 = arith.constant 1 : i32
    %sub3A_58 = arith.subi %div3A_37, %sub3A_57 : i32
    %select_n3A_59 = arith.select %and3A_56, %sub3A_58, %div3A_37 : i32
    %multiple_of3A_60 = tpu.assume_multiple %select_n3A_59, 16 : i32
    %dma_start3A_61 = arith.constant 16 : i32
    %dma_start3A_62 = arith.constant 0 : i32
    %dma_start3A_63 = tpu.memref_slice %arg6[%dma_start3A_61, %dma_start3A_62] : memref<320x128xf32, #tpu.memory_space<vmem>> -> memref<16x128xf32, #tpu.memory_space<vmem>>
    %dma_start3A_64 = arith.constant 0 : i32
    %dma_start3A_65 = tpu.memref_slice %arg2[%multiple_of3A_60, %dma_start3A_64] : memref<163840x128xf32, #tpu.memory_space<hbm>> -> memref<16x128xf32, #tpu.memory_space<hbm>>
    %dma_start3A_66 = arith.constant 16 : i32
    %dma_start3A_67 = arith.constant 0 : i32
    %dma_start3A_68 = tpu.memref_slice %arg6[%dma_start3A_66, %dma_start3A_67] : memref<320x128xf32, #tpu.memory_space<vmem>> -> memref<16x128xf32, #tpu.memory_space<vmem>>
    %dma_start3A_69 = arith.constant 0 : i32
    %dma_start3A_70 = tpu.memref_slice %arg2[%multiple_of3A_60, %dma_start3A_69] : memref<163840x128xf32, #tpu.memory_space<hbm>> -> memref<16x128xf32, #tpu.memory_space<hbm>>
    tpu.enqueue_dma source(%dma_start3A_70 : memref<16x128xf32, #tpu.memory_space<hbm>>) target(%dma_start3A_68 : memref<16x128xf32, #tpu.memory_space<vmem>>) target_semaphore(%arg12 : memref<!tpu.dma_semaphore, #tpu.memory_space<semaphore_mem>>)
    %add3A_71 = arith.constant 2097152 : i32
    %add3A_72 = arith.addi %add3A_71, %add3A_6 : i32
    %jit3A_73 = arith.constant 128 : i32
    %div3A_74 = arith.divsi %add3A_72, %jit3A_73 : i32
    %sign3A_75 = arith.constant 0 : i32
    %sign3A_76 = arith.cmpi sgt, %add3A_72, %sign3A_75 : i32
    %sign3A_77 = arith.extui %sign3A_76 : i1 to i32
    %sign3A_78 = arith.constant 0 : i32
    %sign3A_79 = arith.cmpi slt, %add3A_72, %sign3A_78 : i32
    %sign3A_80 = arith.extui %sign3A_79 : i1 to i32
    %sign3A_81 = arith.subi %sign3A_77, %sign3A_80 : i32
    %sign3A_82 = arith.constant 0 : i32
    %sign3A_83 = arith.cmpi sgt, %jit3A_73, %sign3A_82 : i32
    %sign3A_84 = arith.extui %sign3A_83 : i1 to i32
    %sign3A_85 = arith.constant 0 : i32
    %sign3A_86 = arith.cmpi slt, %jit3A_73, %sign3A_85 : i32
    %sign3A_87 = arith.extui %sign3A_86 : i1 to i32
    %sign3A_88 = arith.subi %sign3A_84, %sign3A_87 : i32
    %ne3A_89 = arith.cmpi ne, %sign3A_81, %sign3A_88 : i32
    %rem3A_90 = arith.remsi %add3A_72, %jit3A_73 : i32
    %ne3A_91 = arith.constant 0 : i32
    %ne3A_92 = arith.cmpi ne, %rem3A_90, %ne3A_91 : i32
    %and3A_93 = arith.andi %ne3A_89, %ne3A_92 : i1
    %sub3A_94 = arith.constant 1 : i32
    %sub3A_95 = arith.subi %div3A_74, %sub3A_94 : i32
    %select_n3A_96 = arith.select %and3A_93, %sub3A_95, %div3A_74 : i32
    %multiple_of3A_97 = tpu.assume_multiple %select_n3A_96, 16 : i32
    %dma_start3A_98 = arith.constant 32 : i32
    %dma_start3A_99 = arith.constant 0 : i32
    %dma_start3A_100 = tpu.memref_slice %arg6[%dma_start3A_98, %dma_start3A_99] : memref<320x128xf32, #tpu.memory_space<vmem>> -> memref<16x128xf32, #tpu.memory_space<vmem>>
    %dma_start3A_101 = arith.constant 0 : i32
    %dma_start3A_102 = tpu.memref_slice %arg2[%multiple_of3A_97, %dma_start3A_101] : memref<163840x128xf32, #tpu.memory_space<hbm>> -> memref<16x128xf32, #tpu.memory_space<hbm>>
    %dma_start3A_103 = arith.constant 32 : i32
    %dma_start3A_104 = arith.constant 0 : i32
    %dma_start3A_105 = tpu.memref_slice %arg6[%dma_start3A_103, %dma_start3A_104] : memref<320x128xf32, #tpu.memory_space<vmem>> -> memref<16x128xf32, #tpu.memory_space<vmem>>
    %dma_start3A_106 = arith.constant 0 : i32
    %dma_start3A_107 = tpu.memref_slice %arg2[%multiple_of3A_97, %dma_start3A_106] : memref<163840x128xf32, #tpu.memory_space<hbm>> -> memref<16x128xf32, #tpu.memory_space<hbm>>
    tpu.enqueue_dma source(%dma_start3A_107 : memref<16x128xf32, #tpu.memory_space<hbm>>) target(%dma_start3A_105 : memref<16x128xf32, #tpu.memory_space<vmem>>) target_semaphore(%arg12 : memref<!tpu.dma_semaphore, #tpu.memory_space<semaphore_mem>>)
    %add3A_108 = arith.constant 3145728 : i32
    %add3A_109 = arith.addi %add3A_108, %add3A_6 : i32
    %jit3A_110 = arith.constant 128 : i32
    %div3A_111 = arith.divsi %add3A_109, %jit3A_110 : i32
    %sign3A_112 = arith.constant 0 : i32
    %sign3A_113 = arith.cmpi sgt, %add3A_109, %sign3A_112 : i32
    %sign3A_114 = arith.extui %sign3A_113 : i1 to i32
    %sign3A_115 = arith.constant 0 : i32
    %sign3A_116 = arith.cmpi slt, %add3A_109, %sign3A_115 : i32
    %sign3A_117 = arith.extui %sign3A_116 : i1 to i32
    %sign3A_118 = arith.subi %sign3A_114, %sign3A_117 : i32
    %sign3A_119 = arith.constant 0 : i32
    %sign3A_120 = arith.cmpi sgt, %jit3A_110, %sign3A_119 : i32
    %sign3A_121 = arith.extui %sign3A_120 : i1 to i32
    %sign3A_122 = arith.constant 0 : i32
    %sign3A_123 = arith.cmpi slt, %jit3A_110, %sign3A_122 : i32
    %sign3A_124 = arith.extui %sign3A_123 : i1 to i32
    %sign3A_125 = arith.subi %sign3A_121, %sign3A_124 : i32
    %ne3A_126 = arith.cmpi ne, %sign3A_118, %sign3A_125 : i32
    %rem3A_127 = arith.remsi %add3A_109, %jit3A_110 : i32
    %ne3A_128 = arith.constant 0 : i32
    %ne3A_129 = arith.cmpi ne, %rem3A_127, %ne3A_128 : i32
    %and3A_130 = arith.andi %ne3A_126, %ne3A_129 : i1
    %sub3A_131 = arith.constant 1 : i32
    %sub3A_132 = arith.subi %div3A_111, %sub3A_131 : i32
    %select_n3A_133 = arith.select %and3A_130, %sub3A_132, %div3A_111 : i32
    %multiple_of3A_134 = tpu.assume_multiple %select_n3A_133, 16 : i32
    %dma_start3A_135 = arith.constant 48 : i32
    %dma_start3A_136 = arith.constant 0 : i32
    %dma_start3A_137 = tpu.memref_slice %arg6[%dma_start3A_135, %dma_start3A_136] : memref<320x128xf32, #tpu.memory_space<vmem>> -> memref<16x128xf32, #tpu.memory_space<vmem>>
    %dma_start3A_138 = arith.constant 0 : i32
    %dma_start3A_139 = tpu.memref_slice %arg2[%multiple_of3A_134, %dma_start3A_138] : memref<163840x128xf32, #tpu.memory_space<hbm>> -> memref<16x128xf32, #tpu.memory_space<hbm>>
    %dma_start3A_140 = arith.constant 48 : i32
    %dma_start3A_141 = arith.constant 0 : i32
    %dma_start3A_142 = tpu.memref_slice %arg6[%dma_start3A_140, %dma_start3A_141] : memref<320x128xf32, #tpu.memory_space<vmem>> -> memref<16x128xf32, #tpu.memory_space<vmem>>
    %dma_start3A_143 = arith.constant 0 : i32
    %dma_start3A_144 = tpu.memref_slice %arg2[%multiple_of3A_134, %dma_start3A_143] : memref<163840x128xf32, #tpu.memory_space<hbm>> -> memref<16x128xf32, #tpu.memory_space<hbm>>
    tpu.enqueue_dma source(%dma_start3A_144 : memref<16x128xf32, #tpu.memory_space<hbm>>) target(%dma_start3A_142 : memref<16x128xf32, #tpu.memory_space<vmem>>) target_semaphore(%arg12 : memref<!tpu.dma_semaphore, #tpu.memory_space<semaphore_mem>>)
    %add3A_145 = arith.constant 4194304 : i32
    %add3A_146 = arith.addi %add3A_145, %add3A_6 : i32
    %jit3A_147 = arith.constant 128 : i32
    %div3A_148 = arith.divsi %add3A_146, %jit3A_147 : i32
    %sign3A_149 = arith.constant 0 : i32
    %sign3A_150 = arith.cmpi sgt, %add3A_146, %sign3A_149 : i32
    %sign3A_151 = arith.extui %sign3A_150 : i1 to i32
    %sign3A_152 = arith.constant 0 : i32
    %sign3A_153 = arith.cmpi slt, %add3A_146, %sign3A_152 : i32
    %sign3A_154 = arith.extui %sign3A_153 : i1 to i32
    %sign3A_155 = arith.subi %sign3A_151, %sign3A_154 : i32
    %sign3A_156 = arith.constant 0 : i32
    %sign3A_157 = arith.cmpi sgt, %jit3A_147, %sign3A_156 : i32
    %sign3A_158 = arith.extui %sign3A_157 : i1 to i32
    %sign3A_159 = arith.constant 0 : i32
    %sign3A_160 = arith.cmpi slt, %jit3A_147, %sign3A_159 : i32
    %sign3A_161 = arith.extui %sign3A_160 : i1 to i32
    %sign3A_162 = arith.subi %sign3A_158, %sign3A_161 : i32
    %ne3A_163 = arith.cmpi ne, %sign3A_155, %sign3A_162 : i32
    %rem3A_164 = arith.remsi %add3A_146, %jit3A_147 : i32
    %ne3A_165 = arith.constant 0 : i32
    %ne3A_166 = arith.cmpi ne, %rem3A_164, %ne3A_165 : i32
    %and3A_167 = arith.andi %ne3A_163, %ne3A_166 : i1
    %sub3A_168 = arith.constant 1 : i32
    %sub3A_169 = arith.subi %div3A_148, %sub3A_168 : i32
    %select_n3A_170 = arith.select %and3A_167, %sub3A_169, %div3A_148 : i32
    %multiple_of3A_171 = tpu.assume_multiple %select_n3A_170, 16 : i32
    %dma_start3A_172 = arith.constant 64 : i32
    %dma_start3A_173 = arith.constant 0 : i32
    %dma_start3A_174 = tpu.memref_slice %arg6[%dma_start3A_172, %dma_start3A_173] : memref<320x128xf32, #tpu.memory_space<vmem>> -> memref<16x128xf32, #tpu.memory_space<vmem>>
    %dma_start3A_175 = arith.constant 0 : i32
    %dma_start3A_176 = tpu.memref_slice %arg2[%multiple_of3A_171, %dma_start3A_175] : memref<163840x128xf32, #tpu.memory_space<hbm>> -> memref<16x128xf32, #tpu.memory_space<hbm>>
    %dma_start3A_177 = arith.constant 64 : i32
    %dma_start3A_178 = arith.constant 0 : i32
    %dma_start3A_179 = tpu.memref_slice %arg6[%dma_start3A_177, %dma_start3A_178] : memref<320x128xf32, #tpu.memory_space<vmem>> -> memref<16x128xf32, #tpu.memory_space<vmem>>
    %dma_start3A_180 = arith.constant 0 : i32
    %dma_start3A_181 = tpu.memref_slice %arg2[%multiple_of3A_171, %dma_start3A_180] : memref<163840x128xf32, #tpu.memory_space<hbm>> -> memref<16x128xf32, #tpu.memory_space<hbm>>
    tpu.enqueue_dma source(%dma_start3A_181 : memref<16x128xf32, #tpu.memory_space<hbm>>) target(%dma_start3A_179 : memref<16x128xf32, #tpu.memory_space<vmem>>) target_semaphore(%arg12 : memref<!tpu.dma_semaphore, #tpu.memory_space<semaphore_mem>>)
    %add3A_182 = arith.constant 5242880 : i32
    %add3A_183 = arith.addi %add3A_182, %add3A_6 : i32
    %jit3A_184 = arith.constant 128 : i32
    %div3A_185 = arith.divsi %add3A_183, %jit3A_184 : i32
    %sign3A_186 = arith.constant 0 : i32
    %sign3A_187 = arith.cmpi sgt, %add3A_183, %sign3A_186 : i32
    %sign3A_188 = arith.extui %sign3A_187 : i1 to i32
    %sign3A_189 = arith.constant 0 : i32
    %sign3A_190 = arith.cmpi slt, %add3A_183, %sign3A_189 : i32
    %sign3A_191 = arith.extui %sign3A_190 : i1 to i32
    %sign3A_192 = arith.subi %sign3A_188, %sign3A_191 : i32
    %sign3A_193 = arith.constant 0 : i32
    %sign3A_194 = arith.cmpi sgt, %jit3A_184, %sign3A_193 : i32
    %sign3A_195 = arith.extui %sign3A_194 : i1 to i32
    %sign3A_196 = arith.constant 0 : i32
    %sign3A_197 = arith.cmpi slt, %jit3A_184, %sign3A_196 : i32
    %sign3A_198 = arith.extui %sign3A_197 : i1 to i32
    %sign3A_199 = arith.subi %sign3A_195, %sign3A_198 : i32
    %ne3A_200 = arith.cmpi ne, %sign3A_192, %sign3A_199 : i32
    %rem3A_201 = arith.remsi %add3A_183, %jit3A_184 : i32
    %ne3A_202 = arith.constant 0 : i32
    %ne3A_203 = arith.cmpi ne, %rem3A_201, %ne3A_202 : i32
    %and3A_204 = arith.andi %ne3A_200, %ne3A_203 : i1
    %sub3A_205 = arith.constant 1 : i32
    %sub3A_206 = arith.subi %div3A_185, %sub3A_205 : i32
    %select_n3A_207 = arith.select %and3A_204, %sub3A_206, %div3A_185 : i32
    %multiple_of3A_208 = tpu.assume_multiple %select_n3A_207, 16 : i32
    %dma_start3A_209 = arith.constant 80 : i32
    %dma_start3A_210 = arith.constant 0 : i32
    %dma_start3A_211 = tpu.memref_slice %arg6[%dma_start3A_209, %dma_start3A_210] : memref<320x128xf32, #tpu.memory_space<vmem>> -> memref<16x128xf32, #tpu.memory_space<vmem>>
    %dma_start3A_212 = arith.constant 0 : i32
    %dma_start3A_213 = tpu.memref_slice %arg2[%multiple_of3A_208, %dma_start3A_212] : memref<163840x128xf32, #tpu.memory_space<hbm>> -> memref<16x128xf32, #tpu.memory_space<hbm>>
    %dma_start3A_214 = arith.constant 80 : i32
    %dma_start3A_215 = arith.constant 0 : i32
    %dma_start3A_216 = tpu.memref_slice %arg6[%dma_start3A_214, %dma_start3A_215] : memref<320x128xf32, #tpu.memory_space<vmem>> -> memref<16x128xf32, #tpu.memory_space<vmem>>
    %dma_start3A_217 = arith.constant 0 : i32
    %dma_start3A_218 = tpu.memref_slice %arg2[%multiple_of3A_208, %dma_start3A_217] : memref<163840x128xf32, #tpu.memory_space<hbm>> -> memref<16x128xf32, #tpu.memory_space<hbm>>
    tpu.enqueue_dma source(%dma_start3A_218 : memref<16x128xf32, #tpu.memory_space<hbm>>) target(%dma_start3A_216 : memref<16x128xf32, #tpu.memory_space<vmem>>) target_semaphore(%arg12 : memref<!tpu.dma_semaphore, #tpu.memory_space<semaphore_mem>>)
    %add3A_219 = arith.constant 6291456 : i32
    %add3A_220 = arith.addi %add3A_219, %add3A_6 : i32
    %jit3A_221 = arith.constant 128 : i32
    %div3A_222 = arith.divsi %add3A_220, %jit3A_221 : i32
    %sign3A_223 = arith.constant 0 : i32
    %sign3A_224 = arith.cmpi sgt, %add3A_220, %sign3A_223 : i32
    %sign3A_225 = arith.extui %sign3A_224 : i1 to i32
    %sign3A_226 = arith.constant 0 : i32
    %sign3A_227 = arith.cmpi slt, %add3A_220, %sign3A_226 : i32
    %sign3A_228 = arith.extui %sign3A_227 : i1 to i32
    %sign3A_229 = arith.subi %sign3A_225, %sign3A_228 : i32
    %sign3A_230 = arith.constant 0 : i32
    %sign3A_231 = arith.cmpi sgt, %jit3A_221, %sign3A_230 : i32
    %sign3A_232 = arith.extui %sign3A_231 : i1 to i32
    %sign3A_233 = arith.constant 0 : i32
    %sign3A_234 = arith.cmpi slt, %jit3A_221, %sign3A_233 : i32
    %sign3A_235 = arith.extui %sign3A_234 : i1 to i32
    %sign3A_236 = arith.subi %sign3A_232, %sign3A_235 : i32
    %ne3A_237 = arith.cmpi ne, %sign3A_229, %sign3A_236 : i32
    %rem3A_238 = arith.remsi %add3A_220, %jit3A_221 : i32
    %ne3A_239 = arith.constant 0 : i32
    %ne3A_240 = arith.cmpi ne, %rem3A_238, %ne3A_239 : i32
    %and3A_241 = arith.andi %ne3A_237, %ne3A_240 : i1
    %sub3A_242 = arith.constant 1 : i32
    %sub3A_243 = arith.subi %div3A_222, %sub3A_242 : i32
    %select_n3A_244 = arith.select %and3A_241, %sub3A_243, %div3A_222 : i32
    %multiple_of3A_245 = tpu.assume_multiple %select_n3A_244, 16 : i32
    %dma_start3A_246 = arith.constant 96 : i32
    %dma_start3A_247 = arith.constant 0 : i32
    %dma_start3A_248 = tpu.memref_slice %arg6[%dma_start3A_246, %dma_start3A_247] : memref<320x128xf32, #tpu.memory_space<vmem>> -> memref<16x128xf32, #tpu.memory_space<vmem>>
    %dma_start3A_249 = arith.constant 0 : i32
    %dma_start3A_250 = tpu.memref_slice %arg2[%multiple_of3A_245, %dma_start3A_249] : memref<163840x128xf32, #tpu.memory_space<hbm>> -> memref<16x128xf32, #tpu.memory_space<hbm>>
    %dma_start3A_251 = arith.constant 96 : i32
    %dma_start3A_252 = arith.constant 0 : i32
    %dma_start3A_253 = tpu.memref_slice %arg6[%dma_start3A_251, %dma_start3A_252] : memref<320x128xf32, #tpu.memory_space<vmem>> -> memref<16x128xf32, #tpu.memory_space<vmem>>
    %dma_start3A_254 = arith.constant 0 : i32
    %dma_start3A_255 = tpu.memref_slice %arg2[%multiple_of3A_245, %dma_start3A_254] : memref<163840x128xf32, #tpu.memory_space<hbm>> -> memref<16x128xf32, #tpu.memory_space<hbm>>
    tpu.enqueue_dma source(%dma_start3A_255 : memref<16x128xf32, #tpu.memory_space<hbm>>) target(%dma_start3A_253 : memref<16x128xf32, #tpu.memory_space<vmem>>) target_semaphore(%arg12 : memref<!tpu.dma_semaphore, #tpu.memory_space<semaphore_mem>>)
    %add3A_256 = arith.constant 7340032 : i32
    %add3A_257 = arith.addi %add3A_256, %add3A_6 : i32
    %jit3A_258 = arith.constant 128 : i32
    %div3A_259 = arith.divsi %add3A_257, %jit3A_258 : i32
    %sign3A_260 = arith.constant 0 : i32
    %sign3A_261 = arith.cmpi sgt, %add3A_257, %sign3A_260 : i32
    %sign3A_262 = arith.extui %sign3A_261 : i1 to i32
    %sign3A_263 = arith.constant 0 : i32
    %sign3A_264 = arith.cmpi slt, %add3A_257, %sign3A_263 : i32
    %sign3A_265 = arith.extui %sign3A_264 : i1 to i32
    %sign3A_266 = arith.subi %sign3A_262, %sign3A_265 : i32
    %sign3A_267 = arith.constant 0 : i32
    %sign3A_268 = arith.cmpi sgt, %jit3A_258, %sign3A_267 : i32
    %sign3A_269 = arith.extui %sign3A_268 : i1 to i32
    %sign3A_270 = arith.constant 0 : i32
    %sign3A_271 = arith.cmpi slt, %jit3A_258, %sign3A_270 : i32
    %sign3A_272 = arith.extui %sign3A_271 : i1 to i32
    %sign3A_273 = arith.subi %sign3A_269, %sign3A_272 : i32
    %ne3A_274 = arith.cmpi ne, %sign3A_266, %sign3A_273 : i32
    %rem3A_275 = arith.remsi %add3A_257, %jit3A_258 : i32
    %ne3A_276 = arith.constant 0 : i32
    %ne3A_277 = arith.cmpi ne, %rem3A_275, %ne3A_276 : i32
    %and3A_278 = arith.andi %ne3A_274, %ne3A_277 : i1
    %sub3A_279 = arith.constant 1 : i32
    %sub3A_280 = arith.subi %div3A_259, %sub3A_279 : i32
    %select_n3A_281 = arith.select %and3A_278, %sub3A_280, %div3A_259 : i32
    %multiple_of3A_282 = tpu.assume_multiple %select_n3A_281, 16 : i32
    %dma_start3A_283 = arith.constant 112 : i32
    %dma_start3A_284 = arith.constant 0 : i32
    %dma_start3A_285 = tpu.memref_slice %arg6[%dma_start3A_283, %dma_start3A_284] : memref<320x128xf32, #tpu.memory_space<vmem>> -> memref<16x128xf32, #tpu.memory_space<vmem>>
    %dma_start3A_286 = arith.constant 0 : i32
    %dma_start3A_287 = tpu.memref_slice %arg2[%multiple_of3A_282, %dma_start3A_286] : memref<163840x128xf32, #tpu.memory_space<hbm>> -> memref<16x128xf32, #tpu.memory_space<hbm>>
    %dma_start3A_288 = arith.constant 112 : i32
    %dma_start3A_289 = arith.constant 0 : i32
    %dma_start3A_290 = tpu.memref_slice %arg6[%dma_start3A_288, %dma_start3A_289] : memref<320x128xf32, #tpu.memory_space<vmem>> -> memref<16x128xf32, #tpu.memory_space<vmem>>
    %dma_start3A_291 = arith.constant 0 : i32
    %dma_start3A_292 = tpu.memref_slice %arg2[%multiple_of3A_282, %dma_start3A_291] : memref<163840x128xf32, #tpu.memory_space<hbm>> -> memref<16x128xf32, #tpu.memory_space<hbm>>
    tpu.enqueue_dma source(%dma_start3A_292 : memref<16x128xf32, #tpu.memory_space<hbm>>) target(%dma_start3A_290 : memref<16x128xf32, #tpu.memory_space<vmem>>) target_semaphore(%arg12 : memref<!tpu.dma_semaphore, #tpu.memory_space<semaphore_mem>>)
    %add3A_293 = arith.constant 8388608 : i32
    %add3A_294 = arith.addi %add3A_293, %add3A_6 : i32
    %jit3A_295 = arith.constant 128 : i32
    %div3A_296 = arith.divsi %add3A_294, %jit3A_295 : i32
    %sign3A_297 = arith.constant 0 : i32
    %sign3A_298 = arith.cmpi sgt, %add3A_294, %sign3A_297 : i32
    %sign3A_299 = arith.extui %sign3A_298 : i1 to i32
    %sign3A_300 = arith.constant 0 : i32
    %sign3A_301 = arith.cmpi slt, %add3A_294, %sign3A_300 : i32
    %sign3A_302 = arith.extui %sign3A_301 : i1 to i32
    %sign3A_303 = arith.subi %sign3A_299, %sign3A_302 : i32
    %sign3A_304 = arith.constant 0 : i32
    %sign3A_305 = arith.cmpi sgt, %jit3A_295, %sign3A_304 : i32
    %sign3A_306 = arith.extui %sign3A_305 : i1 to i32
    %sign3A_307 = arith.constant 0 : i32
    %sign3A_308 = arith.cmpi slt, %jit3A_295, %sign3A_307 : i32
    %sign3A_309 = arith.extui %sign3A_308 : i1 to i32
    %sign3A_310 = arith.subi %sign3A_306, %sign3A_309 : i32
    %ne3A_311 = arith.cmpi ne, %sign3A_303, %sign3A_310 : i32
    %rem3A_312 = arith.remsi %add3A_294, %jit3A_295 : i32
    %ne3A_313 = arith.constant 0 : i32
    %ne3A_314 = arith.cmpi ne, %rem3A_312, %ne3A_313 : i32
    %and3A_315 = arith.andi %ne3A_311, %ne3A_314 : i1
    %sub3A_316 = arith.constant 1 : i32
    %sub3A_317 = arith.subi %div3A_296, %sub3A_316 : i32
    %select_n3A_318 = arith.select %and3A_315, %sub3A_317, %div3A_296 : i32
    %multiple_of3A_319 = tpu.assume_multiple %select_n3A_318, 16 : i32
    %dma_start3A_320 = arith.constant 128 : i32
    %dma_start3A_321 = arith.constant 0 : i32
    %dma_start3A_322 = tpu.memref_slice %arg6[%dma_start3A_320, %dma_start3A_321] : memref<320x128xf32, #tpu.memory_space<vmem>> -> memref<16x128xf32, #tpu.memory_space<vmem>>
    %dma_start3A_323 = arith.constant 0 : i32
    %dma_start3A_324 = tpu.memref_slice %arg2[%multiple_of3A_319, %dma_start3A_323] : memref<163840x128xf32, #tpu.memory_space<hbm>> -> memref<16x128xf32, #tpu.memory_space<hbm>>
    %dma_start3A_325 = arith.constant 128 : i32
    %dma_start3A_326 = arith.constant 0 : i32
    %dma_start3A_327 = tpu.memref_slice %arg6[%dma_start3A_325, %dma_start3A_326] : memref<320x128xf32, #tpu.memory_space<vmem>> -> memref<16x128xf32, #tpu.memory_space<vmem>>
    %dma_start3A_328 = arith.constant 0 : i32
    %dma_start3A_329 = tpu.memref_slice %arg2[%multiple_of3A_319, %dma_start3A_328] : memref<163840x128xf32, #tpu.memory_space<hbm>> -> memref<16x128xf32, #tpu.memory_space<hbm>>
    tpu.enqueue_dma source(%dma_start3A_329 : memref<16x128xf32, #tpu.memory_space<hbm>>) target(%dma_start3A_327 : memref<16x128xf32, #tpu.memory_space<vmem>>) target_semaphore(%arg12 : memref<!tpu.dma_semaphore, #tpu.memory_space<semaphore_mem>>)
    %add3A_330 = arith.constant 9437184 : i32
    %add3A_331 = arith.addi %add3A_330, %add3A_6 : i32
    %jit3A_332 = arith.constant 128 : i32
    %div3A_333 = arith.divsi %add3A_331, %jit3A_332 : i32
    %sign3A_334 = arith.constant 0 : i32
    %sign3A_335 = arith.cmpi sgt, %add3A_331, %sign3A_334 : i32
    %sign3A_336 = arith.extui %sign3A_335 : i1 to i32
    %sign3A_337 = arith.constant 0 : i32
    %sign3A_338 = arith.cmpi slt, %add3A_331, %sign3A_337 : i32
    %sign3A_339 = arith.extui %sign3A_338 : i1 to i32
    %sign3A_340 = arith.subi %sign3A_336, %sign3A_339 : i32
    %sign3A_341 = arith.constant 0 : i32
    %sign3A_342 = arith.cmpi sgt, %jit3A_332, %sign3A_341 : i32
    %sign3A_343 = arith.extui %sign3A_342 : i1 to i32
    %sign3A_344 = arith.constant 0 : i32
    %sign3A_345 = arith.cmpi slt, %jit3A_332, %sign3A_344 : i32
    %sign3A_346 = arith.extui %sign3A_345 : i1 to i32
    %sign3A_347 = arith.subi %sign3A_343, %sign3A_346 : i32
    %ne3A_348 = arith.cmpi ne, %sign3A_340, %sign3A_347 : i32
    %rem3A_349 = arith.remsi %add3A_331, %jit3A_332 : i32
    %ne3A_350 = arith.constant 0 : i32
    %ne3A_351 = arith.cmpi ne, %rem3A_349, %ne3A_350 : i32
    %and3A_352 = arith.andi %ne3A_348, %ne3A_351 : i1
    %sub3A_353 = arith.constant 1 : i32
    %sub3A_354 = arith.subi %div3A_333, %sub3A_353 : i32
    %select_n3A_355 = arith.select %and3A_352, %sub3A_354, %div3A_333 : i32
    %multiple_of3A_356 = tpu.assume_multiple %select_n3A_355, 16 : i32
    %dma_start3A_357 = arith.constant 144 : i32
    %dma_start3A_358 = arith.constant 0 : i32
    %dma_start3A_359 = tpu.memref_slice %arg6[%dma_start3A_357, %dma_start3A_358] : memref<320x128xf32, #tpu.memory_space<vmem>> -> memref<16x128xf32, #tpu.memory_space<vmem>>
    %dma_start3A_360 = arith.constant 0 : i32
    %dma_start3A_361 = tpu.memref_slice %arg2[%multiple_of3A_356, %dma_start3A_360] : memref<163840x128xf32, #tpu.memory_space<hbm>> -> memref<16x128xf32, #tpu.memory_space<hbm>>
    %dma_start3A_362 = arith.constant 144 : i32
    %dma_start3A_363 = arith.constant 0 : i32
    %dma_start3A_364 = tpu.memref_slice %arg6[%dma_start3A_362, %dma_start3A_363] : memref<320x128xf32, #tpu.memory_space<vmem>> -> memref<16x128xf32, #tpu.memory_space<vmem>>
    %dma_start3A_365 = arith.constant 0 : i32
    %dma_start3A_366 = tpu.memref_slice %arg2[%multiple_of3A_356, %dma_start3A_365] : memref<163840x128xf32, #tpu.memory_space<hbm>> -> memref<16x128xf32, #tpu.memory_space<hbm>>
    tpu.enqueue_dma source(%dma_start3A_366 : memref<16x128xf32, #tpu.memory_space<hbm>>) target(%dma_start3A_364 : memref<16x128xf32, #tpu.memory_space<vmem>>) target_semaphore(%arg12 : memref<!tpu.dma_semaphore, #tpu.memory_space<semaphore_mem>>)
    %add3A_367 = arith.constant 10485760 : i32
    %add3A_368 = arith.addi %add3A_367, %add3A_6 : i32
    %jit3A_369 = arith.constant 128 : i32
    %div3A_370 = arith.divsi %add3A_368, %jit3A_369 : i32
    %sign3A_371 = arith.constant 0 : i32
    %sign3A_372 = arith.cmpi sgt, %add3A_368, %sign3A_371 : i32
    %sign3A_373 = arith.extui %sign3A_372 : i1 to i32
    %sign3A_374 = arith.constant 0 : i32
    %sign3A_375 = arith.cmpi slt, %add3A_368, %sign3A_374 : i32
    %sign3A_376 = arith.extui %sign3A_375 : i1 to i32
    %sign3A_377 = arith.subi %sign3A_373, %sign3A_376 : i32
    %sign3A_378 = arith.constant 0 : i32
    %sign3A_379 = arith.cmpi sgt, %jit3A_369, %sign3A_378 : i32
    %sign3A_380 = arith.extui %sign3A_379 : i1 to i32
    %sign3A_381 = arith.constant 0 : i32
    %sign3A_382 = arith.cmpi slt, %jit3A_369, %sign3A_381 : i32
    %sign3A_383 = arith.extui %sign3A_382 : i1 to i32
    %sign3A_384 = arith.subi %sign3A_380, %sign3A_383 : i32
    %ne3A_385 = arith.cmpi ne, %sign3A_377, %sign3A_384 : i32
    %rem3A_386 = arith.remsi %add3A_368, %jit3A_369 : i32
    %ne3A_387 = arith.constant 0 : i32
    %ne3A_388 = arith.cmpi ne, %rem3A_386, %ne3A_387 : i32
    %and3A_389 = arith.andi %ne3A_385, %ne3A_388 : i1
    %sub3A_390 = arith.constant 1 : i32
    %sub3A_391 = arith.subi %div3A_370, %sub3A_390 : i32
    %select_n3A_392 = arith.select %and3A_389, %sub3A_391, %div3A_370 : i32
    %multiple_of3A_393 = tpu.assume_multiple %select_n3A_392, 16 : i32
    %dma_start3A_394 = arith.constant 160 : i32
    %dma_start3A_395 = arith.constant 0 : i32
    %dma_start3A_396 = tpu.memref_slice %arg6[%dma_start3A_394, %dma_start3A_395] : memref<320x128xf32, #tpu.memory_space<vmem>> -> memref<16x128xf32, #tpu.memory_space<vmem>>
    %dma_start3A_397 = arith.constant 0 : i32
    %dma_start3A_398 = tpu.memref_slice %arg2[%multiple_of3A_393, %dma_start3A_397] : memref<163840x128xf32, #tpu.memory_space<hbm>> -> memref<16x128xf32, #tpu.memory_space<hbm>>
    %dma_start3A_399 = arith.constant 160 : i32
    %dma_start3A_400 = arith.constant 0 : i32
    %dma_start3A_401 = tpu.memref_slice %arg6[%dma_start3A_399, %dma_start3A_400] : memref<320x128xf32, #tpu.memory_space<vmem>> -> memref<16x128xf32, #tpu.memory_space<vmem>>
    %dma_start3A_402 = arith.constant 0 : i32
    %dma_start3A_403 = tpu.memref_slice %arg2[%multiple_of3A_393, %dma_start3A_402] : memref<163840x128xf32, #tpu.memory_space<hbm>> -> memref<16x128xf32, #tpu.memory_space<hbm>>
    tpu.enqueue_dma source(%dma_start3A_403 : memref<16x128xf32, #tpu.memory_space<hbm>>) target(%dma_start3A_401 : memref<16x128xf32, #tpu.memory_space<vmem>>) target_semaphore(%arg12 : memref<!tpu.dma_semaphore, #tpu.memory_space<semaphore_mem>>)
    %add3A_404 = arith.constant 11534336 : i32
    %add3A_405 = arith.addi %add3A_404, %add3A_6 : i32
    %jit3A_406 = arith.constant 128 : i32
    %div3A_407 = arith.divsi %add3A_405, %jit3A_406 : i32
    %sign3A_408 = arith.constant 0 : i32
    %sign3A_409 = arith.cmpi sgt, %add3A_405, %sign3A_408 : i32
    %sign3A_410 = arith.extui %sign3A_409 : i1 to i32
    %sign3A_411 = arith.constant 0 : i32
    %sign3A_412 = arith.cmpi slt, %add3A_405, %sign3A_411 : i32
    %sign3A_413 = arith.extui %sign3A_412 : i1 to i32
    %sign3A_414 = arith.subi %sign3A_410, %sign3A_413 : i32
    %sign3A_415 = arith.constant 0 : i32
    %sign3A_416 = arith.cmpi sgt, %jit3A_406, %sign3A_415 : i32
    %sign3A_417 = arith.extui %sign3A_416 : i1 to i32
    %sign3A_418 = arith.constant 0 : i32
    %sign3A_419 = arith.cmpi slt, %jit3A_406, %sign3A_418 : i32
    %sign3A_420 = arith.extui %sign3A_419 : i1 to i32
    %sign3A_421 = arith.subi %sign3A_417, %sign3A_420 : i32
    %ne3A_422 = arith.cmpi ne, %sign3A_414, %sign3A_421 : i32
    %rem3A_423 = arith.remsi %add3A_405, %jit3A_406 : i32
    %ne3A_424 = arith.constant 0 : i32
    %ne3A_425 = arith.cmpi ne, %rem3A_423, %ne3A_424 : i32
    %and3A_426 = arith.andi %ne3A_422, %ne3A_425 : i1
    %sub3A_427 = arith.constant 1 : i32
    %sub3A_428 = arith.subi %div3A_407, %sub3A_427 : i32
    %select_n3A_429 = arith.select %and3A_426, %sub3A_428, %div3A_407 : i32
    %multiple_of3A_430 = tpu.assume_multiple %select_n3A_429, 16 : i32
    %dma_start3A_431 = arith.constant 176 : i32
    %dma_start3A_432 = arith.constant 0 : i32
    %dma_start3A_433 = tpu.memref_slice %arg6[%dma_start3A_431, %dma_start3A_432] : memref<320x128xf32, #tpu.memory_space<vmem>> -> memref<16x128xf32, #tpu.memory_space<vmem>>
    %dma_start3A_434 = arith.constant 0 : i32
    %dma_start3A_435 = tpu.memref_slice %arg2[%multiple_of3A_430, %dma_start3A_434] : memref<163840x128xf32, #tpu.memory_space<hbm>> -> memref<16x128xf32, #tpu.memory_space<hbm>>
    %dma_start3A_436 = arith.constant 176 : i32
    %dma_start3A_437 = arith.constant 0 : i32
    %dma_start3A_438 = tpu.memref_slice %arg6[%dma_start3A_436, %dma_start3A_437] : memref<320x128xf32, #tpu.memory_space<vmem>> -> memref<16x128xf32, #tpu.memory_space<vmem>>
    %dma_start3A_439 = arith.constant 0 : i32
    %dma_start3A_440 = tpu.memref_slice %arg2[%multiple_of3A_430, %dma_start3A_439] : memref<163840x128xf32, #tpu.memory_space<hbm>> -> memref<16x128xf32, #tpu.memory_space<hbm>>
    tpu.enqueue_dma source(%dma_start3A_440 : memref<16x128xf32, #tpu.memory_space<hbm>>) target(%dma_start3A_438 : memref<16x128xf32, #tpu.memory_space<vmem>>) target_semaphore(%arg12 : memref<!tpu.dma_semaphore, #tpu.memory_space<semaphore_mem>>)
    %add3A_441 = arith.constant 12582912 : i32
    %add3A_442 = arith.addi %add3A_441, %add3A_6 : i32
    %jit3A_443 = arith.constant 128 : i32
    %div3A_444 = arith.divsi %add3A_442, %jit3A_443 : i32
    %sign3A_445 = arith.constant 0 : i32
    %sign3A_446 = arith.cmpi sgt, %add3A_442, %sign3A_445 : i32
    %sign3A_447 = arith.extui %sign3A_446 : i1 to i32
    %sign3A_448 = arith.constant 0 : i32
    %sign3A_449 = arith.cmpi slt, %add3A_442, %sign3A_448 : i32
    %sign3A_450 = arith.extui %sign3A_449 : i1 to i32
    %sign3A_451 = arith.subi %sign3A_447, %sign3A_450 : i32
    %sign3A_452 = arith.constant 0 : i32
    %sign3A_453 = arith.cmpi sgt, %jit3A_443, %sign3A_452 : i32
    %sign3A_454 = arith.extui %sign3A_453 : i1 to i32
    %sign3A_455 = arith.constant 0 : i32
    %sign3A_456 = arith.cmpi slt, %jit3A_443, %sign3A_455 : i32
    %sign3A_457 = arith.extui %sign3A_456 : i1 to i32
    %sign3A_458 = arith.subi %sign3A_454, %sign3A_457 : i32
    %ne3A_459 = arith.cmpi ne, %sign3A_451, %sign3A_458 : i32
    %rem3A_460 = arith.remsi %add3A_442, %jit3A_443 : i32
    %ne3A_461 = arith.constant 0 : i32
    %ne3A_462 = arith.cmpi ne, %rem3A_460, %ne3A_461 : i32
    %and3A_463 = arith.andi %ne3A_459, %ne3A_462 : i1
    %sub3A_464 = arith.constant 1 : i32
    %sub3A_465 = arith.subi %div3A_444, %sub3A_464 : i32
    %select_n3A_466 = arith.select %and3A_463, %sub3A_465, %div3A_444 : i32
    %multiple_of3A_467 = tpu.assume_multiple %select_n3A_466, 16 : i32
    %dma_start3A_468 = arith.constant 192 : i32
    %dma_start3A_469 = arith.constant 0 : i32
    %dma_start3A_470 = tpu.memref_slice %arg6[%dma_start3A_468, %dma_start3A_469] : memref<320x128xf32, #tpu.memory_space<vmem>> -> memref<16x128xf32, #tpu.memory_space<vmem>>
    %dma_start3A_471 = arith.constant 0 : i32
    %dma_start3A_472 = tpu.memref_slice %arg2[%multiple_of3A_467, %dma_start3A_471] : memref<163840x128xf32, #tpu.memory_space<hbm>> -> memref<16x128xf32, #tpu.memory_space<hbm>>
    %dma_start3A_473 = arith.constant 192 : i32
    %dma_start3A_474 = arith.constant 0 : i32
    %dma_start3A_475 = tpu.memref_slice %arg6[%dma_start3A_473, %dma_start3A_474] : memref<320x128xf32, #tpu.memory_space<vmem>> -> memref<16x128xf32, #tpu.memory_space<vmem>>
    %dma_start3A_476 = arith.constant 0 : i32
    %dma_start3A_477 = tpu.memref_slice %arg2[%multiple_of3A_467, %dma_start3A_476] : memref<163840x128xf32, #tpu.memory_space<hbm>> -> memref<16x128xf32, #tpu.memory_space<hbm>>
    tpu.enqueue_dma source(%dma_start3A_477 : memref<16x128xf32, #tpu.memory_space<hbm>>) target(%dma_start3A_475 : memref<16x128xf32, #tpu.memory_space<vmem>>) target_semaphore(%arg12 : memref<!tpu.dma_semaphore, #tpu.memory_space<semaphore_mem>>)
    %add3A_478 = arith.constant 13631488 : i32
    %add3A_479 = arith.addi %add3A_478, %add3A_6 : i32
    %jit3A_480 = arith.constant 128 : i32
    %div3A_481 = arith.divsi %add3A_479, %jit3A_480 : i32
    %sign3A_482 = arith.constant 0 : i32
    %sign3A_483 = arith.cmpi sgt, %add3A_479, %sign3A_482 : i32
    %sign3A_484 = arith.extui %sign3A_483 : i1 to i32
    %sign3A_485 = arith.constant 0 : i32
    %sign3A_486 = arith.cmpi slt, %add3A_479, %sign3A_485 : i32
    %sign3A_487 = arith.extui %sign3A_486 : i1 to i32
    %sign3A_488 = arith.subi %sign3A_484, %sign3A_487 : i32
    %sign3A_489 = arith.constant 0 : i32
    %sign3A_490 = arith.cmpi sgt, %jit3A_480, %sign3A_489 : i32
    %sign3A_491 = arith.extui %sign3A_490 : i1 to i32
    %sign3A_492 = arith.constant 0 : i32
    %sign3A_493 = arith.cmpi slt, %jit3A_480, %sign3A_492 : i32
    %sign3A_494 = arith.extui %sign3A_493 : i1 to i32
    %sign3A_495 = arith.subi %sign3A_491, %sign3A_494 : i32
    %ne3A_496 = arith.cmpi ne, %sign3A_488, %sign3A_495 : i32
    %rem3A_497 = arith.remsi %add3A_479, %jit3A_480 : i32
    %ne3A_498 = arith.constant 0 : i32
    %ne3A_499 = arith.cmpi ne, %rem3A_497, %ne3A_498 : i32
    %and3A_500 = arith.andi %ne3A_496, %ne3A_499 : i1
    %sub3A_501 = arith.constant 1 : i32
    %sub3A_502 = arith.subi %div3A_481, %sub3A_501 : i32
    %select_n3A_503 = arith.select %and3A_500, %sub3A_502, %div3A_481 : i32
    %multiple_of3A_504 = tpu.assume_multiple %select_n3A_503, 16 : i32
    %dma_start3A_505 = arith.constant 208 : i32
    %dma_start3A_506 = arith.constant 0 : i32
    %dma_start3A_507 = tpu.memref_slice %arg6[%dma_start3A_505, %dma_start3A_506] : memref<320x128xf32, #tpu.memory_space<vmem>> -> memref<16x128xf32, #tpu.memory_space<vmem>>
    %dma_start3A_508 = arith.constant 0 : i32
    %dma_start3A_509 = tpu.memref_slice %arg2[%multiple_of3A_504, %dma_start3A_508] : memref<163840x128xf32, #tpu.memory_space<hbm>> -> memref<16x128xf32, #tpu.memory_space<hbm>>
    %dma_start3A_510 = arith.constant 208 : i32
    %dma_start3A_511 = arith.constant 0 : i32
    %dma_start3A_512 = tpu.memref_slice %arg6[%dma_start3A_510, %dma_start3A_511] : memref<320x128xf32, #tpu.memory_space<vmem>> -> memref<16x128xf32, #tpu.memory_space<vmem>>
    %dma_start3A_513 = arith.constant 0 : i32
    %dma_start3A_514 = tpu.memref_slice %arg2[%multiple_of3A_504, %dma_start3A_513] : memref<163840x128xf32, #tpu.memory_space<hbm>> -> memref<16x128xf32, #tpu.memory_space<hbm>>
    tpu.enqueue_dma source(%dma_start3A_514 : memref<16x128xf32, #tpu.memory_space<hbm>>) target(%dma_start3A_512 : memref<16x128xf32, #tpu.memory_space<vmem>>) target_semaphore(%arg12 : memref<!tpu.dma_semaphore, #tpu.memory_space<semaphore_mem>>)
    %add3A_515 = arith.constant 14680064 : i32
    %add3A_516 = arith.addi %add3A_515, %add3A_6 : i32
    %jit3A_517 = arith.constant 128 : i32
    %div3A_518 = arith.divsi %add3A_516, %jit3A_517 : i32
    %sign3A_519 = arith.constant 0 : i32
    %sign3A_520 = arith.cmpi sgt, %add3A_516, %sign3A_519 : i32
    %sign3A_521 = arith.extui %sign3A_520 : i1 to i32
    %sign3A_522 = arith.constant 0 : i32
    %sign3A_523 = arith.cmpi slt, %add3A_516, %sign3A_522 : i32
    %sign3A_524 = arith.extui %sign3A_523 : i1 to i32
    %sign3A_525 = arith.subi %sign3A_521, %sign3A_524 : i32
    %sign3A_526 = arith.constant 0 : i32
    %sign3A_527 = arith.cmpi sgt, %jit3A_517, %sign3A_526 : i32
    %sign3A_528 = arith.extui %sign3A_527 : i1 to i32
    %sign3A_529 = arith.constant 0 : i32
    %sign3A_530 = arith.cmpi slt, %jit3A_517, %sign3A_529 : i32
    %sign3A_531 = arith.extui %sign3A_530 : i1 to i32
    %sign3A_532 = arith.subi %sign3A_528, %sign3A_531 : i32
    %ne3A_533 = arith.cmpi ne, %sign3A_525, %sign3A_532 : i32
    %rem3A_534 = arith.remsi %add3A_516, %jit3A_517 : i32
    %ne3A_535 = arith.constant 0 : i32
    %ne3A_536 = arith.cmpi ne, %rem3A_534, %ne3A_535 : i32
    %and3A_537 = arith.andi %ne3A_533, %ne3A_536 : i1
    %sub3A_538 = arith.constant 1 : i32
    %sub3A_539 = arith.subi %div3A_518, %sub3A_538 : i32
    %select_n3A_540 = arith.select %and3A_537, %sub3A_539, %div3A_518 : i32
    %multiple_of3A_541 = tpu.assume_multiple %select_n3A_540, 16 : i32
    %dma_start3A_542 = arith.constant 224 : i32
    %dma_start3A_543 = arith.constant 0 : i32
    %dma_start3A_544 = tpu.memref_slice %arg6[%dma_start3A_542, %dma_start3A_543] : memref<320x128xf32, #tpu.memory_space<vmem>> -> memref<16x128xf32, #tpu.memory_space<vmem>>
    %dma_start3A_545 = arith.constant 0 : i32
    %dma_start3A_546 = tpu.memref_slice %arg2[%multiple_of3A_541, %dma_start3A_545] : memref<163840x128xf32, #tpu.memory_space<hbm>> -> memref<16x128xf32, #tpu.memory_space<hbm>>
    %dma_start3A_547 = arith.constant 224 : i32
    %dma_start3A_548 = arith.constant 0 : i32
    %dma_start3A_549 = tpu.memref_slice %arg6[%dma_start3A_547, %dma_start3A_548] : memref<320x128xf32, #tpu.memory_space<vmem>> -> memref<16x128xf32, #tpu.memory_space<vmem>>
    %dma_start3A_550 = arith.constant 0 : i32
    %dma_start3A_551 = tpu.memref_slice %arg2[%multiple_of3A_541, %dma_start3A_550] : memref<163840x128xf32, #tpu.memory_space<hbm>> -> memref<16x128xf32, #tpu.memory_space<hbm>>
    tpu.enqueue_dma source(%dma_start3A_551 : memref<16x128xf32, #tpu.memory_space<hbm>>) target(%dma_start3A_549 : memref<16x128xf32, #tpu.memory_space<vmem>>) target_semaphore(%arg12 : memref<!tpu.dma_semaphore, #tpu.memory_space<semaphore_mem>>)
    %add3A_552 = arith.constant 15728640 : i32
    %add3A_553 = arith.addi %add3A_552, %add3A_6 : i32
    %jit3A_554 = arith.constant 128 : i32
    %div3A_555 = arith.divsi %add3A_553, %jit3A_554 : i32
    %sign3A_556 = arith.constant 0 : i32
    %sign3A_557 = arith.cmpi sgt, %add3A_553, %sign3A_556 : i32
    %sign3A_558 = arith.extui %sign3A_557 : i1 to i32
    %sign3A_559 = arith.constant 0 : i32
    %sign3A_560 = arith.cmpi slt, %add3A_553, %sign3A_559 : i32
    %sign3A_561 = arith.extui %sign3A_560 : i1 to i32
    %sign3A_562 = arith.subi %sign3A_558, %sign3A_561 : i32
    %sign3A_563 = arith.constant 0 : i32
    %sign3A_564 = arith.cmpi sgt, %jit3A_554, %sign3A_563 : i32
    %sign3A_565 = arith.extui %sign3A_564 : i1 to i32
    %sign3A_566 = arith.constant 0 : i32
    %sign3A_567 = arith.cmpi slt, %jit3A_554, %sign3A_566 : i32
    %sign3A_568 = arith.extui %sign3A_567 : i1 to i32
    %sign3A_569 = arith.subi %sign3A_565, %sign3A_568 : i32
    %ne3A_570 = arith.cmpi ne, %sign3A_562, %sign3A_569 : i32
    %rem3A_571 = arith.remsi %add3A_553, %jit3A_554 : i32
    %ne3A_572 = arith.constant 0 : i32
    %ne3A_573 = arith.cmpi ne, %rem3A_571, %ne3A_572 : i32
    %and3A_574 = arith.andi %ne3A_570, %ne3A_573 : i1
    %sub3A_575 = arith.constant 1 : i32
    %sub3A_576 = arith.subi %div3A_555, %sub3A_575 : i32
    %select_n3A_577 = arith.select %and3A_574, %sub3A_576, %div3A_555 : i32
    %multiple_of3A_578 = tpu.assume_multiple %select_n3A_577, 16 : i32
    %dma_start3A_579 = arith.constant 240 : i32
    %dma_start3A_580 = arith.constant 0 : i32
    %dma_start3A_581 = tpu.memref_slice %arg6[%dma_start3A_579, %dma_start3A_580] : memref<320x128xf32, #tpu.memory_space<vmem>> -> memref<16x128xf32, #tpu.memory_space<vmem>>
    %dma_start3A_582 = arith.constant 0 : i32
    %dma_start3A_583 = tpu.memref_slice %arg2[%multiple_of3A_578, %dma_start3A_582] : memref<163840x128xf32, #tpu.memory_space<hbm>> -> memref<16x128xf32, #tpu.memory_space<hbm>>
    %dma_start3A_584 = arith.constant 240 : i32
    %dma_start3A_585 = arith.constant 0 : i32
    %dma_start3A_586 = tpu.memref_slice %arg6[%dma_start3A_584, %dma_start3A_585] : memref<320x128xf32, #tpu.memory_space<vmem>> -> memref<16x128xf32, #tpu.memory_space<vmem>>
    %dma_start3A_587 = arith.constant 0 : i32
    %dma_start3A_588 = tpu.memref_slice %arg2[%multiple_of3A_578, %dma_start3A_587] : memref<163840x128xf32, #tpu.memory_space<hbm>> -> memref<16x128xf32, #tpu.memory_space<hbm>>
    tpu.enqueue_dma source(%dma_start3A_588 : memref<16x128xf32, #tpu.memory_space<hbm>>) target(%dma_start3A_586 : memref<16x128xf32, #tpu.memory_space<vmem>>) target_semaphore(%arg12 : memref<!tpu.dma_semaphore, #tpu.memory_space<semaphore_mem>>)
    %add3A_589 = arith.constant 16777216 : i32
    %add3A_590 = arith.addi %add3A_589, %add3A_6 : i32
    %jit3A_591 = arith.constant 128 : i32
    %div3A_592 = arith.divsi %add3A_590, %jit3A_591 : i32
    %sign3A_593 = arith.constant 0 : i32
    %sign3A_594 = arith.cmpi sgt, %add3A_590, %sign3A_593 : i32
    %sign3A_595 = arith.extui %sign3A_594 : i1 to i32
    %sign3A_596 = arith.constant 0 : i32
    %sign3A_597 = arith.cmpi slt, %add3A_590, %sign3A_596 : i32
    %sign3A_598 = arith.extui %sign3A_597 : i1 to i32
    %sign3A_599 = arith.subi %sign3A_595, %sign3A_598 : i32
    %sign3A_600 = arith.constant 0 : i32
    %sign3A_601 = arith.cmpi sgt, %jit3A_591, %sign3A_600 : i32
    %sign3A_602 = arith.extui %sign3A_601 : i1 to i32
    %sign3A_603 = arith.constant 0 : i32
    %sign3A_604 = arith.cmpi slt, %jit3A_591, %sign3A_603 : i32
    %sign3A_605 = arith.extui %sign3A_604 : i1 to i32
    %sign3A_606 = arith.subi %sign3A_602, %sign3A_605 : i32
    %ne3A_607 = arith.cmpi ne, %sign3A_599, %sign3A_606 : i32
    %rem3A_608 = arith.remsi %add3A_590, %jit3A_591 : i32
    %ne3A_609 = arith.constant 0 : i32
    %ne3A_610 = arith.cmpi ne, %rem3A_608, %ne3A_609 : i32
    %and3A_611 = arith.andi %ne3A_607, %ne3A_610 : i1
    %sub3A_612 = arith.constant 1 : i32
    %sub3A_613 = arith.subi %div3A_592, %sub3A_612 : i32
    %select_n3A_614 = arith.select %and3A_611, %sub3A_613, %div3A_592 : i32
    %multiple_of3A_615 = tpu.assume_multiple %select_n3A_614, 16 : i32
    %dma_start3A_616 = arith.constant 256 : i32
    %dma_start3A_617 = arith.constant 0 : i32
    %dma_start3A_618 = tpu.memref_slice %arg6[%dma_start3A_616, %dma_start3A_617] : memref<320x128xf32, #tpu.memory_space<vmem>> -> memref<16x128xf32, #tpu.memory_space<vmem>>
    %dma_start3A_619 = arith.constant 0 : i32
    %dma_start3A_620 = tpu.memref_slice %arg2[%multiple_of3A_615, %dma_start3A_619] : memref<163840x128xf32, #tpu.memory_space<hbm>> -> memref<16x128xf32, #tpu.memory_space<hbm>>
    %dma_start3A_621 = arith.constant 256 : i32
    %dma_start3A_622 = arith.constant 0 : i32
    %dma_start3A_623 = tpu.memref_slice %arg6[%dma_start3A_621, %dma_start3A_622] : memref<320x128xf32, #tpu.memory_space<vmem>> -> memref<16x128xf32, #tpu.memory_space<vmem>>
    %dma_start3A_624 = arith.constant 0 : i32
    %dma_start3A_625 = tpu.memref_slice %arg2[%multiple_of3A_615, %dma_start3A_624] : memref<163840x128xf32, #tpu.memory_space<hbm>> -> memref<16x128xf32, #tpu.memory_space<hbm>>
    tpu.enqueue_dma source(%dma_start3A_625 : memref<16x128xf32, #tpu.memory_space<hbm>>) target(%dma_start3A_623 : memref<16x128xf32, #tpu.memory_space<vmem>>) target_semaphore(%arg12 : memref<!tpu.dma_semaphore, #tpu.memory_space<semaphore_mem>>)
    %add3A_626 = arith.constant 17825792 : i32
    %add3A_627 = arith.addi %add3A_626, %add3A_6 : i32
    %jit3A_628 = arith.constant 128 : i32
    %div3A_629 = arith.divsi %add3A_627, %jit3A_628 : i32
    %sign3A_630 = arith.constant 0 : i32
    %sign3A_631 = arith.cmpi sgt, %add3A_627, %sign3A_630 : i32
    %sign3A_632 = arith.extui %sign3A_631 : i1 to i32
    %sign3A_633 = arith.constant 0 : i32
    %sign3A_634 = arith.cmpi slt, %add3A_627, %sign3A_633 : i32
    %sign3A_635 = arith.extui %sign3A_634 : i1 to i32
    %sign3A_636 = arith.subi %sign3A_632, %sign3A_635 : i32
    %sign3A_637 = arith.constant 0 : i32
    %sign3A_638 = arith.cmpi sgt, %jit3A_628, %sign3A_637 : i32
    %sign3A_639 = arith.extui %sign3A_638 : i1 to i32
    %sign3A_640 = arith.constant 0 : i32
    %sign3A_641 = arith.cmpi slt, %jit3A_628, %sign3A_640 : i32
    %sign3A_642 = arith.extui %sign3A_641 : i1 to i32
    %sign3A_643 = arith.subi %sign3A_639, %sign3A_642 : i32
    %ne3A_644 = arith.cmpi ne, %sign3A_636, %sign3A_643 : i32
    %rem3A_645 = arith.remsi %add3A_627, %jit3A_628 : i32
    %ne3A_646 = arith.constant 0 : i32
    %ne3A_647 = arith.cmpi ne, %rem3A_645, %ne3A_646 : i32
    %and3A_648 = arith.andi %ne3A_644, %ne3A_647 : i1
    %sub3A_649 = arith.constant 1 : i32
    %sub3A_650 = arith.subi %div3A_629, %sub3A_649 : i32
    %select_n3A_651 = arith.select %and3A_648, %sub3A_650, %div3A_629 : i32
    %multiple_of3A_652 = tpu.assume_multiple %select_n3A_651, 16 : i32
    %dma_start3A_653 = arith.constant 272 : i32
    %dma_start3A_654 = arith.constant 0 : i32
    %dma_start3A_655 = tpu.memref_slice %arg6[%dma_start3A_653, %dma_start3A_654] : memref<320x128xf32, #tpu.memory_space<vmem>> -> memref<16x128xf32, #tpu.memory_space<vmem>>
    %dma_start3A_656 = arith.constant 0 : i32
    %dma_start3A_657 = tpu.memref_slice %arg2[%multiple_of3A_652, %dma_start3A_656] : memref<163840x128xf32, #tpu.memory_space<hbm>> -> memref<16x128xf32, #tpu.memory_space<hbm>>
    %dma_start3A_658 = arith.constant 272 : i32
    %dma_start3A_659 = arith.constant 0 : i32
    %dma_start3A_660 = tpu.memref_slice %arg6[%dma_start3A_658, %dma_start3A_659] : memref<320x128xf32, #tpu.memory_space<vmem>> -> memref<16x128xf32, #tpu.memory_space<vmem>>
    %dma_start3A_661 = arith.constant 0 : i32
    %dma_start3A_662 = tpu.memref_slice %arg2[%multiple_of3A_652, %dma_start3A_661] : memref<163840x128xf32, #tpu.memory_space<hbm>> -> memref<16x128xf32, #tpu.memory_space<hbm>>
    tpu.enqueue_dma source(%dma_start3A_662 : memref<16x128xf32, #tpu.memory_space<hbm>>) target(%dma_start3A_660 : memref<16x128xf32, #tpu.memory_space<vmem>>) target_semaphore(%arg12 : memref<!tpu.dma_semaphore, #tpu.memory_space<semaphore_mem>>)
    %add3A_663 = arith.constant 18874368 : i32
    %add3A_664 = arith.addi %add3A_663, %add3A_6 : i32
    %jit3A_665 = arith.constant 128 : i32
    %div3A_666 = arith.divsi %add3A_664, %jit3A_665 : i32
    %sign3A_667 = arith.constant 0 : i32
    %sign3A_668 = arith.cmpi sgt, %add3A_664, %sign3A_667 : i32
    %sign3A_669 = arith.extui %sign3A_668 : i1 to i32
    %sign3A_670 = arith.constant 0 : i32
    %sign3A_671 = arith.cmpi slt, %add3A_664, %sign3A_670 : i32
    %sign3A_672 = arith.extui %sign3A_671 : i1 to i32
    %sign3A_673 = arith.subi %sign3A_669, %sign3A_672 : i32
    %sign3A_674 = arith.constant 0 : i32
    %sign3A_675 = arith.cmpi sgt, %jit3A_665, %sign3A_674 : i32
    %sign3A_676 = arith.extui %sign3A_675 : i1 to i32
    %sign3A_677 = arith.constant 0 : i32
    %sign3A_678 = arith.cmpi slt, %jit3A_665, %sign3A_677 : i32
    %sign3A_679 = arith.extui %sign3A_678 : i1 to i32
    %sign3A_680 = arith.subi %sign3A_676, %sign3A_679 : i32
    %ne3A_681 = arith.cmpi ne, %sign3A_673, %sign3A_680 : i32
    %rem3A_682 = arith.remsi %add3A_664, %jit3A_665 : i32
    %ne3A_683 = arith.constant 0 : i32
    %ne3A_684 = arith.cmpi ne, %rem3A_682, %ne3A_683 : i32
    %and3A_685 = arith.andi %ne3A_681, %ne3A_684 : i1
    %sub3A_686 = arith.constant 1 : i32
    %sub3A_687 = arith.subi %div3A_666, %sub3A_686 : i32
    %select_n3A_688 = arith.select %and3A_685, %sub3A_687, %div3A_666 : i32
    %multiple_of3A_689 = tpu.assume_multiple %select_n3A_688, 16 : i32
    %dma_start3A_690 = arith.constant 288 : i32
    %dma_start3A_691 = arith.constant 0 : i32
    %dma_start3A_692 = tpu.memref_slice %arg6[%dma_start3A_690, %dma_start3A_691] : memref<320x128xf32, #tpu.memory_space<vmem>> -> memref<16x128xf32, #tpu.memory_space<vmem>>
    %dma_start3A_693 = arith.constant 0 : i32
    %dma_start3A_694 = tpu.memref_slice %arg2[%multiple_of3A_689, %dma_start3A_693] : memref<163840x128xf32, #tpu.memory_space<hbm>> -> memref<16x128xf32, #tpu.memory_space<hbm>>
    %dma_start3A_695 = arith.constant 288 : i32
    %dma_start3A_696 = arith.constant 0 : i32
    %dma_start3A_697 = tpu.memref_slice %arg6[%dma_start3A_695, %dma_start3A_696] : memref<320x128xf32, #tpu.memory_space<vmem>> -> memref<16x128xf32, #tpu.memory_space<vmem>>
    %dma_start3A_698 = arith.constant 0 : i32
    %dma_start3A_699 = tpu.memref_slice %arg2[%multiple_of3A_689, %dma_start3A_698] : memref<163840x128xf32, #tpu.memory_space<hbm>> -> memref<16x128xf32, #tpu.memory_space<hbm>>
    tpu.enqueue_dma source(%dma_start3A_699 : memref<16x128xf32, #tpu.memory_space<hbm>>) target(%dma_start3A_697 : memref<16x128xf32, #tpu.memory_space<vmem>>) target_semaphore(%arg12 : memref<!tpu.dma_semaphore, #tpu.memory_space<semaphore_mem>>)
    %add3A_700 = arith.constant 19922944 : i32
    %add3A_701 = arith.addi %add3A_700, %add3A_6 : i32
    %jit3A_702 = arith.constant 128 : i32
    %div3A_703 = arith.divsi %add3A_701, %jit3A_702 : i32
    %sign3A_704 = arith.constant 0 : i32
    %sign3A_705 = arith.cmpi sgt, %add3A_701, %sign3A_704 : i32
    %sign3A_706 = arith.extui %sign3A_705 : i1 to i32
    %sign3A_707 = arith.constant 0 : i32
    %sign3A_708 = arith.cmpi slt, %add3A_701, %sign3A_707 : i32
    %sign3A_709 = arith.extui %sign3A_708 : i1 to i32
    %sign3A_710 = arith.subi %sign3A_706, %sign3A_709 : i32
    %sign3A_711 = arith.constant 0 : i32
    %sign3A_712 = arith.cmpi sgt, %jit3A_702, %sign3A_711 : i32
    %sign3A_713 = arith.extui %sign3A_712 : i1 to i32
    %sign3A_714 = arith.constant 0 : i32
    %sign3A_715 = arith.cmpi slt, %jit3A_702, %sign3A_714 : i32
    %sign3A_716 = arith.extui %sign3A_715 : i1 to i32
    %sign3A_717 = arith.subi %sign3A_713, %sign3A_716 : i32
    %ne3A_718 = arith.cmpi ne, %sign3A_710, %sign3A_717 : i32
    %rem3A_719 = arith.remsi %add3A_701, %jit3A_702 : i32
    %ne3A_720 = arith.constant 0 : i32
    %ne3A_721 = arith.cmpi ne, %rem3A_719, %ne3A_720 : i32
    %and3A_722 = arith.andi %ne3A_718, %ne3A_721 : i1
    %sub3A_723 = arith.constant 1 : i32
    %sub3A_724 = arith.subi %div3A_703, %sub3A_723 : i32
    %select_n3A_725 = arith.select %and3A_722, %sub3A_724, %div3A_703 : i32
    %multiple_of3A_726 = tpu.assume_multiple %select_n3A_725, 16 : i32
    %dma_start3A_727 = arith.constant 304 : i32
    %dma_start3A_728 = arith.constant 0 : i32
    %dma_start3A_729 = tpu.memref_slice %arg6[%dma_start3A_727, %dma_start3A_728] : memref<320x128xf32, #tpu.memory_space<vmem>> -> memref<16x128xf32, #tpu.memory_space<vmem>>
    %dma_start3A_730 = arith.constant 0 : i32
    %dma_start3A_731 = tpu.memref_slice %arg2[%multiple_of3A_726, %dma_start3A_730] : memref<163840x128xf32, #tpu.memory_space<hbm>> -> memref<16x128xf32, #tpu.memory_space<hbm>>
    %dma_start3A_732 = arith.constant 304 : i32
    %dma_start3A_733 = arith.constant 0 : i32
    %dma_start3A_734 = tpu.memref_slice %arg6[%dma_start3A_732, %dma_start3A_733] : memref<320x128xf32, #tpu.memory_space<vmem>> -> memref<16x128xf32, #tpu.memory_space<vmem>>
    %dma_start3A_735 = arith.constant 0 : i32
    %dma_start3A_736 = tpu.memref_slice %arg2[%multiple_of3A_726, %dma_start3A_735] : memref<163840x128xf32, #tpu.memory_space<hbm>> -> memref<16x128xf32, #tpu.memory_space<hbm>>
    tpu.enqueue_dma source(%dma_start3A_736 : memref<16x128xf32, #tpu.memory_space<hbm>>) target(%dma_start3A_734 : memref<16x128xf32, #tpu.memory_space<vmem>>) target_semaphore(%arg12 : memref<!tpu.dma_semaphore, #tpu.memory_space<semaphore_mem>>)
    %jit3A_737 = arith.constant 128 : i32
    %div3A_738 = arith.divsi %add3A_6, %jit3A_737 : i32
    %sign3A_739 = arith.constant 0 : i32
    %sign3A_740 = arith.cmpi sgt, %add3A_6, %sign3A_739 : i32
    %sign3A_741 = arith.extui %sign3A_740 : i1 to i32
    %sign3A_742 = arith.constant 0 : i32
    %sign3A_743 = arith.cmpi slt, %add3A_6, %sign3A_742 : i32
    %sign3A_744 = arith.extui %sign3A_743 : i1 to i32
    %sign3A_745 = arith.subi %sign3A_741, %sign3A_744 : i32
    %sign3A_746 = arith.constant 0 : i32
    %sign3A_747 = arith.cmpi sgt, %jit3A_737, %sign3A_746 : i32
    %sign3A_748 = arith.extui %sign3A_747 : i1 to i32
    %sign3A_749 = arith.constant 0 : i32
    %sign3A_750 = arith.cmpi slt, %jit3A_737, %sign3A_749 : i32
    %sign3A_751 = arith.extui %sign3A_750 : i1 to i32
    %sign3A_752 = arith.subi %sign3A_748, %sign3A_751 : i32
    %ne3A_753 = arith.cmpi ne, %sign3A_745, %sign3A_752 : i32
    %rem3A_754 = arith.remsi %add3A_6, %jit3A_737 : i32
    %ne3A_755 = arith.constant 0 : i32
    %ne3A_756 = arith.cmpi ne, %rem3A_754, %ne3A_755 : i32
    %and3A_757 = arith.andi %ne3A_753, %ne3A_756 : i1
    %sub3A_758 = arith.constant 1 : i32
    %sub3A_759 = arith.subi %div3A_738, %sub3A_758 : i32
    %select_n3A_760 = arith.select %and3A_757, %sub3A_759, %div3A_738 : i32
    %multiple_of3A_761 = tpu.assume_multiple %select_n3A_760, 16 : i32
    %dma_start3A_762 = arith.constant 0 : i32
    %dma_start3A_763 = tpu.memref_slice %arg3[%multiple_of3A_761, %dma_start3A_762] : memref<8192x128xf32, #tpu.memory_space<hbm>> -> memref<16x128xf32, #tpu.memory_space<hbm>>
    %dma_start3A_764 = arith.constant 0 : i32
    %dma_start3A_765 = tpu.memref_slice %arg3[%multiple_of3A_761, %dma_start3A_764] : memref<8192x128xf32, #tpu.memory_space<hbm>> -> memref<16x128xf32, #tpu.memory_space<hbm>>
    tpu.enqueue_dma source(%dma_start3A_765 : memref<16x128xf32, #tpu.memory_space<hbm>>) target(%arg8 : memref<16x128xf32, #tpu.memory_space<vmem>>) target_semaphore(%arg14 : memref<!tpu.dma_semaphore, #tpu.memory_space<semaphore_mem>>)
    %scan3A = arith.constant 0 : i32
    %scan3A_766 = arith.constant 3 : i32
    %scan3A_767 = arith.addi %scan3A, %scan3A_766 : i32
    %scan3A_768 = arith.constant 1 : i32
    scf.for %scan3A_772 = %scan3A to %scan3A_767 step %scan3A_768  : i32 {
      %mul3A_773 = arith.constant 2 : i32
      %mul3A_774 = arith.muli %scan3A_772, %mul3A_773 : i32
      %add3A_775 = arith.constant 0 : i32
      %add3A_776 = arith.addi %add3A_775, %mul3A_774 : i32
      %add3A_777 = arith.constant 1 : i32
      %add3A_778 = arith.addi %add3A_776, %add3A_777 : i32
      %mul3A_779 = arith.constant 2048 : i32
      %mul3A_780 = arith.muli %add3A_778, %mul3A_779 : i32
      %add3A_781 = arith.addi %mul3A_2, %mul3A_780 : i32
      %add3A_782 = arith.constant 0 : i32
      %add3A_783 = arith.addi %add3A_782, %add3A_781 : i32
      %jit3A_784 = arith.constant 128 : i32
      %div3A_785 = arith.divsi %add3A_783, %jit3A_784 : i32
      %sign3A_786 = arith.constant 0 : i32
      %sign3A_787 = arith.cmpi sgt, %add3A_783, %sign3A_786 : i32
      %sign3A_788 = arith.extui %sign3A_787 : i1 to i32
      %sign3A_789 = arith.constant 0 : i32
      %sign3A_790 = arith.cmpi slt, %add3A_783, %sign3A_789 : i32
      %sign3A_791 = arith.extui %sign3A_790 : i1 to i32
      %sign3A_792 = arith.subi %sign3A_788, %sign3A_791 : i32
      %sign3A_793 = arith.constant 0 : i32
      %sign3A_794 = arith.cmpi sgt, %jit3A_784, %sign3A_793 : i32
      %sign3A_795 = arith.extui %sign3A_794 : i1 to i32
      %sign3A_796 = arith.constant 0 : i32
      %sign3A_797 = arith.cmpi slt, %jit3A_784, %sign3A_796 : i32
      %sign3A_798 = arith.extui %sign3A_797 : i1 to i32
      %sign3A_799 = arith.subi %sign3A_795, %sign3A_798 : i32
      %ne3A_800 = arith.cmpi ne, %sign3A_792, %sign3A_799 : i32
      %rem3A_801 = arith.remsi %add3A_783, %jit3A_784 : i32
      %ne3A_802 = arith.constant 0 : i32
      %ne3A_803 = arith.cmpi ne, %rem3A_801, %ne3A_802 : i32
      %and3A_804 = arith.andi %ne3A_800, %ne3A_803 : i1
      %sub3A_805 = arith.constant 1 : i32
      %sub3A_806 = arith.subi %div3A_785, %sub3A_805 : i32
      %select_n3A_807 = arith.select %and3A_804, %sub3A_806, %div3A_785 : i32
      %multiple_of3A_808 = tpu.assume_multiple %select_n3A_807, 16 : i32
      %dma_start3A_809 = arith.constant 0 : i32
      %dma_start3A_810 = arith.constant 0 : i32
      %dma_start3A_811 = tpu.memref_slice %arg7[%dma_start3A_809, %dma_start3A_810] : memref<320x128xf32, #tpu.memory_space<vmem>> -> memref<16x128xf32, #tpu.memory_space<vmem>>
      %dma_start3A_812 = arith.constant 0 : i32
      %dma_start3A_813 = tpu.memref_slice %arg2[%multiple_of3A_808, %dma_start3A_812] : memref<163840x128xf32, #tpu.memory_space<hbm>> -> memref<16x128xf32, #tpu.memory_space<hbm>>
      %dma_start3A_814 = arith.constant 0 : i32
      %dma_start3A_815 = arith.constant 0 : i32
      %dma_start3A_816 = tpu.memref_slice %arg7[%dma_start3A_814, %dma_start3A_815] : memref<320x128xf32, #tpu.memory_space<vmem>> -> memref<16x128xf32, #tpu.memory_space<vmem>>
      %dma_start3A_817 = arith.constant 0 : i32
      %dma_start3A_818 = tpu.memref_slice %arg2[%multiple_of3A_808, %dma_start3A_817] : memref<163840x128xf32, #tpu.memory_space<hbm>> -> memref<16x128xf32, #tpu.memory_space<hbm>>
      tpu.enqueue_dma source(%dma_start3A_818 : memref<16x128xf32, #tpu.memory_space<hbm>>) target(%dma_start3A_816 : memref<16x128xf32, #tpu.memory_space<vmem>>) target_semaphore(%arg13 : memref<!tpu.dma_semaphore, #tpu.memory_space<semaphore_mem>>)
      %add3A_819 = arith.constant 1048576 : i32
      %add3A_820 = arith.addi %add3A_819, %add3A_781 : i32
      %jit3A_821 = arith.constant 128 : i32
      %div3A_822 = arith.divsi %add3A_820, %jit3A_821 : i32
      %sign3A_823 = arith.constant 0 : i32
      %sign3A_824 = arith.cmpi sgt, %add3A_820, %sign3A_823 : i32
      %sign3A_825 = arith.extui %sign3A_824 : i1 to i32
      %sign3A_826 = arith.constant 0 : i32
      %sign3A_827 = arith.cmpi slt, %add3A_820, %sign3A_826 : i32
      %sign3A_828 = arith.extui %sign3A_827 : i1 to i32
      %sign3A_829 = arith.subi %sign3A_825, %sign3A_828 : i32
      %sign3A_830 = arith.constant 0 : i32
      %sign3A_831 = arith.cmpi sgt, %jit3A_821, %sign3A_830 : i32
      %sign3A_832 = arith.extui %sign3A_831 : i1 to i32
      %sign3A_833 = arith.constant 0 : i32
      %sign3A_834 = arith.cmpi slt, %jit3A_821, %sign3A_833 : i32
      %sign3A_835 = arith.extui %sign3A_834 : i1 to i32
      %sign3A_836 = arith.subi %sign3A_832, %sign3A_835 : i32
      %ne3A_837 = arith.cmpi ne, %sign3A_829, %sign3A_836 : i32
      %rem3A_838 = arith.remsi %add3A_820, %jit3A_821 : i32
      %ne3A_839 = arith.constant 0 : i32
      %ne3A_840 = arith.cmpi ne, %rem3A_838, %ne3A_839 : i32
      %and3A_841 = arith.andi %ne3A_837, %ne3A_840 : i1
      %sub3A_842 = arith.constant 1 : i32
      %sub3A_843 = arith.subi %div3A_822, %sub3A_842 : i32
      %select_n3A_844 = arith.select %and3A_841, %sub3A_843, %div3A_822 : i32
      %multiple_of3A_845 = tpu.assume_multiple %select_n3A_844, 16 : i32
      %dma_start3A_846 = arith.constant 16 : i32
      %dma_start3A_847 = arith.constant 0 : i32
      %dma_start3A_848 = tpu.memref_slice %arg7[%dma_start3A_846, %dma_start3A_847] : memref<320x128xf32, #tpu.memory_space<vmem>> -> memref<16x128xf32, #tpu.memory_space<vmem>>
      %dma_start3A_849 = arith.constant 0 : i32
      %dma_start3A_850 = tpu.memref_slice %arg2[%multiple_of3A_845, %dma_start3A_849] : memref<163840x128xf32, #tpu.memory_space<hbm>> -> memref<16x128xf32, #tpu.memory_space<hbm>>
      %dma_start3A_851 = arith.constant 16 : i32
      %dma_start3A_852 = arith.constant 0 : i32
      %dma_start3A_853 = tpu.memref_slice %arg7[%dma_start3A_851, %dma_start3A_852] : memref<320x128xf32, #tpu.memory_space<vmem>> -> memref<16x128xf32, #tpu.memory_space<vmem>>
      %dma_start3A_854 = arith.constant 0 : i32
      %dma_start3A_855 = tpu.memref_slice %arg2[%multiple_of3A_845, %dma_start3A_854] : memref<163840x128xf32, #tpu.memory_space<hbm>> -> memref<16x128xf32, #tpu.memory_space<hbm>>
      tpu.enqueue_dma source(%dma_start3A_855 : memref<16x128xf32, #tpu.memory_space<hbm>>) target(%dma_start3A_853 : memref<16x128xf32, #tpu.memory_space<vmem>>) target_semaphore(%arg13 : memref<!tpu.dma_semaphore, #tpu.memory_space<semaphore_mem>>)
      %add3A_856 = arith.constant 2097152 : i32
      %add3A_857 = arith.addi %add3A_856, %add3A_781 : i32
      %jit3A_858 = arith.constant 128 : i32
      %div3A_859 = arith.divsi %add3A_857, %jit3A_858 : i32
      %sign3A_860 = arith.constant 0 : i32
      %sign3A_861 = arith.cmpi sgt, %add3A_857, %sign3A_860 : i32
      %sign3A_862 = arith.extui %sign3A_861 : i1 to i32
      %sign3A_863 = arith.constant 0 : i32
      %sign3A_864 = arith.cmpi slt, %add3A_857, %sign3A_863 : i32
      %sign3A_865 = arith.extui %sign3A_864 : i1 to i32
      %sign3A_866 = arith.subi %sign3A_862, %sign3A_865 : i32
      %sign3A_867 = arith.constant 0 : i32
      %sign3A_868 = arith.cmpi sgt, %jit3A_858, %sign3A_867 : i32
      %sign3A_869 = arith.extui %sign3A_868 : i1 to i32
      %sign3A_870 = arith.constant 0 : i32
      %sign3A_871 = arith.cmpi slt, %jit3A_858, %sign3A_870 : i32
      %sign3A_872 = arith.extui %sign3A_871 : i1 to i32
      %sign3A_873 = arith.subi %sign3A_869, %sign3A_872 : i32
      %ne3A_874 = arith.cmpi ne, %sign3A_866, %sign3A_873 : i32
      %rem3A_875 = arith.remsi %add3A_857, %jit3A_858 : i32
      %ne3A_876 = arith.constant 0 : i32
      %ne3A_877 = arith.cmpi ne, %rem3A_875, %ne3A_876 : i32
      %and3A_878 = arith.andi %ne3A_874, %ne3A_877 : i1
      %sub3A_879 = arith.constant 1 : i32
      %sub3A_880 = arith.subi %div3A_859, %sub3A_879 : i32
      %select_n3A_881 = arith.select %and3A_878, %sub3A_880, %div3A_859 : i32
      %multiple_of3A_882 = tpu.assume_multiple %select_n3A_881, 16 : i32
      %dma_start3A_883 = arith.constant 32 : i32
      %dma_start3A_884 = arith.constant 0 : i32
      %dma_start3A_885 = tpu.memref_slice %arg7[%dma_start3A_883, %dma_start3A_884] : memref<320x128xf32, #tpu.memory_space<vmem>> -> memref<16x128xf32, #tpu.memory_space<vmem>>
      %dma_start3A_886 = arith.constant 0 : i32
      %dma_start3A_887 = tpu.memref_slice %arg2[%multiple_of3A_882, %dma_start3A_886] : memref<163840x128xf32, #tpu.memory_space<hbm>> -> memref<16x128xf32, #tpu.memory_space<hbm>>
      %dma_start3A_888 = arith.constant 32 : i32
      %dma_start3A_889 = arith.constant 0 : i32
      %dma_start3A_890 = tpu.memref_slice %arg7[%dma_start3A_888, %dma_start3A_889] : memref<320x128xf32, #tpu.memory_space<vmem>> -> memref<16x128xf32, #tpu.memory_space<vmem>>
      %dma_start3A_891 = arith.constant 0 : i32
      %dma_start3A_892 = tpu.memref_slice %arg2[%multiple_of3A_882, %dma_start3A_891] : memref<163840x128xf32, #tpu.memory_space<hbm>> -> memref<16x128xf32, #tpu.memory_space<hbm>>
      tpu.enqueue_dma source(%dma_start3A_892 : memref<16x128xf32, #tpu.memory_space<hbm>>) target(%dma_start3A_890 : memref<16x128xf32, #tpu.memory_space<vmem>>) target_semaphore(%arg13 : memref<!tpu.dma_semaphore, #tpu.memory_space<semaphore_mem>>)
      %add3A_893 = arith.constant 3145728 : i32
      %add3A_894 = arith.addi %add3A_893, %add3A_781 : i32
      %jit3A_895 = arith.constant 128 : i32
      %div3A_896 = arith.divsi %add3A_894, %jit3A_895 : i32
      %sign3A_897 = arith.constant 0 : i32
      %sign3A_898 = arith.cmpi sgt, %add3A_894, %sign3A_897 : i32
      %sign3A_899 = arith.extui %sign3A_898 : i1 to i32
      %sign3A_900 = arith.constant 0 : i32
      %sign3A_901 = arith.cmpi slt, %add3A_894, %sign3A_900 : i32
      %sign3A_902 = arith.extui %sign3A_901 : i1 to i32
      %sign3A_903 = arith.subi %sign3A_899, %sign3A_902 : i32
      %sign3A_904 = arith.constant 0 : i32
      %sign3A_905 = arith.cmpi sgt, %jit3A_895, %sign3A_904 : i32
      %sign3A_906 = arith.extui %sign3A_905 : i1 to i32
      %sign3A_907 = arith.constant 0 : i32
      %sign3A_908 = arith.cmpi slt, %jit3A_895, %sign3A_907 : i32
      %sign3A_909 = arith.extui %sign3A_908 : i1 to i32
      %sign3A_910 = arith.subi %sign3A_906, %sign3A_909 : i32
      %ne3A_911 = arith.cmpi ne, %sign3A_903, %sign3A_910 : i32
      %rem3A_912 = arith.remsi %add3A_894, %jit3A_895 : i32
      %ne3A_913 = arith.constant 0 : i32
      %ne3A_914 = arith.cmpi ne, %rem3A_912, %ne3A_913 : i32
      %and3A_915 = arith.andi %ne3A_911, %ne3A_914 : i1
      %sub3A_916 = arith.constant 1 : i32
      %sub3A_917 = arith.subi %div3A_896, %sub3A_916 : i32
      %select_n3A_918 = arith.select %and3A_915, %sub3A_917, %div3A_896 : i32
      %multiple_of3A_919 = tpu.assume_multiple %select_n3A_918, 16 : i32
      %dma_start3A_920 = arith.constant 48 : i32
      %dma_start3A_921 = arith.constant 0 : i32
      %dma_start3A_922 = tpu.memref_slice %arg7[%dma_start3A_920, %dma_start3A_921] : memref<320x128xf32, #tpu.memory_space<vmem>> -> memref<16x128xf32, #tpu.memory_space<vmem>>
      %dma_start3A_923 = arith.constant 0 : i32
      %dma_start3A_924 = tpu.memref_slice %arg2[%multiple_of3A_919, %dma_start3A_923] : memref<163840x128xf32, #tpu.memory_space<hbm>> -> memref<16x128xf32, #tpu.memory_space<hbm>>
      %dma_start3A_925 = arith.constant 48 : i32
      %dma_start3A_926 = arith.constant 0 : i32
      %dma_start3A_927 = tpu.memref_slice %arg7[%dma_start3A_925, %dma_start3A_926] : memref<320x128xf32, #tpu.memory_space<vmem>> -> memref<16x128xf32, #tpu.memory_space<vmem>>
      %dma_start3A_928 = arith.constant 0 : i32
      %dma_start3A_929 = tpu.memref_slice %arg2[%multiple_of3A_919, %dma_start3A_928] : memref<163840x128xf32, #tpu.memory_space<hbm>> -> memref<16x128xf32, #tpu.memory_space<hbm>>
      tpu.enqueue_dma source(%dma_start3A_929 : memref<16x128xf32, #tpu.memory_space<hbm>>) target(%dma_start3A_927 : memref<16x128xf32, #tpu.memory_space<vmem>>) target_semaphore(%arg13 : memref<!tpu.dma_semaphore, #tpu.memory_space<semaphore_mem>>)
      %add3A_930 = arith.constant 4194304 : i32
      %add3A_931 = arith.addi %add3A_930, %add3A_781 : i32
      %jit3A_932 = arith.constant 128 : i32
      %div3A_933 = arith.divsi %add3A_931, %jit3A_932 : i32
      %sign3A_934 = arith.constant 0 : i32
      %sign3A_935 = arith.cmpi sgt, %add3A_931, %sign3A_934 : i32
      %sign3A_936 = arith.extui %sign3A_935 : i1 to i32
      %sign3A_937 = arith.constant 0 : i32
      %sign3A_938 = arith.cmpi slt, %add3A_931, %sign3A_937 : i32
      %sign3A_939 = arith.extui %sign3A_938 : i1 to i32
      %sign3A_940 = arith.subi %sign3A_936, %sign3A_939 : i32
      %sign3A_941 = arith.constant 0 : i32
      %sign3A_942 = arith.cmpi sgt, %jit3A_932, %sign3A_941 : i32
      %sign3A_943 = arith.extui %sign3A_942 : i1 to i32
      %sign3A_944 = arith.constant 0 : i32
      %sign3A_945 = arith.cmpi slt, %jit3A_932, %sign3A_944 : i32
      %sign3A_946 = arith.extui %sign3A_945 : i1 to i32
      %sign3A_947 = arith.subi %sign3A_943, %sign3A_946 : i32
      %ne3A_948 = arith.cmpi ne, %sign3A_940, %sign3A_947 : i32
      %rem3A_949 = arith.remsi %add3A_931, %jit3A_932 : i32
      %ne3A_950 = arith.constant 0 : i32
      %ne3A_951 = arith.cmpi ne, %rem3A_949, %ne3A_950 : i32
      %and3A_952 = arith.andi %ne3A_948, %ne3A_951 : i1
      %sub3A_953 = arith.constant 1 : i32
      %sub3A_954 = arith.subi %div3A_933, %sub3A_953 : i32
      %select_n3A_955 = arith.select %and3A_952, %sub3A_954, %div3A_933 : i32
      %multiple_of3A_956 = tpu.assume_multiple %select_n3A_955, 16 : i32
      %dma_start3A_957 = arith.constant 64 : i32
      %dma_start3A_958 = arith.constant 0 : i32
      %dma_start3A_959 = tpu.memref_slice %arg7[%dma_start3A_957, %dma_start3A_958] : memref<320x128xf32, #tpu.memory_space<vmem>> -> memref<16x128xf32, #tpu.memory_space<vmem>>
      %dma_start3A_960 = arith.constant 0 : i32
      %dma_start3A_961 = tpu.memref_slice %arg2[%multiple_of3A_956, %dma_start3A_960] : memref<163840x128xf32, #tpu.memory_space<hbm>> -> memref<16x128xf32, #tpu.memory_space<hbm>>
      %dma_start3A_962 = arith.constant 64 : i32
      %dma_start3A_963 = arith.constant 0 : i32
      %dma_start3A_964 = tpu.memref_slice %arg7[%dma_start3A_962, %dma_start3A_963] : memref<320x128xf32, #tpu.memory_space<vmem>> -> memref<16x128xf32, #tpu.memory_space<vmem>>
      %dma_start3A_965 = arith.constant 0 : i32
      %dma_start3A_966 = tpu.memref_slice %arg2[%multiple_of3A_956, %dma_start3A_965] : memref<163840x128xf32, #tpu.memory_space<hbm>> -> memref<16x128xf32, #tpu.memory_space<hbm>>
      tpu.enqueue_dma source(%dma_start3A_966 : memref<16x128xf32, #tpu.memory_space<hbm>>) target(%dma_start3A_964 : memref<16x128xf32, #tpu.memory_space<vmem>>) target_semaphore(%arg13 : memref<!tpu.dma_semaphore, #tpu.memory_space<semaphore_mem>>)
      %add3A_967 = arith.constant 5242880 : i32
      %add3A_968 = arith.addi %add3A_967, %add3A_781 : i32
      %jit3A_969 = arith.constant 128 : i32
      %div3A_970 = arith.divsi %add3A_968, %jit3A_969 : i32
      %sign3A_971 = arith.constant 0 : i32
      %sign3A_972 = arith.cmpi sgt, %add3A_968, %sign3A_971 : i32
      %sign3A_973 = arith.extui %sign3A_972 : i1 to i32
      %sign3A_974 = arith.constant 0 : i32
      %sign3A_975 = arith.cmpi slt, %add3A_968, %sign3A_974 : i32
      %sign3A_976 = arith.extui %sign3A_975 : i1 to i32
      %sign3A_977 = arith.subi %sign3A_973, %sign3A_976 : i32
      %sign3A_978 = arith.constant 0 : i32
      %sign3A_979 = arith.cmpi sgt, %jit3A_969, %sign3A_978 : i32
      %sign3A_980 = arith.extui %sign3A_979 : i1 to i32
      %sign3A_981 = arith.constant 0 : i32
      %sign3A_982 = arith.cmpi slt, %jit3A_969, %sign3A_981 : i32
      %sign3A_983 = arith.extui %sign3A_982 : i1 to i32
      %sign3A_984 = arith.subi %sign3A_980, %sign3A_983 : i32
      %ne3A_985 = arith.cmpi ne, %sign3A_977, %sign3A_984 : i32
      %rem3A_986 = arith.remsi %add3A_968, %jit3A_969 : i32
      %ne3A_987 = arith.constant 0 : i32
      %ne3A_988 = arith.cmpi ne, %rem3A_986, %ne3A_987 : i32
      %and3A_989 = arith.andi %ne3A_985, %ne3A_988 : i1
      %sub3A_990 = arith.constant 1 : i32
      %sub3A_991 = arith.subi %div3A_970, %sub3A_990 : i32
      %select_n3A_992 = arith.select %and3A_989, %sub3A_991, %div3A_970 : i32
      %multiple_of3A_993 = tpu.assume_multiple %select_n3A_992, 16 : i32
      %dma_start3A_994 = arith.constant 80 : i32
      %dma_start3A_995 = arith.constant 0 : i32
      %dma_start3A_996 = tpu.memref_slice %arg7[%dma_start3A_994, %dma_start3A_995] : memref<320x128xf32, #tpu.memory_space<vmem>> -> memref<16x128xf32, #tpu.memory_space<vmem>>
      %dma_start3A_997 = arith.constant 0 : i32
      %dma_start3A_998 = tpu.memref_slice %arg2[%multiple_of3A_993, %dma_start3A_997] : memref<163840x128xf32, #tpu.memory_space<hbm>> -> memref<16x128xf32, #tpu.memory_space<hbm>>
      %dma_start3A_999 = arith.constant 80 : i32
      %dma_start3A_1000 = arith.constant 0 : i32
      %dma_start3A_1001 = tpu.memref_slice %arg7[%dma_start3A_999, %dma_start3A_1000] : memref<320x128xf32, #tpu.memory_space<vmem>> -> memref<16x128xf32, #tpu.memory_space<vmem>>
      %dma_start3A_1002 = arith.constant 0 : i32
      %dma_start3A_1003 = tpu.memref_slice %arg2[%multiple_of3A_993, %dma_start3A_1002] : memref<163840x128xf32, #tpu.memory_space<hbm>> -> memref<16x128xf32, #tpu.memory_space<hbm>>
      tpu.enqueue_dma source(%dma_start3A_1003 : memref<16x128xf32, #tpu.memory_space<hbm>>) target(%dma_start3A_1001 : memref<16x128xf32, #tpu.memory_space<vmem>>) target_semaphore(%arg13 : memref<!tpu.dma_semaphore, #tpu.memory_space<semaphore_mem>>)
      %add3A_1004 = arith.constant 6291456 : i32
      %add3A_1005 = arith.addi %add3A_1004, %add3A_781 : i32
      %jit3A_1006 = arith.constant 128 : i32
      %div3A_1007 = arith.divsi %add3A_1005, %jit3A_1006 : i32
      %sign3A_1008 = arith.constant 0 : i32
      %sign3A_1009 = arith.cmpi sgt, %add3A_1005, %sign3A_1008 : i32
      %sign3A_1010 = arith.extui %sign3A_1009 : i1 to i32
      %sign3A_1011 = arith.constant 0 : i32
      %sign3A_1012 = arith.cmpi slt, %add3A_1005, %sign3A_1011 : i32
      %sign3A_1013 = arith.extui %sign3A_1012 : i1 to i32
      %sign3A_1014 = arith.subi %sign3A_1010, %sign3A_1013 : i32
      %sign3A_1015 = arith.constant 0 : i32
      %sign3A_1016 = arith.cmpi sgt, %jit3A_1006, %sign3A_1015 : i32
      %sign3A_1017 = arith.extui %sign3A_1016 : i1 to i32
      %sign3A_1018 = arith.constant 0 : i32
      %sign3A_1019 = arith.cmpi slt, %jit3A_1006, %sign3A_1018 : i32
      %sign3A_1020 = arith.extui %sign3A_1019 : i1 to i32
      %sign3A_1021 = arith.subi %sign3A_1017, %sign3A_1020 : i32
      %ne3A_1022 = arith.cmpi ne, %sign3A_1014, %sign3A_1021 : i32
      %rem3A_1023 = arith.remsi %add3A_1005, %jit3A_1006 : i32
      %ne3A_1024 = arith.constant 0 : i32
      %ne3A_1025 = arith.cmpi ne, %rem3A_1023, %ne3A_1024 : i32
      %and3A_1026 = arith.andi %ne3A_1022, %ne3A_1025 : i1
      %sub3A_1027 = arith.constant 1 : i32
      %sub3A_1028 = arith.subi %div3A_1007, %sub3A_1027 : i32
      %select_n3A_1029 = arith.select %and3A_1026, %sub3A_1028, %div3A_1007 : i32
      %multiple_of3A_1030 = tpu.assume_multiple %select_n3A_1029, 16 : i32
      %dma_start3A_1031 = arith.constant 96 : i32
      %dma_start3A_1032 = arith.constant 0 : i32
      %dma_start3A_1033 = tpu.memref_slice %arg7[%dma_start3A_1031, %dma_start3A_1032] : memref<320x128xf32, #tpu.memory_space<vmem>> -> memref<16x128xf32, #tpu.memory_space<vmem>>
      %dma_start3A_1034 = arith.constant 0 : i32
      %dma_start3A_1035 = tpu.memref_slice %arg2[%multiple_of3A_1030, %dma_start3A_1034] : memref<163840x128xf32, #tpu.memory_space<hbm>> -> memref<16x128xf32, #tpu.memory_space<hbm>>
      %dma_start3A_1036 = arith.constant 96 : i32
      %dma_start3A_1037 = arith.constant 0 : i32
      %dma_start3A_1038 = tpu.memref_slice %arg7[%dma_start3A_1036, %dma_start3A_1037] : memref<320x128xf32, #tpu.memory_space<vmem>> -> memref<16x128xf32, #tpu.memory_space<vmem>>
      %dma_start3A_1039 = arith.constant 0 : i32
      %dma_start3A_1040 = tpu.memref_slice %arg2[%multiple_of3A_1030, %dma_start3A_1039] : memref<163840x128xf32, #tpu.memory_space<hbm>> -> memref<16x128xf32, #tpu.memory_space<hbm>>
      tpu.enqueue_dma source(%dma_start3A_1040 : memref<16x128xf32, #tpu.memory_space<hbm>>) target(%dma_start3A_1038 : memref<16x128xf32, #tpu.memory_space<vmem>>) target_semaphore(%arg13 : memref<!tpu.dma_semaphore, #tpu.memory_space<semaphore_mem>>)
      %add3A_1041 = arith.constant 7340032 : i32
      %add3A_1042 = arith.addi %add3A_1041, %add3A_781 : i32
      %jit3A_1043 = arith.constant 128 : i32
      %div3A_1044 = arith.divsi %add3A_1042, %jit3A_1043 : i32
      %sign3A_1045 = arith.constant 0 : i32
      %sign3A_1046 = arith.cmpi sgt, %add3A_1042, %sign3A_1045 : i32
      %sign3A_1047 = arith.extui %sign3A_1046 : i1 to i32
      %sign3A_1048 = arith.constant 0 : i32
      %sign3A_1049 = arith.cmpi slt, %add3A_1042, %sign3A_1048 : i32
      %sign3A_1050 = arith.extui %sign3A_1049 : i1 to i32
      %sign3A_1051 = arith.subi %sign3A_1047, %sign3A_1050 : i32
      %sign3A_1052 = arith.constant 0 : i32
      %sign3A_1053 = arith.cmpi sgt, %jit3A_1043, %sign3A_1052 : i32
      %sign3A_1054 = arith.extui %sign3A_1053 : i1 to i32
      %sign3A_1055 = arith.constant 0 : i32
      %sign3A_1056 = arith.cmpi slt, %jit3A_1043, %sign3A_1055 : i32
      %sign3A_1057 = arith.extui %sign3A_1056 : i1 to i32
      %sign3A_1058 = arith.subi %sign3A_1054, %sign3A_1057 : i32
      %ne3A_1059 = arith.cmpi ne, %sign3A_1051, %sign3A_1058 : i32
      %rem3A_1060 = arith.remsi %add3A_1042, %jit3A_1043 : i32
      %ne3A_1061 = arith.constant 0 : i32
      %ne3A_1062 = arith.cmpi ne, %rem3A_1060, %ne3A_1061 : i32
      %and3A_1063 = arith.andi %ne3A_1059, %ne3A_1062 : i1
      %sub3A_1064 = arith.constant 1 : i32
      %sub3A_1065 = arith.subi %div3A_1044, %sub3A_1064 : i32
      %select_n3A_1066 = arith.select %and3A_1063, %sub3A_1065, %div3A_1044 : i32
      %multiple_of3A_1067 = tpu.assume_multiple %select_n3A_1066, 16 : i32
      %dma_start3A_1068 = arith.constant 112 : i32
      %dma_start3A_1069 = arith.constant 0 : i32
      %dma_start3A_1070 = tpu.memref_slice %arg7[%dma_start3A_1068, %dma_start3A_1069] : memref<320x128xf32, #tpu.memory_space<vmem>> -> memref<16x128xf32, #tpu.memory_space<vmem>>
      %dma_start3A_1071 = arith.constant 0 : i32
      %dma_start3A_1072 = tpu.memref_slice %arg2[%multiple_of3A_1067, %dma_start3A_1071] : memref<163840x128xf32, #tpu.memory_space<hbm>> -> memref<16x128xf32, #tpu.memory_space<hbm>>
      %dma_start3A_1073 = arith.constant 112 : i32
      %dma_start3A_1074 = arith.constant 0 : i32
      %dma_start3A_1075 = tpu.memref_slice %arg7[%dma_start3A_1073, %dma_start3A_1074] : memref<320x128xf32, #tpu.memory_space<vmem>> -> memref<16x128xf32, #tpu.memory_space<vmem>>
      %dma_start3A_1076 = arith.constant 0 : i32
      %dma_start3A_1077 = tpu.memref_slice %arg2[%multiple_of3A_1067, %dma_start3A_1076] : memref<163840x128xf32, #tpu.memory_space<hbm>> -> memref<16x128xf32, #tpu.memory_space<hbm>>
      tpu.enqueue_dma source(%dma_start3A_1077 : memref<16x128xf32, #tpu.memory_space<hbm>>) target(%dma_start3A_1075 : memref<16x128xf32, #tpu.memory_space<vmem>>) target_semaphore(%arg13 : memref<!tpu.dma_semaphore, #tpu.memory_space<semaphore_mem>>)
      %add3A_1078 = arith.constant 8388608 : i32
      %add3A_1079 = arith.addi %add3A_1078, %add3A_781 : i32
      %jit3A_1080 = arith.constant 128 : i32
      %div3A_1081 = arith.divsi %add3A_1079, %jit3A_1080 : i32
      %sign3A_1082 = arith.constant 0 : i32
      %sign3A_1083 = arith.cmpi sgt, %add3A_1079, %sign3A_1082 : i32
      %sign3A_1084 = arith.extui %sign3A_1083 : i1 to i32
      %sign3A_1085 = arith.constant 0 : i32
      %sign3A_1086 = arith.cmpi slt, %add3A_1079, %sign3A_1085 : i32
      %sign3A_1087 = arith.extui %sign3A_1086 : i1 to i32
      %sign3A_1088 = arith.subi %sign3A_1084, %sign3A_1087 : i32
      %sign3A_1089 = arith.constant 0 : i32
      %sign3A_1090 = arith.cmpi sgt, %jit3A_1080, %sign3A_1089 : i32
      %sign3A_1091 = arith.extui %sign3A_1090 : i1 to i32
      %sign3A_1092 = arith.constant 0 : i32
      %sign3A_1093 = arith.cmpi slt, %jit3A_1080, %sign3A_1092 : i32
      %sign3A_1094 = arith.extui %sign3A_1093 : i1 to i32
      %sign3A_1095 = arith.subi %sign3A_1091, %sign3A_1094 : i32
      %ne3A_1096 = arith.cmpi ne, %sign3A_1088, %sign3A_1095 : i32
      %rem3A_1097 = arith.remsi %add3A_1079, %jit3A_1080 : i32
      %ne3A_1098 = arith.constant 0 : i32
      %ne3A_1099 = arith.cmpi ne, %rem3A_1097, %ne3A_1098 : i32
      %and3A_1100 = arith.andi %ne3A_1096, %ne3A_1099 : i1
      %sub3A_1101 = arith.constant 1 : i32
      %sub3A_1102 = arith.subi %div3A_1081, %sub3A_1101 : i32
      %select_n3A_1103 = arith.select %and3A_1100, %sub3A_1102, %div3A_1081 : i32
      %multiple_of3A_1104 = tpu.assume_multiple %select_n3A_1103, 16 : i32
      %dma_start3A_1105 = arith.constant 128 : i32
      %dma_start3A_1106 = arith.constant 0 : i32
      %dma_start3A_1107 = tpu.memref_slice %arg7[%dma_start3A_1105, %dma_start3A_1106] : memref<320x128xf32, #tpu.memory_space<vmem>> -> memref<16x128xf32, #tpu.memory_space<vmem>>
      %dma_start3A_1108 = arith.constant 0 : i32
      %dma_start3A_1109 = tpu.memref_slice %arg2[%multiple_of3A_1104, %dma_start3A_1108] : memref<163840x128xf32, #tpu.memory_space<hbm>> -> memref<16x128xf32, #tpu.memory_space<hbm>>
      %dma_start3A_1110 = arith.constant 128 : i32
      %dma_start3A_1111 = arith.constant 0 : i32
      %dma_start3A_1112 = tpu.memref_slice %arg7[%dma_start3A_1110, %dma_start3A_1111] : memref<320x128xf32, #tpu.memory_space<vmem>> -> memref<16x128xf32, #tpu.memory_space<vmem>>
      %dma_start3A_1113 = arith.constant 0 : i32
      %dma_start3A_1114 = tpu.memref_slice %arg2[%multiple_of3A_1104, %dma_start3A_1113] : memref<163840x128xf32, #tpu.memory_space<hbm>> -> memref<16x128xf32, #tpu.memory_space<hbm>>
      tpu.enqueue_dma source(%dma_start3A_1114 : memref<16x128xf32, #tpu.memory_space<hbm>>) target(%dma_start3A_1112 : memref<16x128xf32, #tpu.memory_space<vmem>>) target_semaphore(%arg13 : memref<!tpu.dma_semaphore, #tpu.memory_space<semaphore_mem>>)
      %add3A_1115 = arith.constant 9437184 : i32
      %add3A_1116 = arith.addi %add3A_1115, %add3A_781 : i32
      %jit3A_1117 = arith.constant 128 : i32
      %div3A_1118 = arith.divsi %add3A_1116, %jit3A_1117 : i32
      %sign3A_1119 = arith.constant 0 : i32
      %sign3A_1120 = arith.cmpi sgt, %add3A_1116, %sign3A_1119 : i32
      %sign3A_1121 = arith.extui %sign3A_1120 : i1 to i32
      %sign3A_1122 = arith.constant 0 : i32
      %sign3A_1123 = arith.cmpi slt, %add3A_1116, %sign3A_1122 : i32
      %sign3A_1124 = arith.extui %sign3A_1123 : i1 to i32
      %sign3A_1125 = arith.subi %sign3A_1121, %sign3A_1124 : i32
      %sign3A_1126 = arith.constant 0 : i32
      %sign3A_1127 = arith.cmpi sgt, %jit3A_1117, %sign3A_1126 : i32
      %sign3A_1128 = arith.extui %sign3A_1127 : i1 to i32
      %sign3A_1129 = arith.constant 0 : i32
      %sign3A_1130 = arith.cmpi slt, %jit3A_1117, %sign3A_1129 : i32
      %sign3A_1131 = arith.extui %sign3A_1130 : i1 to i32
      %sign3A_1132 = arith.subi %sign3A_1128, %sign3A_1131 : i32
      %ne3A_1133 = arith.cmpi ne, %sign3A_1125, %sign3A_1132 : i32
      %rem3A_1134 = arith.remsi %add3A_1116, %jit3A_1117 : i32
      %ne3A_1135 = arith.constant 0 : i32
      %ne3A_1136 = arith.cmpi ne, %rem3A_1134, %ne3A_1135 : i32
      %and3A_1137 = arith.andi %ne3A_1133, %ne3A_1136 : i1
      %sub3A_1138 = arith.constant 1 : i32
      %sub3A_1139 = arith.subi %div3A_1118, %sub3A_1138 : i32
      %select_n3A_1140 = arith.select %and3A_1137, %sub3A_1139, %div3A_1118 : i32
      %multiple_of3A_1141 = tpu.assume_multiple %select_n3A_1140, 16 : i32
      %dma_start3A_1142 = arith.constant 144 : i32
      %dma_start3A_1143 = arith.constant 0 : i32
      %dma_start3A_1144 = tpu.memref_slice %arg7[%dma_start3A_1142, %dma_start3A_1143] : memref<320x128xf32, #tpu.memory_space<vmem>> -> memref<16x128xf32, #tpu.memory_space<vmem>>
      %dma_start3A_1145 = arith.constant 0 : i32
      %dma_start3A_1146 = tpu.memref_slice %arg2[%multiple_of3A_1141, %dma_start3A_1145] : memref<163840x128xf32, #tpu.memory_space<hbm>> -> memref<16x128xf32, #tpu.memory_space<hbm>>
      %dma_start3A_1147 = arith.constant 144 : i32
      %dma_start3A_1148 = arith.constant 0 : i32
      %dma_start3A_1149 = tpu.memref_slice %arg7[%dma_start3A_1147, %dma_start3A_1148] : memref<320x128xf32, #tpu.memory_space<vmem>> -> memref<16x128xf32, #tpu.memory_space<vmem>>
      %dma_start3A_1150 = arith.constant 0 : i32
      %dma_start3A_1151 = tpu.memref_slice %arg2[%multiple_of3A_1141, %dma_start3A_1150] : memref<163840x128xf32, #tpu.memory_space<hbm>> -> memref<16x128xf32, #tpu.memory_space<hbm>>
      tpu.enqueue_dma source(%dma_start3A_1151 : memref<16x128xf32, #tpu.memory_space<hbm>>) target(%dma_start3A_1149 : memref<16x128xf32, #tpu.memory_space<vmem>>) target_semaphore(%arg13 : memref<!tpu.dma_semaphore, #tpu.memory_space<semaphore_mem>>)
      %add3A_1152 = arith.constant 10485760 : i32
      %add3A_1153 = arith.addi %add3A_1152, %add3A_781 : i32
      %jit3A_1154 = arith.constant 128 : i32
      %div3A_1155 = arith.divsi %add3A_1153, %jit3A_1154 : i32
      %sign3A_1156 = arith.constant 0 : i32
      %sign3A_1157 = arith.cmpi sgt, %add3A_1153, %sign3A_1156 : i32
      %sign3A_1158 = arith.extui %sign3A_1157 : i1 to i32
      %sign3A_1159 = arith.constant 0 : i32
      %sign3A_1160 = arith.cmpi slt, %add3A_1153, %sign3A_1159 : i32
      %sign3A_1161 = arith.extui %sign3A_1160 : i1 to i32
      %sign3A_1162 = arith.subi %sign3A_1158, %sign3A_1161 : i32
      %sign3A_1163 = arith.constant 0 : i32
      %sign3A_1164 = arith.cmpi sgt, %jit3A_1154, %sign3A_1163 : i32
      %sign3A_1165 = arith.extui %sign3A_1164 : i1 to i32
      %sign3A_1166 = arith.constant 0 : i32
      %sign3A_1167 = arith.cmpi slt, %jit3A_1154, %sign3A_1166 : i32
      %sign3A_1168 = arith.extui %sign3A_1167 : i1 to i32
      %sign3A_1169 = arith.subi %sign3A_1165, %sign3A_1168 : i32
      %ne3A_1170 = arith.cmpi ne, %sign3A_1162, %sign3A_1169 : i32
      %rem3A_1171 = arith.remsi %add3A_1153, %jit3A_1154 : i32
      %ne3A_1172 = arith.constant 0 : i32
      %ne3A_1173 = arith.cmpi ne, %rem3A_1171, %ne3A_1172 : i32
      %and3A_1174 = arith.andi %ne3A_1170, %ne3A_1173 : i1
      %sub3A_1175 = arith.constant 1 : i32
      %sub3A_1176 = arith.subi %div3A_1155, %sub3A_1175 : i32
      %select_n3A_1177 = arith.select %and3A_1174, %sub3A_1176, %div3A_1155 : i32
      %multiple_of3A_1178 = tpu.assume_multiple %select_n3A_1177, 16 : i32
      %dma_start3A_1179 = arith.constant 160 : i32
      %dma_start3A_1180 = arith.constant 0 : i32
      %dma_start3A_1181 = tpu.memref_slice %arg7[%dma_start3A_1179, %dma_start3A_1180] : memref<320x128xf32, #tpu.memory_space<vmem>> -> memref<16x128xf32, #tpu.memory_space<vmem>>
      %dma_start3A_1182 = arith.constant 0 : i32
      %dma_start3A_1183 = tpu.memref_slice %arg2[%multiple_of3A_1178, %dma_start3A_1182] : memref<163840x128xf32, #tpu.memory_space<hbm>> -> memref<16x128xf32, #tpu.memory_space<hbm>>
      %dma_start3A_1184 = arith.constant 160 : i32
      %dma_start3A_1185 = arith.constant 0 : i32
      %dma_start3A_1186 = tpu.memref_slice %arg7[%dma_start3A_1184, %dma_start3A_1185] : memref<320x128xf32, #tpu.memory_space<vmem>> -> memref<16x128xf32, #tpu.memory_space<vmem>>
      %dma_start3A_1187 = arith.constant 0 : i32
      %dma_start3A_1188 = tpu.memref_slice %arg2[%multiple_of3A_1178, %dma_start3A_1187] : memref<163840x128xf32, #tpu.memory_space<hbm>> -> memref<16x128xf32, #tpu.memory_space<hbm>>
      tpu.enqueue_dma source(%dma_start3A_1188 : memref<16x128xf32, #tpu.memory_space<hbm>>) target(%dma_start3A_1186 : memref<16x128xf32, #tpu.memory_space<vmem>>) target_semaphore(%arg13 : memref<!tpu.dma_semaphore, #tpu.memory_space<semaphore_mem>>)
      %add3A_1189 = arith.constant 11534336 : i32
      %add3A_1190 = arith.addi %add3A_1189, %add3A_781 : i32
      %jit3A_1191 = arith.constant 128 : i32
      %div3A_1192 = arith.divsi %add3A_1190, %jit3A_1191 : i32
      %sign3A_1193 = arith.constant 0 : i32
      %sign3A_1194 = arith.cmpi sgt, %add3A_1190, %sign3A_1193 : i32
      %sign3A_1195 = arith.extui %sign3A_1194 : i1 to i32
      %sign3A_1196 = arith.constant 0 : i32
      %sign3A_1197 = arith.cmpi slt, %add3A_1190, %sign3A_1196 : i32
      %sign3A_1198 = arith.extui %sign3A_1197 : i1 to i32
      %sign3A_1199 = arith.subi %sign3A_1195, %sign3A_1198 : i32
      %sign3A_1200 = arith.constant 0 : i32
      %sign3A_1201 = arith.cmpi sgt, %jit3A_1191, %sign3A_1200 : i32
      %sign3A_1202 = arith.extui %sign3A_1201 : i1 to i32
      %sign3A_1203 = arith.constant 0 : i32
      %sign3A_1204 = arith.cmpi slt, %jit3A_1191, %sign3A_1203 : i32
      %sign3A_1205 = arith.extui %sign3A_1204 : i1 to i32
      %sign3A_1206 = arith.subi %sign3A_1202, %sign3A_1205 : i32
      %ne3A_1207 = arith.cmpi ne, %sign3A_1199, %sign3A_1206 : i32
      %rem3A_1208 = arith.remsi %add3A_1190, %jit3A_1191 : i32
      %ne3A_1209 = arith.constant 0 : i32
      %ne3A_1210 = arith.cmpi ne, %rem3A_1208, %ne3A_1209 : i32
      %and3A_1211 = arith.andi %ne3A_1207, %ne3A_1210 : i1
      %sub3A_1212 = arith.constant 1 : i32
      %sub3A_1213 = arith.subi %div3A_1192, %sub3A_1212 : i32
      %select_n3A_1214 = arith.select %and3A_1211, %sub3A_1213, %div3A_1192 : i32
      %multiple_of3A_1215 = tpu.assume_multiple %select_n3A_1214, 16 : i32
      %dma_start3A_1216 = arith.constant 176 : i32
      %dma_start3A_1217 = arith.constant 0 : i32
      %dma_start3A_1218 = tpu.memref_slice %arg7[%dma_start3A_1216, %dma_start3A_1217] : memref<320x128xf32, #tpu.memory_space<vmem>> -> memref<16x128xf32, #tpu.memory_space<vmem>>
      %dma_start3A_1219 = arith.constant 0 : i32
      %dma_start3A_1220 = tpu.memref_slice %arg2[%multiple_of3A_1215, %dma_start3A_1219] : memref<163840x128xf32, #tpu.memory_space<hbm>> -> memref<16x128xf32, #tpu.memory_space<hbm>>
      %dma_start3A_1221 = arith.constant 176 : i32
      %dma_start3A_1222 = arith.constant 0 : i32
      %dma_start3A_1223 = tpu.memref_slice %arg7[%dma_start3A_1221, %dma_start3A_1222] : memref<320x128xf32, #tpu.memory_space<vmem>> -> memref<16x128xf32, #tpu.memory_space<vmem>>
      %dma_start3A_1224 = arith.constant 0 : i32
      %dma_start3A_1225 = tpu.memref_slice %arg2[%multiple_of3A_1215, %dma_start3A_1224] : memref<163840x128xf32, #tpu.memory_space<hbm>> -> memref<16x128xf32, #tpu.memory_space<hbm>>
      tpu.enqueue_dma source(%dma_start3A_1225 : memref<16x128xf32, #tpu.memory_space<hbm>>) target(%dma_start3A_1223 : memref<16x128xf32, #tpu.memory_space<vmem>>) target_semaphore(%arg13 : memref<!tpu.dma_semaphore, #tpu.memory_space<semaphore_mem>>)
      %add3A_1226 = arith.constant 12582912 : i32
      %add3A_1227 = arith.addi %add3A_1226, %add3A_781 : i32
      %jit3A_1228 = arith.constant 128 : i32
      %div3A_1229 = arith.divsi %add3A_1227, %jit3A_1228 : i32
      %sign3A_1230 = arith.constant 0 : i32
      %sign3A_1231 = arith.cmpi sgt, %add3A_1227, %sign3A_1230 : i32
      %sign3A_1232 = arith.extui %sign3A_1231 : i1 to i32
      %sign3A_1233 = arith.constant 0 : i32
      %sign3A_1234 = arith.cmpi slt, %add3A_1227, %sign3A_1233 : i32
      %sign3A_1235 = arith.extui %sign3A_1234 : i1 to i32
      %sign3A_1236 = arith.subi %sign3A_1232, %sign3A_1235 : i32
      %sign3A_1237 = arith.constant 0 : i32
      %sign3A_1238 = arith.cmpi sgt, %jit3A_1228, %sign3A_1237 : i32
      %sign3A_1239 = arith.extui %sign3A_1238 : i1 to i32
      %sign3A_1240 = arith.constant 0 : i32
      %sign3A_1241 = arith.cmpi slt, %jit3A_1228, %sign3A_1240 : i32
      %sign3A_1242 = arith.extui %sign3A_1241 : i1 to i32
      %sign3A_1243 = arith.subi %sign3A_1239, %sign3A_1242 : i32
      %ne3A_1244 = arith.cmpi ne, %sign3A_1236, %sign3A_1243 : i32
      %rem3A_1245 = arith.remsi %add3A_1227, %jit3A_1228 : i32
      %ne3A_1246 = arith.constant 0 : i32
      %ne3A_1247 = arith.cmpi ne, %rem3A_1245, %ne3A_1246 : i32
      %and3A_1248 = arith.andi %ne3A_1244, %ne3A_1247 : i1
      %sub3A_1249 = arith.constant 1 : i32
      %sub3A_1250 = arith.subi %div3A_1229, %sub3A_1249 : i32
      %select_n3A_1251 = arith.select %and3A_1248, %sub3A_1250, %div3A_1229 : i32
      %multiple_of3A_1252 = tpu.assume_multiple %select_n3A_1251, 16 : i32
      %dma_start3A_1253 = arith.constant 192 : i32
      %dma_start3A_1254 = arith.constant 0 : i32
      %dma_start3A_1255 = tpu.memref_slice %arg7[%dma_start3A_1253, %dma_start3A_1254] : memref<320x128xf32, #tpu.memory_space<vmem>> -> memref<16x128xf32, #tpu.memory_space<vmem>>
      %dma_start3A_1256 = arith.constant 0 : i32
      %dma_start3A_1257 = tpu.memref_slice %arg2[%multiple_of3A_1252, %dma_start3A_1256] : memref<163840x128xf32, #tpu.memory_space<hbm>> -> memref<16x128xf32, #tpu.memory_space<hbm>>
      %dma_start3A_1258 = arith.constant 192 : i32
      %dma_start3A_1259 = arith.constant 0 : i32
      %dma_start3A_1260 = tpu.memref_slice %arg7[%dma_start3A_1258, %dma_start3A_1259] : memref<320x128xf32, #tpu.memory_space<vmem>> -> memref<16x128xf32, #tpu.memory_space<vmem>>
      %dma_start3A_1261 = arith.constant 0 : i32
      %dma_start3A_1262 = tpu.memref_slice %arg2[%multiple_of3A_1252, %dma_start3A_1261] : memref<163840x128xf32, #tpu.memory_space<hbm>> -> memref<16x128xf32, #tpu.memory_space<hbm>>
      tpu.enqueue_dma source(%dma_start3A_1262 : memref<16x128xf32, #tpu.memory_space<hbm>>) target(%dma_start3A_1260 : memref<16x128xf32, #tpu.memory_space<vmem>>) target_semaphore(%arg13 : memref<!tpu.dma_semaphore, #tpu.memory_space<semaphore_mem>>)
      %add3A_1263 = arith.constant 13631488 : i32
      %add3A_1264 = arith.addi %add3A_1263, %add3A_781 : i32
      %jit3A_1265 = arith.constant 128 : i32
      %div3A_1266 = arith.divsi %add3A_1264, %jit3A_1265 : i32
      %sign3A_1267 = arith.constant 0 : i32
      %sign3A_1268 = arith.cmpi sgt, %add3A_1264, %sign3A_1267 : i32
      %sign3A_1269 = arith.extui %sign3A_1268 : i1 to i32
      %sign3A_1270 = arith.constant 0 : i32
      %sign3A_1271 = arith.cmpi slt, %add3A_1264, %sign3A_1270 : i32
      %sign3A_1272 = arith.extui %sign3A_1271 : i1 to i32
      %sign3A_1273 = arith.subi %sign3A_1269, %sign3A_1272 : i32
      %sign3A_1274 = arith.constant 0 : i32
      %sign3A_1275 = arith.cmpi sgt, %jit3A_1265, %sign3A_1274 : i32
      %sign3A_1276 = arith.extui %sign3A_1275 : i1 to i32
      %sign3A_1277 = arith.constant 0 : i32
      %sign3A_1278 = arith.cmpi slt, %jit3A_1265, %sign3A_1277 : i32
      %sign3A_1279 = arith.extui %sign3A_1278 : i1 to i32
      %sign3A_1280 = arith.subi %sign3A_1276, %sign3A_1279 : i32
      %ne3A_1281 = arith.cmpi ne, %sign3A_1273, %sign3A_1280 : i32
      %rem3A_1282 = arith.remsi %add3A_1264, %jit3A_1265 : i32
      %ne3A_1283 = arith.constant 0 : i32
      %ne3A_1284 = arith.cmpi ne, %rem3A_1282, %ne3A_1283 : i32
      %and3A_1285 = arith.andi %ne3A_1281, %ne3A_1284 : i1
      %sub3A_1286 = arith.constant 1 : i32
      %sub3A_1287 = arith.subi %div3A_1266, %sub3A_1286 : i32
      %select_n3A_1288 = arith.select %and3A_1285, %sub3A_1287, %div3A_1266 : i32
      %multiple_of3A_1289 = tpu.assume_multiple %select_n3A_1288, 16 : i32
      %dma_start3A_1290 = arith.constant 208 : i32
      %dma_start3A_1291 = arith.constant 0 : i32
      %dma_start3A_1292 = tpu.memref_slice %arg7[%dma_start3A_1290, %dma_start3A_1291] : memref<320x128xf32, #tpu.memory_space<vmem>> -> memref<16x128xf32, #tpu.memory_space<vmem>>
      %dma_start3A_1293 = arith.constant 0 : i32
      %dma_start3A_1294 = tpu.memref_slice %arg2[%multiple_of3A_1289, %dma_start3A_1293] : memref<163840x128xf32, #tpu.memory_space<hbm>> -> memref<16x128xf32, #tpu.memory_space<hbm>>
      %dma_start3A_1295 = arith.constant 208 : i32
      %dma_start3A_1296 = arith.constant 0 : i32
      %dma_start3A_1297 = tpu.memref_slice %arg7[%dma_start3A_1295, %dma_start3A_1296] : memref<320x128xf32, #tpu.memory_space<vmem>> -> memref<16x128xf32, #tpu.memory_space<vmem>>
      %dma_start3A_1298 = arith.constant 0 : i32
      %dma_start3A_1299 = tpu.memref_slice %arg2[%multiple_of3A_1289, %dma_start3A_1298] : memref<163840x128xf32, #tpu.memory_space<hbm>> -> memref<16x128xf32, #tpu.memory_space<hbm>>
      tpu.enqueue_dma source(%dma_start3A_1299 : memref<16x128xf32, #tpu.memory_space<hbm>>) target(%dma_start3A_1297 : memref<16x128xf32, #tpu.memory_space<vmem>>) target_semaphore(%arg13 : memref<!tpu.dma_semaphore, #tpu.memory_space<semaphore_mem>>)
      %add3A_1300 = arith.constant 14680064 : i32
      %add3A_1301 = arith.addi %add3A_1300, %add3A_781 : i32
      %jit3A_1302 = arith.constant 128 : i32
      %div3A_1303 = arith.divsi %add3A_1301, %jit3A_1302 : i32
      %sign3A_1304 = arith.constant 0 : i32
      %sign3A_1305 = arith.cmpi sgt, %add3A_1301, %sign3A_1304 : i32
      %sign3A_1306 = arith.extui %sign3A_1305 : i1 to i32
      %sign3A_1307 = arith.constant 0 : i32
      %sign3A_1308 = arith.cmpi slt, %add3A_1301, %sign3A_1307 : i32
      %sign3A_1309 = arith.extui %sign3A_1308 : i1 to i32
      %sign3A_1310 = arith.subi %sign3A_1306, %sign3A_1309 : i32
      %sign3A_1311 = arith.constant 0 : i32
      %sign3A_1312 = arith.cmpi sgt, %jit3A_1302, %sign3A_1311 : i32
      %sign3A_1313 = arith.extui %sign3A_1312 : i1 to i32
      %sign3A_1314 = arith.constant 0 : i32
      %sign3A_1315 = arith.cmpi slt, %jit3A_1302, %sign3A_1314 : i32
      %sign3A_1316 = arith.extui %sign3A_1315 : i1 to i32
      %sign3A_1317 = arith.subi %sign3A_1313, %sign3A_1316 : i32
      %ne3A_1318 = arith.cmpi ne, %sign3A_1310, %sign3A_1317 : i32
      %rem3A_1319 = arith.remsi %add3A_1301, %jit3A_1302 : i32
      %ne3A_1320 = arith.constant 0 : i32
      %ne3A_1321 = arith.cmpi ne, %rem3A_1319, %ne3A_1320 : i32
      %and3A_1322 = arith.andi %ne3A_1318, %ne3A_1321 : i1
      %sub3A_1323 = arith.constant 1 : i32
      %sub3A_1324 = arith.subi %div3A_1303, %sub3A_1323 : i32
      %select_n3A_1325 = arith.select %and3A_1322, %sub3A_1324, %div3A_1303 : i32
      %multiple_of3A_1326 = tpu.assume_multiple %select_n3A_1325, 16 : i32
      %dma_start3A_1327 = arith.constant 224 : i32
      %dma_start3A_1328 = arith.constant 0 : i32
      %dma_start3A_1329 = tpu.memref_slice %arg7[%dma_start3A_1327, %dma_start3A_1328] : memref<320x128xf32, #tpu.memory_space<vmem>> -> memref<16x128xf32, #tpu.memory_space<vmem>>
      %dma_start3A_1330 = arith.constant 0 : i32
      %dma_start3A_1331 = tpu.memref_slice %arg2[%multiple_of3A_1326, %dma_start3A_1330] : memref<163840x128xf32, #tpu.memory_space<hbm>> -> memref<16x128xf32, #tpu.memory_space<hbm>>
      %dma_start3A_1332 = arith.constant 224 : i32
      %dma_start3A_1333 = arith.constant 0 : i32
      %dma_start3A_1334 = tpu.memref_slice %arg7[%dma_start3A_1332, %dma_start3A_1333] : memref<320x128xf32, #tpu.memory_space<vmem>> -> memref<16x128xf32, #tpu.memory_space<vmem>>
      %dma_start3A_1335 = arith.constant 0 : i32
      %dma_start3A_1336 = tpu.memref_slice %arg2[%multiple_of3A_1326, %dma_start3A_1335] : memref<163840x128xf32, #tpu.memory_space<hbm>> -> memref<16x128xf32, #tpu.memory_space<hbm>>
      tpu.enqueue_dma source(%dma_start3A_1336 : memref<16x128xf32, #tpu.memory_space<hbm>>) target(%dma_start3A_1334 : memref<16x128xf32, #tpu.memory_space<vmem>>) target_semaphore(%arg13 : memref<!tpu.dma_semaphore, #tpu.memory_space<semaphore_mem>>)
      %add3A_1337 = arith.constant 15728640 : i32
      %add3A_1338 = arith.addi %add3A_1337, %add3A_781 : i32
      %jit3A_1339 = arith.constant 128 : i32
      %div3A_1340 = arith.divsi %add3A_1338, %jit3A_1339 : i32
      %sign3A_1341 = arith.constant 0 : i32
      %sign3A_1342 = arith.cmpi sgt, %add3A_1338, %sign3A_1341 : i32
      %sign3A_1343 = arith.extui %sign3A_1342 : i1 to i32
      %sign3A_1344 = arith.constant 0 : i32
      %sign3A_1345 = arith.cmpi slt, %add3A_1338, %sign3A_1344 : i32
      %sign3A_1346 = arith.extui %sign3A_1345 : i1 to i32
      %sign3A_1347 = arith.subi %sign3A_1343, %sign3A_1346 : i32
      %sign3A_1348 = arith.constant 0 : i32
      %sign3A_1349 = arith.cmpi sgt, %jit3A_1339, %sign3A_1348 : i32
      %sign3A_1350 = arith.extui %sign3A_1349 : i1 to i32
      %sign3A_1351 = arith.constant 0 : i32
      %sign3A_1352 = arith.cmpi slt, %jit3A_1339, %sign3A_1351 : i32
      %sign3A_1353 = arith.extui %sign3A_1352 : i1 to i32
      %sign3A_1354 = arith.subi %sign3A_1350, %sign3A_1353 : i32
      %ne3A_1355 = arith.cmpi ne, %sign3A_1347, %sign3A_1354 : i32
      %rem3A_1356 = arith.remsi %add3A_1338, %jit3A_1339 : i32
      %ne3A_1357 = arith.constant 0 : i32
      %ne3A_1358 = arith.cmpi ne, %rem3A_1356, %ne3A_1357 : i32
      %and3A_1359 = arith.andi %ne3A_1355, %ne3A_1358 : i1
      %sub3A_1360 = arith.constant 1 : i32
      %sub3A_1361 = arith.subi %div3A_1340, %sub3A_1360 : i32
      %select_n3A_1362 = arith.select %and3A_1359, %sub3A_1361, %div3A_1340 : i32
      %multiple_of3A_1363 = tpu.assume_multiple %select_n3A_1362, 16 : i32
      %dma_start3A_1364 = arith.constant 240 : i32
      %dma_start3A_1365 = arith.constant 0 : i32
      %dma_start3A_1366 = tpu.memref_slice %arg7[%dma_start3A_1364, %dma_start3A_1365] : memref<320x128xf32, #tpu.memory_space<vmem>> -> memref<16x128xf32, #tpu.memory_space<vmem>>
      %dma_start3A_1367 = arith.constant 0 : i32
      %dma_start3A_1368 = tpu.memref_slice %arg2[%multiple_of3A_1363, %dma_start3A_1367] : memref<163840x128xf32, #tpu.memory_space<hbm>> -> memref<16x128xf32, #tpu.memory_space<hbm>>
      %dma_start3A_1369 = arith.constant 240 : i32
      %dma_start3A_1370 = arith.constant 0 : i32
      %dma_start3A_1371 = tpu.memref_slice %arg7[%dma_start3A_1369, %dma_start3A_1370] : memref<320x128xf32, #tpu.memory_space<vmem>> -> memref<16x128xf32, #tpu.memory_space<vmem>>
      %dma_start3A_1372 = arith.constant 0 : i32
      %dma_start3A_1373 = tpu.memref_slice %arg2[%multiple_of3A_1363, %dma_start3A_1372] : memref<163840x128xf32, #tpu.memory_space<hbm>> -> memref<16x128xf32, #tpu.memory_space<hbm>>
      tpu.enqueue_dma source(%dma_start3A_1373 : memref<16x128xf32, #tpu.memory_space<hbm>>) target(%dma_start3A_1371 : memref<16x128xf32, #tpu.memory_space<vmem>>) target_semaphore(%arg13 : memref<!tpu.dma_semaphore, #tpu.memory_space<semaphore_mem>>)
      %add3A_1374 = arith.constant 16777216 : i32
      %add3A_1375 = arith.addi %add3A_1374, %add3A_781 : i32
      %jit3A_1376 = arith.constant 128 : i32
      %div3A_1377 = arith.divsi %add3A_1375, %jit3A_1376 : i32
      %sign3A_1378 = arith.constant 0 : i32
      %sign3A_1379 = arith.cmpi sgt, %add3A_1375, %sign3A_1378 : i32
      %sign3A_1380 = arith.extui %sign3A_1379 : i1 to i32
      %sign3A_1381 = arith.constant 0 : i32
      %sign3A_1382 = arith.cmpi slt, %add3A_1375, %sign3A_1381 : i32
      %sign3A_1383 = arith.extui %sign3A_1382 : i1 to i32
      %sign3A_1384 = arith.subi %sign3A_1380, %sign3A_1383 : i32
      %sign3A_1385 = arith.constant 0 : i32
      %sign3A_1386 = arith.cmpi sgt, %jit3A_1376, %sign3A_1385 : i32
      %sign3A_1387 = arith.extui %sign3A_1386 : i1 to i32
      %sign3A_1388 = arith.constant 0 : i32
      %sign3A_1389 = arith.cmpi slt, %jit3A_1376, %sign3A_1388 : i32
      %sign3A_1390 = arith.extui %sign3A_1389 : i1 to i32
      %sign3A_1391 = arith.subi %sign3A_1387, %sign3A_1390 : i32
      %ne3A_1392 = arith.cmpi ne, %sign3A_1384, %sign3A_1391 : i32
      %rem3A_1393 = arith.remsi %add3A_1375, %jit3A_1376 : i32
      %ne3A_1394 = arith.constant 0 : i32
      %ne3A_1395 = arith.cmpi ne, %rem3A_1393, %ne3A_1394 : i32
      %and3A_1396 = arith.andi %ne3A_1392, %ne3A_1395 : i1
      %sub3A_1397 = arith.constant 1 : i32
      %sub3A_1398 = arith.subi %div3A_1377, %sub3A_1397 : i32
      %select_n3A_1399 = arith.select %and3A_1396, %sub3A_1398, %div3A_1377 : i32
      %multiple_of3A_1400 = tpu.assume_multiple %select_n3A_1399, 16 : i32
      %dma_start3A_1401 = arith.constant 256 : i32
      %dma_start3A_1402 = arith.constant 0 : i32
      %dma_start3A_1403 = tpu.memref_slice %arg7[%dma_start3A_1401, %dma_start3A_1402] : memref<320x128xf32, #tpu.memory_space<vmem>> -> memref<16x128xf32, #tpu.memory_space<vmem>>
      %dma_start3A_1404 = arith.constant 0 : i32
      %dma_start3A_1405 = tpu.memref_slice %arg2[%multiple_of3A_1400, %dma_start3A_1404] : memref<163840x128xf32, #tpu.memory_space<hbm>> -> memref<16x128xf32, #tpu.memory_space<hbm>>
      %dma_start3A_1406 = arith.constant 256 : i32
      %dma_start3A_1407 = arith.constant 0 : i32
      %dma_start3A_1408 = tpu.memref_slice %arg7[%dma_start3A_1406, %dma_start3A_1407] : memref<320x128xf32, #tpu.memory_space<vmem>> -> memref<16x128xf32, #tpu.memory_space<vmem>>
      %dma_start3A_1409 = arith.constant 0 : i32
      %dma_start3A_1410 = tpu.memref_slice %arg2[%multiple_of3A_1400, %dma_start3A_1409] : memref<163840x128xf32, #tpu.memory_space<hbm>> -> memref<16x128xf32, #tpu.memory_space<hbm>>
      tpu.enqueue_dma source(%dma_start3A_1410 : memref<16x128xf32, #tpu.memory_space<hbm>>) target(%dma_start3A_1408 : memref<16x128xf32, #tpu.memory_space<vmem>>) target_semaphore(%arg13 : memref<!tpu.dma_semaphore, #tpu.memory_space<semaphore_mem>>)
      %add3A_1411 = arith.constant 17825792 : i32
      %add3A_1412 = arith.addi %add3A_1411, %add3A_781 : i32
      %jit3A_1413 = arith.constant 128 : i32
      %div3A_1414 = arith.divsi %add3A_1412, %jit3A_1413 : i32
      %sign3A_1415 = arith.constant 0 : i32
      %sign3A_1416 = arith.cmpi sgt, %add3A_1412, %sign3A_1415 : i32
      %sign3A_1417 = arith.extui %sign3A_1416 : i1 to i32
      %sign3A_1418 = arith.constant 0 : i32
      %sign3A_1419 = arith.cmpi slt, %add3A_1412, %sign3A_1418 : i32
      %sign3A_1420 = arith.extui %sign3A_1419 : i1 to i32
      %sign3A_1421 = arith.subi %sign3A_1417, %sign3A_1420 : i32
      %sign3A_1422 = arith.constant 0 : i32
      %sign3A_1423 = arith.cmpi sgt, %jit3A_1413, %sign3A_1422 : i32
      %sign3A_1424 = arith.extui %sign3A_1423 : i1 to i32
      %sign3A_1425 = arith.constant 0 : i32
      %sign3A_1426 = arith.cmpi slt, %jit3A_1413, %sign3A_1425 : i32
      %sign3A_1427 = arith.extui %sign3A_1426 : i1 to i32
      %sign3A_1428 = arith.subi %sign3A_1424, %sign3A_1427 : i32
      %ne3A_1429 = arith.cmpi ne, %sign3A_1421, %sign3A_1428 : i32
      %rem3A_1430 = arith.remsi %add3A_1412, %jit3A_1413 : i32
      %ne3A_1431 = arith.constant 0 : i32
      %ne3A_1432 = arith.cmpi ne, %rem3A_1430, %ne3A_1431 : i32
      %and3A_1433 = arith.andi %ne3A_1429, %ne3A_1432 : i1
      %sub3A_1434 = arith.constant 1 : i32
      %sub3A_1435 = arith.subi %div3A_1414, %sub3A_1434 : i32
      %select_n3A_1436 = arith.select %and3A_1433, %sub3A_1435, %div3A_1414 : i32
      %multiple_of3A_1437 = tpu.assume_multiple %select_n3A_1436, 16 : i32
      %dma_start3A_1438 = arith.constant 272 : i32
      %dma_start3A_1439 = arith.constant 0 : i32
      %dma_start3A_1440 = tpu.memref_slice %arg7[%dma_start3A_1438, %dma_start3A_1439] : memref<320x128xf32, #tpu.memory_space<vmem>> -> memref<16x128xf32, #tpu.memory_space<vmem>>
      %dma_start3A_1441 = arith.constant 0 : i32
      %dma_start3A_1442 = tpu.memref_slice %arg2[%multiple_of3A_1437, %dma_start3A_1441] : memref<163840x128xf32, #tpu.memory_space<hbm>> -> memref<16x128xf32, #tpu.memory_space<hbm>>
      %dma_start3A_1443 = arith.constant 272 : i32
      %dma_start3A_1444 = arith.constant 0 : i32
      %dma_start3A_1445 = tpu.memref_slice %arg7[%dma_start3A_1443, %dma_start3A_1444] : memref<320x128xf32, #tpu.memory_space<vmem>> -> memref<16x128xf32, #tpu.memory_space<vmem>>
      %dma_start3A_1446 = arith.constant 0 : i32
      %dma_start3A_1447 = tpu.memref_slice %arg2[%multiple_of3A_1437, %dma_start3A_1446] : memref<163840x128xf32, #tpu.memory_space<hbm>> -> memref<16x128xf32, #tpu.memory_space<hbm>>
      tpu.enqueue_dma source(%dma_start3A_1447 : memref<16x128xf32, #tpu.memory_space<hbm>>) target(%dma_start3A_1445 : memref<16x128xf32, #tpu.memory_space<vmem>>) target_semaphore(%arg13 : memref<!tpu.dma_semaphore, #tpu.memory_space<semaphore_mem>>)
      %add3A_1448 = arith.constant 18874368 : i32
      %add3A_1449 = arith.addi %add3A_1448, %add3A_781 : i32
      %jit3A_1450 = arith.constant 128 : i32
      %div3A_1451 = arith.divsi %add3A_1449, %jit3A_1450 : i32
      %sign3A_1452 = arith.constant 0 : i32
      %sign3A_1453 = arith.cmpi sgt, %add3A_1449, %sign3A_1452 : i32
      %sign3A_1454 = arith.extui %sign3A_1453 : i1 to i32
      %sign3A_1455 = arith.constant 0 : i32
      %sign3A_1456 = arith.cmpi slt, %add3A_1449, %sign3A_1455 : i32
      %sign3A_1457 = arith.extui %sign3A_1456 : i1 to i32
      %sign3A_1458 = arith.subi %sign3A_1454, %sign3A_1457 : i32
      %sign3A_1459 = arith.constant 0 : i32
      %sign3A_1460 = arith.cmpi sgt, %jit3A_1450, %sign3A_1459 : i32
      %sign3A_1461 = arith.extui %sign3A_1460 : i1 to i32
      %sign3A_1462 = arith.constant 0 : i32
      %sign3A_1463 = arith.cmpi slt, %jit3A_1450, %sign3A_1462 : i32
      %sign3A_1464 = arith.extui %sign3A_1463 : i1 to i32
      %sign3A_1465 = arith.subi %sign3A_1461, %sign3A_1464 : i32
      %ne3A_1466 = arith.cmpi ne, %sign3A_1458, %sign3A_1465 : i32
      %rem3A_1467 = arith.remsi %add3A_1449, %jit3A_1450 : i32
      %ne3A_1468 = arith.constant 0 : i32
      %ne3A_1469 = arith.cmpi ne, %rem3A_1467, %ne3A_1468 : i32
      %and3A_1470 = arith.andi %ne3A_1466, %ne3A_1469 : i1
      %sub3A_1471 = arith.constant 1 : i32
      %sub3A_1472 = arith.subi %div3A_1451, %sub3A_1471 : i32
      %select_n3A_1473 = arith.select %and3A_1470, %sub3A_1472, %div3A_1451 : i32
      %multiple_of3A_1474 = tpu.assume_multiple %select_n3A_1473, 16 : i32
      %dma_start3A_1475 = arith.constant 288 : i32
      %dma_start3A_1476 = arith.constant 0 : i32
      %dma_start3A_1477 = tpu.memref_slice %arg7[%dma_start3A_1475, %dma_start3A_1476] : memref<320x128xf32, #tpu.memory_space<vmem>> -> memref<16x128xf32, #tpu.memory_space<vmem>>
      %dma_start3A_1478 = arith.constant 0 : i32
      %dma_start3A_1479 = tpu.memref_slice %arg2[%multiple_of3A_1474, %dma_start3A_1478] : memref<163840x128xf32, #tpu.memory_space<hbm>> -> memref<16x128xf32, #tpu.memory_space<hbm>>
      %dma_start3A_1480 = arith.constant 288 : i32
      %dma_start3A_1481 = arith.constant 0 : i32
      %dma_start3A_1482 = tpu.memref_slice %arg7[%dma_start3A_1480, %dma_start3A_1481] : memref<320x128xf32, #tpu.memory_space<vmem>> -> memref<16x128xf32, #tpu.memory_space<vmem>>
      %dma_start3A_1483 = arith.constant 0 : i32
      %dma_start3A_1484 = tpu.memref_slice %arg2[%multiple_of3A_1474, %dma_start3A_1483] : memref<163840x128xf32, #tpu.memory_space<hbm>> -> memref<16x128xf32, #tpu.memory_space<hbm>>
      tpu.enqueue_dma source(%dma_start3A_1484 : memref<16x128xf32, #tpu.memory_space<hbm>>) target(%dma_start3A_1482 : memref<16x128xf32, #tpu.memory_space<vmem>>) target_semaphore(%arg13 : memref<!tpu.dma_semaphore, #tpu.memory_space<semaphore_mem>>)
      %add3A_1485 = arith.constant 19922944 : i32
      %add3A_1486 = arith.addi %add3A_1485, %add3A_781 : i32
      %jit3A_1487 = arith.constant 128 : i32
      %div3A_1488 = arith.divsi %add3A_1486, %jit3A_1487 : i32
      %sign3A_1489 = arith.constant 0 : i32
      %sign3A_1490 = arith.cmpi sgt, %add3A_1486, %sign3A_1489 : i32
      %sign3A_1491 = arith.extui %sign3A_1490 : i1 to i32
      %sign3A_1492 = arith.constant 0 : i32
      %sign3A_1493 = arith.cmpi slt, %add3A_1486, %sign3A_1492 : i32
      %sign3A_1494 = arith.extui %sign3A_1493 : i1 to i32
      %sign3A_1495 = arith.subi %sign3A_1491, %sign3A_1494 : i32
      %sign3A_1496 = arith.constant 0 : i32
      %sign3A_1497 = arith.cmpi sgt, %jit3A_1487, %sign3A_1496 : i32
      %sign3A_1498 = arith.extui %sign3A_1497 : i1 to i32
      %sign3A_1499 = arith.constant 0 : i32
      %sign3A_1500 = arith.cmpi slt, %jit3A_1487, %sign3A_1499 : i32
      %sign3A_1501 = arith.extui %sign3A_1500 : i1 to i32
      %sign3A_1502 = arith.subi %sign3A_1498, %sign3A_1501 : i32
      %ne3A_1503 = arith.cmpi ne, %sign3A_1495, %sign3A_1502 : i32
      %rem3A_1504 = arith.remsi %add3A_1486, %jit3A_1487 : i32
      %ne3A_1505 = arith.constant 0 : i32
      %ne3A_1506 = arith.cmpi ne, %rem3A_1504, %ne3A_1505 : i32
      %and3A_1507 = arith.andi %ne3A_1503, %ne3A_1506 : i1
      %sub3A_1508 = arith.constant 1 : i32
      %sub3A_1509 = arith.subi %div3A_1488, %sub3A_1508 : i32
      %select_n3A_1510 = arith.select %and3A_1507, %sub3A_1509, %div3A_1488 : i32
      %multiple_of3A_1511 = tpu.assume_multiple %select_n3A_1510, 16 : i32
      %dma_start3A_1512 = arith.constant 304 : i32
      %dma_start3A_1513 = arith.constant 0 : i32
      %dma_start3A_1514 = tpu.memref_slice %arg7[%dma_start3A_1512, %dma_start3A_1513] : memref<320x128xf32, #tpu.memory_space<vmem>> -> memref<16x128xf32, #tpu.memory_space<vmem>>
      %dma_start3A_1515 = arith.constant 0 : i32
      %dma_start3A_1516 = tpu.memref_slice %arg2[%multiple_of3A_1511, %dma_start3A_1515] : memref<163840x128xf32, #tpu.memory_space<hbm>> -> memref<16x128xf32, #tpu.memory_space<hbm>>
      %dma_start3A_1517 = arith.constant 304 : i32
      %dma_start3A_1518 = arith.constant 0 : i32
      %dma_start3A_1519 = tpu.memref_slice %arg7[%dma_start3A_1517, %dma_start3A_1518] : memref<320x128xf32, #tpu.memory_space<vmem>> -> memref<16x128xf32, #tpu.memory_space<vmem>>
      %dma_start3A_1520 = arith.constant 0 : i32
      %dma_start3A_1521 = tpu.memref_slice %arg2[%multiple_of3A_1511, %dma_start3A_1520] : memref<163840x128xf32, #tpu.memory_space<hbm>> -> memref<16x128xf32, #tpu.memory_space<hbm>>
      tpu.enqueue_dma source(%dma_start3A_1521 : memref<16x128xf32, #tpu.memory_space<hbm>>) target(%dma_start3A_1519 : memref<16x128xf32, #tpu.memory_space<vmem>>) target_semaphore(%arg13 : memref<!tpu.dma_semaphore, #tpu.memory_space<semaphore_mem>>)
      %jit3A_1522 = arith.constant 128 : i32
      %div3A_1523 = arith.divsi %add3A_781, %jit3A_1522 : i32
      %sign3A_1524 = arith.constant 0 : i32
      %sign3A_1525 = arith.cmpi sgt, %add3A_781, %sign3A_1524 : i32
      %sign3A_1526 = arith.extui %sign3A_1525 : i1 to i32
      %sign3A_1527 = arith.constant 0 : i32
      %sign3A_1528 = arith.cmpi slt, %add3A_781, %sign3A_1527 : i32
      %sign3A_1529 = arith.extui %sign3A_1528 : i1 to i32
      %sign3A_1530 = arith.subi %sign3A_1526, %sign3A_1529 : i32
      %sign3A_1531 = arith.constant 0 : i32
      %sign3A_1532 = arith.cmpi sgt, %jit3A_1522, %sign3A_1531 : i32
      %sign3A_1533 = arith.extui %sign3A_1532 : i1 to i32
      %sign3A_1534 = arith.constant 0 : i32
      %sign3A_1535 = arith.cmpi slt, %jit3A_1522, %sign3A_1534 : i32
      %sign3A_1536 = arith.extui %sign3A_1535 : i1 to i32
      %sign3A_1537 = arith.subi %sign3A_1533, %sign3A_1536 : i32
      %ne3A_1538 = arith.cmpi ne, %sign3A_1530, %sign3A_1537 : i32
      %rem3A_1539 = arith.remsi %add3A_781, %jit3A_1522 : i32
      %ne3A_1540 = arith.constant 0 : i32
      %ne3A_1541 = arith.cmpi ne, %rem3A_1539, %ne3A_1540 : i32
      %and3A_1542 = arith.andi %ne3A_1538, %ne3A_1541 : i1
      %sub3A_1543 = arith.constant 1 : i32
      %sub3A_1544 = arith.subi %div3A_1523, %sub3A_1543 : i32
      %select_n3A_1545 = arith.select %and3A_1542, %sub3A_1544, %div3A_1523 : i32
      %multiple_of3A_1546 = tpu.assume_multiple %select_n3A_1545, 16 : i32
      %dma_start3A_1547 = arith.constant 0 : i32
      %dma_start3A_1548 = tpu.memref_slice %arg3[%multiple_of3A_1546, %dma_start3A_1547] : memref<8192x128xf32, #tpu.memory_space<hbm>> -> memref<16x128xf32, #tpu.memory_space<hbm>>
      %dma_start3A_1549 = arith.constant 0 : i32
      %dma_start3A_1550 = tpu.memref_slice %arg3[%multiple_of3A_1546, %dma_start3A_1549] : memref<8192x128xf32, #tpu.memory_space<hbm>> -> memref<16x128xf32, #tpu.memory_space<hbm>>
      tpu.enqueue_dma source(%dma_start3A_1550 : memref<16x128xf32, #tpu.memory_space<hbm>>) target(%arg9 : memref<16x128xf32, #tpu.memory_space<vmem>>) target_semaphore(%arg15 : memref<!tpu.dma_semaphore, #tpu.memory_space<semaphore_mem>>)
      %dma_wait3A = arith.constant 0 : i32
      %dma_wait3A_1551 = arith.constant 0 : i32
      %dma_wait3A_1552 = tpu.memref_slice %arg2[%dma_wait3A, %dma_wait3A_1551] : memref<163840x128xf32, #tpu.memory_space<hbm>> -> memref<320x128xf32, #tpu.memory_space<hbm>>
      %dma_wait3A_1553 = arith.constant 0 : i32
      %dma_wait3A_1554 = arith.constant 0 : i32
      %dma_wait3A_1555 = tpu.memref_slice %arg2[%dma_wait3A_1553, %dma_wait3A_1554] : memref<163840x128xf32, #tpu.memory_space<hbm>> -> memref<320x128xf32, #tpu.memory_space<hbm>>
      tpu.wait_dma2 semaphore(%arg12 : memref<!tpu.dma_semaphore, #tpu.memory_space<semaphore_mem>>) src(%dma_wait3A_1555 : memref<320x128xf32, #tpu.memory_space<hbm>>) dst(%arg6 : memref<320x128xf32, #tpu.memory_space<vmem>>)
      %dma_wait3A_1556 = arith.constant 0 : i32
      %dma_wait3A_1557 = arith.constant 0 : i32
      %dma_wait3A_1558 = tpu.memref_slice %arg3[%dma_wait3A_1556, %dma_wait3A_1557] : memref<8192x128xf32, #tpu.memory_space<hbm>> -> memref<16x128xf32, #tpu.memory_space<hbm>>
      %dma_wait3A_1559 = arith.constant 0 : i32
      %dma_wait3A_1560 = arith.constant 0 : i32
      %dma_wait3A_1561 = tpu.memref_slice %arg3[%dma_wait3A_1559, %dma_wait3A_1560] : memref<8192x128xf32, #tpu.memory_space<hbm>> -> memref<16x128xf32, #tpu.memory_space<hbm>>
      tpu.wait_dma2 semaphore(%arg14 : memref<!tpu.dma_semaphore, #tpu.memory_space<semaphore_mem>>) src(%dma_wait3A_1561 : memref<16x128xf32, #tpu.memory_space<hbm>>) dst(%arg8 : memref<16x128xf32, #tpu.memory_space<vmem>>)
      %scan3A_1562 = arith.constant 0 : i32
      %scan3A_1563 = arith.constant 128 : i32
      %scan3A_1564 = arith.addi %scan3A_1562, %scan3A_1563 : i32
      %scan3A_1565 = arith.constant 1 : i32
      scf.for %scan3A_1588 = %scan3A_1562 to %scan3A_1564 step %scan3A_1565  : i32 {
        %mul3A_1589 = arith.constant 1 : i32
        %mul3A_1590 = arith.muli %scan3A_1588, %mul3A_1589 : i32
        %add3A_1591 = arith.constant 0 : i32
        %add3A_1592 = arith.addi %add3A_1591, %mul3A_1590 : i32
        %jit3A_1593 = arith.constant 8 : i32
        %div3A_1594 = arith.divsi %add3A_1592, %jit3A_1593 : i32
        %sign3A_1595 = arith.constant 0 : i32
        %sign3A_1596 = arith.cmpi sgt, %add3A_1592, %sign3A_1595 : i32
        %sign3A_1597 = arith.extui %sign3A_1596 : i1 to i32
        %sign3A_1598 = arith.constant 0 : i32
        %sign3A_1599 = arith.cmpi slt, %add3A_1592, %sign3A_1598 : i32
        %sign3A_1600 = arith.extui %sign3A_1599 : i1 to i32
        %sign3A_1601 = arith.subi %sign3A_1597, %sign3A_1600 : i32
        %sign3A_1602 = arith.constant 0 : i32
        %sign3A_1603 = arith.cmpi sgt, %jit3A_1593, %sign3A_1602 : i32
        %sign3A_1604 = arith.extui %sign3A_1603 : i1 to i32
        %sign3A_1605 = arith.constant 0 : i32
        %sign3A_1606 = arith.cmpi slt, %jit3A_1593, %sign3A_1605 : i32
        %sign3A_1607 = arith.extui %sign3A_1606 : i1 to i32
        %sign3A_1608 = arith.subi %sign3A_1604, %sign3A_1607 : i32
        %ne3A_1609 = arith.cmpi ne, %sign3A_1601, %sign3A_1608 : i32
        %rem3A_1610 = arith.remsi %add3A_1592, %jit3A_1593 : i32
        %ne3A_1611 = arith.constant 0 : i32
        %ne3A_1612 = arith.cmpi ne, %rem3A_1610, %ne3A_1611 : i32
        %and3A_1613 = arith.andi %ne3A_1609, %ne3A_1612 : i1
        %sub3A_1614 = arith.constant 1 : i32
        %sub3A_1615 = arith.subi %div3A_1594, %sub3A_1614 : i32
        %select_n3A_1616 = arith.select %and3A_1613, %sub3A_1615, %div3A_1594 : i32
        %jit3A_1617 = arith.constant 8 : i32
        %eq3A = arith.constant 0 : i32
        %eq3A_1618 = arith.cmpi eq, %jit3A_1617, %eq3A : i32
        %jit3A_1619 = arith.constant 1 : i32
        %select_n3A_1620 = arith.select %eq3A_1618, %jit3A_1619, %jit3A_1617 : i32
        %rem3A_1621 = arith.remsi %add3A_1592, %select_n3A_1620 : i32
        %ne3A_1622 = arith.constant 0 : i32
        %ne3A_1623 = arith.cmpi ne, %rem3A_1621, %ne3A_1622 : i32
        %lt3A_1624 = arith.constant 0 : i32
        %lt3A_1625 = arith.cmpi slt, %rem3A_1621, %lt3A_1624 : i32
        %lt3A_1626 = arith.constant 0 : i32
        %lt3A_1627 = arith.cmpi slt, %select_n3A_1620, %lt3A_1626 : i32
        %ne3A_1628 = arith.xori %lt3A_1625, %lt3A_1627 : i1
        %and3A_1629 = arith.andi %ne3A_1628, %ne3A_1623 : i1
        %add3A_1630 = arith.addi %rem3A_1621, %select_n3A_1620 : i32
        %select_n3A_1631 = arith.select %and3A_1629, %add3A_1630, %rem3A_1621 : i32
        %mul3A_1632 = arith.constant 16 : i32
        %mul3A_1633 = arith.muli %select_n3A_1631, %mul3A_1632 : i32
        %get3A = arith.index_cast %select_n3A_1616 : i32 to index
        %get3A_1634 = arith.index_cast %mul3A_1633 : i32 to index
        %get3A_1635 = tpu.vector_load %arg8[%get3A, %get3A_1634] {strides = array<i32>} : memref<16x128xf32, #tpu.memory_space<vmem>>, vector<16xf32>,
        %mul3A_1636 = arith.constant 1.000000e+02 : f32
        %mul3A_1637 = vector.broadcast %mul3A_1636 : f32 to vector<16xf32>
        %mul3A_1638 = arith.mulf %get3A_1635, %mul3A_1637 : vector<16xf32>
        %sub3A_1639 = arith.constant 1.000000e+02 : f32
        %sub3A_1640 = vector.broadcast %sub3A_1639 : f32 to vector<16xf32>
        %sub3A_1641 = arith.subf %mul3A_1638, %sub3A_1640 : vector<16xf32>
        %convert_element_type3A_1642 = arith.fptosi %sub3A_1641 : vector<16xf32> to vector<16xi32>
        %max3A = arith.constant 0 : i32
        %max3A_1643 = vector.broadcast %max3A : i32 to vector<16xi32>
        %max3A_1644 = arith.maxsi %convert_element_type3A_1642, %max3A_1643 : vector<16xi32>
        %min3A = arith.constant 399 : i32
        %min3A_1645 = vector.broadcast %min3A : i32 to vector<16xi32>
        %min3A_1646 = arith.minsi %max3A_1644, %min3A_1645 : vector<16xi32>
        %mul3A_1647 = arith.constant 3277 : i32
        %mul3A_1648 = vector.broadcast %mul3A_1647 : i32 to vector<16xi32>
        %mul3A_1649 = arith.muli %min3A_1646, %mul3A_1648 : vector<16xi32>
        %shift_right_arithmetic3A = arith.constant 16 : i32
        %shift_right_arithmetic3A_1650 = vector.broadcast %shift_right_arithmetic3A : i32 to vector<16xi32>
        %shift_right_arithmetic3A_1651 = arith.shrsi %mul3A_1649, %shift_right_arithmetic3A_1650 : vector<16xi32>
        %mul3A_1652 = arith.constant 336 : i32
        %mul3A_1653 = vector.broadcast %mul3A_1652 : i32 to vector<16xi32>
        %mul3A_1654 = arith.muli %shift_right_arithmetic3A_1651, %mul3A_1653 : vector<16xi32>
        %add3A_1655 = arith.addi %mul3A_1654, %iota3A : vector<16xi32>
        %broadcast_in_dim3A_1656 = arith.constant 0.000000e+00 : f32
        %broadcast_in_dim3A_1657 = vector.broadcast %broadcast_in_dim3A_1656 : f32 to vector<16xf32>
        %broadcast_in_dim3A_1658 = arith.constant 0.000000e+00 : f32
        %broadcast_in_dim3A_1659 = vector.broadcast %broadcast_in_dim3A_1658 : f32 to vector<16xf32>
        %add3A_1660 = arith.constant 0 : i32
        %add3A_1661 = arith.addi %add3A_1660, %select_n3A_1616 : i32
        %get3A_1662 = arith.index_cast %add3A_1661 : i32 to index
        %get3A_1663 = arith.index_cast %mul3A_1633 : i32 to index
        %get3A_1664 = tpu.vector_load %arg6[%get3A_1662, %get3A_1663] {strides = array<i32>} : memref<320x128xf32, #tpu.memory_space<vmem>>, vector<16xf32>,
        %add3A_1665 = arith.constant 0 : i32
        %add3A_1666 = vector.broadcast %add3A_1665 : i32 to vector<16xi32>
        %add3A_1667 = arith.addi %add3A_1655, %add3A_1666 : vector<16xi32>
        %gather3A = tpu.vector_load_idx %arg10[%add3A_1667] : memref<8192xf32, #tpu.memory_space<vmem>>[vector<16xi32>], vector<16xf32>,
        %sub3A_1668 = arith.subf %get3A_1664, %gather3A : vector<16xf32>
        %add3A_1669 = arith.addf %broadcast_in_dim3A_1657, %sub3A_1668 : vector<16xf32>
        %mul3A_1670 = arith.mulf %add3A_1669, %add3A_1669 : vector<16xf32>
        %add3A_1671 = arith.addf %broadcast_in_dim3A_1659, %mul3A_1670 : vector<16xf32>
        %add3A_1672 = arith.constant 16 : i32
        %add3A_1673 = arith.addi %add3A_1672, %select_n3A_1616 : i32
        %get3A_1674 = arith.index_cast %add3A_1673 : i32 to index
        %get3A_1675 = arith.index_cast %mul3A_1633 : i32 to index
        %get3A_1676 = tpu.vector_load %arg6[%get3A_1674, %get3A_1675] {strides = array<i32>} : memref<320x128xf32, #tpu.memory_space<vmem>>, vector<16xf32>,
        %add3A_1677 = arith.constant 16 : i32
        %add3A_1678 = vector.broadcast %add3A_1677 : i32 to vector<16xi32>
        %add3A_1679 = arith.addi %add3A_1655, %add3A_1678 : vector<16xi32>
        %gather3A_1680 = tpu.vector_load_idx %arg10[%add3A_1679] : memref<8192xf32, #tpu.memory_space<vmem>>[vector<16xi32>], vector<16xf32>,
        %sub3A_1681 = arith.subf %get3A_1676, %gather3A_1680 : vector<16xf32>
        %add3A_1682 = arith.addf %add3A_1669, %sub3A_1681 : vector<16xf32>
        %mul3A_1683 = arith.mulf %add3A_1682, %add3A_1682 : vector<16xf32>
        %add3A_1684 = arith.addf %add3A_1671, %mul3A_1683 : vector<16xf32>
        %add3A_1685 = arith.constant 32 : i32
        %add3A_1686 = arith.addi %add3A_1685, %select_n3A_1616 : i32
        %get3A_1687 = arith.index_cast %add3A_1686 : i32 to index
        %get3A_1688 = arith.index_cast %mul3A_1633 : i32 to index
        %get3A_1689 = tpu.vector_load %arg6[%get3A_1687, %get3A_1688] {strides = array<i32>} : memref<320x128xf32, #tpu.memory_space<vmem>>, vector<16xf32>,
        %add3A_1690 = arith.constant 32 : i32
        %add3A_1691 = vector.broadcast %add3A_1690 : i32 to vector<16xi32>
        %add3A_1692 = arith.addi %add3A_1655, %add3A_1691 : vector<16xi32>
        %gather3A_1693 = tpu.vector_load_idx %arg10[%add3A_1692] : memref<8192xf32, #tpu.memory_space<vmem>>[vector<16xi32>], vector<16xf32>,
        %sub3A_1694 = arith.subf %get3A_1689, %gather3A_1693 : vector<16xf32>
        %add3A_1695 = arith.addf %add3A_1682, %sub3A_1694 : vector<16xf32>
        %mul3A_1696 = arith.mulf %add3A_1695, %add3A_1695 : vector<16xf32>
        %add3A_1697 = arith.addf %add3A_1684, %mul3A_1696 : vector<16xf32>
        %add3A_1698 = arith.constant 48 : i32
        %add3A_1699 = arith.addi %add3A_1698, %select_n3A_1616 : i32
        %get3A_1700 = arith.index_cast %add3A_1699 : i32 to index
        %get3A_1701 = arith.index_cast %mul3A_1633 : i32 to index
        %get3A_1702 = tpu.vector_load %arg6[%get3A_1700, %get3A_1701] {strides = array<i32>} : memref<320x128xf32, #tpu.memory_space<vmem>>, vector<16xf32>,
        %add3A_1703 = arith.constant 48 : i32
        %add3A_1704 = vector.broadcast %add3A_1703 : i32 to vector<16xi32>
        %add3A_1705 = arith.addi %add3A_1655, %add3A_1704 : vector<16xi32>
        %gather3A_1706 = tpu.vector_load_idx %arg10[%add3A_1705] : memref<8192xf32, #tpu.memory_space<vmem>>[vector<16xi32>], vector<16xf32>,
        %sub3A_1707 = arith.subf %get3A_1702, %gather3A_1706 : vector<16xf32>
        %add3A_1708 = arith.addf %add3A_1695, %sub3A_1707 : vector<16xf32>
        %mul3A_1709 = arith.mulf %add3A_1708, %add3A_1708 : vector<16xf32>
        %add3A_1710 = arith.addf %add3A_1697, %mul3A_1709 : vector<16xf32>
        %add3A_1711 = arith.constant 64 : i32
        %add3A_1712 = arith.addi %add3A_1711, %select_n3A_1616 : i32
        %get3A_1713 = arith.index_cast %add3A_1712 : i32 to index
        %get3A_1714 = arith.index_cast %mul3A_1633 : i32 to index
        %get3A_1715 = tpu.vector_load %arg6[%get3A_1713, %get3A_1714] {strides = array<i32>} : memref<320x128xf32, #tpu.memory_space<vmem>>, vector<16xf32>,
        %add3A_1716 = arith.constant 64 : i32
        %add3A_1717 = vector.broadcast %add3A_1716 : i32 to vector<16xi32>
        %add3A_1718 = arith.addi %add3A_1655, %add3A_1717 : vector<16xi32>
        %gather3A_1719 = tpu.vector_load_idx %arg10[%add3A_1718] : memref<8192xf32, #tpu.memory_space<vmem>>[vector<16xi32>], vector<16xf32>,
        %sub3A_1720 = arith.subf %get3A_1715, %gather3A_1719 : vector<16xf32>
        %add3A_1721 = arith.addf %add3A_1708, %sub3A_1720 : vector<16xf32>
        %mul3A_1722 = arith.mulf %add3A_1721, %add3A_1721 : vector<16xf32>
        %add3A_1723 = arith.addf %add3A_1710, %mul3A_1722 : vector<16xf32>
        %add3A_1724 = arith.constant 80 : i32
        %add3A_1725 = arith.addi %add3A_1724, %select_n3A_1616 : i32
        %get3A_1726 = arith.index_cast %add3A_1725 : i32 to index
        %get3A_1727 = arith.index_cast %mul3A_1633 : i32 to index
        %get3A_1728 = tpu.vector_load %arg6[%get3A_1726, %get3A_1727] {strides = array<i32>} : memref<320x128xf32, #tpu.memory_space<vmem>>, vector<16xf32>,
        %add3A_1729 = arith.constant 80 : i32
        %add3A_1730 = vector.broadcast %add3A_1729 : i32 to vector<16xi32>
        %add3A_1731 = arith.addi %add3A_1655, %add3A_1730 : vector<16xi32>
        %gather3A_1732 = tpu.vector_load_idx %arg10[%add3A_1731] : memref<8192xf32, #tpu.memory_space<vmem>>[vector<16xi32>], vector<16xf32>,
        %sub3A_1733 = arith.subf %get3A_1728, %gather3A_1732 : vector<16xf32>
        %add3A_1734 = arith.addf %add3A_1721, %sub3A_1733 : vector<16xf32>
        %mul3A_1735 = arith.mulf %add3A_1734, %add3A_1734 : vector<16xf32>
        %add3A_1736 = arith.addf %add3A_1723, %mul3A_1735 : vector<16xf32>
        %add3A_1737 = arith.constant 96 : i32
        %add3A_1738 = arith.addi %add3A_1737, %select_n3A_1616 : i32
        %get3A_1739 = arith.index_cast %add3A_1738 : i32 to index
        %get3A_1740 = arith.index_cast %mul3A_1633 : i32 to index
        %get3A_1741 = tpu.vector_load %arg6[%get3A_1739, %get3A_1740] {strides = array<i32>} : memref<320x128xf32, #tpu.memory_space<vmem>>, vector<16xf32>,
        %add3A_1742 = arith.constant 96 : i32
        %add3A_1743 = vector.broadcast %add3A_1742 : i32 to vector<16xi32>
        %add3A_1744 = arith.addi %add3A_1655, %add3A_1743 : vector<16xi32>
        %gather3A_1745 = tpu.vector_load_idx %arg10[%add3A_1744] : memref<8192xf32, #tpu.memory_space<vmem>>[vector<16xi32>], vector<16xf32>,
        %sub3A_1746 = arith.subf %get3A_1741, %gather3A_1745 : vector<16xf32>
        %add3A_1747 = arith.addf %add3A_1734, %sub3A_1746 : vector<16xf32>
        %mul3A_1748 = arith.mulf %add3A_1747, %add3A_1747 : vector<16xf32>
        %add3A_1749 = arith.addf %add3A_1736, %mul3A_1748 : vector<16xf32>
        %add3A_1750 = arith.constant 112 : i32
        %add3A_1751 = arith.addi %add3A_1750, %select_n3A_1616 : i32
        %get3A_1752 = arith.index_cast %add3A_1751 : i32 to index
        %get3A_1753 = arith.index_cast %mul3A_1633 : i32 to index
        %get3A_1754 = tpu.vector_load %arg6[%get3A_1752, %get3A_1753] {strides = array<i32>} : memref<320x128xf32, #tpu.memory_space<vmem>>, vector<16xf32>,
        %add3A_1755 = arith.constant 112 : i32
        %add3A_1756 = vector.broadcast %add3A_1755 : i32 to vector<16xi32>
        %add3A_1757 = arith.addi %add3A_1655, %add3A_1756 : vector<16xi32>
        %gather3A_1758 = tpu.vector_load_idx %arg10[%add3A_1757] : memref<8192xf32, #tpu.memory_space<vmem>>[vector<16xi32>], vector<16xf32>,
        %sub3A_1759 = arith.subf %get3A_1754, %gather3A_1758 : vector<16xf32>
        %add3A_1760 = arith.addf %add3A_1747, %sub3A_1759 : vector<16xf32>
        %mul3A_1761 = arith.mulf %add3A_1760, %add3A_1760 : vector<16xf32>
        %add3A_1762 = arith.addf %add3A_1749, %mul3A_1761 : vector<16xf32>
        %add3A_1763 = arith.constant 128 : i32
        %add3A_1764 = arith.addi %add3A_1763, %select_n3A_1616 : i32
        %get3A_1765 = arith.index_cast %add3A_1764 : i32 to index
        %get3A_1766 = arith.index_cast %mul3A_1633 : i32 to index
        %get3A_1767 = tpu.vector_load %arg6[%get3A_1765, %get3A_1766] {strides = array<i32>} : memref<320x128xf32, #tpu.memory_space<vmem>>, vector<16xf32>,
        %add3A_1768 = arith.constant 128 : i32
        %add3A_1769 = vector.broadcast %add3A_1768 : i32 to vector<16xi32>
        %add3A_1770 = arith.addi %add3A_1655, %add3A_1769 : vector<16xi32>
        %gather3A_1771 = tpu.vector_load_idx %arg10[%add3A_1770] : memref<8192xf32, #tpu.memory_space<vmem>>[vector<16xi32>], vector<16xf32>,
        %sub3A_1772 = arith.subf %get3A_1767, %gather3A_1771 : vector<16xf32>
        %add3A_1773 = arith.addf %add3A_1760, %sub3A_1772 : vector<16xf32>
        %mul3A_1774 = arith.mulf %add3A_1773, %add3A_1773 : vector<16xf32>
        %add3A_1775 = arith.addf %add3A_1762, %mul3A_1774 : vector<16xf32>
        %add3A_1776 = arith.constant 144 : i32
        %add3A_1777 = arith.addi %add3A_1776, %select_n3A_1616 : i32
        %get3A_1778 = arith.index_cast %add3A_1777 : i32 to index
        %get3A_1779 = arith.index_cast %mul3A_1633 : i32 to index
        %get3A_1780 = tpu.vector_load %arg6[%get3A_1778, %get3A_1779] {strides = array<i32>} : memref<320x128xf32, #tpu.memory_space<vmem>>, vector<16xf32>,
        %add3A_1781 = arith.constant 144 : i32
        %add3A_1782 = vector.broadcast %add3A_1781 : i32 to vector<16xi32>
        %add3A_1783 = arith.addi %add3A_1655, %add3A_1782 : vector<16xi32>
        %gather3A_1784 = tpu.vector_load_idx %arg10[%add3A_1783] : memref<8192xf32, #tpu.memory_space<vmem>>[vector<16xi32>], vector<16xf32>,
        %sub3A_1785 = arith.subf %get3A_1780, %gather3A_1784 : vector<16xf32>
        %add3A_1786 = arith.addf %add3A_1773, %sub3A_1785 : vector<16xf32>
        %mul3A_1787 = arith.mulf %add3A_1786, %add3A_1786 : vector<16xf32>
        %add3A_1788 = arith.addf %add3A_1775, %mul3A_1787 : vector<16xf32>
        %add3A_1789 = arith.constant 160 : i32
        %add3A_1790 = arith.addi %add3A_1789, %select_n3A_1616 : i32
        %get3A_1791 = arith.index_cast %add3A_1790 : i32 to index
        %get3A_1792 = arith.index_cast %mul3A_1633 : i32 to index
        %get3A_1793 = tpu.vector_load %arg6[%get3A_1791, %get3A_1792] {strides = array<i32>} : memref<320x128xf32, #tpu.memory_space<vmem>>, vector<16xf32>,
        %add3A_1794 = arith.constant 160 : i32
        %add3A_1795 = vector.broadcast %add3A_1794 : i32 to vector<16xi32>
        %add3A_1796 = arith.addi %add3A_1655, %add3A_1795 : vector<16xi32>
        %gather3A_1797 = tpu.vector_load_idx %arg10[%add3A_1796] : memref<8192xf32, #tpu.memory_space<vmem>>[vector<16xi32>], vector<16xf32>,
        %sub3A_1798 = arith.subf %get3A_1793, %gather3A_1797 : vector<16xf32>
        %add3A_1799 = arith.addf %add3A_1786, %sub3A_1798 : vector<16xf32>
        %mul3A_1800 = arith.mulf %add3A_1799, %add3A_1799 : vector<16xf32>
        %add3A_1801 = arith.addf %add3A_1788, %mul3A_1800 : vector<16xf32>
        %add3A_1802 = arith.constant 176 : i32
        %add3A_1803 = arith.addi %add3A_1802, %select_n3A_1616 : i32
        %get3A_1804 = arith.index_cast %add3A_1803 : i32 to index
        %get3A_1805 = arith.index_cast %mul3A_1633 : i32 to index
        %get3A_1806 = tpu.vector_load %arg6[%get3A_1804, %get3A_1805] {strides = array<i32>} : memref<320x128xf32, #tpu.memory_space<vmem>>, vector<16xf32>,
        %add3A_1807 = arith.constant 176 : i32
        %add3A_1808 = vector.broadcast %add3A_1807 : i32 to vector<16xi32>
        %add3A_1809 = arith.addi %add3A_1655, %add3A_1808 : vector<16xi32>
        %gather3A_1810 = tpu.vector_load_idx %arg10[%add3A_1809] : memref<8192xf32, #tpu.memory_space<vmem>>[vector<16xi32>], vector<16xf32>,
        %sub3A_1811 = arith.subf %get3A_1806, %gather3A_1810 : vector<16xf32>
        %add3A_1812 = arith.addf %add3A_1799, %sub3A_1811 : vector<16xf32>
        %mul3A_1813 = arith.mulf %add3A_1812, %add3A_1812 : vector<16xf32>
        %add3A_1814 = arith.addf %add3A_1801, %mul3A_1813 : vector<16xf32>
        %add3A_1815 = arith.constant 192 : i32
        %add3A_1816 = arith.addi %add3A_1815, %select_n3A_1616 : i32
        %get3A_1817 = arith.index_cast %add3A_1816 : i32 to index
        %get3A_1818 = arith.index_cast %mul3A_1633 : i32 to index
        %get3A_1819 = tpu.vector_load %arg6[%get3A_1817, %get3A_1818] {strides = array<i32>} : memref<320x128xf32, #tpu.memory_space<vmem>>, vector<16xf32>,
        %add3A_1820 = arith.constant 192 : i32
        %add3A_1821 = vector.broadcast %add3A_1820 : i32 to vector<16xi32>
        %add3A_1822 = arith.addi %add3A_1655, %add3A_1821 : vector<16xi32>
        %gather3A_1823 = tpu.vector_load_idx %arg10[%add3A_1822] : memref<8192xf32, #tpu.memory_space<vmem>>[vector<16xi32>], vector<16xf32>,
        %sub3A_1824 = arith.subf %get3A_1819, %gather3A_1823 : vector<16xf32>
        %add3A_1825 = arith.addf %add3A_1812, %sub3A_1824 : vector<16xf32>
        %mul3A_1826 = arith.mulf %add3A_1825, %add3A_1825 : vector<16xf32>
        %add3A_1827 = arith.addf %add3A_1814, %mul3A_1826 : vector<16xf32>
        %add3A_1828 = arith.constant 208 : i32
        %add3A_1829 = arith.addi %add3A_1828, %select_n3A_1616 : i32
        %get3A_1830 = arith.index_cast %add3A_1829 : i32 to index
        %get3A_1831 = arith.index_cast %mul3A_1633 : i32 to index
        %get3A_1832 = tpu.vector_load %arg6[%get3A_1830, %get3A_1831] {strides = array<i32>} : memref<320x128xf32, #tpu.memory_space<vmem>>, vector<16xf32>,
        %add3A_1833 = arith.constant 208 : i32
        %add3A_1834 = vector.broadcast %add3A_1833 : i32 to vector<16xi32>
        %add3A_1835 = arith.addi %add3A_1655, %add3A_1834 : vector<16xi32>
        %gather3A_1836 = tpu.vector_load_idx %arg10[%add3A_1835] : memref<8192xf32, #tpu.memory_space<vmem>>[vector<16xi32>], vector<16xf32>,
        %sub3A_1837 = arith.subf %get3A_1832, %gather3A_1836 : vector<16xf32>
        %add3A_1838 = arith.addf %add3A_1825, %sub3A_1837 : vector<16xf32>
        %mul3A_1839 = arith.mulf %add3A_1838, %add3A_1838 : vector<16xf32>
        %add3A_1840 = arith.addf %add3A_1827, %mul3A_1839 : vector<16xf32>
        %add3A_1841 = arith.constant 224 : i32
        %add3A_1842 = arith.addi %add3A_1841, %select_n3A_1616 : i32
        %get3A_1843 = arith.index_cast %add3A_1842 : i32 to index
        %get3A_1844 = arith.index_cast %mul3A_1633 : i32 to index
        %get3A_1845 = tpu.vector_load %arg6[%get3A_1843, %get3A_1844] {strides = array<i32>} : memref<320x128xf32, #tpu.memory_space<vmem>>, vector<16xf32>,
        %add3A_1846 = arith.constant 224 : i32
        %add3A_1847 = vector.broadcast %add3A_1846 : i32 to vector<16xi32>
        %add3A_1848 = arith.addi %add3A_1655, %add3A_1847 : vector<16xi32>
        %gather3A_1849 = tpu.vector_load_idx %arg10[%add3A_1848] : memref<8192xf32, #tpu.memory_space<vmem>>[vector<16xi32>], vector<16xf32>,
        %sub3A_1850 = arith.subf %get3A_1845, %gather3A_1849 : vector<16xf32>
        %add3A_1851 = arith.addf %add3A_1838, %sub3A_1850 : vector<16xf32>
        %mul3A_1852 = arith.mulf %add3A_1851, %add3A_1851 : vector<16xf32>
        %add3A_1853 = arith.addf %add3A_1840, %mul3A_1852 : vector<16xf32>
        %add3A_1854 = arith.constant 240 : i32
        %add3A_1855 = arith.addi %add3A_1854, %select_n3A_1616 : i32
        %get3A_1856 = arith.index_cast %add3A_1855 : i32 to index
        %get3A_1857 = arith.index_cast %mul3A_1633 : i32 to index
        %get3A_1858 = tpu.vector_load %arg6[%get3A_1856, %get3A_1857] {strides = array<i32>} : memref<320x128xf32, #tpu.memory_space<vmem>>, vector<16xf32>,
        %add3A_1859 = arith.constant 240 : i32
        %add3A_1860 = vector.broadcast %add3A_1859 : i32 to vector<16xi32>
        %add3A_1861 = arith.addi %add3A_1655, %add3A_1860 : vector<16xi32>
        %gather3A_1862 = tpu.vector_load_idx %arg10[%add3A_1861] : memref<8192xf32, #tpu.memory_space<vmem>>[vector<16xi32>], vector<16xf32>,
        %sub3A_1863 = arith.subf %get3A_1858, %gather3A_1862 : vector<16xf32>
        %add3A_1864 = arith.addf %add3A_1851, %sub3A_1863 : vector<16xf32>
        %mul3A_1865 = arith.mulf %add3A_1864, %add3A_1864 : vector<16xf32>
        %add3A_1866 = arith.addf %add3A_1853, %mul3A_1865 : vector<16xf32>
        %add3A_1867 = arith.constant 256 : i32
        %add3A_1868 = arith.addi %add3A_1867, %select_n3A_1616 : i32
        %get3A_1869 = arith.index_cast %add3A_1868 : i32 to index
        %get3A_1870 = arith.index_cast %mul3A_1633 : i32 to index
        %get3A_1871 = tpu.vector_load %arg6[%get3A_1869, %get3A_1870] {strides = array<i32>} : memref<320x128xf32, #tpu.memory_space<vmem>>, vector<16xf32>,
        %add3A_1872 = arith.constant 256 : i32
        %add3A_1873 = vector.broadcast %add3A_1872 : i32 to vector<16xi32>
        %add3A_1874 = arith.addi %add3A_1655, %add3A_1873 : vector<16xi32>
        %gather3A_1875 = tpu.vector_load_idx %arg10[%add3A_1874] : memref<8192xf32, #tpu.memory_space<vmem>>[vector<16xi32>], vector<16xf32>,
        %sub3A_1876 = arith.subf %get3A_1871, %gather3A_1875 : vector<16xf32>
        %add3A_1877 = arith.addf %add3A_1864, %sub3A_1876 : vector<16xf32>
        %mul3A_1878 = arith.mulf %add3A_1877, %add3A_1877 : vector<16xf32>
        %add3A_1879 = arith.addf %add3A_1866, %mul3A_1878 : vector<16xf32>
        %add3A_1880 = arith.constant 272 : i32
        %add3A_1881 = arith.addi %add3A_1880, %select_n3A_1616 : i32
        %get3A_1882 = arith.index_cast %add3A_1881 : i32 to index
        %get3A_1883 = arith.index_cast %mul3A_1633 : i32 to index
        %get3A_1884 = tpu.vector_load %arg6[%get3A_1882, %get3A_1883] {strides = array<i32>} : memref<320x128xf32, #tpu.memory_space<vmem>>, vector<16xf32>,
        %add3A_1885 = arith.constant 272 : i32
        %add3A_1886 = vector.broadcast %add3A_1885 : i32 to vector<16xi32>
        %add3A_1887 = arith.addi %add3A_1655, %add3A_1886 : vector<16xi32>
        %gather3A_1888 = tpu.vector_load_idx %arg10[%add3A_1887] : memref<8192xf32, #tpu.memory_space<vmem>>[vector<16xi32>], vector<16xf32>,
        %sub3A_1889 = arith.subf %get3A_1884, %gather3A_1888 : vector<16xf32>
        %add3A_1890 = arith.addf %add3A_1877, %sub3A_1889 : vector<16xf32>
        %mul3A_1891 = arith.mulf %add3A_1890, %add3A_1890 : vector<16xf32>
        %add3A_1892 = arith.addf %add3A_1879, %mul3A_1891 : vector<16xf32>
        %add3A_1893 = arith.constant 288 : i32
        %add3A_1894 = arith.addi %add3A_1893, %select_n3A_1616 : i32
        %get3A_1895 = arith.index_cast %add3A_1894 : i32 to index
        %get3A_1896 = arith.index_cast %mul3A_1633 : i32 to index
        %get3A_1897 = tpu.vector_load %arg6[%get3A_1895, %get3A_1896] {strides = array<i32>} : memref<320x128xf32, #tpu.memory_space<vmem>>, vector<16xf32>,
        %add3A_1898 = arith.constant 288 : i32
        %add3A_1899 = vector.broadcast %add3A_1898 : i32 to vector<16xi32>
        %add3A_1900 = arith.addi %add3A_1655, %add3A_1899 : vector<16xi32>
        %gather3A_1901 = tpu.vector_load_idx %arg10[%add3A_1900] : memref<8192xf32, #tpu.memory_space<vmem>>[vector<16xi32>], vector<16xf32>,
        %sub3A_1902 = arith.subf %get3A_1897, %gather3A_1901 : vector<16xf32>
        %add3A_1903 = arith.addf %add3A_1890, %sub3A_1902 : vector<16xf32>
        %mul3A_1904 = arith.mulf %add3A_1903, %add3A_1903 : vector<16xf32>
        %add3A_1905 = arith.addf %add3A_1892, %mul3A_1904 : vector<16xf32>
        %add3A_1906 = arith.constant 304 : i32
        %add3A_1907 = arith.addi %add3A_1906, %select_n3A_1616 : i32
        %get3A_1908 = arith.index_cast %add3A_1907 : i32 to index
        %get3A_1909 = arith.index_cast %mul3A_1633 : i32 to index
        %get3A_1910 = tpu.vector_load %arg6[%get3A_1908, %get3A_1909] {strides = array<i32>} : memref<320x128xf32, #tpu.memory_space<vmem>>, vector<16xf32>,
        %add3A_1911 = arith.constant 304 : i32
        %add3A_1912 = vector.broadcast %add3A_1911 : i32 to vector<16xi32>
        %add3A_1913 = arith.addi %add3A_1655, %add3A_1912 : vector<16xi32>
        %gather3A_1914 = tpu.vector_load_idx %arg10[%add3A_1913] : memref<8192xf32, #tpu.memory_space<vmem>>[vector<16xi32>], vector<16xf32>,
        %sub3A_1915 = arith.subf %get3A_1910, %gather3A_1914 : vector<16xf32>
        %add3A_1916 = arith.addf %add3A_1903, %sub3A_1915 : vector<16xf32>
        %mul3A_1917 = arith.mulf %add3A_1916, %add3A_1916 : vector<16xf32>
        %add3A_1918 = arith.addf %add3A_1905, %mul3A_1917 : vector<16xf32>
        %mul3A_1919 = arith.constant 5.000000e-02 : f32
        %mul3A_1920 = vector.broadcast %mul3A_1919 : f32 to vector<16xf32>
        %mul3A_1921 = arith.mulf %add3A_1918, %mul3A_1920 : vector<16xf32>
        %add3A_1922 = arith.constant 9.99999997E-7 : f32
        %add3A_1923 = vector.broadcast %add3A_1922 : f32 to vector<16xf32>
        %add3A_1924 = arith.addf %mul3A_1921, %add3A_1923 : vector<16xf32>
        %bitcast3A = vector.bitcast %add3A_1924 : vector<16xf32> to vector<16xi32>
        %shift_right_arithmetic3A_1925 = arith.constant 1 : i32
        %shift_right_arithmetic3A_1926 = vector.broadcast %shift_right_arithmetic3A_1925 : i32 to vector<16xi32>
        %shift_right_arithmetic3A_1927 = arith.shrsi %bitcast3A, %shift_right_arithmetic3A_1926 : vector<16xi32>
        %sub3A_1928 = arith.constant 1597463007 : i32
        %sub3A_1929 = vector.broadcast %sub3A_1928 : i32 to vector<16xi32>
        %sub3A_1930 = arith.subi %sub3A_1929, %shift_right_arithmetic3A_1927 : vector<16xi32>
        %bitcast3A_1931 = vector.bitcast %sub3A_1930 : vector<16xi32> to vector<16xf32>
        %mul3A_1932 = arith.constant 5.000000e-01 : f32
        %mul3A_1933 = vector.broadcast %mul3A_1932 : f32 to vector<16xf32>
        %mul3A_1934 = arith.mulf %mul3A_1933, %add3A_1924 : vector<16xf32>
        %mul3A_1935 = arith.mulf %mul3A_1934, %bitcast3A_1931 : vector<16xf32>
        %mul3A_1936 = arith.mulf %mul3A_1935, %bitcast3A_1931 : vector<16xf32>
        %sub3A_1937 = arith.constant 1.500000e+00 : f32
        %sub3A_1938 = vector.broadcast %sub3A_1937 : f32 to vector<16xf32>
        %sub3A_1939 = arith.subf %sub3A_1938, %mul3A_1936 : vector<16xf32>
        %mul3A_1940 = arith.mulf %bitcast3A_1931, %sub3A_1939 : vector<16xf32>
        %mul3A_1941 = arith.constant 5.000000e-01 : f32
        %mul3A_1942 = vector.broadcast %mul3A_1941 : f32 to vector<16xf32>
        %mul3A_1943 = arith.mulf %mul3A_1942, %add3A_1924 : vector<16xf32>
        %mul3A_1944 = arith.mulf %mul3A_1943, %mul3A_1940 : vector<16xf32>
        %mul3A_1945 = arith.mulf %mul3A_1944, %mul3A_1940 : vector<16xf32>
        %sub3A_1946 = arith.constant 1.500000e+00 : f32
        %sub3A_1947 = vector.broadcast %sub3A_1946 : f32 to vector<16xf32>
        %sub3A_1948 = arith.subf %sub3A_1947, %mul3A_1945 : vector<16xf32>
        %mul3A_1949 = arith.mulf %mul3A_1940, %sub3A_1948 : vector<16xf32>
        %mul3A_1950 = arith.constant 5.000000e-01 : f32
        %mul3A_1951 = vector.broadcast %mul3A_1950 : f32 to vector<16xf32>
        %mul3A_1952 = arith.mulf %mul3A_1951, %add3A_1924 : vector<16xf32>
        %mul3A_1953 = arith.mulf %mul3A_1952, %mul3A_1949 : vector<16xf32>
        %mul3A_1954 = arith.mulf %mul3A_1953, %mul3A_1949 : vector<16xf32>
        %sub3A_1955 = arith.constant 1.500000e+00 : f32
        %sub3A_1956 = vector.broadcast %sub3A_1955 : f32 to vector<16xf32>
        %sub3A_1957 = arith.subf %sub3A_1956, %mul3A_1954 : vector<16xf32>
        %mul3A_1958 = arith.mulf %mul3A_1949, %sub3A_1957 : vector<16xf32>
        %get3A_1959 = arith.constant 0 : index
        %get3A_1960 = tpu.vector_load %arg11[%get3A_1959] {strides = array<i32>} : memref<16xf32, #tpu.memory_space<vmem>>, vector<16xf32>,
        %mul3A_1961 = arith.mulf %add3A_1924, %mul3A_1958 : vector<16xf32>
        %add3A_1962 = arith.addf %get3A_1960, %mul3A_1961 : vector<16xf32>
        %swap3A_1963 = arith.constant 0 : index
        %swap3A_1964 = tpu.vector_load %arg11[%swap3A_1963] {strides = array<i32>} : memref<16xf32, #tpu.memory_space<vmem>>, vector<16xf32>,
        tpu.vector_store %arg11[%swap3A_1963], %add3A_1962 {strides = array<i32>} : memref<16xf32, #tpu.memory_space<vmem>>, vector<16xf32>,
      }
      %scan3A_1566 = arith.constant 128 : i32
      %add3A_1567 = arith.constant 2 : i32
      %add3A_1568 = arith.addi %add3A_776, %add3A_1567 : i32
      %lt3A = arith.constant 6 : i32
      %lt3A_1569 = arith.cmpi slt, %add3A_1568, %lt3A : i32
      %convert_element_type3A = arith.extui %lt3A_1569 : i1 to i32
      %cond3A = arith.constant 0 : i32
      %cond3A_1570 = arith.cmpi ne, %convert_element_type3A, %cond3A : i32
      scf.if %cond3A_1570 {
        %add3A_1588 = arith.constant 2 : i32
        %add3A_1589 = arith.addi %add3A_776, %add3A_1588 : i32
        %mul3A_1590 = arith.constant 2048 : i32
        %mul3A_1591 = arith.muli %add3A_1589, %mul3A_1590 : i32
        %add3A_1592 = arith.addi %mul3A_2, %mul3A_1591 : i32
        %add3A_1593 = arith.constant 0 : i32
        %add3A_1594 = arith.addi %add3A_1593, %add3A_1592 : i32
        %jit3A_1595 = arith.constant 128 : i32
        %div3A_1596 = arith.divsi %add3A_1594, %jit3A_1595 : i32
        %sign3A_1597 = arith.constant 0 : i32
        %sign3A_1598 = arith.cmpi sgt, %add3A_1594, %sign3A_1597 : i32
        %sign3A_1599 = arith.extui %sign3A_1598 : i1 to i32
        %sign3A_1600 = arith.constant 0 : i32
        %sign3A_1601 = arith.cmpi slt, %add3A_1594, %sign3A_1600 : i32
        %sign3A_1602 = arith.extui %sign3A_1601 : i1 to i32
        %sign3A_1603 = arith.subi %sign3A_1599, %sign3A_1602 : i32
        %sign3A_1604 = arith.constant 0 : i32
        %sign3A_1605 = arith.cmpi sgt, %jit3A_1595, %sign3A_1604 : i32
        %sign3A_1606 = arith.extui %sign3A_1605 : i1 to i32
        %sign3A_1607 = arith.constant 0 : i32
        %sign3A_1608 = arith.cmpi slt, %jit3A_1595, %sign3A_1607 : i32
        %sign3A_1609 = arith.extui %sign3A_1608 : i1 to i32
        %sign3A_1610 = arith.subi %sign3A_1606, %sign3A_1609 : i32
        %ne3A_1611 = arith.cmpi ne, %sign3A_1603, %sign3A_1610 : i32
        %rem3A_1612 = arith.remsi %add3A_1594, %jit3A_1595 : i32
        %ne3A_1613 = arith.constant 0 : i32
        %ne3A_1614 = arith.cmpi ne, %rem3A_1612, %ne3A_1613 : i32
        %and3A_1615 = arith.andi %ne3A_1611, %ne3A_1614 : i1
        %sub3A_1616 = arith.constant 1 : i32
        %sub3A_1617 = arith.subi %div3A_1596, %sub3A_1616 : i32
        %select_n3A_1618 = arith.select %and3A_1615, %sub3A_1617, %div3A_1596 : i32
        %multiple_of3A_1619 = tpu.assume_multiple %select_n3A_1618, 16 : i32
        %dma_start3A_1620 = arith.constant 0 : i32
        %dma_start3A_1621 = arith.constant 0 : i32
        %dma_start3A_1622 = tpu.memref_slice %arg6[%dma_start3A_1620, %dma_start3A_1621] : memref<320x128xf32, #tpu.memory_space<vmem>> -> memref<16x128xf32, #tpu.memory_space<vmem>>
        %dma_start3A_1623 = arith.constant 0 : i32
        %dma_start3A_1624 = tpu.memref_slice %arg2[%multiple_of3A_1619, %dma_start3A_1623] : memref<163840x128xf32, #tpu.memory_space<hbm>> -> memref<16x128xf32, #tpu.memory_space<hbm>>
        %dma_start3A_1625 = arith.constant 0 : i32
        %dma_start3A_1626 = arith.constant 0 : i32
        %dma_start3A_1627 = tpu.memref_slice %arg6[%dma_start3A_1625, %dma_start3A_1626] : memref<320x128xf32, #tpu.memory_space<vmem>> -> memref<16x128xf32, #tpu.memory_space<vmem>>
        %dma_start3A_1628 = arith.constant 0 : i32
        %dma_start3A_1629 = tpu.memref_slice %arg2[%multiple_of3A_1619, %dma_start3A_1628] : memref<163840x128xf32, #tpu.memory_space<hbm>> -> memref<16x128xf32, #tpu.memory_space<hbm>>
        tpu.enqueue_dma source(%dma_start3A_1629 : memref<16x128xf32, #tpu.memory_space<hbm>>) target(%dma_start3A_1627 : memref<16x128xf32, #tpu.memory_space<vmem>>) target_semaphore(%arg12 : memref<!tpu.dma_semaphore, #tpu.memory_space<semaphore_mem>>)
        %add3A_1630 = arith.constant 1048576 : i32
        %add3A_1631 = arith.addi %add3A_1630, %add3A_1592 : i32
        %jit3A_1632 = arith.constant 128 : i32
        %div3A_1633 = arith.divsi %add3A_1631, %jit3A_1632 : i32
        %sign3A_1634 = arith.constant 0 : i32
        %sign3A_1635 = arith.cmpi sgt, %add3A_1631, %sign3A_1634 : i32
        %sign3A_1636 = arith.extui %sign3A_1635 : i1 to i32
        %sign3A_1637 = arith.constant 0 : i32
        %sign3A_1638 = arith.cmpi slt, %add3A_1631, %sign3A_1637 : i32
        %sign3A_1639 = arith.extui %sign3A_1638 : i1 to i32
        %sign3A_1640 = arith.subi %sign3A_1636, %sign3A_1639 : i32
        %sign3A_1641 = arith.constant 0 : i32
        %sign3A_1642 = arith.cmpi sgt, %jit3A_1632, %sign3A_1641 : i32
        %sign3A_1643 = arith.extui %sign3A_1642 : i1 to i32
        %sign3A_1644 = arith.constant 0 : i32
        %sign3A_1645 = arith.cmpi slt, %jit3A_1632, %sign3A_1644 : i32
        %sign3A_1646 = arith.extui %sign3A_1645 : i1 to i32
        %sign3A_1647 = arith.subi %sign3A_1643, %sign3A_1646 : i32
        %ne3A_1648 = arith.cmpi ne, %sign3A_1640, %sign3A_1647 : i32
        %rem3A_1649 = arith.remsi %add3A_1631, %jit3A_1632 : i32
        %ne3A_1650 = arith.constant 0 : i32
        %ne3A_1651 = arith.cmpi ne, %rem3A_1649, %ne3A_1650 : i32
        %and3A_1652 = arith.andi %ne3A_1648, %ne3A_1651 : i1
        %sub3A_1653 = arith.constant 1 : i32
        %sub3A_1654 = arith.subi %div3A_1633, %sub3A_1653 : i32
        %select_n3A_1655 = arith.select %and3A_1652, %sub3A_1654, %div3A_1633 : i32
        %multiple_of3A_1656 = tpu.assume_multiple %select_n3A_1655, 16 : i32
        %dma_start3A_1657 = arith.constant 16 : i32
        %dma_start3A_1658 = arith.constant 0 : i32
        %dma_start3A_1659 = tpu.memref_slice %arg6[%dma_start3A_1657, %dma_start3A_1658] : memref<320x128xf32, #tpu.memory_space<vmem>> -> memref<16x128xf32, #tpu.memory_space<vmem>>
        %dma_start3A_1660 = arith.constant 0 : i32
        %dma_start3A_1661 = tpu.memref_slice %arg2[%multiple_of3A_1656, %dma_start3A_1660] : memref<163840x128xf32, #tpu.memory_space<hbm>> -> memref<16x128xf32, #tpu.memory_space<hbm>>
        %dma_start3A_1662 = arith.constant 16 : i32
        %dma_start3A_1663 = arith.constant 0 : i32
        %dma_start3A_1664 = tpu.memref_slice %arg6[%dma_start3A_1662, %dma_start3A_1663] : memref<320x128xf32, #tpu.memory_space<vmem>> -> memref<16x128xf32, #tpu.memory_space<vmem>>
        %dma_start3A_1665 = arith.constant 0 : i32
        %dma_start3A_1666 = tpu.memref_slice %arg2[%multiple_of3A_1656, %dma_start3A_1665] : memref<163840x128xf32, #tpu.memory_space<hbm>> -> memref<16x128xf32, #tpu.memory_space<hbm>>
        tpu.enqueue_dma source(%dma_start3A_1666 : memref<16x128xf32, #tpu.memory_space<hbm>>) target(%dma_start3A_1664 : memref<16x128xf32, #tpu.memory_space<vmem>>) target_semaphore(%arg12 : memref<!tpu.dma_semaphore, #tpu.memory_space<semaphore_mem>>)
        %add3A_1667 = arith.constant 2097152 : i32
        %add3A_1668 = arith.addi %add3A_1667, %add3A_1592 : i32
        %jit3A_1669 = arith.constant 128 : i32
        %div3A_1670 = arith.divsi %add3A_1668, %jit3A_1669 : i32
        %sign3A_1671 = arith.constant 0 : i32
        %sign3A_1672 = arith.cmpi sgt, %add3A_1668, %sign3A_1671 : i32
        %sign3A_1673 = arith.extui %sign3A_1672 : i1 to i32
        %sign3A_1674 = arith.constant 0 : i32
        %sign3A_1675 = arith.cmpi slt, %add3A_1668, %sign3A_1674 : i32
        %sign3A_1676 = arith.extui %sign3A_1675 : i1 to i32
        %sign3A_1677 = arith.subi %sign3A_1673, %sign3A_1676 : i32
        %sign3A_1678 = arith.constant 0 : i32
        %sign3A_1679 = arith.cmpi sgt, %jit3A_1669, %sign3A_1678 : i32
        %sign3A_1680 = arith.extui %sign3A_1679 : i1 to i32
        %sign3A_1681 = arith.constant 0 : i32
        %sign3A_1682 = arith.cmpi slt, %jit3A_1669, %sign3A_1681 : i32
        %sign3A_1683 = arith.extui %sign3A_1682 : i1 to i32
        %sign3A_1684 = arith.subi %sign3A_1680, %sign3A_1683 : i32
        %ne3A_1685 = arith.cmpi ne, %sign3A_1677, %sign3A_1684 : i32
        %rem3A_1686 = arith.remsi %add3A_1668, %jit3A_1669 : i32
        %ne3A_1687 = arith.constant 0 : i32
        %ne3A_1688 = arith.cmpi ne, %rem3A_1686, %ne3A_1687 : i32
        %and3A_1689 = arith.andi %ne3A_1685, %ne3A_1688 : i1
        %sub3A_1690 = arith.constant 1 : i32
        %sub3A_1691 = arith.subi %div3A_1670, %sub3A_1690 : i32
        %select_n3A_1692 = arith.select %and3A_1689, %sub3A_1691, %div3A_1670 : i32
        %multiple_of3A_1693 = tpu.assume_multiple %select_n3A_1692, 16 : i32
        %dma_start3A_1694 = arith.constant 32 : i32
        %dma_start3A_1695 = arith.constant 0 : i32
        %dma_start3A_1696 = tpu.memref_slice %arg6[%dma_start3A_1694, %dma_start3A_1695] : memref<320x128xf32, #tpu.memory_space<vmem>> -> memref<16x128xf32, #tpu.memory_space<vmem>>
        %dma_start3A_1697 = arith.constant 0 : i32
        %dma_start3A_1698 = tpu.memref_slice %arg2[%multiple_of3A_1693, %dma_start3A_1697] : memref<163840x128xf32, #tpu.memory_space<hbm>> -> memref<16x128xf32, #tpu.memory_space<hbm>>
        %dma_start3A_1699 = arith.constant 32 : i32
        %dma_start3A_1700 = arith.constant 0 : i32
        %dma_start3A_1701 = tpu.memref_slice %arg6[%dma_start3A_1699, %dma_start3A_1700] : memref<320x128xf32, #tpu.memory_space<vmem>> -> memref<16x128xf32, #tpu.memory_space<vmem>>
        %dma_start3A_1702 = arith.constant 0 : i32
        %dma_start3A_1703 = tpu.memref_slice %arg2[%multiple_of3A_1693, %dma_start3A_1702] : memref<163840x128xf32, #tpu.memory_space<hbm>> -> memref<16x128xf32, #tpu.memory_space<hbm>>
        tpu.enqueue_dma source(%dma_start3A_1703 : memref<16x128xf32, #tpu.memory_space<hbm>>) target(%dma_start3A_1701 : memref<16x128xf32, #tpu.memory_space<vmem>>) target_semaphore(%arg12 : memref<!tpu.dma_semaphore, #tpu.memory_space<semaphore_mem>>)
        %add3A_1704 = arith.constant 3145728 : i32
        %add3A_1705 = arith.addi %add3A_1704, %add3A_1592 : i32
        %jit3A_1706 = arith.constant 128 : i32
        %div3A_1707 = arith.divsi %add3A_1705, %jit3A_1706 : i32
        %sign3A_1708 = arith.constant 0 : i32
        %sign3A_1709 = arith.cmpi sgt, %add3A_1705, %sign3A_1708 : i32
        %sign3A_1710 = arith.extui %sign3A_1709 : i1 to i32
        %sign3A_1711 = arith.constant 0 : i32
        %sign3A_1712 = arith.cmpi slt, %add3A_1705, %sign3A_1711 : i32
        %sign3A_1713 = arith.extui %sign3A_1712 : i1 to i32
        %sign3A_1714 = arith.subi %sign3A_1710, %sign3A_1713 : i32
        %sign3A_1715 = arith.constant 0 : i32
        %sign3A_1716 = arith.cmpi sgt, %jit3A_1706, %sign3A_1715 : i32
        %sign3A_1717 = arith.extui %sign3A_1716 : i1 to i32
        %sign3A_1718 = arith.constant 0 : i32
        %sign3A_1719 = arith.cmpi slt, %jit3A_1706, %sign3A_1718 : i32
        %sign3A_1720 = arith.extui %sign3A_1719 : i1 to i32
        %sign3A_1721 = arith.subi %sign3A_1717, %sign3A_1720 : i32
        %ne3A_1722 = arith.cmpi ne, %sign3A_1714, %sign3A_1721 : i32
        %rem3A_1723 = arith.remsi %add3A_1705, %jit3A_1706 : i32
        %ne3A_1724 = arith.constant 0 : i32
        %ne3A_1725 = arith.cmpi ne, %rem3A_1723, %ne3A_1724 : i32
        %and3A_1726 = arith.andi %ne3A_1722, %ne3A_1725 : i1
        %sub3A_1727 = arith.constant 1 : i32
        %sub3A_1728 = arith.subi %div3A_1707, %sub3A_1727 : i32
        %select_n3A_1729 = arith.select %and3A_1726, %sub3A_1728, %div3A_1707 : i32
        %multiple_of3A_1730 = tpu.assume_multiple %select_n3A_1729, 16 : i32
        %dma_start3A_1731 = arith.constant 48 : i32
        %dma_start3A_1732 = arith.constant 0 : i32
        %dma_start3A_1733 = tpu.memref_slice %arg6[%dma_start3A_1731, %dma_start3A_1732] : memref<320x128xf32, #tpu.memory_space<vmem>> -> memref<16x128xf32, #tpu.memory_space<vmem>>
        %dma_start3A_1734 = arith.constant 0 : i32
        %dma_start3A_1735 = tpu.memref_slice %arg2[%multiple_of3A_1730, %dma_start3A_1734] : memref<163840x128xf32, #tpu.memory_space<hbm>> -> memref<16x128xf32, #tpu.memory_space<hbm>>
        %dma_start3A_1736 = arith.constant 48 : i32
        %dma_start3A_1737 = arith.constant 0 : i32
        %dma_start3A_1738 = tpu.memref_slice %arg6[%dma_start3A_1736, %dma_start3A_1737] : memref<320x128xf32, #tpu.memory_space<vmem>> -> memref<16x128xf32, #tpu.memory_space<vmem>>
        %dma_start3A_1739 = arith.constant 0 : i32
        %dma_start3A_1740 = tpu.memref_slice %arg2[%multiple_of3A_1730, %dma_start3A_1739] : memref<163840x128xf32, #tpu.memory_space<hbm>> -> memref<16x128xf32, #tpu.memory_space<hbm>>
        tpu.enqueue_dma source(%dma_start3A_1740 : memref<16x128xf32, #tpu.memory_space<hbm>>) target(%dma_start3A_1738 : memref<16x128xf32, #tpu.memory_space<vmem>>) target_semaphore(%arg12 : memref<!tpu.dma_semaphore, #tpu.memory_space<semaphore_mem>>)
        %add3A_1741 = arith.constant 4194304 : i32
        %add3A_1742 = arith.addi %add3A_1741, %add3A_1592 : i32
        %jit3A_1743 = arith.constant 128 : i32
        %div3A_1744 = arith.divsi %add3A_1742, %jit3A_1743 : i32
        %sign3A_1745 = arith.constant 0 : i32
        %sign3A_1746 = arith.cmpi sgt, %add3A_1742, %sign3A_1745 : i32
        %sign3A_1747 = arith.extui %sign3A_1746 : i1 to i32
        %sign3A_1748 = arith.constant 0 : i32
        %sign3A_1749 = arith.cmpi slt, %add3A_1742, %sign3A_1748 : i32
        %sign3A_1750 = arith.extui %sign3A_1749 : i1 to i32
        %sign3A_1751 = arith.subi %sign3A_1747, %sign3A_1750 : i32
        %sign3A_1752 = arith.constant 0 : i32
        %sign3A_1753 = arith.cmpi sgt, %jit3A_1743, %sign3A_1752 : i32
        %sign3A_1754 = arith.extui %sign3A_1753 : i1 to i32
        %sign3A_1755 = arith.constant 0 : i32
        %sign3A_1756 = arith.cmpi slt, %jit3A_1743, %sign3A_1755 : i32
        %sign3A_1757 = arith.extui %sign3A_1756 : i1 to i32
        %sign3A_1758 = arith.subi %sign3A_1754, %sign3A_1757 : i32
        %ne3A_1759 = arith.cmpi ne, %sign3A_1751, %sign3A_1758 : i32
        %rem3A_1760 = arith.remsi %add3A_1742, %jit3A_1743 : i32
        %ne3A_1761 = arith.constant 0 : i32
        %ne3A_1762 = arith.cmpi ne, %rem3A_1760, %ne3A_1761 : i32
        %and3A_1763 = arith.andi %ne3A_1759, %ne3A_1762 : i1
        %sub3A_1764 = arith.constant 1 : i32
        %sub3A_1765 = arith.subi %div3A_1744, %sub3A_1764 : i32
        %select_n3A_1766 = arith.select %and3A_1763, %sub3A_1765, %div3A_1744 : i32
        %multiple_of3A_1767 = tpu.assume_multiple %select_n3A_1766, 16 : i32
        %dma_start3A_1768 = arith.constant 64 : i32
        %dma_start3A_1769 = arith.constant 0 : i32
        %dma_start3A_1770 = tpu.memref_slice %arg6[%dma_start3A_1768, %dma_start3A_1769] : memref<320x128xf32, #tpu.memory_space<vmem>> -> memref<16x128xf32, #tpu.memory_space<vmem>>
        %dma_start3A_1771 = arith.constant 0 : i32
        %dma_start3A_1772 = tpu.memref_slice %arg2[%multiple_of3A_1767, %dma_start3A_1771] : memref<163840x128xf32, #tpu.memory_space<hbm>> -> memref<16x128xf32, #tpu.memory_space<hbm>>
        %dma_start3A_1773 = arith.constant 64 : i32
        %dma_start3A_1774 = arith.constant 0 : i32
        %dma_start3A_1775 = tpu.memref_slice %arg6[%dma_start3A_1773, %dma_start3A_1774] : memref<320x128xf32, #tpu.memory_space<vmem>> -> memref<16x128xf32, #tpu.memory_space<vmem>>
        %dma_start3A_1776 = arith.constant 0 : i32
        %dma_start3A_1777 = tpu.memref_slice %arg2[%multiple_of3A_1767, %dma_start3A_1776] : memref<163840x128xf32, #tpu.memory_space<hbm>> -> memref<16x128xf32, #tpu.memory_space<hbm>>
        tpu.enqueue_dma source(%dma_start3A_1777 : memref<16x128xf32, #tpu.memory_space<hbm>>) target(%dma_start3A_1775 : memref<16x128xf32, #tpu.memory_space<vmem>>) target_semaphore(%arg12 : memref<!tpu.dma_semaphore, #tpu.memory_space<semaphore_mem>>)
        %add3A_1778 = arith.constant 5242880 : i32
        %add3A_1779 = arith.addi %add3A_1778, %add3A_1592 : i32
        %jit3A_1780 = arith.constant 128 : i32
        %div3A_1781 = arith.divsi %add3A_1779, %jit3A_1780 : i32
        %sign3A_1782 = arith.constant 0 : i32
        %sign3A_1783 = arith.cmpi sgt, %add3A_1779, %sign3A_1782 : i32
        %sign3A_1784 = arith.extui %sign3A_1783 : i1 to i32
        %sign3A_1785 = arith.constant 0 : i32
        %sign3A_1786 = arith.cmpi slt, %add3A_1779, %sign3A_1785 : i32
        %sign3A_1787 = arith.extui %sign3A_1786 : i1 to i32
        %sign3A_1788 = arith.subi %sign3A_1784, %sign3A_1787 : i32
        %sign3A_1789 = arith.constant 0 : i32
        %sign3A_1790 = arith.cmpi sgt, %jit3A_1780, %sign3A_1789 : i32
        %sign3A_1791 = arith.extui %sign3A_1790 : i1 to i32
        %sign3A_1792 = arith.constant 0 : i32
        %sign3A_1793 = arith.cmpi slt, %jit3A_1780, %sign3A_1792 : i32
        %sign3A_1794 = arith.extui %sign3A_1793 : i1 to i32
        %sign3A_1795 = arith.subi %sign3A_1791, %sign3A_1794 : i32
        %ne3A_1796 = arith.cmpi ne, %sign3A_1788, %sign3A_1795 : i32
        %rem3A_1797 = arith.remsi %add3A_1779, %jit3A_1780 : i32
        %ne3A_1798 = arith.constant 0 : i32
        %ne3A_1799 = arith.cmpi ne, %rem3A_1797, %ne3A_1798 : i32
        %and3A_1800 = arith.andi %ne3A_1796, %ne3A_1799 : i1
        %sub3A_1801 = arith.constant 1 : i32
        %sub3A_1802 = arith.subi %div3A_1781, %sub3A_1801 : i32
        %select_n3A_1803 = arith.select %and3A_1800, %sub3A_1802, %div3A_1781 : i32
        %multiple_of3A_1804 = tpu.assume_multiple %select_n3A_1803, 16 : i32
        %dma_start3A_1805 = arith.constant 80 : i32
        %dma_start3A_1806 = arith.constant 0 : i32
        %dma_start3A_1807 = tpu.memref_slice %arg6[%dma_start3A_1805, %dma_start3A_1806] : memref<320x128xf32, #tpu.memory_space<vmem>> -> memref<16x128xf32, #tpu.memory_space<vmem>>
        %dma_start3A_1808 = arith.constant 0 : i32
        %dma_start3A_1809 = tpu.memref_slice %arg2[%multiple_of3A_1804, %dma_start3A_1808] : memref<163840x128xf32, #tpu.memory_space<hbm>> -> memref<16x128xf32, #tpu.memory_space<hbm>>
        %dma_start3A_1810 = arith.constant 80 : i32
        %dma_start3A_1811 = arith.constant 0 : i32
        %dma_start3A_1812 = tpu.memref_slice %arg6[%dma_start3A_1810, %dma_start3A_1811] : memref<320x128xf32, #tpu.memory_space<vmem>> -> memref<16x128xf32, #tpu.memory_space<vmem>>
        %dma_start3A_1813 = arith.constant 0 : i32
        %dma_start3A_1814 = tpu.memref_slice %arg2[%multiple_of3A_1804, %dma_start3A_1813] : memref<163840x128xf32, #tpu.memory_space<hbm>> -> memref<16x128xf32, #tpu.memory_space<hbm>>
        tpu.enqueue_dma source(%dma_start3A_1814 : memref<16x128xf32, #tpu.memory_space<hbm>>) target(%dma_start3A_1812 : memref<16x128xf32, #tpu.memory_space<vmem>>) target_semaphore(%arg12 : memref<!tpu.dma_semaphore, #tpu.memory_space<semaphore_mem>>)
        %add3A_1815 = arith.constant 6291456 : i32
        %add3A_1816 = arith.addi %add3A_1815, %add3A_1592 : i32
        %jit3A_1817 = arith.constant 128 : i32
        %div3A_1818 = arith.divsi %add3A_1816, %jit3A_1817 : i32
        %sign3A_1819 = arith.constant 0 : i32
        %sign3A_1820 = arith.cmpi sgt, %add3A_1816, %sign3A_1819 : i32
        %sign3A_1821 = arith.extui %sign3A_1820 : i1 to i32
        %sign3A_1822 = arith.constant 0 : i32
        %sign3A_1823 = arith.cmpi slt, %add3A_1816, %sign3A_1822 : i32
        %sign3A_1824 = arith.extui %sign3A_1823 : i1 to i32
        %sign3A_1825 = arith.subi %sign3A_1821, %sign3A_1824 : i32
        %sign3A_1826 = arith.constant 0 : i32
        %sign3A_1827 = arith.cmpi sgt, %jit3A_1817, %sign3A_1826 : i32
        %sign3A_1828 = arith.extui %sign3A_1827 : i1 to i32
        %sign3A_1829 = arith.constant 0 : i32
        %sign3A_1830 = arith.cmpi slt, %jit3A_1817, %sign3A_1829 : i32
        %sign3A_1831 = arith.extui %sign3A_1830 : i1 to i32
        %sign3A_1832 = arith.subi %sign3A_1828, %sign3A_1831 : i32
        %ne3A_1833 = arith.cmpi ne, %sign3A_1825, %sign3A_1832 : i32
        %rem3A_1834 = arith.remsi %add3A_1816, %jit3A_1817 : i32
        %ne3A_1835 = arith.constant 0 : i32
        %ne3A_1836 = arith.cmpi ne, %rem3A_1834, %ne3A_1835 : i32
        %and3A_1837 = arith.andi %ne3A_1833, %ne3A_1836 : i1
        %sub3A_1838 = arith.constant 1 : i32
        %sub3A_1839 = arith.subi %div3A_1818, %sub3A_1838 : i32
        %select_n3A_1840 = arith.select %and3A_1837, %sub3A_1839, %div3A_1818 : i32
        %multiple_of3A_1841 = tpu.assume_multiple %select_n3A_1840, 16 : i32
        %dma_start3A_1842 = arith.constant 96 : i32
        %dma_start3A_1843 = arith.constant 0 : i32
        %dma_start3A_1844 = tpu.memref_slice %arg6[%dma_start3A_1842, %dma_start3A_1843] : memref<320x128xf32, #tpu.memory_space<vmem>> -> memref<16x128xf32, #tpu.memory_space<vmem>>
        %dma_start3A_1845 = arith.constant 0 : i32
        %dma_start3A_1846 = tpu.memref_slice %arg2[%multiple_of3A_1841, %dma_start3A_1845] : memref<163840x128xf32, #tpu.memory_space<hbm>> -> memref<16x128xf32, #tpu.memory_space<hbm>>
        %dma_start3A_1847 = arith.constant 96 : i32
        %dma_start3A_1848 = arith.constant 0 : i32
        %dma_start3A_1849 = tpu.memref_slice %arg6[%dma_start3A_1847, %dma_start3A_1848] : memref<320x128xf32, #tpu.memory_space<vmem>> -> memref<16x128xf32, #tpu.memory_space<vmem>>
        %dma_start3A_1850 = arith.constant 0 : i32
        %dma_start3A_1851 = tpu.memref_slice %arg2[%multiple_of3A_1841, %dma_start3A_1850] : memref<163840x128xf32, #tpu.memory_space<hbm>> -> memref<16x128xf32, #tpu.memory_space<hbm>>
        tpu.enqueue_dma source(%dma_start3A_1851 : memref<16x128xf32, #tpu.memory_space<hbm>>) target(%dma_start3A_1849 : memref<16x128xf32, #tpu.memory_space<vmem>>) target_semaphore(%arg12 : memref<!tpu.dma_semaphore, #tpu.memory_space<semaphore_mem>>)
        %add3A_1852 = arith.constant 7340032 : i32
        %add3A_1853 = arith.addi %add3A_1852, %add3A_1592 : i32
        %jit3A_1854 = arith.constant 128 : i32
        %div3A_1855 = arith.divsi %add3A_1853, %jit3A_1854 : i32
        %sign3A_1856 = arith.constant 0 : i32
        %sign3A_1857 = arith.cmpi sgt, %add3A_1853, %sign3A_1856 : i32
        %sign3A_1858 = arith.extui %sign3A_1857 : i1 to i32
        %sign3A_1859 = arith.constant 0 : i32
        %sign3A_1860 = arith.cmpi slt, %add3A_1853, %sign3A_1859 : i32
        %sign3A_1861 = arith.extui %sign3A_1860 : i1 to i32
        %sign3A_1862 = arith.subi %sign3A_1858, %sign3A_1861 : i32
        %sign3A_1863 = arith.constant 0 : i32
        %sign3A_1864 = arith.cmpi sgt, %jit3A_1854, %sign3A_1863 : i32
        %sign3A_1865 = arith.extui %sign3A_1864 : i1 to i32
        %sign3A_1866 = arith.constant 0 : i32
        %sign3A_1867 = arith.cmpi slt, %jit3A_1854, %sign3A_1866 : i32
        %sign3A_1868 = arith.extui %sign3A_1867 : i1 to i32
        %sign3A_1869 = arith.subi %sign3A_1865, %sign3A_1868 : i32
        %ne3A_1870 = arith.cmpi ne, %sign3A_1862, %sign3A_1869 : i32
        %rem3A_1871 = arith.remsi %add3A_1853, %jit3A_1854 : i32
        %ne3A_1872 = arith.constant 0 : i32
        %ne3A_1873 = arith.cmpi ne, %rem3A_1871, %ne3A_1872 : i32
        %and3A_1874 = arith.andi %ne3A_1870, %ne3A_1873 : i1
        %sub3A_1875 = arith.constant 1 : i32
        %sub3A_1876 = arith.subi %div3A_1855, %sub3A_1875 : i32
        %select_n3A_1877 = arith.select %and3A_1874, %sub3A_1876, %div3A_1855 : i32
        %multiple_of3A_1878 = tpu.assume_multiple %select_n3A_1877, 16 : i32
        %dma_start3A_1879 = arith.constant 112 : i32
        %dma_start3A_1880 = arith.constant 0 : i32
        %dma_start3A_1881 = tpu.memref_slice %arg6[%dma_start3A_1879, %dma_start3A_1880] : memref<320x128xf32, #tpu.memory_space<vmem>> -> memref<16x128xf32, #tpu.memory_space<vmem>>
        %dma_start3A_1882 = arith.constant 0 : i32
        %dma_start3A_1883 = tpu.memref_slice %arg2[%multiple_of3A_1878, %dma_start3A_1882] : memref<163840x128xf32, #tpu.memory_space<hbm>> -> memref<16x128xf32, #tpu.memory_space<hbm>>
        %dma_start3A_1884 = arith.constant 112 : i32
        %dma_start3A_1885 = arith.constant 0 : i32
        %dma_start3A_1886 = tpu.memref_slice %arg6[%dma_start3A_1884, %dma_start3A_1885] : memref<320x128xf32, #tpu.memory_space<vmem>> -> memref<16x128xf32, #tpu.memory_space<vmem>>
        %dma_start3A_1887 = arith.constant 0 : i32
        %dma_start3A_1888 = tpu.memref_slice %arg2[%multiple_of3A_1878, %dma_start3A_1887] : memref<163840x128xf32, #tpu.memory_space<hbm>> -> memref<16x128xf32, #tpu.memory_space<hbm>>
        tpu.enqueue_dma source(%dma_start3A_1888 : memref<16x128xf32, #tpu.memory_space<hbm>>) target(%dma_start3A_1886 : memref<16x128xf32, #tpu.memory_space<vmem>>) target_semaphore(%arg12 : memref<!tpu.dma_semaphore, #tpu.memory_space<semaphore_mem>>)
        %add3A_1889 = arith.constant 8388608 : i32
        %add3A_1890 = arith.addi %add3A_1889, %add3A_1592 : i32
        %jit3A_1891 = arith.constant 128 : i32
        %div3A_1892 = arith.divsi %add3A_1890, %jit3A_1891 : i32
        %sign3A_1893 = arith.constant 0 : i32
        %sign3A_1894 = arith.cmpi sgt, %add3A_1890, %sign3A_1893 : i32
        %sign3A_1895 = arith.extui %sign3A_1894 : i1 to i32
        %sign3A_1896 = arith.constant 0 : i32
        %sign3A_1897 = arith.cmpi slt, %add3A_1890, %sign3A_1896 : i32
        %sign3A_1898 = arith.extui %sign3A_1897 : i1 to i32
        %sign3A_1899 = arith.subi %sign3A_1895, %sign3A_1898 : i32
        %sign3A_1900 = arith.constant 0 : i32
        %sign3A_1901 = arith.cmpi sgt, %jit3A_1891, %sign3A_1900 : i32
        %sign3A_1902 = arith.extui %sign3A_1901 : i1 to i32
        %sign3A_1903 = arith.constant 0 : i32
        %sign3A_1904 = arith.cmpi slt, %jit3A_1891, %sign3A_1903 : i32
        %sign3A_1905 = arith.extui %sign3A_1904 : i1 to i32
        %sign3A_1906 = arith.subi %sign3A_1902, %sign3A_1905 : i32
        %ne3A_1907 = arith.cmpi ne, %sign3A_1899, %sign3A_1906 : i32
        %rem3A_1908 = arith.remsi %add3A_1890, %jit3A_1891 : i32
        %ne3A_1909 = arith.constant 0 : i32
        %ne3A_1910 = arith.cmpi ne, %rem3A_1908, %ne3A_1909 : i32
        %and3A_1911 = arith.andi %ne3A_1907, %ne3A_1910 : i1
        %sub3A_1912 = arith.constant 1 : i32
        %sub3A_1913 = arith.subi %div3A_1892, %sub3A_1912 : i32
        %select_n3A_1914 = arith.select %and3A_1911, %sub3A_1913, %div3A_1892 : i32
        %multiple_of3A_1915 = tpu.assume_multiple %select_n3A_1914, 16 : i32
        %dma_start3A_1916 = arith.constant 128 : i32
        %dma_start3A_1917 = arith.constant 0 : i32
        %dma_start3A_1918 = tpu.memref_slice %arg6[%dma_start3A_1916, %dma_start3A_1917] : memref<320x128xf32, #tpu.memory_space<vmem>> -> memref<16x128xf32, #tpu.memory_space<vmem>>
        %dma_start3A_1919 = arith.constant 0 : i32
        %dma_start3A_1920 = tpu.memref_slice %arg2[%multiple_of3A_1915, %dma_start3A_1919] : memref<163840x128xf32, #tpu.memory_space<hbm>> -> memref<16x128xf32, #tpu.memory_space<hbm>>
        %dma_start3A_1921 = arith.constant 128 : i32
        %dma_start3A_1922 = arith.constant 0 : i32
        %dma_start3A_1923 = tpu.memref_slice %arg6[%dma_start3A_1921, %dma_start3A_1922] : memref<320x128xf32, #tpu.memory_space<vmem>> -> memref<16x128xf32, #tpu.memory_space<vmem>>
        %dma_start3A_1924 = arith.constant 0 : i32
        %dma_start3A_1925 = tpu.memref_slice %arg2[%multiple_of3A_1915, %dma_start3A_1924] : memref<163840x128xf32, #tpu.memory_space<hbm>> -> memref<16x128xf32, #tpu.memory_space<hbm>>
        tpu.enqueue_dma source(%dma_start3A_1925 : memref<16x128xf32, #tpu.memory_space<hbm>>) target(%dma_start3A_1923 : memref<16x128xf32, #tpu.memory_space<vmem>>) target_semaphore(%arg12 : memref<!tpu.dma_semaphore, #tpu.memory_space<semaphore_mem>>)
        %add3A_1926 = arith.constant 9437184 : i32
        %add3A_1927 = arith.addi %add3A_1926, %add3A_1592 : i32
        %jit3A_1928 = arith.constant 128 : i32
        %div3A_1929 = arith.divsi %add3A_1927, %jit3A_1928 : i32
        %sign3A_1930 = arith.constant 0 : i32
        %sign3A_1931 = arith.cmpi sgt, %add3A_1927, %sign3A_1930 : i32
        %sign3A_1932 = arith.extui %sign3A_1931 : i1 to i32
        %sign3A_1933 = arith.constant 0 : i32
        %sign3A_1934 = arith.cmpi slt, %add3A_1927, %sign3A_1933 : i32
        %sign3A_1935 = arith.extui %sign3A_1934 : i1 to i32
        %sign3A_1936 = arith.subi %sign3A_1932, %sign3A_1935 : i32
        %sign3A_1937 = arith.constant 0 : i32
        %sign3A_1938 = arith.cmpi sgt, %jit3A_1928, %sign3A_1937 : i32
        %sign3A_1939 = arith.extui %sign3A_1938 : i1 to i32
        %sign3A_1940 = arith.constant 0 : i32
        %sign3A_1941 = arith.cmpi slt, %jit3A_1928, %sign3A_1940 : i32
        %sign3A_1942 = arith.extui %sign3A_1941 : i1 to i32
        %sign3A_1943 = arith.subi %sign3A_1939, %sign3A_1942 : i32
        %ne3A_1944 = arith.cmpi ne, %sign3A_1936, %sign3A_1943 : i32
        %rem3A_1945 = arith.remsi %add3A_1927, %jit3A_1928 : i32
        %ne3A_1946 = arith.constant 0 : i32
        %ne3A_1947 = arith.cmpi ne, %rem3A_1945, %ne3A_1946 : i32
        %and3A_1948 = arith.andi %ne3A_1944, %ne3A_1947 : i1
        %sub3A_1949 = arith.constant 1 : i32
        %sub3A_1950 = arith.subi %div3A_1929, %sub3A_1949 : i32
        %select_n3A_1951 = arith.select %and3A_1948, %sub3A_1950, %div3A_1929 : i32
        %multiple_of3A_1952 = tpu.assume_multiple %select_n3A_1951, 16 : i32
        %dma_start3A_1953 = arith.constant 144 : i32
        %dma_start3A_1954 = arith.constant 0 : i32
        %dma_start3A_1955 = tpu.memref_slice %arg6[%dma_start3A_1953, %dma_start3A_1954] : memref<320x128xf32, #tpu.memory_space<vmem>> -> memref<16x128xf32, #tpu.memory_space<vmem>>
        %dma_start3A_1956 = arith.constant 0 : i32
        %dma_start3A_1957 = tpu.memref_slice %arg2[%multiple_of3A_1952, %dma_start3A_1956] : memref<163840x128xf32, #tpu.memory_space<hbm>> -> memref<16x128xf32, #tpu.memory_space<hbm>>
        %dma_start3A_1958 = arith.constant 144 : i32
        %dma_start3A_1959 = arith.constant 0 : i32
        %dma_start3A_1960 = tpu.memref_slice %arg6[%dma_start3A_1958, %dma_start3A_1959] : memref<320x128xf32, #tpu.memory_space<vmem>> -> memref<16x128xf32, #tpu.memory_space<vmem>>
        %dma_start3A_1961 = arith.constant 0 : i32
        %dma_start3A_1962 = tpu.memref_slice %arg2[%multiple_of3A_1952, %dma_start3A_1961] : memref<163840x128xf32, #tpu.memory_space<hbm>> -> memref<16x128xf32, #tpu.memory_space<hbm>>
        tpu.enqueue_dma source(%dma_start3A_1962 : memref<16x128xf32, #tpu.memory_space<hbm>>) target(%dma_start3A_1960 : memref<16x128xf32, #tpu.memory_space<vmem>>) target_semaphore(%arg12 : memref<!tpu.dma_semaphore, #tpu.memory_space<semaphore_mem>>)
        %add3A_1963 = arith.constant 10485760 : i32
        %add3A_1964 = arith.addi %add3A_1963, %add3A_1592 : i32
        %jit3A_1965 = arith.constant 128 : i32
        %div3A_1966 = arith.divsi %add3A_1964, %jit3A_1965 : i32
        %sign3A_1967 = arith.constant 0 : i32
        %sign3A_1968 = arith.cmpi sgt, %add3A_1964, %sign3A_1967 : i32
        %sign3A_1969 = arith.extui %sign3A_1968 : i1 to i32
        %sign3A_1970 = arith.constant 0 : i32
        %sign3A_1971 = arith.cmpi slt, %add3A_1964, %sign3A_1970 : i32
        %sign3A_1972 = arith.extui %sign3A_1971 : i1 to i32
        %sign3A_1973 = arith.subi %sign3A_1969, %sign3A_1972 : i32
        %sign3A_1974 = arith.constant 0 : i32
        %sign3A_1975 = arith.cmpi sgt, %jit3A_1965, %sign3A_1974 : i32
        %sign3A_1976 = arith.extui %sign3A_1975 : i1 to i32
        %sign3A_1977 = arith.constant 0 : i32
        %sign3A_1978 = arith.cmpi slt, %jit3A_1965, %sign3A_1977 : i32
        %sign3A_1979 = arith.extui %sign3A_1978 : i1 to i32
        %sign3A_1980 = arith.subi %sign3A_1976, %sign3A_1979 : i32
        %ne3A_1981 = arith.cmpi ne, %sign3A_1973, %sign3A_1980 : i32
        %rem3A_1982 = arith.remsi %add3A_1964, %jit3A_1965 : i32
        %ne3A_1983 = arith.constant 0 : i32
        %ne3A_1984 = arith.cmpi ne, %rem3A_1982, %ne3A_1983 : i32
        %and3A_1985 = arith.andi %ne3A_1981, %ne3A_1984 : i1
        %sub3A_1986 = arith.constant 1 : i32
        %sub3A_1987 = arith.subi %div3A_1966, %sub3A_1986 : i32
        %select_n3A_1988 = arith.select %and3A_1985, %sub3A_1987, %div3A_1966 : i32
        %multiple_of3A_1989 = tpu.assume_multiple %select_n3A_1988, 16 : i32
        %dma_start3A_1990 = arith.constant 160 : i32
        %dma_start3A_1991 = arith.constant 0 : i32
        %dma_start3A_1992 = tpu.memref_slice %arg6[%dma_start3A_1990, %dma_start3A_1991] : memref<320x128xf32, #tpu.memory_space<vmem>> -> memref<16x128xf32, #tpu.memory_space<vmem>>
        %dma_start3A_1993 = arith.constant 0 : i32
        %dma_start3A_1994 = tpu.memref_slice %arg2[%multiple_of3A_1989, %dma_start3A_1993] : memref<163840x128xf32, #tpu.memory_space<hbm>> -> memref<16x128xf32, #tpu.memory_space<hbm>>
        %dma_start3A_1995 = arith.constant 160 : i32
        %dma_start3A_1996 = arith.constant 0 : i32
        %dma_start3A_1997 = tpu.memref_slice %arg6[%dma_start3A_1995, %dma_start3A_1996] : memref<320x128xf32, #tpu.memory_space<vmem>> -> memref<16x128xf32, #tpu.memory_space<vmem>>
        %dma_start3A_1998 = arith.constant 0 : i32
        %dma_start3A_1999 = tpu.memref_slice %arg2[%multiple_of3A_1989, %dma_start3A_1998] : memref<163840x128xf32, #tpu.memory_space<hbm>> -> memref<16x128xf32, #tpu.memory_space<hbm>>
        tpu.enqueue_dma source(%dma_start3A_1999 : memref<16x128xf32, #tpu.memory_space<hbm>>) target(%dma_start3A_1997 : memref<16x128xf32, #tpu.memory_space<vmem>>) target_semaphore(%arg12 : memref<!tpu.dma_semaphore, #tpu.memory_space<semaphore_mem>>)
        %add3A_2000 = arith.constant 11534336 : i32
        %add3A_2001 = arith.addi %add3A_2000, %add3A_1592 : i32
        %jit3A_2002 = arith.constant 128 : i32
        %div3A_2003 = arith.divsi %add3A_2001, %jit3A_2002 : i32
        %sign3A_2004 = arith.constant 0 : i32
        %sign3A_2005 = arith.cmpi sgt, %add3A_2001, %sign3A_2004 : i32
        %sign3A_2006 = arith.extui %sign3A_2005 : i1 to i32
        %sign3A_2007 = arith.constant 0 : i32
        %sign3A_2008 = arith.cmpi slt, %add3A_2001, %sign3A_2007 : i32
        %sign3A_2009 = arith.extui %sign3A_2008 : i1 to i32
        %sign3A_2010 = arith.subi %sign3A_2006, %sign3A_2009 : i32
        %sign3A_2011 = arith.constant 0 : i32
        %sign3A_2012 = arith.cmpi sgt, %jit3A_2002, %sign3A_2011 : i32
        %sign3A_2013 = arith.extui %sign3A_2012 : i1 to i32
        %sign3A_2014 = arith.constant 0 : i32
        %sign3A_2015 = arith.cmpi slt, %jit3A_2002, %sign3A_2014 : i32
        %sign3A_2016 = arith.extui %sign3A_2015 : i1 to i32
        %sign3A_2017 = arith.subi %sign3A_2013, %sign3A_2016 : i32
        %ne3A_2018 = arith.cmpi ne, %sign3A_2010, %sign3A_2017 : i32
        %rem3A_2019 = arith.remsi %add3A_2001, %jit3A_2002 : i32
        %ne3A_2020 = arith.constant 0 : i32
        %ne3A_2021 = arith.cmpi ne, %rem3A_2019, %ne3A_2020 : i32
        %and3A_2022 = arith.andi %ne3A_2018, %ne3A_2021 : i1
        %sub3A_2023 = arith.constant 1 : i32
        %sub3A_2024 = arith.subi %div3A_2003, %sub3A_2023 : i32
        %select_n3A_2025 = arith.select %and3A_2022, %sub3A_2024, %div3A_2003 : i32
        %multiple_of3A_2026 = tpu.assume_multiple %select_n3A_2025, 16 : i32
        %dma_start3A_2027 = arith.constant 176 : i32
        %dma_start3A_2028 = arith.constant 0 : i32
        %dma_start3A_2029 = tpu.memref_slice %arg6[%dma_start3A_2027, %dma_start3A_2028] : memref<320x128xf32, #tpu.memory_space<vmem>> -> memref<16x128xf32, #tpu.memory_space<vmem>>
        %dma_start3A_2030 = arith.constant 0 : i32
        %dma_start3A_2031 = tpu.memref_slice %arg2[%multiple_of3A_2026, %dma_start3A_2030] : memref<163840x128xf32, #tpu.memory_space<hbm>> -> memref<16x128xf32, #tpu.memory_space<hbm>>
        %dma_start3A_2032 = arith.constant 176 : i32
        %dma_start3A_2033 = arith.constant 0 : i32
        %dma_start3A_2034 = tpu.memref_slice %arg6[%dma_start3A_2032, %dma_start3A_2033] : memref<320x128xf32, #tpu.memory_space<vmem>> -> memref<16x128xf32, #tpu.memory_space<vmem>>
        %dma_start3A_2035 = arith.constant 0 : i32
        %dma_start3A_2036 = tpu.memref_slice %arg2[%multiple_of3A_2026, %dma_start3A_2035] : memref<163840x128xf32, #tpu.memory_space<hbm>> -> memref<16x128xf32, #tpu.memory_space<hbm>>
        tpu.enqueue_dma source(%dma_start3A_2036 : memref<16x128xf32, #tpu.memory_space<hbm>>) target(%dma_start3A_2034 : memref<16x128xf32, #tpu.memory_space<vmem>>) target_semaphore(%arg12 : memref<!tpu.dma_semaphore, #tpu.memory_space<semaphore_mem>>)
        %add3A_2037 = arith.constant 12582912 : i32
        %add3A_2038 = arith.addi %add3A_2037, %add3A_1592 : i32
        %jit3A_2039 = arith.constant 128 : i32
        %div3A_2040 = arith.divsi %add3A_2038, %jit3A_2039 : i32
        %sign3A_2041 = arith.constant 0 : i32
        %sign3A_2042 = arith.cmpi sgt, %add3A_2038, %sign3A_2041 : i32
        %sign3A_2043 = arith.extui %sign3A_2042 : i1 to i32
        %sign3A_2044 = arith.constant 0 : i32
        %sign3A_2045 = arith.cmpi slt, %add3A_2038, %sign3A_2044 : i32
        %sign3A_2046 = arith.extui %sign3A_2045 : i1 to i32
        %sign3A_2047 = arith.subi %sign3A_2043, %sign3A_2046 : i32
        %sign3A_2048 = arith.constant 0 : i32
        %sign3A_2049 = arith.cmpi sgt, %jit3A_2039, %sign3A_2048 : i32
        %sign3A_2050 = arith.extui %sign3A_2049 : i1 to i32
        %sign3A_2051 = arith.constant 0 : i32
        %sign3A_2052 = arith.cmpi slt, %jit3A_2039, %sign3A_2051 : i32
        %sign3A_2053 = arith.extui %sign3A_2052 : i1 to i32
        %sign3A_2054 = arith.subi %sign3A_2050, %sign3A_2053 : i32
        %ne3A_2055 = arith.cmpi ne, %sign3A_2047, %sign3A_2054 : i32
        %rem3A_2056 = arith.remsi %add3A_2038, %jit3A_2039 : i32
        %ne3A_2057 = arith.constant 0 : i32
        %ne3A_2058 = arith.cmpi ne, %rem3A_2056, %ne3A_2057 : i32
        %and3A_2059 = arith.andi %ne3A_2055, %ne3A_2058 : i1
        %sub3A_2060 = arith.constant 1 : i32
        %sub3A_2061 = arith.subi %div3A_2040, %sub3A_2060 : i32
        %select_n3A_2062 = arith.select %and3A_2059, %sub3A_2061, %div3A_2040 : i32
        %multiple_of3A_2063 = tpu.assume_multiple %select_n3A_2062, 16 : i32
        %dma_start3A_2064 = arith.constant 192 : i32
        %dma_start3A_2065 = arith.constant 0 : i32
        %dma_start3A_2066 = tpu.memref_slice %arg6[%dma_start3A_2064, %dma_start3A_2065] : memref<320x128xf32, #tpu.memory_space<vmem>> -> memref<16x128xf32, #tpu.memory_space<vmem>>
        %dma_start3A_2067 = arith.constant 0 : i32
        %dma_start3A_2068 = tpu.memref_slice %arg2[%multiple_of3A_2063, %dma_start3A_2067] : memref<163840x128xf32, #tpu.memory_space<hbm>> -> memref<16x128xf32, #tpu.memory_space<hbm>>
        %dma_start3A_2069 = arith.constant 192 : i32
        %dma_start3A_2070 = arith.constant 0 : i32
        %dma_start3A_2071 = tpu.memref_slice %arg6[%dma_start3A_2069, %dma_start3A_2070] : memref<320x128xf32, #tpu.memory_space<vmem>> -> memref<16x128xf32, #tpu.memory_space<vmem>>
        %dma_start3A_2072 = arith.constant 0 : i32
        %dma_start3A_2073 = tpu.memref_slice %arg2[%multiple_of3A_2063, %dma_start3A_2072] : memref<163840x128xf32, #tpu.memory_space<hbm>> -> memref<16x128xf32, #tpu.memory_space<hbm>>
        tpu.enqueue_dma source(%dma_start3A_2073 : memref<16x128xf32, #tpu.memory_space<hbm>>) target(%dma_start3A_2071 : memref<16x128xf32, #tpu.memory_space<vmem>>) target_semaphore(%arg12 : memref<!tpu.dma_semaphore, #tpu.memory_space<semaphore_mem>>)
        %add3A_2074 = arith.constant 13631488 : i32
        %add3A_2075 = arith.addi %add3A_2074, %add3A_1592 : i32
        %jit3A_2076 = arith.constant 128 : i32
        %div3A_2077 = arith.divsi %add3A_2075, %jit3A_2076 : i32
        %sign3A_2078 = arith.constant 0 : i32
        %sign3A_2079 = arith.cmpi sgt, %add3A_2075, %sign3A_2078 : i32
        %sign3A_2080 = arith.extui %sign3A_2079 : i1 to i32
        %sign3A_2081 = arith.constant 0 : i32
        %sign3A_2082 = arith.cmpi slt, %add3A_2075, %sign3A_2081 : i32
        %sign3A_2083 = arith.extui %sign3A_2082 : i1 to i32
        %sign3A_2084 = arith.subi %sign3A_2080, %sign3A_2083 : i32
        %sign3A_2085 = arith.constant 0 : i32
        %sign3A_2086 = arith.cmpi sgt, %jit3A_2076, %sign3A_2085 : i32
        %sign3A_2087 = arith.extui %sign3A_2086 : i1 to i32
        %sign3A_2088 = arith.constant 0 : i32
        %sign3A_2089 = arith.cmpi slt, %jit3A_2076, %sign3A_2088 : i32
        %sign3A_2090 = arith.extui %sign3A_2089 : i1 to i32
        %sign3A_2091 = arith.subi %sign3A_2087, %sign3A_2090 : i32
        %ne3A_2092 = arith.cmpi ne, %sign3A_2084, %sign3A_2091 : i32
        %rem3A_2093 = arith.remsi %add3A_2075, %jit3A_2076 : i32
        %ne3A_2094 = arith.constant 0 : i32
        %ne3A_2095 = arith.cmpi ne, %rem3A_2093, %ne3A_2094 : i32
        %and3A_2096 = arith.andi %ne3A_2092, %ne3A_2095 : i1
        %sub3A_2097 = arith.constant 1 : i32
        %sub3A_2098 = arith.subi %div3A_2077, %sub3A_2097 : i32
        %select_n3A_2099 = arith.select %and3A_2096, %sub3A_2098, %div3A_2077 : i32
        %multiple_of3A_2100 = tpu.assume_multiple %select_n3A_2099, 16 : i32
        %dma_start3A_2101 = arith.constant 208 : i32
        %dma_start3A_2102 = arith.constant 0 : i32
        %dma_start3A_2103 = tpu.memref_slice %arg6[%dma_start3A_2101, %dma_start3A_2102] : memref<320x128xf32, #tpu.memory_space<vmem>> -> memref<16x128xf32, #tpu.memory_space<vmem>>
        %dma_start3A_2104 = arith.constant 0 : i32
        %dma_start3A_2105 = tpu.memref_slice %arg2[%multiple_of3A_2100, %dma_start3A_2104] : memref<163840x128xf32, #tpu.memory_space<hbm>> -> memref<16x128xf32, #tpu.memory_space<hbm>>
        %dma_start3A_2106 = arith.constant 208 : i32
        %dma_start3A_2107 = arith.constant 0 : i32
        %dma_start3A_2108 = tpu.memref_slice %arg6[%dma_start3A_2106, %dma_start3A_2107] : memref<320x128xf32, #tpu.memory_space<vmem>> -> memref<16x128xf32, #tpu.memory_space<vmem>>
        %dma_start3A_2109 = arith.constant 0 : i32
        %dma_start3A_2110 = tpu.memref_slice %arg2[%multiple_of3A_2100, %dma_start3A_2109] : memref<163840x128xf32, #tpu.memory_space<hbm>> -> memref<16x128xf32, #tpu.memory_space<hbm>>
        tpu.enqueue_dma source(%dma_start3A_2110 : memref<16x128xf32, #tpu.memory_space<hbm>>) target(%dma_start3A_2108 : memref<16x128xf32, #tpu.memory_space<vmem>>) target_semaphore(%arg12 : memref<!tpu.dma_semaphore, #tpu.memory_space<semaphore_mem>>)
        %add3A_2111 = arith.constant 14680064 : i32
        %add3A_2112 = arith.addi %add3A_2111, %add3A_1592 : i32
        %jit3A_2113 = arith.constant 128 : i32
        %div3A_2114 = arith.divsi %add3A_2112, %jit3A_2113 : i32
        %sign3A_2115 = arith.constant 0 : i32
        %sign3A_2116 = arith.cmpi sgt, %add3A_2112, %sign3A_2115 : i32
        %sign3A_2117 = arith.extui %sign3A_2116 : i1 to i32
        %sign3A_2118 = arith.constant 0 : i32
        %sign3A_2119 = arith.cmpi slt, %add3A_2112, %sign3A_2118 : i32
        %sign3A_2120 = arith.extui %sign3A_2119 : i1 to i32
        %sign3A_2121 = arith.subi %sign3A_2117, %sign3A_2120 : i32
        %sign3A_2122 = arith.constant 0 : i32
        %sign3A_2123 = arith.cmpi sgt, %jit3A_2113, %sign3A_2122 : i32
        %sign3A_2124 = arith.extui %sign3A_2123 : i1 to i32
        %sign3A_2125 = arith.constant 0 : i32
        %sign3A_2126 = arith.cmpi slt, %jit3A_2113, %sign3A_2125 : i32
        %sign3A_2127 = arith.extui %sign3A_2126 : i1 to i32
        %sign3A_2128 = arith.subi %sign3A_2124, %sign3A_2127 : i32
        %ne3A_2129 = arith.cmpi ne, %sign3A_2121, %sign3A_2128 : i32
        %rem3A_2130 = arith.remsi %add3A_2112, %jit3A_2113 : i32
        %ne3A_2131 = arith.constant 0 : i32
        %ne3A_2132 = arith.cmpi ne, %rem3A_2130, %ne3A_2131 : i32
        %and3A_2133 = arith.andi %ne3A_2129, %ne3A_2132 : i1
        %sub3A_2134 = arith.constant 1 : i32
        %sub3A_2135 = arith.subi %div3A_2114, %sub3A_2134 : i32
        %select_n3A_2136 = arith.select %and3A_2133, %sub3A_2135, %div3A_2114 : i32
        %multiple_of3A_2137 = tpu.assume_multiple %select_n3A_2136, 16 : i32
        %dma_start3A_2138 = arith.constant 224 : i32
        %dma_start3A_2139 = arith.constant 0 : i32
        %dma_start3A_2140 = tpu.memref_slice %arg6[%dma_start3A_2138, %dma_start3A_2139] : memref<320x128xf32, #tpu.memory_space<vmem>> -> memref<16x128xf32, #tpu.memory_space<vmem>>
        %dma_start3A_2141 = arith.constant 0 : i32
        %dma_start3A_2142 = tpu.memref_slice %arg2[%multiple_of3A_2137, %dma_start3A_2141] : memref<163840x128xf32, #tpu.memory_space<hbm>> -> memref<16x128xf32, #tpu.memory_space<hbm>>
        %dma_start3A_2143 = arith.constant 224 : i32
        %dma_start3A_2144 = arith.constant 0 : i32
        %dma_start3A_2145 = tpu.memref_slice %arg6[%dma_start3A_2143, %dma_start3A_2144] : memref<320x128xf32, #tpu.memory_space<vmem>> -> memref<16x128xf32, #tpu.memory_space<vmem>>
        %dma_start3A_2146 = arith.constant 0 : i32
        %dma_start3A_2147 = tpu.memref_slice %arg2[%multiple_of3A_2137, %dma_start3A_2146] : memref<163840x128xf32, #tpu.memory_space<hbm>> -> memref<16x128xf32, #tpu.memory_space<hbm>>
        tpu.enqueue_dma source(%dma_start3A_2147 : memref<16x128xf32, #tpu.memory_space<hbm>>) target(%dma_start3A_2145 : memref<16x128xf32, #tpu.memory_space<vmem>>) target_semaphore(%arg12 : memref<!tpu.dma_semaphore, #tpu.memory_space<semaphore_mem>>)
        %add3A_2148 = arith.constant 15728640 : i32
        %add3A_2149 = arith.addi %add3A_2148, %add3A_1592 : i32
        %jit3A_2150 = arith.constant 128 : i32
        %div3A_2151 = arith.divsi %add3A_2149, %jit3A_2150 : i32
        %sign3A_2152 = arith.constant 0 : i32
        %sign3A_2153 = arith.cmpi sgt, %add3A_2149, %sign3A_2152 : i32
        %sign3A_2154 = arith.extui %sign3A_2153 : i1 to i32
        %sign3A_2155 = arith.constant 0 : i32
        %sign3A_2156 = arith.cmpi slt, %add3A_2149, %sign3A_2155 : i32
        %sign3A_2157 = arith.extui %sign3A_2156 : i1 to i32
        %sign3A_2158 = arith.subi %sign3A_2154, %sign3A_2157 : i32
        %sign3A_2159 = arith.constant 0 : i32
        %sign3A_2160 = arith.cmpi sgt, %jit3A_2150, %sign3A_2159 : i32
        %sign3A_2161 = arith.extui %sign3A_2160 : i1 to i32
        %sign3A_2162 = arith.constant 0 : i32
        %sign3A_2163 = arith.cmpi slt, %jit3A_2150, %sign3A_2162 : i32
        %sign3A_2164 = arith.extui %sign3A_2163 : i1 to i32
        %sign3A_2165 = arith.subi %sign3A_2161, %sign3A_2164 : i32
        %ne3A_2166 = arith.cmpi ne, %sign3A_2158, %sign3A_2165 : i32
        %rem3A_2167 = arith.remsi %add3A_2149, %jit3A_2150 : i32
        %ne3A_2168 = arith.constant 0 : i32
        %ne3A_2169 = arith.cmpi ne, %rem3A_2167, %ne3A_2168 : i32
        %and3A_2170 = arith.andi %ne3A_2166, %ne3A_2169 : i1
        %sub3A_2171 = arith.constant 1 : i32
        %sub3A_2172 = arith.subi %div3A_2151, %sub3A_2171 : i32
        %select_n3A_2173 = arith.select %and3A_2170, %sub3A_2172, %div3A_2151 : i32
        %multiple_of3A_2174 = tpu.assume_multiple %select_n3A_2173, 16 : i32
        %dma_start3A_2175 = arith.constant 240 : i32
        %dma_start3A_2176 = arith.constant 0 : i32
        %dma_start3A_2177 = tpu.memref_slice %arg6[%dma_start3A_2175, %dma_start3A_2176] : memref<320x128xf32, #tpu.memory_space<vmem>> -> memref<16x128xf32, #tpu.memory_space<vmem>>
        %dma_start3A_2178 = arith.constant 0 : i32
        %dma_start3A_2179 = tpu.memref_slice %arg2[%multiple_of3A_2174, %dma_start3A_2178] : memref<163840x128xf32, #tpu.memory_space<hbm>> -> memref<16x128xf32, #tpu.memory_space<hbm>>
        %dma_start3A_2180 = arith.constant 240 : i32
        %dma_start3A_2181 = arith.constant 0 : i32
        %dma_start3A_2182 = tpu.memref_slice %arg6[%dma_start3A_2180, %dma_start3A_2181] : memref<320x128xf32, #tpu.memory_space<vmem>> -> memref<16x128xf32, #tpu.memory_space<vmem>>
        %dma_start3A_2183 = arith.constant 0 : i32
        %dma_start3A_2184 = tpu.memref_slice %arg2[%multiple_of3A_2174, %dma_start3A_2183] : memref<163840x128xf32, #tpu.memory_space<hbm>> -> memref<16x128xf32, #tpu.memory_space<hbm>>
        tpu.enqueue_dma source(%dma_start3A_2184 : memref<16x128xf32, #tpu.memory_space<hbm>>) target(%dma_start3A_2182 : memref<16x128xf32, #tpu.memory_space<vmem>>) target_semaphore(%arg12 : memref<!tpu.dma_semaphore, #tpu.memory_space<semaphore_mem>>)
        %add3A_2185 = arith.constant 16777216 : i32
        %add3A_2186 = arith.addi %add3A_2185, %add3A_1592 : i32
        %jit3A_2187 = arith.constant 128 : i32
        %div3A_2188 = arith.divsi %add3A_2186, %jit3A_2187 : i32
        %sign3A_2189 = arith.constant 0 : i32
        %sign3A_2190 = arith.cmpi sgt, %add3A_2186, %sign3A_2189 : i32
        %sign3A_2191 = arith.extui %sign3A_2190 : i1 to i32
        %sign3A_2192 = arith.constant 0 : i32
        %sign3A_2193 = arith.cmpi slt, %add3A_2186, %sign3A_2192 : i32
        %sign3A_2194 = arith.extui %sign3A_2193 : i1 to i32
        %sign3A_2195 = arith.subi %sign3A_2191, %sign3A_2194 : i32
        %sign3A_2196 = arith.constant 0 : i32
        %sign3A_2197 = arith.cmpi sgt, %jit3A_2187, %sign3A_2196 : i32
        %sign3A_2198 = arith.extui %sign3A_2197 : i1 to i32
        %sign3A_2199 = arith.constant 0 : i32
        %sign3A_2200 = arith.cmpi slt, %jit3A_2187, %sign3A_2199 : i32
        %sign3A_2201 = arith.extui %sign3A_2200 : i1 to i32
        %sign3A_2202 = arith.subi %sign3A_2198, %sign3A_2201 : i32
        %ne3A_2203 = arith.cmpi ne, %sign3A_2195, %sign3A_2202 : i32
        %rem3A_2204 = arith.remsi %add3A_2186, %jit3A_2187 : i32
        %ne3A_2205 = arith.constant 0 : i32
        %ne3A_2206 = arith.cmpi ne, %rem3A_2204, %ne3A_2205 : i32
        %and3A_2207 = arith.andi %ne3A_2203, %ne3A_2206 : i1
        %sub3A_2208 = arith.constant 1 : i32
        %sub3A_2209 = arith.subi %div3A_2188, %sub3A_2208 : i32
        %select_n3A_2210 = arith.select %and3A_2207, %sub3A_2209, %div3A_2188 : i32
        %multiple_of3A_2211 = tpu.assume_multiple %select_n3A_2210, 16 : i32
        %dma_start3A_2212 = arith.constant 256 : i32
        %dma_start3A_2213 = arith.constant 0 : i32
        %dma_start3A_2214 = tpu.memref_slice %arg6[%dma_start3A_2212, %dma_start3A_2213] : memref<320x128xf32, #tpu.memory_space<vmem>> -> memref<16x128xf32, #tpu.memory_space<vmem>>
        %dma_start3A_2215 = arith.constant 0 : i32
        %dma_start3A_2216 = tpu.memref_slice %arg2[%multiple_of3A_2211, %dma_start3A_2215] : memref<163840x128xf32, #tpu.memory_space<hbm>> -> memref<16x128xf32, #tpu.memory_space<hbm>>
        %dma_start3A_2217 = arith.constant 256 : i32
        %dma_start3A_2218 = arith.constant 0 : i32
        %dma_start3A_2219 = tpu.memref_slice %arg6[%dma_start3A_2217, %dma_start3A_2218] : memref<320x128xf32, #tpu.memory_space<vmem>> -> memref<16x128xf32, #tpu.memory_space<vmem>>
        %dma_start3A_2220 = arith.constant 0 : i32
        %dma_start3A_2221 = tpu.memref_slice %arg2[%multiple_of3A_2211, %dma_start3A_2220] : memref<163840x128xf32, #tpu.memory_space<hbm>> -> memref<16x128xf32, #tpu.memory_space<hbm>>
        tpu.enqueue_dma source(%dma_start3A_2221 : memref<16x128xf32, #tpu.memory_space<hbm>>) target(%dma_start3A_2219 : memref<16x128xf32, #tpu.memory_space<vmem>>) target_semaphore(%arg12 : memref<!tpu.dma_semaphore, #tpu.memory_space<semaphore_mem>>)
        %add3A_2222 = arith.constant 17825792 : i32
        %add3A_2223 = arith.addi %add3A_2222, %add3A_1592 : i32
        %jit3A_2224 = arith.constant 128 : i32
        %div3A_2225 = arith.divsi %add3A_2223, %jit3A_2224 : i32
        %sign3A_2226 = arith.constant 0 : i32
        %sign3A_2227 = arith.cmpi sgt, %add3A_2223, %sign3A_2226 : i32
        %sign3A_2228 = arith.extui %sign3A_2227 : i1 to i32
        %sign3A_2229 = arith.constant 0 : i32
        %sign3A_2230 = arith.cmpi slt, %add3A_2223, %sign3A_2229 : i32
        %sign3A_2231 = arith.extui %sign3A_2230 : i1 to i32
        %sign3A_2232 = arith.subi %sign3A_2228, %sign3A_2231 : i32
        %sign3A_2233 = arith.constant 0 : i32
        %sign3A_2234 = arith.cmpi sgt, %jit3A_2224, %sign3A_2233 : i32
        %sign3A_2235 = arith.extui %sign3A_2234 : i1 to i32
        %sign3A_2236 = arith.constant 0 : i32
        %sign3A_2237 = arith.cmpi slt, %jit3A_2224, %sign3A_2236 : i32
        %sign3A_2238 = arith.extui %sign3A_2237 : i1 to i32
        %sign3A_2239 = arith.subi %sign3A_2235, %sign3A_2238 : i32
        %ne3A_2240 = arith.cmpi ne, %sign3A_2232, %sign3A_2239 : i32
        %rem3A_2241 = arith.remsi %add3A_2223, %jit3A_2224 : i32
        %ne3A_2242 = arith.constant 0 : i32
        %ne3A_2243 = arith.cmpi ne, %rem3A_2241, %ne3A_2242 : i32
        %and3A_2244 = arith.andi %ne3A_2240, %ne3A_2243 : i1
        %sub3A_2245 = arith.constant 1 : i32
        %sub3A_2246 = arith.subi %div3A_2225, %sub3A_2245 : i32
        %select_n3A_2247 = arith.select %and3A_2244, %sub3A_2246, %div3A_2225 : i32
        %multiple_of3A_2248 = tpu.assume_multiple %select_n3A_2247, 16 : i32
        %dma_start3A_2249 = arith.constant 272 : i32
        %dma_start3A_2250 = arith.constant 0 : i32
        %dma_start3A_2251 = tpu.memref_slice %arg6[%dma_start3A_2249, %dma_start3A_2250] : memref<320x128xf32, #tpu.memory_space<vmem>> -> memref<16x128xf32, #tpu.memory_space<vmem>>
        %dma_start3A_2252 = arith.constant 0 : i32
        %dma_start3A_2253 = tpu.memref_slice %arg2[%multiple_of3A_2248, %dma_start3A_2252] : memref<163840x128xf32, #tpu.memory_space<hbm>> -> memref<16x128xf32, #tpu.memory_space<hbm>>
        %dma_start3A_2254 = arith.constant 272 : i32
        %dma_start3A_2255 = arith.constant 0 : i32
        %dma_start3A_2256 = tpu.memref_slice %arg6[%dma_start3A_2254, %dma_start3A_2255] : memref<320x128xf32, #tpu.memory_space<vmem>> -> memref<16x128xf32, #tpu.memory_space<vmem>>
        %dma_start3A_2257 = arith.constant 0 : i32
        %dma_start3A_2258 = tpu.memref_slice %arg2[%multiple_of3A_2248, %dma_start3A_2257] : memref<163840x128xf32, #tpu.memory_space<hbm>> -> memref<16x128xf32, #tpu.memory_space<hbm>>
        tpu.enqueue_dma source(%dma_start3A_2258 : memref<16x128xf32, #tpu.memory_space<hbm>>) target(%dma_start3A_2256 : memref<16x128xf32, #tpu.memory_space<vmem>>) target_semaphore(%arg12 : memref<!tpu.dma_semaphore, #tpu.memory_space<semaphore_mem>>)
        %add3A_2259 = arith.constant 18874368 : i32
        %add3A_2260 = arith.addi %add3A_2259, %add3A_1592 : i32
        %jit3A_2261 = arith.constant 128 : i32
        %div3A_2262 = arith.divsi %add3A_2260, %jit3A_2261 : i32
        %sign3A_2263 = arith.constant 0 : i32
        %sign3A_2264 = arith.cmpi sgt, %add3A_2260, %sign3A_2263 : i32
        %sign3A_2265 = arith.extui %sign3A_2264 : i1 to i32
        %sign3A_2266 = arith.constant 0 : i32
        %sign3A_2267 = arith.cmpi slt, %add3A_2260, %sign3A_2266 : i32
        %sign3A_2268 = arith.extui %sign3A_2267 : i1 to i32
        %sign3A_2269 = arith.subi %sign3A_2265, %sign3A_2268 : i32
        %sign3A_2270 = arith.constant 0 : i32
        %sign3A_2271 = arith.cmpi sgt, %jit3A_2261, %sign3A_2270 : i32
        %sign3A_2272 = arith.extui %sign3A_2271 : i1 to i32
        %sign3A_2273 = arith.constant 0 : i32
        %sign3A_2274 = arith.cmpi slt, %jit3A_2261, %sign3A_2273 : i32
        %sign3A_2275 = arith.extui %sign3A_2274 : i1 to i32
        %sign3A_2276 = arith.subi %sign3A_2272, %sign3A_2275 : i32
        %ne3A_2277 = arith.cmpi ne, %sign3A_2269, %sign3A_2276 : i32
        %rem3A_2278 = arith.remsi %add3A_2260, %jit3A_2261 : i32
        %ne3A_2279 = arith.constant 0 : i32
        %ne3A_2280 = arith.cmpi ne, %rem3A_2278, %ne3A_2279 : i32
        %and3A_2281 = arith.andi %ne3A_2277, %ne3A_2280 : i1
        %sub3A_2282 = arith.constant 1 : i32
        %sub3A_2283 = arith.subi %div3A_2262, %sub3A_2282 : i32
        %select_n3A_2284 = arith.select %and3A_2281, %sub3A_2283, %div3A_2262 : i32
        %multiple_of3A_2285 = tpu.assume_multiple %select_n3A_2284, 16 : i32
        %dma_start3A_2286 = arith.constant 288 : i32
        %dma_start3A_2287 = arith.constant 0 : i32
        %dma_start3A_2288 = tpu.memref_slice %arg6[%dma_start3A_2286, %dma_start3A_2287] : memref<320x128xf32, #tpu.memory_space<vmem>> -> memref<16x128xf32, #tpu.memory_space<vmem>>
        %dma_start3A_2289 = arith.constant 0 : i32
        %dma_start3A_2290 = tpu.memref_slice %arg2[%multiple_of3A_2285, %dma_start3A_2289] : memref<163840x128xf32, #tpu.memory_space<hbm>> -> memref<16x128xf32, #tpu.memory_space<hbm>>
        %dma_start3A_2291 = arith.constant 288 : i32
        %dma_start3A_2292 = arith.constant 0 : i32
        %dma_start3A_2293 = tpu.memref_slice %arg6[%dma_start3A_2291, %dma_start3A_2292] : memref<320x128xf32, #tpu.memory_space<vmem>> -> memref<16x128xf32, #tpu.memory_space<vmem>>
        %dma_start3A_2294 = arith.constant 0 : i32
        %dma_start3A_2295 = tpu.memref_slice %arg2[%multiple_of3A_2285, %dma_start3A_2294] : memref<163840x128xf32, #tpu.memory_space<hbm>> -> memref<16x128xf32, #tpu.memory_space<hbm>>
        tpu.enqueue_dma source(%dma_start3A_2295 : memref<16x128xf32, #tpu.memory_space<hbm>>) target(%dma_start3A_2293 : memref<16x128xf32, #tpu.memory_space<vmem>>) target_semaphore(%arg12 : memref<!tpu.dma_semaphore, #tpu.memory_space<semaphore_mem>>)
        %add3A_2296 = arith.constant 19922944 : i32
        %add3A_2297 = arith.addi %add3A_2296, %add3A_1592 : i32
        %jit3A_2298 = arith.constant 128 : i32
        %div3A_2299 = arith.divsi %add3A_2297, %jit3A_2298 : i32
        %sign3A_2300 = arith.constant 0 : i32
        %sign3A_2301 = arith.cmpi sgt, %add3A_2297, %sign3A_2300 : i32
        %sign3A_2302 = arith.extui %sign3A_2301 : i1 to i32
        %sign3A_2303 = arith.constant 0 : i32
        %sign3A_2304 = arith.cmpi slt, %add3A_2297, %sign3A_2303 : i32
        %sign3A_2305 = arith.extui %sign3A_2304 : i1 to i32
        %sign3A_2306 = arith.subi %sign3A_2302, %sign3A_2305 : i32
        %sign3A_2307 = arith.constant 0 : i32
        %sign3A_2308 = arith.cmpi sgt, %jit3A_2298, %sign3A_2307 : i32
        %sign3A_2309 = arith.extui %sign3A_2308 : i1 to i32
        %sign3A_2310 = arith.constant 0 : i32
        %sign3A_2311 = arith.cmpi slt, %jit3A_2298, %sign3A_2310 : i32
        %sign3A_2312 = arith.extui %sign3A_2311 : i1 to i32
        %sign3A_2313 = arith.subi %sign3A_2309, %sign3A_2312 : i32
        %ne3A_2314 = arith.cmpi ne, %sign3A_2306, %sign3A_2313 : i32
        %rem3A_2315 = arith.remsi %add3A_2297, %jit3A_2298 : i32
        %ne3A_2316 = arith.constant 0 : i32
        %ne3A_2317 = arith.cmpi ne, %rem3A_2315, %ne3A_2316 : i32
        %and3A_2318 = arith.andi %ne3A_2314, %ne3A_2317 : i1
        %sub3A_2319 = arith.constant 1 : i32
        %sub3A_2320 = arith.subi %div3A_2299, %sub3A_2319 : i32
        %select_n3A_2321 = arith.select %and3A_2318, %sub3A_2320, %div3A_2299 : i32
        %multiple_of3A_2322 = tpu.assume_multiple %select_n3A_2321, 16 : i32
        %dma_start3A_2323 = arith.constant 304 : i32
        %dma_start3A_2324 = arith.constant 0 : i32
        %dma_start3A_2325 = tpu.memref_slice %arg6[%dma_start3A_2323, %dma_start3A_2324] : memref<320x128xf32, #tpu.memory_space<vmem>> -> memref<16x128xf32, #tpu.memory_space<vmem>>
        %dma_start3A_2326 = arith.constant 0 : i32
        %dma_start3A_2327 = tpu.memref_slice %arg2[%multiple_of3A_2322, %dma_start3A_2326] : memref<163840x128xf32, #tpu.memory_space<hbm>> -> memref<16x128xf32, #tpu.memory_space<hbm>>
        %dma_start3A_2328 = arith.constant 304 : i32
        %dma_start3A_2329 = arith.constant 0 : i32
        %dma_start3A_2330 = tpu.memref_slice %arg6[%dma_start3A_2328, %dma_start3A_2329] : memref<320x128xf32, #tpu.memory_space<vmem>> -> memref<16x128xf32, #tpu.memory_space<vmem>>
        %dma_start3A_2331 = arith.constant 0 : i32
        %dma_start3A_2332 = tpu.memref_slice %arg2[%multiple_of3A_2322, %dma_start3A_2331] : memref<163840x128xf32, #tpu.memory_space<hbm>> -> memref<16x128xf32, #tpu.memory_space<hbm>>
        tpu.enqueue_dma source(%dma_start3A_2332 : memref<16x128xf32, #tpu.memory_space<hbm>>) target(%dma_start3A_2330 : memref<16x128xf32, #tpu.memory_space<vmem>>) target_semaphore(%arg12 : memref<!tpu.dma_semaphore, #tpu.memory_space<semaphore_mem>>)
        %jit3A_2333 = arith.constant 128 : i32
        %div3A_2334 = arith.divsi %add3A_1592, %jit3A_2333 : i32
        %sign3A_2335 = arith.constant 0 : i32
        %sign3A_2336 = arith.cmpi sgt, %add3A_1592, %sign3A_2335 : i32
        %sign3A_2337 = arith.extui %sign3A_2336 : i1 to i32
        %sign3A_2338 = arith.constant 0 : i32
        %sign3A_2339 = arith.cmpi slt, %add3A_1592, %sign3A_2338 : i32
        %sign3A_2340 = arith.extui %sign3A_2339 : i1 to i32
        %sign3A_2341 = arith.subi %sign3A_2337, %sign3A_2340 : i32
        %sign3A_2342 = arith.constant 0 : i32
        %sign3A_2343 = arith.cmpi sgt, %jit3A_2333, %sign3A_2342 : i32
        %sign3A_2344 = arith.extui %sign3A_2343 : i1 to i32
        %sign3A_2345 = arith.constant 0 : i32
        %sign3A_2346 = arith.cmpi slt, %jit3A_2333, %sign3A_2345 : i32
        %sign3A_2347 = arith.extui %sign3A_2346 : i1 to i32
        %sign3A_2348 = arith.subi %sign3A_2344, %sign3A_2347 : i32
        %ne3A_2349 = arith.cmpi ne, %sign3A_2341, %sign3A_2348 : i32
        %rem3A_2350 = arith.remsi %add3A_1592, %jit3A_2333 : i32
        %ne3A_2351 = arith.constant 0 : i32
        %ne3A_2352 = arith.cmpi ne, %rem3A_2350, %ne3A_2351 : i32
        %and3A_2353 = arith.andi %ne3A_2349, %ne3A_2352 : i1
        %sub3A_2354 = arith.constant 1 : i32
        %sub3A_2355 = arith.subi %div3A_2334, %sub3A_2354 : i32
        %select_n3A_2356 = arith.select %and3A_2353, %sub3A_2355, %div3A_2334 : i32
        %multiple_of3A_2357 = tpu.assume_multiple %select_n3A_2356, 16 : i32
        %dma_start3A_2358 = arith.constant 0 : i32
        %dma_start3A_2359 = tpu.memref_slice %arg3[%multiple_of3A_2357, %dma_start3A_2358] : memref<8192x128xf32, #tpu.memory_space<hbm>> -> memref<16x128xf32, #tpu.memory_space<hbm>>
        %dma_start3A_2360 = arith.constant 0 : i32
        %dma_start3A_2361 = tpu.memref_slice %arg3[%multiple_of3A_2357, %dma_start3A_2360] : memref<8192x128xf32, #tpu.memory_space<hbm>> -> memref<16x128xf32, #tpu.memory_space<hbm>>
        tpu.enqueue_dma source(%dma_start3A_2361 : memref<16x128xf32, #tpu.memory_space<hbm>>) target(%arg8 : memref<16x128xf32, #tpu.memory_space<vmem>>) target_semaphore(%arg14 : memref<!tpu.dma_semaphore, #tpu.memory_space<semaphore_mem>>)
      } else {
      }
      %dma_wait3A_1571 = arith.constant 0 : i32
      %dma_wait3A_1572 = arith.constant 0 : i32
      %dma_wait3A_1573 = tpu.memref_slice %arg2[%dma_wait3A_1571, %dma_wait3A_1572] : memref<163840x128xf32, #tpu.memory_space<hbm>> -> memref<320x128xf32, #tpu.memory_space<hbm>>
      %dma_wait3A_1574 = arith.constant 0 : i32
      %dma_wait3A_1575 = arith.constant 0 : i32
      %dma_wait3A_1576 = tpu.memref_slice %arg2[%dma_wait3A_1574, %dma_wait3A_1575] : memref<163840x128xf32, #tpu.memory_space<hbm>> -> memref<320x128xf32, #tpu.memory_space<hbm>>
      tpu.wait_dma2 semaphore(%arg13 : memref<!tpu.dma_semaphore, #tpu.memory_space<semaphore_mem>>) src(%dma_wait3A_1576 : memref<320x128xf32, #tpu.memory_space<hbm>>) dst(%arg7 : memref<320x128xf32, #tpu.memory_space<vmem>>)
      %dma_wait3A_1577 = arith.constant 0 : i32
      %dma_wait3A_1578 = arith.constant 0 : i32
      %dma_wait3A_1579 = tpu.memref_slice %arg3[%dma_wait3A_1577, %dma_wait3A_1578] : memref<8192x128xf32, #tpu.memory_space<hbm>> -> memref<16x128xf32, #tpu.memory_space<hbm>>
      %dma_wait3A_1580 = arith.constant 0 : i32
      %dma_wait3A_1581 = arith.constant 0 : i32
      %dma_wait3A_1582 = tpu.memref_slice %arg3[%dma_wait3A_1580, %dma_wait3A_1581] : memref<8192x128xf32, #tpu.memory_space<hbm>> -> memref<16x128xf32, #tpu.memory_space<hbm>>
      tpu.wait_dma2 semaphore(%arg15 : memref<!tpu.dma_semaphore, #tpu.memory_space<semaphore_mem>>) src(%dma_wait3A_1582 : memref<16x128xf32, #tpu.memory_space<hbm>>) dst(%arg9 : memref<16x128xf32, #tpu.memory_space<vmem>>)
      %scan3A_1583 = arith.constant 0 : i32
      %scan3A_1584 = arith.constant 128 : i32
      %scan3A_1585 = arith.addi %scan3A_1583, %scan3A_1584 : i32
      %scan3A_1586 = arith.constant 1 : i32
      scf.for %scan3A_1588 = %scan3A_1583 to %scan3A_1585 step %scan3A_1586  : i32 {
        %mul3A_1589 = arith.constant 1 : i32
        %mul3A_1590 = arith.muli %scan3A_1588, %mul3A_1589 : i32
        %add3A_1591 = arith.constant 0 : i32
        %add3A_1592 = arith.addi %add3A_1591, %mul3A_1590 : i32
        %jit3A_1593 = arith.constant 8 : i32
        %div3A_1594 = arith.divsi %add3A_1592, %jit3A_1593 : i32
        %sign3A_1595 = arith.constant 0 : i32
        %sign3A_1596 = arith.cmpi sgt, %add3A_1592, %sign3A_1595 : i32
        %sign3A_1597 = arith.extui %sign3A_1596 : i1 to i32
        %sign3A_1598 = arith.constant 0 : i32
        %sign3A_1599 = arith.cmpi slt, %add3A_1592, %sign3A_1598 : i32
        %sign3A_1600 = arith.extui %sign3A_1599 : i1 to i32
        %sign3A_1601 = arith.subi %sign3A_1597, %sign3A_1600 : i32
        %sign3A_1602 = arith.constant 0 : i32
        %sign3A_1603 = arith.cmpi sgt, %jit3A_1593, %sign3A_1602 : i32
        %sign3A_1604 = arith.extui %sign3A_1603 : i1 to i32
        %sign3A_1605 = arith.constant 0 : i32
        %sign3A_1606 = arith.cmpi slt, %jit3A_1593, %sign3A_1605 : i32
        %sign3A_1607 = arith.extui %sign3A_1606 : i1 to i32
        %sign3A_1608 = arith.subi %sign3A_1604, %sign3A_1607 : i32
        %ne3A_1609 = arith.cmpi ne, %sign3A_1601, %sign3A_1608 : i32
        %rem3A_1610 = arith.remsi %add3A_1592, %jit3A_1593 : i32
        %ne3A_1611 = arith.constant 0 : i32
        %ne3A_1612 = arith.cmpi ne, %rem3A_1610, %ne3A_1611 : i32
        %and3A_1613 = arith.andi %ne3A_1609, %ne3A_1612 : i1
        %sub3A_1614 = arith.constant 1 : i32
        %sub3A_1615 = arith.subi %div3A_1594, %sub3A_1614 : i32
        %select_n3A_1616 = arith.select %and3A_1613, %sub3A_1615, %div3A_1594 : i32
        %jit3A_1617 = arith.constant 8 : i32
        %eq3A = arith.constant 0 : i32
        %eq3A_1618 = arith.cmpi eq, %jit3A_1617, %eq3A : i32
        %jit3A_1619 = arith.constant 1 : i32
        %select_n3A_1620 = arith.select %eq3A_1618, %jit3A_1619, %jit3A_1617 : i32
        %rem3A_1621 = arith.remsi %add3A_1592, %select_n3A_1620 : i32
        %ne3A_1622 = arith.constant 0 : i32
        %ne3A_1623 = arith.cmpi ne, %rem3A_1621, %ne3A_1622 : i32
        %lt3A_1624 = arith.constant 0 : i32
        %lt3A_1625 = arith.cmpi slt, %rem3A_1621, %lt3A_1624 : i32
        %lt3A_1626 = arith.constant 0 : i32
        %lt3A_1627 = arith.cmpi slt, %select_n3A_1620, %lt3A_1626 : i32
        %ne3A_1628 = arith.xori %lt3A_1625, %lt3A_1627 : i1
        %and3A_1629 = arith.andi %ne3A_1628, %ne3A_1623 : i1
        %add3A_1630 = arith.addi %rem3A_1621, %select_n3A_1620 : i32
        %select_n3A_1631 = arith.select %and3A_1629, %add3A_1630, %rem3A_1621 : i32
        %mul3A_1632 = arith.constant 16 : i32
        %mul3A_1633 = arith.muli %select_n3A_1631, %mul3A_1632 : i32
        %get3A = arith.index_cast %select_n3A_1616 : i32 to index
        %get3A_1634 = arith.index_cast %mul3A_1633 : i32 to index
        %get3A_1635 = tpu.vector_load %arg9[%get3A, %get3A_1634] {strides = array<i32>} : memref<16x128xf32, #tpu.memory_space<vmem>>, vector<16xf32>,
        %mul3A_1636 = arith.constant 1.000000e+02 : f32
        %mul3A_1637 = vector.broadcast %mul3A_1636 : f32 to vector<16xf32>
        %mul3A_1638 = arith.mulf %get3A_1635, %mul3A_1637 : vector<16xf32>
        %sub3A_1639 = arith.constant 1.000000e+02 : f32
        %sub3A_1640 = vector.broadcast %sub3A_1639 : f32 to vector<16xf32>
        %sub3A_1641 = arith.subf %mul3A_1638, %sub3A_1640 : vector<16xf32>
        %convert_element_type3A_1642 = arith.fptosi %sub3A_1641 : vector<16xf32> to vector<16xi32>
        %max3A = arith.constant 0 : i32
        %max3A_1643 = vector.broadcast %max3A : i32 to vector<16xi32>
        %max3A_1644 = arith.maxsi %convert_element_type3A_1642, %max3A_1643 : vector<16xi32>
        %min3A = arith.constant 399 : i32
        %min3A_1645 = vector.broadcast %min3A : i32 to vector<16xi32>
        %min3A_1646 = arith.minsi %max3A_1644, %min3A_1645 : vector<16xi32>
        %mul3A_1647 = arith.constant 3277 : i32
        %mul3A_1648 = vector.broadcast %mul3A_1647 : i32 to vector<16xi32>
        %mul3A_1649 = arith.muli %min3A_1646, %mul3A_1648 : vector<16xi32>
        %shift_right_arithmetic3A = arith.constant 16 : i32
        %shift_right_arithmetic3A_1650 = vector.broadcast %shift_right_arithmetic3A : i32 to vector<16xi32>
        %shift_right_arithmetic3A_1651 = arith.shrsi %mul3A_1649, %shift_right_arithmetic3A_1650 : vector<16xi32>
        %mul3A_1652 = arith.constant 336 : i32
        %mul3A_1653 = vector.broadcast %mul3A_1652 : i32 to vector<16xi32>
        %mul3A_1654 = arith.muli %shift_right_arithmetic3A_1651, %mul3A_1653 : vector<16xi32>
        %add3A_1655 = arith.addi %mul3A_1654, %iota3A : vector<16xi32>
        %broadcast_in_dim3A_1656 = arith.constant 0.000000e+00 : f32
        %broadcast_in_dim3A_1657 = vector.broadcast %broadcast_in_dim3A_1656 : f32 to vector<16xf32>
        %broadcast_in_dim3A_1658 = arith.constant 0.000000e+00 : f32
        %broadcast_in_dim3A_1659 = vector.broadcast %broadcast_in_dim3A_1658 : f32 to vector<16xf32>
        %add3A_1660 = arith.constant 0 : i32
        %add3A_1661 = arith.addi %add3A_1660, %select_n3A_1616 : i32
        %get3A_1662 = arith.index_cast %add3A_1661 : i32 to index
        %get3A_1663 = arith.index_cast %mul3A_1633 : i32 to index
        %get3A_1664 = tpu.vector_load %arg7[%get3A_1662, %get3A_1663] {strides = array<i32>} : memref<320x128xf32, #tpu.memory_space<vmem>>, vector<16xf32>,
        %add3A_1665 = arith.constant 0 : i32
        %add3A_1666 = vector.broadcast %add3A_1665 : i32 to vector<16xi32>
        %add3A_1667 = arith.addi %add3A_1655, %add3A_1666 : vector<16xi32>
        %gather3A = tpu.vector_load_idx %arg10[%add3A_1667] : memref<8192xf32, #tpu.memory_space<vmem>>[vector<16xi32>], vector<16xf32>,
        %sub3A_1668 = arith.subf %get3A_1664, %gather3A : vector<16xf32>
        %add3A_1669 = arith.addf %broadcast_in_dim3A_1657, %sub3A_1668 : vector<16xf32>
        %mul3A_1670 = arith.mulf %add3A_1669, %add3A_1669 : vector<16xf32>
        %add3A_1671 = arith.addf %broadcast_in_dim3A_1659, %mul3A_1670 : vector<16xf32>
        %add3A_1672 = arith.constant 16 : i32
        %add3A_1673 = arith.addi %add3A_1672, %select_n3A_1616 : i32
        %get3A_1674 = arith.index_cast %add3A_1673 : i32 to index
        %get3A_1675 = arith.index_cast %mul3A_1633 : i32 to index
        %get3A_1676 = tpu.vector_load %arg7[%get3A_1674, %get3A_1675] {strides = array<i32>} : memref<320x128xf32, #tpu.memory_space<vmem>>, vector<16xf32>,
        %add3A_1677 = arith.constant 16 : i32
        %add3A_1678 = vector.broadcast %add3A_1677 : i32 to vector<16xi32>
        %add3A_1679 = arith.addi %add3A_1655, %add3A_1678 : vector<16xi32>
        %gather3A_1680 = tpu.vector_load_idx %arg10[%add3A_1679] : memref<8192xf32, #tpu.memory_space<vmem>>[vector<16xi32>], vector<16xf32>,
        %sub3A_1681 = arith.subf %get3A_1676, %gather3A_1680 : vector<16xf32>
        %add3A_1682 = arith.addf %add3A_1669, %sub3A_1681 : vector<16xf32>
        %mul3A_1683 = arith.mulf %add3A_1682, %add3A_1682 : vector<16xf32>
        %add3A_1684 = arith.addf %add3A_1671, %mul3A_1683 : vector<16xf32>
        %add3A_1685 = arith.constant 32 : i32
        %add3A_1686 = arith.addi %add3A_1685, %select_n3A_1616 : i32
        %get3A_1687 = arith.index_cast %add3A_1686 : i32 to index
        %get3A_1688 = arith.index_cast %mul3A_1633 : i32 to index
        %get3A_1689 = tpu.vector_load %arg7[%get3A_1687, %get3A_1688] {strides = array<i32>} : memref<320x128xf32, #tpu.memory_space<vmem>>, vector<16xf32>,
        %add3A_1690 = arith.constant 32 : i32
        %add3A_1691 = vector.broadcast %add3A_1690 : i32 to vector<16xi32>
        %add3A_1692 = arith.addi %add3A_1655, %add3A_1691 : vector<16xi32>
        %gather3A_1693 = tpu.vector_load_idx %arg10[%add3A_1692] : memref<8192xf32, #tpu.memory_space<vmem>>[vector<16xi32>], vector<16xf32>,
        %sub3A_1694 = arith.subf %get3A_1689, %gather3A_1693 : vector<16xf32>
        %add3A_1695 = arith.addf %add3A_1682, %sub3A_1694 : vector<16xf32>
        %mul3A_1696 = arith.mulf %add3A_1695, %add3A_1695 : vector<16xf32>
        %add3A_1697 = arith.addf %add3A_1684, %mul3A_1696 : vector<16xf32>
        %add3A_1698 = arith.constant 48 : i32
        %add3A_1699 = arith.addi %add3A_1698, %select_n3A_1616 : i32
        %get3A_1700 = arith.index_cast %add3A_1699 : i32 to index
        %get3A_1701 = arith.index_cast %mul3A_1633 : i32 to index
        %get3A_1702 = tpu.vector_load %arg7[%get3A_1700, %get3A_1701] {strides = array<i32>} : memref<320x128xf32, #tpu.memory_space<vmem>>, vector<16xf32>,
        %add3A_1703 = arith.constant 48 : i32
        %add3A_1704 = vector.broadcast %add3A_1703 : i32 to vector<16xi32>
        %add3A_1705 = arith.addi %add3A_1655, %add3A_1704 : vector<16xi32>
        %gather3A_1706 = tpu.vector_load_idx %arg10[%add3A_1705] : memref<8192xf32, #tpu.memory_space<vmem>>[vector<16xi32>], vector<16xf32>,
        %sub3A_1707 = arith.subf %get3A_1702, %gather3A_1706 : vector<16xf32>
        %add3A_1708 = arith.addf %add3A_1695, %sub3A_1707 : vector<16xf32>
        %mul3A_1709 = arith.mulf %add3A_1708, %add3A_1708 : vector<16xf32>
        %add3A_1710 = arith.addf %add3A_1697, %mul3A_1709 : vector<16xf32>
        %add3A_1711 = arith.constant 64 : i32
        %add3A_1712 = arith.addi %add3A_1711, %select_n3A_1616 : i32
        %get3A_1713 = arith.index_cast %add3A_1712 : i32 to index
        %get3A_1714 = arith.index_cast %mul3A_1633 : i32 to index
        %get3A_1715 = tpu.vector_load %arg7[%get3A_1713, %get3A_1714] {strides = array<i32>} : memref<320x128xf32, #tpu.memory_space<vmem>>, vector<16xf32>,
        %add3A_1716 = arith.constant 64 : i32
        %add3A_1717 = vector.broadcast %add3A_1716 : i32 to vector<16xi32>
        %add3A_1718 = arith.addi %add3A_1655, %add3A_1717 : vector<16xi32>
        %gather3A_1719 = tpu.vector_load_idx %arg10[%add3A_1718] : memref<8192xf32, #tpu.memory_space<vmem>>[vector<16xi32>], vector<16xf32>,
        %sub3A_1720 = arith.subf %get3A_1715, %gather3A_1719 : vector<16xf32>
        %add3A_1721 = arith.addf %add3A_1708, %sub3A_1720 : vector<16xf32>
        %mul3A_1722 = arith.mulf %add3A_1721, %add3A_1721 : vector<16xf32>
        %add3A_1723 = arith.addf %add3A_1710, %mul3A_1722 : vector<16xf32>
        %add3A_1724 = arith.constant 80 : i32
        %add3A_1725 = arith.addi %add3A_1724, %select_n3A_1616 : i32
        %get3A_1726 = arith.index_cast %add3A_1725 : i32 to index
        %get3A_1727 = arith.index_cast %mul3A_1633 : i32 to index
        %get3A_1728 = tpu.vector_load %arg7[%get3A_1726, %get3A_1727] {strides = array<i32>} : memref<320x128xf32, #tpu.memory_space<vmem>>, vector<16xf32>,
        %add3A_1729 = arith.constant 80 : i32
        %add3A_1730 = vector.broadcast %add3A_1729 : i32 to vector<16xi32>
        %add3A_1731 = arith.addi %add3A_1655, %add3A_1730 : vector<16xi32>
        %gather3A_1732 = tpu.vector_load_idx %arg10[%add3A_1731] : memref<8192xf32, #tpu.memory_space<vmem>>[vector<16xi32>], vector<16xf32>,
        %sub3A_1733 = arith.subf %get3A_1728, %gather3A_1732 : vector<16xf32>
        %add3A_1734 = arith.addf %add3A_1721, %sub3A_1733 : vector<16xf32>
        %mul3A_1735 = arith.mulf %add3A_1734, %add3A_1734 : vector<16xf32>
        %add3A_1736 = arith.addf %add3A_1723, %mul3A_1735 : vector<16xf32>
        %add3A_1737 = arith.constant 96 : i32
        %add3A_1738 = arith.addi %add3A_1737, %select_n3A_1616 : i32
        %get3A_1739 = arith.index_cast %add3A_1738 : i32 to index
        %get3A_1740 = arith.index_cast %mul3A_1633 : i32 to index
        %get3A_1741 = tpu.vector_load %arg7[%get3A_1739, %get3A_1740] {strides = array<i32>} : memref<320x128xf32, #tpu.memory_space<vmem>>, vector<16xf32>,
        %add3A_1742 = arith.constant 96 : i32
        %add3A_1743 = vector.broadcast %add3A_1742 : i32 to vector<16xi32>
        %add3A_1744 = arith.addi %add3A_1655, %add3A_1743 : vector<16xi32>
        %gather3A_1745 = tpu.vector_load_idx %arg10[%add3A_1744] : memref<8192xf32, #tpu.memory_space<vmem>>[vector<16xi32>], vector<16xf32>,
        %sub3A_1746 = arith.subf %get3A_1741, %gather3A_1745 : vector<16xf32>
        %add3A_1747 = arith.addf %add3A_1734, %sub3A_1746 : vector<16xf32>
        %mul3A_1748 = arith.mulf %add3A_1747, %add3A_1747 : vector<16xf32>
        %add3A_1749 = arith.addf %add3A_1736, %mul3A_1748 : vector<16xf32>
        %add3A_1750 = arith.constant 112 : i32
        %add3A_1751 = arith.addi %add3A_1750, %select_n3A_1616 : i32
        %get3A_1752 = arith.index_cast %add3A_1751 : i32 to index
        %get3A_1753 = arith.index_cast %mul3A_1633 : i32 to index
        %get3A_1754 = tpu.vector_load %arg7[%get3A_1752, %get3A_1753] {strides = array<i32>} : memref<320x128xf32, #tpu.memory_space<vmem>>, vector<16xf32>,
        %add3A_1755 = arith.constant 112 : i32
        %add3A_1756 = vector.broadcast %add3A_1755 : i32 to vector<16xi32>
        %add3A_1757 = arith.addi %add3A_1655, %add3A_1756 : vector<16xi32>
        %gather3A_1758 = tpu.vector_load_idx %arg10[%add3A_1757] : memref<8192xf32, #tpu.memory_space<vmem>>[vector<16xi32>], vector<16xf32>,
        %sub3A_1759 = arith.subf %get3A_1754, %gather3A_1758 : vector<16xf32>
        %add3A_1760 = arith.addf %add3A_1747, %sub3A_1759 : vector<16xf32>
        %mul3A_1761 = arith.mulf %add3A_1760, %add3A_1760 : vector<16xf32>
        %add3A_1762 = arith.addf %add3A_1749, %mul3A_1761 : vector<16xf32>
        %add3A_1763 = arith.constant 128 : i32
        %add3A_1764 = arith.addi %add3A_1763, %select_n3A_1616 : i32
        %get3A_1765 = arith.index_cast %add3A_1764 : i32 to index
        %get3A_1766 = arith.index_cast %mul3A_1633 : i32 to index
        %get3A_1767 = tpu.vector_load %arg7[%get3A_1765, %get3A_1766] {strides = array<i32>} : memref<320x128xf32, #tpu.memory_space<vmem>>, vector<16xf32>,
        %add3A_1768 = arith.constant 128 : i32
        %add3A_1769 = vector.broadcast %add3A_1768 : i32 to vector<16xi32>
        %add3A_1770 = arith.addi %add3A_1655, %add3A_1769 : vector<16xi32>
        %gather3A_1771 = tpu.vector_load_idx %arg10[%add3A_1770] : memref<8192xf32, #tpu.memory_space<vmem>>[vector<16xi32>], vector<16xf32>,
        %sub3A_1772 = arith.subf %get3A_1767, %gather3A_1771 : vector<16xf32>
        %add3A_1773 = arith.addf %add3A_1760, %sub3A_1772 : vector<16xf32>
        %mul3A_1774 = arith.mulf %add3A_1773, %add3A_1773 : vector<16xf32>
        %add3A_1775 = arith.addf %add3A_1762, %mul3A_1774 : vector<16xf32>
        %add3A_1776 = arith.constant 144 : i32
        %add3A_1777 = arith.addi %add3A_1776, %select_n3A_1616 : i32
        %get3A_1778 = arith.index_cast %add3A_1777 : i32 to index
        %get3A_1779 = arith.index_cast %mul3A_1633 : i32 to index
        %get3A_1780 = tpu.vector_load %arg7[%get3A_1778, %get3A_1779] {strides = array<i32>} : memref<320x128xf32, #tpu.memory_space<vmem>>, vector<16xf32>,
        %add3A_1781 = arith.constant 144 : i32
        %add3A_1782 = vector.broadcast %add3A_1781 : i32 to vector<16xi32>
        %add3A_1783 = arith.addi %add3A_1655, %add3A_1782 : vector<16xi32>
        %gather3A_1784 = tpu.vector_load_idx %arg10[%add3A_1783] : memref<8192xf32, #tpu.memory_space<vmem>>[vector<16xi32>], vector<16xf32>,
        %sub3A_1785 = arith.subf %get3A_1780, %gather3A_1784 : vector<16xf32>
        %add3A_1786 = arith.addf %add3A_1773, %sub3A_1785 : vector<16xf32>
        %mul3A_1787 = arith.mulf %add3A_1786, %add3A_1786 : vector<16xf32>
        %add3A_1788 = arith.addf %add3A_1775, %mul3A_1787 : vector<16xf32>
        %add3A_1789 = arith.constant 160 : i32
        %add3A_1790 = arith.addi %add3A_1789, %select_n3A_1616 : i32
        %get3A_1791 = arith.index_cast %add3A_1790 : i32 to index
        %get3A_1792 = arith.index_cast %mul3A_1633 : i32 to index
        %get3A_1793 = tpu.vector_load %arg7[%get3A_1791, %get3A_1792] {strides = array<i32>} : memref<320x128xf32, #tpu.memory_space<vmem>>, vector<16xf32>,
        %add3A_1794 = arith.constant 160 : i32
        %add3A_1795 = vector.broadcast %add3A_1794 : i32 to vector<16xi32>
        %add3A_1796 = arith.addi %add3A_1655, %add3A_1795 : vector<16xi32>
        %gather3A_1797 = tpu.vector_load_idx %arg10[%add3A_1796] : memref<8192xf32, #tpu.memory_space<vmem>>[vector<16xi32>], vector<16xf32>,
        %sub3A_1798 = arith.subf %get3A_1793, %gather3A_1797 : vector<16xf32>
        %add3A_1799 = arith.addf %add3A_1786, %sub3A_1798 : vector<16xf32>
        %mul3A_1800 = arith.mulf %add3A_1799, %add3A_1799 : vector<16xf32>
        %add3A_1801 = arith.addf %add3A_1788, %mul3A_1800 : vector<16xf32>
        %add3A_1802 = arith.constant 176 : i32
        %add3A_1803 = arith.addi %add3A_1802, %select_n3A_1616 : i32
        %get3A_1804 = arith.index_cast %add3A_1803 : i32 to index
        %get3A_1805 = arith.index_cast %mul3A_1633 : i32 to index
        %get3A_1806 = tpu.vector_load %arg7[%get3A_1804, %get3A_1805] {strides = array<i32>} : memref<320x128xf32, #tpu.memory_space<vmem>>, vector<16xf32>,
        %add3A_1807 = arith.constant 176 : i32
        %add3A_1808 = vector.broadcast %add3A_1807 : i32 to vector<16xi32>
        %add3A_1809 = arith.addi %add3A_1655, %add3A_1808 : vector<16xi32>
        %gather3A_1810 = tpu.vector_load_idx %arg10[%add3A_1809] : memref<8192xf32, #tpu.memory_space<vmem>>[vector<16xi32>], vector<16xf32>,
        %sub3A_1811 = arith.subf %get3A_1806, %gather3A_1810 : vector<16xf32>
        %add3A_1812 = arith.addf %add3A_1799, %sub3A_1811 : vector<16xf32>
        %mul3A_1813 = arith.mulf %add3A_1812, %add3A_1812 : vector<16xf32>
        %add3A_1814 = arith.addf %add3A_1801, %mul3A_1813 : vector<16xf32>
        %add3A_1815 = arith.constant 192 : i32
        %add3A_1816 = arith.addi %add3A_1815, %select_n3A_1616 : i32
        %get3A_1817 = arith.index_cast %add3A_1816 : i32 to index
        %get3A_1818 = arith.index_cast %mul3A_1633 : i32 to index
        %get3A_1819 = tpu.vector_load %arg7[%get3A_1817, %get3A_1818] {strides = array<i32>} : memref<320x128xf32, #tpu.memory_space<vmem>>, vector<16xf32>,
        %add3A_1820 = arith.constant 192 : i32
        %add3A_1821 = vector.broadcast %add3A_1820 : i32 to vector<16xi32>
        %add3A_1822 = arith.addi %add3A_1655, %add3A_1821 : vector<16xi32>
        %gather3A_1823 = tpu.vector_load_idx %arg10[%add3A_1822] : memref<8192xf32, #tpu.memory_space<vmem>>[vector<16xi32>], vector<16xf32>,
        %sub3A_1824 = arith.subf %get3A_1819, %gather3A_1823 : vector<16xf32>
        %add3A_1825 = arith.addf %add3A_1812, %sub3A_1824 : vector<16xf32>
        %mul3A_1826 = arith.mulf %add3A_1825, %add3A_1825 : vector<16xf32>
        %add3A_1827 = arith.addf %add3A_1814, %mul3A_1826 : vector<16xf32>
        %add3A_1828 = arith.constant 208 : i32
        %add3A_1829 = arith.addi %add3A_1828, %select_n3A_1616 : i32
        %get3A_1830 = arith.index_cast %add3A_1829 : i32 to index
        %get3A_1831 = arith.index_cast %mul3A_1633 : i32 to index
        %get3A_1832 = tpu.vector_load %arg7[%get3A_1830, %get3A_1831] {strides = array<i32>} : memref<320x128xf32, #tpu.memory_space<vmem>>, vector<16xf32>,
        %add3A_1833 = arith.constant 208 : i32
        %add3A_1834 = vector.broadcast %add3A_1833 : i32 to vector<16xi32>
        %add3A_1835 = arith.addi %add3A_1655, %add3A_1834 : vector<16xi32>
        %gather3A_1836 = tpu.vector_load_idx %arg10[%add3A_1835] : memref<8192xf32, #tpu.memory_space<vmem>>[vector<16xi32>], vector<16xf32>,
        %sub3A_1837 = arith.subf %get3A_1832, %gather3A_1836 : vector<16xf32>
        %add3A_1838 = arith.addf %add3A_1825, %sub3A_1837 : vector<16xf32>
        %mul3A_1839 = arith.mulf %add3A_1838, %add3A_1838 : vector<16xf32>
        %add3A_1840 = arith.addf %add3A_1827, %mul3A_1839 : vector<16xf32>
        %add3A_1841 = arith.constant 224 : i32
        %add3A_1842 = arith.addi %add3A_1841, %select_n3A_1616 : i32
        %get3A_1843 = arith.index_cast %add3A_1842 : i32 to index
        %get3A_1844 = arith.index_cast %mul3A_1633 : i32 to index
        %get3A_1845 = tpu.vector_load %arg7[%get3A_1843, %get3A_1844] {strides = array<i32>} : memref<320x128xf32, #tpu.memory_space<vmem>>, vector<16xf32>,
        %add3A_1846 = arith.constant 224 : i32
        %add3A_1847 = vector.broadcast %add3A_1846 : i32 to vector<16xi32>
        %add3A_1848 = arith.addi %add3A_1655, %add3A_1847 : vector<16xi32>
        %gather3A_1849 = tpu.vector_load_idx %arg10[%add3A_1848] : memref<8192xf32, #tpu.memory_space<vmem>>[vector<16xi32>], vector<16xf32>,
        %sub3A_1850 = arith.subf %get3A_1845, %gather3A_1849 : vector<16xf32>
        %add3A_1851 = arith.addf %add3A_1838, %sub3A_1850 : vector<16xf32>
        %mul3A_1852 = arith.mulf %add3A_1851, %add3A_1851 : vector<16xf32>
        %add3A_1853 = arith.addf %add3A_1840, %mul3A_1852 : vector<16xf32>
        %add3A_1854 = arith.constant 240 : i32
        %add3A_1855 = arith.addi %add3A_1854, %select_n3A_1616 : i32
        %get3A_1856 = arith.index_cast %add3A_1855 : i32 to index
        %get3A_1857 = arith.index_cast %mul3A_1633 : i32 to index
        %get3A_1858 = tpu.vector_load %arg7[%get3A_1856, %get3A_1857] {strides = array<i32>} : memref<320x128xf32, #tpu.memory_space<vmem>>, vector<16xf32>,
        %add3A_1859 = arith.constant 240 : i32
        %add3A_1860 = vector.broadcast %add3A_1859 : i32 to vector<16xi32>
        %add3A_1861 = arith.addi %add3A_1655, %add3A_1860 : vector<16xi32>
        %gather3A_1862 = tpu.vector_load_idx %arg10[%add3A_1861] : memref<8192xf32, #tpu.memory_space<vmem>>[vector<16xi32>], vector<16xf32>,
        %sub3A_1863 = arith.subf %get3A_1858, %gather3A_1862 : vector<16xf32>
        %add3A_1864 = arith.addf %add3A_1851, %sub3A_1863 : vector<16xf32>
        %mul3A_1865 = arith.mulf %add3A_1864, %add3A_1864 : vector<16xf32>
        %add3A_1866 = arith.addf %add3A_1853, %mul3A_1865 : vector<16xf32>
        %add3A_1867 = arith.constant 256 : i32
        %add3A_1868 = arith.addi %add3A_1867, %select_n3A_1616 : i32
        %get3A_1869 = arith.index_cast %add3A_1868 : i32 to index
        %get3A_1870 = arith.index_cast %mul3A_1633 : i32 to index
        %get3A_1871 = tpu.vector_load %arg7[%get3A_1869, %get3A_1870] {strides = array<i32>} : memref<320x128xf32, #tpu.memory_space<vmem>>, vector<16xf32>,
        %add3A_1872 = arith.constant 256 : i32
        %add3A_1873 = vector.broadcast %add3A_1872 : i32 to vector<16xi32>
        %add3A_1874 = arith.addi %add3A_1655, %add3A_1873 : vector<16xi32>
        %gather3A_1875 = tpu.vector_load_idx %arg10[%add3A_1874] : memref<8192xf32, #tpu.memory_space<vmem>>[vector<16xi32>], vector<16xf32>,
        %sub3A_1876 = arith.subf %get3A_1871, %gather3A_1875 : vector<16xf32>
        %add3A_1877 = arith.addf %add3A_1864, %sub3A_1876 : vector<16xf32>
        %mul3A_1878 = arith.mulf %add3A_1877, %add3A_1877 : vector<16xf32>
        %add3A_1879 = arith.addf %add3A_1866, %mul3A_1878 : vector<16xf32>
        %add3A_1880 = arith.constant 272 : i32
        %add3A_1881 = arith.addi %add3A_1880, %select_n3A_1616 : i32
        %get3A_1882 = arith.index_cast %add3A_1881 : i32 to index
        %get3A_1883 = arith.index_cast %mul3A_1633 : i32 to index
        %get3A_1884 = tpu.vector_load %arg7[%get3A_1882, %get3A_1883] {strides = array<i32>} : memref<320x128xf32, #tpu.memory_space<vmem>>, vector<16xf32>,
        %add3A_1885 = arith.constant 272 : i32
        %add3A_1886 = vector.broadcast %add3A_1885 : i32 to vector<16xi32>
        %add3A_1887 = arith.addi %add3A_1655, %add3A_1886 : vector<16xi32>
        %gather3A_1888 = tpu.vector_load_idx %arg10[%add3A_1887] : memref<8192xf32, #tpu.memory_space<vmem>>[vector<16xi32>], vector<16xf32>,
        %sub3A_1889 = arith.subf %get3A_1884, %gather3A_1888 : vector<16xf32>
        %add3A_1890 = arith.addf %add3A_1877, %sub3A_1889 : vector<16xf32>
        %mul3A_1891 = arith.mulf %add3A_1890, %add3A_1890 : vector<16xf32>
        %add3A_1892 = arith.addf %add3A_1879, %mul3A_1891 : vector<16xf32>
        %add3A_1893 = arith.constant 288 : i32
        %add3A_1894 = arith.addi %add3A_1893, %select_n3A_1616 : i32
        %get3A_1895 = arith.index_cast %add3A_1894 : i32 to index
        %get3A_1896 = arith.index_cast %mul3A_1633 : i32 to index
        %get3A_1897 = tpu.vector_load %arg7[%get3A_1895, %get3A_1896] {strides = array<i32>} : memref<320x128xf32, #tpu.memory_space<vmem>>, vector<16xf32>,
        %add3A_1898 = arith.constant 288 : i32
        %add3A_1899 = vector.broadcast %add3A_1898 : i32 to vector<16xi32>
        %add3A_1900 = arith.addi %add3A_1655, %add3A_1899 : vector<16xi32>
        %gather3A_1901 = tpu.vector_load_idx %arg10[%add3A_1900] : memref<8192xf32, #tpu.memory_space<vmem>>[vector<16xi32>], vector<16xf32>,
        %sub3A_1902 = arith.subf %get3A_1897, %gather3A_1901 : vector<16xf32>
        %add3A_1903 = arith.addf %add3A_1890, %sub3A_1902 : vector<16xf32>
        %mul3A_1904 = arith.mulf %add3A_1903, %add3A_1903 : vector<16xf32>
        %add3A_1905 = arith.addf %add3A_1892, %mul3A_1904 : vector<16xf32>
        %add3A_1906 = arith.constant 304 : i32
        %add3A_1907 = arith.addi %add3A_1906, %select_n3A_1616 : i32
        %get3A_1908 = arith.index_cast %add3A_1907 : i32 to index
        %get3A_1909 = arith.index_cast %mul3A_1633 : i32 to index
        %get3A_1910 = tpu.vector_load %arg7[%get3A_1908, %get3A_1909] {strides = array<i32>} : memref<320x128xf32, #tpu.memory_space<vmem>>, vector<16xf32>,
        %add3A_1911 = arith.constant 304 : i32
        %add3A_1912 = vector.broadcast %add3A_1911 : i32 to vector<16xi32>
        %add3A_1913 = arith.addi %add3A_1655, %add3A_1912 : vector<16xi32>
        %gather3A_1914 = tpu.vector_load_idx %arg10[%add3A_1913] : memref<8192xf32, #tpu.memory_space<vmem>>[vector<16xi32>], vector<16xf32>,
        %sub3A_1915 = arith.subf %get3A_1910, %gather3A_1914 : vector<16xf32>
        %add3A_1916 = arith.addf %add3A_1903, %sub3A_1915 : vector<16xf32>
        %mul3A_1917 = arith.mulf %add3A_1916, %add3A_1916 : vector<16xf32>
        %add3A_1918 = arith.addf %add3A_1905, %mul3A_1917 : vector<16xf32>
        %mul3A_1919 = arith.constant 5.000000e-02 : f32
        %mul3A_1920 = vector.broadcast %mul3A_1919 : f32 to vector<16xf32>
        %mul3A_1921 = arith.mulf %add3A_1918, %mul3A_1920 : vector<16xf32>
        %add3A_1922 = arith.constant 9.99999997E-7 : f32
        %add3A_1923 = vector.broadcast %add3A_1922 : f32 to vector<16xf32>
        %add3A_1924 = arith.addf %mul3A_1921, %add3A_1923 : vector<16xf32>
        %bitcast3A = vector.bitcast %add3A_1924 : vector<16xf32> to vector<16xi32>
        %shift_right_arithmetic3A_1925 = arith.constant 1 : i32
        %shift_right_arithmetic3A_1926 = vector.broadcast %shift_right_arithmetic3A_1925 : i32 to vector<16xi32>
        %shift_right_arithmetic3A_1927 = arith.shrsi %bitcast3A, %shift_right_arithmetic3A_1926 : vector<16xi32>
        %sub3A_1928 = arith.constant 1597463007 : i32
        %sub3A_1929 = vector.broadcast %sub3A_1928 : i32 to vector<16xi32>
        %sub3A_1930 = arith.subi %sub3A_1929, %shift_right_arithmetic3A_1927 : vector<16xi32>
        %bitcast3A_1931 = vector.bitcast %sub3A_1930 : vector<16xi32> to vector<16xf32>
        %mul3A_1932 = arith.constant 5.000000e-01 : f32
        %mul3A_1933 = vector.broadcast %mul3A_1932 : f32 to vector<16xf32>
        %mul3A_1934 = arith.mulf %mul3A_1933, %add3A_1924 : vector<16xf32>
        %mul3A_1935 = arith.mulf %mul3A_1934, %bitcast3A_1931 : vector<16xf32>
        %mul3A_1936 = arith.mulf %mul3A_1935, %bitcast3A_1931 : vector<16xf32>
        %sub3A_1937 = arith.constant 1.500000e+00 : f32
        %sub3A_1938 = vector.broadcast %sub3A_1937 : f32 to vector<16xf32>
        %sub3A_1939 = arith.subf %sub3A_1938, %mul3A_1936 : vector<16xf32>
        %mul3A_1940 = arith.mulf %bitcast3A_1931, %sub3A_1939 : vector<16xf32>
        %mul3A_1941 = arith.constant 5.000000e-01 : f32
        %mul3A_1942 = vector.broadcast %mul3A_1941 : f32 to vector<16xf32>
        %mul3A_1943 = arith.mulf %mul3A_1942, %add3A_1924 : vector<16xf32>
        %mul3A_1944 = arith.mulf %mul3A_1943, %mul3A_1940 : vector<16xf32>
        %mul3A_1945 = arith.mulf %mul3A_1944, %mul3A_1940 : vector<16xf32>
        %sub3A_1946 = arith.constant 1.500000e+00 : f32
        %sub3A_1947 = vector.broadcast %sub3A_1946 : f32 to vector<16xf32>
        %sub3A_1948 = arith.subf %sub3A_1947, %mul3A_1945 : vector<16xf32>
        %mul3A_1949 = arith.mulf %mul3A_1940, %sub3A_1948 : vector<16xf32>
        %mul3A_1950 = arith.constant 5.000000e-01 : f32
        %mul3A_1951 = vector.broadcast %mul3A_1950 : f32 to vector<16xf32>
        %mul3A_1952 = arith.mulf %mul3A_1951, %add3A_1924 : vector<16xf32>
        %mul3A_1953 = arith.mulf %mul3A_1952, %mul3A_1949 : vector<16xf32>
        %mul3A_1954 = arith.mulf %mul3A_1953, %mul3A_1949 : vector<16xf32>
        %sub3A_1955 = arith.constant 1.500000e+00 : f32
        %sub3A_1956 = vector.broadcast %sub3A_1955 : f32 to vector<16xf32>
        %sub3A_1957 = arith.subf %sub3A_1956, %mul3A_1954 : vector<16xf32>
        %mul3A_1958 = arith.mulf %mul3A_1949, %sub3A_1957 : vector<16xf32>
        %get3A_1959 = arith.constant 0 : index
        %get3A_1960 = tpu.vector_load %arg11[%get3A_1959] {strides = array<i32>} : memref<16xf32, #tpu.memory_space<vmem>>, vector<16xf32>,
        %mul3A_1961 = arith.mulf %add3A_1924, %mul3A_1958 : vector<16xf32>
        %add3A_1962 = arith.addf %get3A_1960, %mul3A_1961 : vector<16xf32>
        %swap3A_1963 = arith.constant 0 : index
        %swap3A_1964 = tpu.vector_load %arg11[%swap3A_1963] {strides = array<i32>} : memref<16xf32, #tpu.memory_space<vmem>>, vector<16xf32>,
        tpu.vector_store %arg11[%swap3A_1963], %add3A_1962 {strides = array<i32>} : memref<16xf32, #tpu.memory_space<vmem>>, vector<16xf32>,
      }
      %scan3A_1587 = arith.constant 128 : i32
    }
    %scan3A_769 = arith.constant 3 : i32
    %mul3A_770 = arith.constant 16 : i32
    %mul3A_771 = arith.muli %add3A, %mul3A_770 : i32
    "tpu.region"() ({
      %run_scoped3A = tpu.sem_alloc : memref<!tpu.dma_semaphore, #tpu.memory_space<semaphore_mem>>
      %dma_start3A_772 = tpu.memref_slice %arg5[%mul3A_771] : memref<512xf32, #tpu.memory_space<hbm>> -> memref<16xf32, #tpu.memory_space<hbm>>
      %dma_start3A_773 = tpu.memref_slice %arg5[%mul3A_771] : memref<512xf32, #tpu.memory_space<hbm>> -> memref<16xf32, #tpu.memory_space<hbm>>
      tpu.enqueue_dma source(%arg11 : memref<16xf32, #tpu.memory_space<vmem>>) target(%dma_start3A_773 : memref<16xf32, #tpu.memory_space<hbm>>) target_semaphore(%run_scoped3A : memref<!tpu.dma_semaphore, #tpu.memory_space<semaphore_mem>>)
      %dma_wait3A = tpu.memref_slice %arg5[%mul3A_771] : memref<512xf32, #tpu.memory_space<hbm>> -> memref<16xf32, #tpu.memory_space<hbm>>
      %dma_wait3A_774 = tpu.memref_slice %arg5[%mul3A_771] : memref<512xf32, #tpu.memory_space<hbm>> -> memref<16xf32, #tpu.memory_space<hbm>>
      tpu.wait_dma2 semaphore(%run_scoped3A : memref<!tpu.dma_semaphore, #tpu.memory_space<semaphore_mem>>) src(%arg11 : memref<16xf32, #tpu.memory_space<vmem>>) dst(%dma_wait3A_774 : memref<16xf32, #tpu.memory_space<hbm>>)
      tpu.yield
    }) : () -> ()
    return
  }
}

module attributes {stable_mosaic.version = 14 : i64} {
  func.func @_tc_body(%arg0: i32, %arg1: memref<64x128xf32, #tpu.memory_space<vmem>>, %arg2: memref<64x128xf32, #tpu.memory_space<vmem>>, %arg3: memref<64x128xf32, #tpu.memory_space<vmem>>, %arg4: memref<64x128xf32, #tpu.memory_space<vmem>>, %arg5: memref<64x128xf32, #tpu.memory_space<vmem>>, %arg6: memref<64x128xf32, #tpu.memory_space<vmem>>, %arg7: memref<64x128xf32, #tpu.memory_space<vmem>>, %arg8: memref<64x128xf32, #tpu.memory_space<vmem>>, %arg9: memref<64x128xf32, #tpu.memory_space<vmem>>, %arg10: memref<64x128xf32, #tpu.memory_space<vmem>>, %arg11: memref<64x128xf32, #tpu.memory_space<vmem>>, %arg12: memref<64x128xf32, #tpu.memory_space<vmem>>, %arg13: memref<64x128xf32, #tpu.memory_space<vmem>>, %arg14: memref<64x128xf32, #tpu.memory_space<vmem>>, %arg15: memref<64x128xf32, #tpu.memory_space<vmem>>, %arg16: memref<64x128xf32, #tpu.memory_space<vmem>>, %arg17: memref<64x128xf32, #tpu.memory_space<vmem>>, %arg18: memref<64x128xf32, #tpu.memory_space<vmem>>, %arg19: memref<64x128xf32, #tpu.memory_space<vmem>>, %arg20: memref<64x128xf32, #tpu.memory_space<vmem>>, %arg21: memref<64x128xf32, #tpu.memory_space<vmem>>, %arg22: memref<64x128xf32, #tpu.memory_space<vmem>>) attributes {dimension_semantics = [#tpu.dimension_semantics<arbitrary>], iteration_bounds = array<i64: 80>, scalar_prefetch = 0 : i64, scratch_operands = 0 : i64, tpu.core_type = #tpu.core_type<tc>, window_params = [{transform_indices = @transform_0, window_bounds = array<i64: 64, 128>}, {transform_indices = @transform_1, window_bounds = array<i64: 64, 128>}, {transform_indices = @transform_2, window_bounds = array<i64: 64, 128>}, {transform_indices = @transform_3, window_bounds = array<i64: 64, 128>}, {transform_indices = @transform_4, window_bounds = array<i64: 64, 128>}, {transform_indices = @transform_5, window_bounds = array<i64: 64, 128>}, {transform_indices = @transform_6, window_bounds = array<i64: 64, 128>}, {transform_indices = @transform_7, window_bounds = array<i64: 64, 128>}, {transform_indices = @transform_8, window_bounds = array<i64: 64, 128>}, {transform_indices = @transform_9, window_bounds = array<i64: 64, 128>}, {transform_indices = @transform_10, window_bounds = array<i64: 64, 128>}, {transform_indices = @transform_11, window_bounds = array<i64: 64, 128>}, {transform_indices = @transform_12, window_bounds = array<i64: 64, 128>}, {transform_indices = @transform_13, window_bounds = array<i64: 64, 128>}, {transform_indices = @transform_14, window_bounds = array<i64: 64, 128>}, {transform_indices = @transform_15, window_bounds = array<i64: 64, 128>}, {transform_indices = @transform_16, window_bounds = array<i64: 64, 128>}, {transform_indices = @transform_17, window_bounds = array<i64: 64, 128>}, {transform_indices = @transform_18, window_bounds = array<i64: 64, 128>}, {transform_indices = @transform_19, window_bounds = array<i64: 64, 128>}, {transform_indices = @transform_20, window_bounds = array<i64: 64, 128>}, {pipeline_mode = #tpu.pipeline_mode<synchronous>, transform_indices = @transform_21, window_bounds = array<i64: 64, 128>}]} {
    %get3A = arith.constant 0 : index
    %get3A_0 = arith.constant 0 : index
    %get3A_1 = vector.load %arg21[%get3A, %get3A_0] : memref<64x128xf32, #tpu.memory_space<vmem>>, vector<64x128xf32>
    %mul3A = arith.constant 1.000000e+02 : f32
    %mul3A_2 = vector.broadcast %mul3A : f32 to vector<64x128xf32>
    %mul3A_3 = arith.mulf %get3A_1, %mul3A_2 : vector<64x128xf32>
    %sub3A = arith.constant 1.000000e+02 : f32
    %sub3A_4 = vector.broadcast %sub3A : f32 to vector<64x128xf32>
    %sub3A_5 = arith.subf %mul3A_3, %sub3A_4 : vector<64x128xf32>
    %convert_element_type3A = arith.fptosi %sub3A_5 : vector<64x128xf32> to vector<64x128xi32>
    %max3A = arith.constant 0 : i32
    %max3A_6 = vector.broadcast %max3A : i32 to vector<64x128xi32>
    %max3A_7 = arith.maxsi %convert_element_type3A, %max3A_6 : vector<64x128xi32>
    %min3A = arith.constant 399 : i32
    %min3A_8 = vector.broadcast %min3A : i32 to vector<64x128xi32>
    %min3A_9 = arith.minsi %max3A_7, %min3A_8 : vector<64x128xi32>
    %mul3A_10 = arith.constant 3277 : i32
    %mul3A_11 = vector.broadcast %mul3A_10 : i32 to vector<64x128xi32>
    %mul3A_12 = arith.muli %min3A_9, %mul3A_11 : vector<64x128xi32>
    %shift_right_arithmetic3A = arith.constant 16 : i32
    %shift_right_arithmetic3A_13 = vector.broadcast %shift_right_arithmetic3A : i32 to vector<64x128xi32>
    %shift_right_arithmetic3A_14 = arith.shrsi %mul3A_12, %shift_right_arithmetic3A_13 : vector<64x128xi32>
    %eq3A = arith.constant 0 : i32
    %eq3A_15 = vector.broadcast %eq3A : i32 to vector<64x128xi32>
    %eq3A_16 = arith.cmpi eq, %shift_right_arithmetic3A_14, %eq3A_15 : vector<64x128xi32>
    %eq3A_17 = arith.constant 19 : i32
    %eq3A_18 = vector.broadcast %eq3A_17 : i32 to vector<64x128xi32>
    %eq3A_19 = arith.cmpi eq, %shift_right_arithmetic3A_14, %eq3A_18 : vector<64x128xi32>
    %or3A = arith.ori %eq3A_16, %eq3A_19 : vector<64x128xi1>
    %jit3A = arith.constant 1.08542275 : f32
    %jit3A_20 = arith.constant 1.000000e+00 : f32
    %broadcast_in_dim3A = vector.broadcast %jit3A : f32 to vector<64x128xf32>
    %broadcast_in_dim3A_21 = vector.broadcast %jit3A_20 : f32 to vector<64x128xf32>
    %select_n3A = arith.select %or3A, %broadcast_in_dim3A, %broadcast_in_dim3A_21 : vector<64x128xi1>, vector<64x128xf32>
    %eq3A_22 = arith.constant 1 : i32
    %eq3A_23 = vector.broadcast %eq3A_22 : i32 to vector<64x128xi32>
    %eq3A_24 = arith.cmpi eq, %shift_right_arithmetic3A_14, %eq3A_23 : vector<64x128xi32>
    %eq3A_25 = arith.constant 18 : i32
    %eq3A_26 = vector.broadcast %eq3A_25 : i32 to vector<64x128xi32>
    %eq3A_27 = arith.cmpi eq, %shift_right_arithmetic3A_14, %eq3A_26 : vector<64x128xi32>
    %or3A_28 = arith.ori %eq3A_24, %eq3A_27 : vector<64x128xi1>
    %jit3A_29 = arith.constant 1.00240576 : f32
    %broadcast_in_dim3A_30 = vector.broadcast %jit3A_29 : f32 to vector<64x128xf32>
    %select_n3A_31 = arith.select %or3A_28, %broadcast_in_dim3A_30, %select_n3A : vector<64x128xi1>, vector<64x128xf32>
    %broadcast_in_dim3A_32 = arith.constant 0.000000e+00 : f32
    %broadcast_in_dim3A_33 = vector.broadcast %broadcast_in_dim3A_32 : f32 to vector<64x128xf32>
    %broadcast_in_dim3A_34 = arith.constant 0.000000e+00 : f32
    %broadcast_in_dim3A_35 = vector.broadcast %broadcast_in_dim3A_34 : f32 to vector<64x128xf32>
    %sub3A_36 = arith.constant 0 : i32
    %sub3A_37 = vector.broadcast %sub3A_36 : i32 to vector<64x128xi32>
    %sub3A_38 = arith.subi %sub3A_37, %shift_right_arithmetic3A_14 : vector<64x128xi32>
    %abs3A = math.absi %sub3A_38 : vector<64x128xi32>
    %eq3A_39 = arith.constant 0 : i32
    %eq3A_40 = vector.broadcast %eq3A_39 : i32 to vector<64x128xi32>
    %eq3A_41 = arith.cmpi eq, %abs3A, %eq3A_40 : vector<64x128xi32>
    %jit3A_42 = arith.constant 0.842599987 : f32
    %jit3A_43 = arith.constant 0.000000e+00 : f32
    %broadcast_in_dim3A_44 = vector.broadcast %jit3A_42 : f32 to vector<64x128xf32>
    %broadcast_in_dim3A_45 = vector.broadcast %jit3A_43 : f32 to vector<64x128xf32>
    %select_n3A_46 = arith.select %eq3A_41, %broadcast_in_dim3A_44, %broadcast_in_dim3A_45 : vector<64x128xi1>, vector<64x128xf32>
    %eq3A_47 = arith.constant 1 : i32
    %eq3A_48 = vector.broadcast %eq3A_47 : i32 to vector<64x128xi32>
    %eq3A_49 = arith.cmpi eq, %abs3A, %eq3A_48 : vector<64x128xi32>
    %jit3A_50 = arith.constant 7.630000e-02 : f32
    %broadcast_in_dim3A_51 = vector.broadcast %jit3A_50 : f32 to vector<64x128xf32>
    %select_n3A_52 = arith.select %eq3A_49, %broadcast_in_dim3A_51, %select_n3A_46 : vector<64x128xi1>, vector<64x128xf32>
    %eq3A_53 = arith.constant 2 : i32
    %eq3A_54 = vector.broadcast %eq3A_53 : i32 to vector<64x128xi32>
    %eq3A_55 = arith.cmpi eq, %abs3A, %eq3A_54 : vector<64x128xi32>
    %jit3A_56 = arith.constant 2.400000e-03 : f32
    %broadcast_in_dim3A_57 = vector.broadcast %jit3A_56 : f32 to vector<64x128xf32>
    %select_n3A_58 = arith.select %eq3A_55, %broadcast_in_dim3A_57, %select_n3A_52 : vector<64x128xi1>, vector<64x128xf32>
    %get3A_59 = arith.constant 0 : index
    %get3A_60 = arith.constant 0 : index
    %get3A_61 = vector.load %arg1[%get3A_59, %get3A_60] : memref<64x128xf32, #tpu.memory_space<vmem>>, vector<64x128xf32>
    %mul3A_62 = arith.mulf %select_n3A_58, %select_n3A_31 : vector<64x128xf32>
    %sub3A_63 = arith.subf %get3A_61, %mul3A_62 : vector<64x128xf32>
    %add3A = arith.addf %broadcast_in_dim3A_33, %sub3A_63 : vector<64x128xf32>
    %mul3A_64 = arith.mulf %add3A, %add3A : vector<64x128xf32>
    %add3A_65 = arith.addf %broadcast_in_dim3A_35, %mul3A_64 : vector<64x128xf32>
    %sub3A_66 = arith.constant 1 : i32
    %sub3A_67 = vector.broadcast %sub3A_66 : i32 to vector<64x128xi32>
    %sub3A_68 = arith.subi %sub3A_67, %shift_right_arithmetic3A_14 : vector<64x128xi32>
    %abs3A_69 = math.absi %sub3A_68 : vector<64x128xi32>
    %eq3A_70 = arith.constant 0 : i32
    %eq3A_71 = vector.broadcast %eq3A_70 : i32 to vector<64x128xi32>
    %eq3A_72 = arith.cmpi eq, %abs3A_69, %eq3A_71 : vector<64x128xi32>
    %jit3A_73 = arith.constant 0.842599987 : f32
    %jit3A_74 = arith.constant 0.000000e+00 : f32
    %broadcast_in_dim3A_75 = vector.broadcast %jit3A_73 : f32 to vector<64x128xf32>
    %broadcast_in_dim3A_76 = vector.broadcast %jit3A_74 : f32 to vector<64x128xf32>
    %select_n3A_77 = arith.select %eq3A_72, %broadcast_in_dim3A_75, %broadcast_in_dim3A_76 : vector<64x128xi1>, vector<64x128xf32>
    %eq3A_78 = arith.constant 1 : i32
    %eq3A_79 = vector.broadcast %eq3A_78 : i32 to vector<64x128xi32>
    %eq3A_80 = arith.cmpi eq, %abs3A_69, %eq3A_79 : vector<64x128xi32>
    %jit3A_81 = arith.constant 7.630000e-02 : f32
    %broadcast_in_dim3A_82 = vector.broadcast %jit3A_81 : f32 to vector<64x128xf32>
    %select_n3A_83 = arith.select %eq3A_80, %broadcast_in_dim3A_82, %select_n3A_77 : vector<64x128xi1>, vector<64x128xf32>
    %eq3A_84 = arith.constant 2 : i32
    %eq3A_85 = vector.broadcast %eq3A_84 : i32 to vector<64x128xi32>
    %eq3A_86 = arith.cmpi eq, %abs3A_69, %eq3A_85 : vector<64x128xi32>
    %jit3A_87 = arith.constant 2.400000e-03 : f32
    %broadcast_in_dim3A_88 = vector.broadcast %jit3A_87 : f32 to vector<64x128xf32>
    %select_n3A_89 = arith.select %eq3A_86, %broadcast_in_dim3A_88, %select_n3A_83 : vector<64x128xi1>, vector<64x128xf32>
    %get3A_90 = arith.constant 0 : index
    %get3A_91 = arith.constant 0 : index
    %get3A_92 = vector.load %arg2[%get3A_90, %get3A_91] : memref<64x128xf32, #tpu.memory_space<vmem>>, vector<64x128xf32>
    %mul3A_93 = arith.mulf %select_n3A_89, %select_n3A_31 : vector<64x128xf32>
    %sub3A_94 = arith.subf %get3A_92, %mul3A_93 : vector<64x128xf32>
    %add3A_95 = arith.addf %add3A, %sub3A_94 : vector<64x128xf32>
    %mul3A_96 = arith.mulf %add3A_95, %add3A_95 : vector<64x128xf32>
    %add3A_97 = arith.addf %add3A_65, %mul3A_96 : vector<64x128xf32>
    %sub3A_98 = arith.constant 2 : i32
    %sub3A_99 = vector.broadcast %sub3A_98 : i32 to vector<64x128xi32>
    %sub3A_100 = arith.subi %sub3A_99, %shift_right_arithmetic3A_14 : vector<64x128xi32>
    %abs3A_101 = math.absi %sub3A_100 : vector<64x128xi32>
    %eq3A_102 = arith.constant 0 : i32
    %eq3A_103 = vector.broadcast %eq3A_102 : i32 to vector<64x128xi32>
    %eq3A_104 = arith.cmpi eq, %abs3A_101, %eq3A_103 : vector<64x128xi32>
    %jit3A_105 = arith.constant 0.842599987 : f32
    %jit3A_106 = arith.constant 0.000000e+00 : f32
    %broadcast_in_dim3A_107 = vector.broadcast %jit3A_105 : f32 to vector<64x128xf32>
    %broadcast_in_dim3A_108 = vector.broadcast %jit3A_106 : f32 to vector<64x128xf32>
    %select_n3A_109 = arith.select %eq3A_104, %broadcast_in_dim3A_107, %broadcast_in_dim3A_108 : vector<64x128xi1>, vector<64x128xf32>
    %eq3A_110 = arith.constant 1 : i32
    %eq3A_111 = vector.broadcast %eq3A_110 : i32 to vector<64x128xi32>
    %eq3A_112 = arith.cmpi eq, %abs3A_101, %eq3A_111 : vector<64x128xi32>
    %jit3A_113 = arith.constant 7.630000e-02 : f32
    %broadcast_in_dim3A_114 = vector.broadcast %jit3A_113 : f32 to vector<64x128xf32>
    %select_n3A_115 = arith.select %eq3A_112, %broadcast_in_dim3A_114, %select_n3A_109 : vector<64x128xi1>, vector<64x128xf32>
    %eq3A_116 = arith.constant 2 : i32
    %eq3A_117 = vector.broadcast %eq3A_116 : i32 to vector<64x128xi32>
    %eq3A_118 = arith.cmpi eq, %abs3A_101, %eq3A_117 : vector<64x128xi32>
    %jit3A_119 = arith.constant 2.400000e-03 : f32
    %broadcast_in_dim3A_120 = vector.broadcast %jit3A_119 : f32 to vector<64x128xf32>
    %select_n3A_121 = arith.select %eq3A_118, %broadcast_in_dim3A_120, %select_n3A_115 : vector<64x128xi1>, vector<64x128xf32>
    %get3A_122 = arith.constant 0 : index
    %get3A_123 = arith.constant 0 : index
    %get3A_124 = vector.load %arg3[%get3A_122, %get3A_123] : memref<64x128xf32, #tpu.memory_space<vmem>>, vector<64x128xf32>
    %mul3A_125 = arith.mulf %select_n3A_121, %select_n3A_31 : vector<64x128xf32>
    %sub3A_126 = arith.subf %get3A_124, %mul3A_125 : vector<64x128xf32>
    %add3A_127 = arith.addf %add3A_95, %sub3A_126 : vector<64x128xf32>
    %mul3A_128 = arith.mulf %add3A_127, %add3A_127 : vector<64x128xf32>
    %add3A_129 = arith.addf %add3A_97, %mul3A_128 : vector<64x128xf32>
    %sub3A_130 = arith.constant 3 : i32
    %sub3A_131 = vector.broadcast %sub3A_130 : i32 to vector<64x128xi32>
    %sub3A_132 = arith.subi %sub3A_131, %shift_right_arithmetic3A_14 : vector<64x128xi32>
    %abs3A_133 = math.absi %sub3A_132 : vector<64x128xi32>
    %eq3A_134 = arith.constant 0 : i32
    %eq3A_135 = vector.broadcast %eq3A_134 : i32 to vector<64x128xi32>
    %eq3A_136 = arith.cmpi eq, %abs3A_133, %eq3A_135 : vector<64x128xi32>
    %jit3A_137 = arith.constant 0.842599987 : f32
    %jit3A_138 = arith.constant 0.000000e+00 : f32
    %broadcast_in_dim3A_139 = vector.broadcast %jit3A_137 : f32 to vector<64x128xf32>
    %broadcast_in_dim3A_140 = vector.broadcast %jit3A_138 : f32 to vector<64x128xf32>
    %select_n3A_141 = arith.select %eq3A_136, %broadcast_in_dim3A_139, %broadcast_in_dim3A_140 : vector<64x128xi1>, vector<64x128xf32>
    %eq3A_142 = arith.constant 1 : i32
    %eq3A_143 = vector.broadcast %eq3A_142 : i32 to vector<64x128xi32>
    %eq3A_144 = arith.cmpi eq, %abs3A_133, %eq3A_143 : vector<64x128xi32>
    %jit3A_145 = arith.constant 7.630000e-02 : f32
    %broadcast_in_dim3A_146 = vector.broadcast %jit3A_145 : f32 to vector<64x128xf32>
    %select_n3A_147 = arith.select %eq3A_144, %broadcast_in_dim3A_146, %select_n3A_141 : vector<64x128xi1>, vector<64x128xf32>
    %eq3A_148 = arith.constant 2 : i32
    %eq3A_149 = vector.broadcast %eq3A_148 : i32 to vector<64x128xi32>
    %eq3A_150 = arith.cmpi eq, %abs3A_133, %eq3A_149 : vector<64x128xi32>
    %jit3A_151 = arith.constant 2.400000e-03 : f32
    %broadcast_in_dim3A_152 = vector.broadcast %jit3A_151 : f32 to vector<64x128xf32>
    %select_n3A_153 = arith.select %eq3A_150, %broadcast_in_dim3A_152, %select_n3A_147 : vector<64x128xi1>, vector<64x128xf32>
    %get3A_154 = arith.constant 0 : index
    %get3A_155 = arith.constant 0 : index
    %get3A_156 = vector.load %arg4[%get3A_154, %get3A_155] : memref<64x128xf32, #tpu.memory_space<vmem>>, vector<64x128xf32>
    %mul3A_157 = arith.mulf %select_n3A_153, %select_n3A_31 : vector<64x128xf32>
    %sub3A_158 = arith.subf %get3A_156, %mul3A_157 : vector<64x128xf32>
    %add3A_159 = arith.addf %add3A_127, %sub3A_158 : vector<64x128xf32>
    %mul3A_160 = arith.mulf %add3A_159, %add3A_159 : vector<64x128xf32>
    %add3A_161 = arith.addf %add3A_129, %mul3A_160 : vector<64x128xf32>
    %sub3A_162 = arith.constant 4 : i32
    %sub3A_163 = vector.broadcast %sub3A_162 : i32 to vector<64x128xi32>
    %sub3A_164 = arith.subi %sub3A_163, %shift_right_arithmetic3A_14 : vector<64x128xi32>
    %abs3A_165 = math.absi %sub3A_164 : vector<64x128xi32>
    %eq3A_166 = arith.constant 0 : i32
    %eq3A_167 = vector.broadcast %eq3A_166 : i32 to vector<64x128xi32>
    %eq3A_168 = arith.cmpi eq, %abs3A_165, %eq3A_167 : vector<64x128xi32>
    %jit3A_169 = arith.constant 0.842599987 : f32
    %jit3A_170 = arith.constant 0.000000e+00 : f32
    %broadcast_in_dim3A_171 = vector.broadcast %jit3A_169 : f32 to vector<64x128xf32>
    %broadcast_in_dim3A_172 = vector.broadcast %jit3A_170 : f32 to vector<64x128xf32>
    %select_n3A_173 = arith.select %eq3A_168, %broadcast_in_dim3A_171, %broadcast_in_dim3A_172 : vector<64x128xi1>, vector<64x128xf32>
    %eq3A_174 = arith.constant 1 : i32
    %eq3A_175 = vector.broadcast %eq3A_174 : i32 to vector<64x128xi32>
    %eq3A_176 = arith.cmpi eq, %abs3A_165, %eq3A_175 : vector<64x128xi32>
    %jit3A_177 = arith.constant 7.630000e-02 : f32
    %broadcast_in_dim3A_178 = vector.broadcast %jit3A_177 : f32 to vector<64x128xf32>
    %select_n3A_179 = arith.select %eq3A_176, %broadcast_in_dim3A_178, %select_n3A_173 : vector<64x128xi1>, vector<64x128xf32>
    %eq3A_180 = arith.constant 2 : i32
    %eq3A_181 = vector.broadcast %eq3A_180 : i32 to vector<64x128xi32>
    %eq3A_182 = arith.cmpi eq, %abs3A_165, %eq3A_181 : vector<64x128xi32>
    %jit3A_183 = arith.constant 2.400000e-03 : f32
    %broadcast_in_dim3A_184 = vector.broadcast %jit3A_183 : f32 to vector<64x128xf32>
    %select_n3A_185 = arith.select %eq3A_182, %broadcast_in_dim3A_184, %select_n3A_179 : vector<64x128xi1>, vector<64x128xf32>
    %get3A_186 = arith.constant 0 : index
    %get3A_187 = arith.constant 0 : index
    %get3A_188 = vector.load %arg5[%get3A_186, %get3A_187] : memref<64x128xf32, #tpu.memory_space<vmem>>, vector<64x128xf32>
    %mul3A_189 = arith.mulf %select_n3A_185, %select_n3A_31 : vector<64x128xf32>
    %sub3A_190 = arith.subf %get3A_188, %mul3A_189 : vector<64x128xf32>
    %add3A_191 = arith.addf %add3A_159, %sub3A_190 : vector<64x128xf32>
    %mul3A_192 = arith.mulf %add3A_191, %add3A_191 : vector<64x128xf32>
    %add3A_193 = arith.addf %add3A_161, %mul3A_192 : vector<64x128xf32>
    %sub3A_194 = arith.constant 5 : i32
    %sub3A_195 = vector.broadcast %sub3A_194 : i32 to vector<64x128xi32>
    %sub3A_196 = arith.subi %sub3A_195, %shift_right_arithmetic3A_14 : vector<64x128xi32>
    %abs3A_197 = math.absi %sub3A_196 : vector<64x128xi32>
    %eq3A_198 = arith.constant 0 : i32
    %eq3A_199 = vector.broadcast %eq3A_198 : i32 to vector<64x128xi32>
    %eq3A_200 = arith.cmpi eq, %abs3A_197, %eq3A_199 : vector<64x128xi32>
    %jit3A_201 = arith.constant 0.842599987 : f32
    %jit3A_202 = arith.constant 0.000000e+00 : f32
    %broadcast_in_dim3A_203 = vector.broadcast %jit3A_201 : f32 to vector<64x128xf32>
    %broadcast_in_dim3A_204 = vector.broadcast %jit3A_202 : f32 to vector<64x128xf32>
    %select_n3A_205 = arith.select %eq3A_200, %broadcast_in_dim3A_203, %broadcast_in_dim3A_204 : vector<64x128xi1>, vector<64x128xf32>
    %eq3A_206 = arith.constant 1 : i32
    %eq3A_207 = vector.broadcast %eq3A_206 : i32 to vector<64x128xi32>
    %eq3A_208 = arith.cmpi eq, %abs3A_197, %eq3A_207 : vector<64x128xi32>
    %jit3A_209 = arith.constant 7.630000e-02 : f32
    %broadcast_in_dim3A_210 = vector.broadcast %jit3A_209 : f32 to vector<64x128xf32>
    %select_n3A_211 = arith.select %eq3A_208, %broadcast_in_dim3A_210, %select_n3A_205 : vector<64x128xi1>, vector<64x128xf32>
    %eq3A_212 = arith.constant 2 : i32
    %eq3A_213 = vector.broadcast %eq3A_212 : i32 to vector<64x128xi32>
    %eq3A_214 = arith.cmpi eq, %abs3A_197, %eq3A_213 : vector<64x128xi32>
    %jit3A_215 = arith.constant 2.400000e-03 : f32
    %broadcast_in_dim3A_216 = vector.broadcast %jit3A_215 : f32 to vector<64x128xf32>
    %select_n3A_217 = arith.select %eq3A_214, %broadcast_in_dim3A_216, %select_n3A_211 : vector<64x128xi1>, vector<64x128xf32>
    %get3A_218 = arith.constant 0 : index
    %get3A_219 = arith.constant 0 : index
    %get3A_220 = vector.load %arg6[%get3A_218, %get3A_219] : memref<64x128xf32, #tpu.memory_space<vmem>>, vector<64x128xf32>
    %mul3A_221 = arith.mulf %select_n3A_217, %select_n3A_31 : vector<64x128xf32>
    %sub3A_222 = arith.subf %get3A_220, %mul3A_221 : vector<64x128xf32>
    %add3A_223 = arith.addf %add3A_191, %sub3A_222 : vector<64x128xf32>
    %mul3A_224 = arith.mulf %add3A_223, %add3A_223 : vector<64x128xf32>
    %add3A_225 = arith.addf %add3A_193, %mul3A_224 : vector<64x128xf32>
    %sub3A_226 = arith.constant 6 : i32
    %sub3A_227 = vector.broadcast %sub3A_226 : i32 to vector<64x128xi32>
    %sub3A_228 = arith.subi %sub3A_227, %shift_right_arithmetic3A_14 : vector<64x128xi32>
    %abs3A_229 = math.absi %sub3A_228 : vector<64x128xi32>
    %eq3A_230 = arith.constant 0 : i32
    %eq3A_231 = vector.broadcast %eq3A_230 : i32 to vector<64x128xi32>
    %eq3A_232 = arith.cmpi eq, %abs3A_229, %eq3A_231 : vector<64x128xi32>
    %jit3A_233 = arith.constant 0.842599987 : f32
    %jit3A_234 = arith.constant 0.000000e+00 : f32
    %broadcast_in_dim3A_235 = vector.broadcast %jit3A_233 : f32 to vector<64x128xf32>
    %broadcast_in_dim3A_236 = vector.broadcast %jit3A_234 : f32 to vector<64x128xf32>
    %select_n3A_237 = arith.select %eq3A_232, %broadcast_in_dim3A_235, %broadcast_in_dim3A_236 : vector<64x128xi1>, vector<64x128xf32>
    %eq3A_238 = arith.constant 1 : i32
    %eq3A_239 = vector.broadcast %eq3A_238 : i32 to vector<64x128xi32>
    %eq3A_240 = arith.cmpi eq, %abs3A_229, %eq3A_239 : vector<64x128xi32>
    %jit3A_241 = arith.constant 7.630000e-02 : f32
    %broadcast_in_dim3A_242 = vector.broadcast %jit3A_241 : f32 to vector<64x128xf32>
    %select_n3A_243 = arith.select %eq3A_240, %broadcast_in_dim3A_242, %select_n3A_237 : vector<64x128xi1>, vector<64x128xf32>
    %eq3A_244 = arith.constant 2 : i32
    %eq3A_245 = vector.broadcast %eq3A_244 : i32 to vector<64x128xi32>
    %eq3A_246 = arith.cmpi eq, %abs3A_229, %eq3A_245 : vector<64x128xi32>
    %jit3A_247 = arith.constant 2.400000e-03 : f32
    %broadcast_in_dim3A_248 = vector.broadcast %jit3A_247 : f32 to vector<64x128xf32>
    %select_n3A_249 = arith.select %eq3A_246, %broadcast_in_dim3A_248, %select_n3A_243 : vector<64x128xi1>, vector<64x128xf32>
    %get3A_250 = arith.constant 0 : index
    %get3A_251 = arith.constant 0 : index
    %get3A_252 = vector.load %arg7[%get3A_250, %get3A_251] : memref<64x128xf32, #tpu.memory_space<vmem>>, vector<64x128xf32>
    %mul3A_253 = arith.mulf %select_n3A_249, %select_n3A_31 : vector<64x128xf32>
    %sub3A_254 = arith.subf %get3A_252, %mul3A_253 : vector<64x128xf32>
    %add3A_255 = arith.addf %add3A_223, %sub3A_254 : vector<64x128xf32>
    %mul3A_256 = arith.mulf %add3A_255, %add3A_255 : vector<64x128xf32>
    %add3A_257 = arith.addf %add3A_225, %mul3A_256 : vector<64x128xf32>
    %sub3A_258 = arith.constant 7 : i32
    %sub3A_259 = vector.broadcast %sub3A_258 : i32 to vector<64x128xi32>
    %sub3A_260 = arith.subi %sub3A_259, %shift_right_arithmetic3A_14 : vector<64x128xi32>
    %abs3A_261 = math.absi %sub3A_260 : vector<64x128xi32>
    %eq3A_262 = arith.constant 0 : i32
    %eq3A_263 = vector.broadcast %eq3A_262 : i32 to vector<64x128xi32>
    %eq3A_264 = arith.cmpi eq, %abs3A_261, %eq3A_263 : vector<64x128xi32>
    %jit3A_265 = arith.constant 0.842599987 : f32
    %jit3A_266 = arith.constant 0.000000e+00 : f32
    %broadcast_in_dim3A_267 = vector.broadcast %jit3A_265 : f32 to vector<64x128xf32>
    %broadcast_in_dim3A_268 = vector.broadcast %jit3A_266 : f32 to vector<64x128xf32>
    %select_n3A_269 = arith.select %eq3A_264, %broadcast_in_dim3A_267, %broadcast_in_dim3A_268 : vector<64x128xi1>, vector<64x128xf32>
    %eq3A_270 = arith.constant 1 : i32
    %eq3A_271 = vector.broadcast %eq3A_270 : i32 to vector<64x128xi32>
    %eq3A_272 = arith.cmpi eq, %abs3A_261, %eq3A_271 : vector<64x128xi32>
    %jit3A_273 = arith.constant 7.630000e-02 : f32
    %broadcast_in_dim3A_274 = vector.broadcast %jit3A_273 : f32 to vector<64x128xf32>
    %select_n3A_275 = arith.select %eq3A_272, %broadcast_in_dim3A_274, %select_n3A_269 : vector<64x128xi1>, vector<64x128xf32>
    %eq3A_276 = arith.constant 2 : i32
    %eq3A_277 = vector.broadcast %eq3A_276 : i32 to vector<64x128xi32>
    %eq3A_278 = arith.cmpi eq, %abs3A_261, %eq3A_277 : vector<64x128xi32>
    %jit3A_279 = arith.constant 2.400000e-03 : f32
    %broadcast_in_dim3A_280 = vector.broadcast %jit3A_279 : f32 to vector<64x128xf32>
    %select_n3A_281 = arith.select %eq3A_278, %broadcast_in_dim3A_280, %select_n3A_275 : vector<64x128xi1>, vector<64x128xf32>
    %get3A_282 = arith.constant 0 : index
    %get3A_283 = arith.constant 0 : index
    %get3A_284 = vector.load %arg8[%get3A_282, %get3A_283] : memref<64x128xf32, #tpu.memory_space<vmem>>, vector<64x128xf32>
    %mul3A_285 = arith.mulf %select_n3A_281, %select_n3A_31 : vector<64x128xf32>
    %sub3A_286 = arith.subf %get3A_284, %mul3A_285 : vector<64x128xf32>
    %add3A_287 = arith.addf %add3A_255, %sub3A_286 : vector<64x128xf32>
    %mul3A_288 = arith.mulf %add3A_287, %add3A_287 : vector<64x128xf32>
    %add3A_289 = arith.addf %add3A_257, %mul3A_288 : vector<64x128xf32>
    %sub3A_290 = arith.constant 8 : i32
    %sub3A_291 = vector.broadcast %sub3A_290 : i32 to vector<64x128xi32>
    %sub3A_292 = arith.subi %sub3A_291, %shift_right_arithmetic3A_14 : vector<64x128xi32>
    %abs3A_293 = math.absi %sub3A_292 : vector<64x128xi32>
    %eq3A_294 = arith.constant 0 : i32
    %eq3A_295 = vector.broadcast %eq3A_294 : i32 to vector<64x128xi32>
    %eq3A_296 = arith.cmpi eq, %abs3A_293, %eq3A_295 : vector<64x128xi32>
    %jit3A_297 = arith.constant 0.842599987 : f32
    %jit3A_298 = arith.constant 0.000000e+00 : f32
    %broadcast_in_dim3A_299 = vector.broadcast %jit3A_297 : f32 to vector<64x128xf32>
    %broadcast_in_dim3A_300 = vector.broadcast %jit3A_298 : f32 to vector<64x128xf32>
    %select_n3A_301 = arith.select %eq3A_296, %broadcast_in_dim3A_299, %broadcast_in_dim3A_300 : vector<64x128xi1>, vector<64x128xf32>
    %eq3A_302 = arith.constant 1 : i32
    %eq3A_303 = vector.broadcast %eq3A_302 : i32 to vector<64x128xi32>
    %eq3A_304 = arith.cmpi eq, %abs3A_293, %eq3A_303 : vector<64x128xi32>
    %jit3A_305 = arith.constant 7.630000e-02 : f32
    %broadcast_in_dim3A_306 = vector.broadcast %jit3A_305 : f32 to vector<64x128xf32>
    %select_n3A_307 = arith.select %eq3A_304, %broadcast_in_dim3A_306, %select_n3A_301 : vector<64x128xi1>, vector<64x128xf32>
    %eq3A_308 = arith.constant 2 : i32
    %eq3A_309 = vector.broadcast %eq3A_308 : i32 to vector<64x128xi32>
    %eq3A_310 = arith.cmpi eq, %abs3A_293, %eq3A_309 : vector<64x128xi32>
    %jit3A_311 = arith.constant 2.400000e-03 : f32
    %broadcast_in_dim3A_312 = vector.broadcast %jit3A_311 : f32 to vector<64x128xf32>
    %select_n3A_313 = arith.select %eq3A_310, %broadcast_in_dim3A_312, %select_n3A_307 : vector<64x128xi1>, vector<64x128xf32>
    %get3A_314 = arith.constant 0 : index
    %get3A_315 = arith.constant 0 : index
    %get3A_316 = vector.load %arg9[%get3A_314, %get3A_315] : memref<64x128xf32, #tpu.memory_space<vmem>>, vector<64x128xf32>
    %mul3A_317 = arith.mulf %select_n3A_313, %select_n3A_31 : vector<64x128xf32>
    %sub3A_318 = arith.subf %get3A_316, %mul3A_317 : vector<64x128xf32>
    %add3A_319 = arith.addf %add3A_287, %sub3A_318 : vector<64x128xf32>
    %mul3A_320 = arith.mulf %add3A_319, %add3A_319 : vector<64x128xf32>
    %add3A_321 = arith.addf %add3A_289, %mul3A_320 : vector<64x128xf32>
    %sub3A_322 = arith.constant 9 : i32
    %sub3A_323 = vector.broadcast %sub3A_322 : i32 to vector<64x128xi32>
    %sub3A_324 = arith.subi %sub3A_323, %shift_right_arithmetic3A_14 : vector<64x128xi32>
    %abs3A_325 = math.absi %sub3A_324 : vector<64x128xi32>
    %eq3A_326 = arith.constant 0 : i32
    %eq3A_327 = vector.broadcast %eq3A_326 : i32 to vector<64x128xi32>
    %eq3A_328 = arith.cmpi eq, %abs3A_325, %eq3A_327 : vector<64x128xi32>
    %jit3A_329 = arith.constant 0.842599987 : f32
    %jit3A_330 = arith.constant 0.000000e+00 : f32
    %broadcast_in_dim3A_331 = vector.broadcast %jit3A_329 : f32 to vector<64x128xf32>
    %broadcast_in_dim3A_332 = vector.broadcast %jit3A_330 : f32 to vector<64x128xf32>
    %select_n3A_333 = arith.select %eq3A_328, %broadcast_in_dim3A_331, %broadcast_in_dim3A_332 : vector<64x128xi1>, vector<64x128xf32>
    %eq3A_334 = arith.constant 1 : i32
    %eq3A_335 = vector.broadcast %eq3A_334 : i32 to vector<64x128xi32>
    %eq3A_336 = arith.cmpi eq, %abs3A_325, %eq3A_335 : vector<64x128xi32>
    %jit3A_337 = arith.constant 7.630000e-02 : f32
    %broadcast_in_dim3A_338 = vector.broadcast %jit3A_337 : f32 to vector<64x128xf32>
    %select_n3A_339 = arith.select %eq3A_336, %broadcast_in_dim3A_338, %select_n3A_333 : vector<64x128xi1>, vector<64x128xf32>
    %eq3A_340 = arith.constant 2 : i32
    %eq3A_341 = vector.broadcast %eq3A_340 : i32 to vector<64x128xi32>
    %eq3A_342 = arith.cmpi eq, %abs3A_325, %eq3A_341 : vector<64x128xi32>
    %jit3A_343 = arith.constant 2.400000e-03 : f32
    %broadcast_in_dim3A_344 = vector.broadcast %jit3A_343 : f32 to vector<64x128xf32>
    %select_n3A_345 = arith.select %eq3A_342, %broadcast_in_dim3A_344, %select_n3A_339 : vector<64x128xi1>, vector<64x128xf32>
    %get3A_346 = arith.constant 0 : index
    %get3A_347 = arith.constant 0 : index
    %get3A_348 = vector.load %arg10[%get3A_346, %get3A_347] : memref<64x128xf32, #tpu.memory_space<vmem>>, vector<64x128xf32>
    %mul3A_349 = arith.mulf %select_n3A_345, %select_n3A_31 : vector<64x128xf32>
    %sub3A_350 = arith.subf %get3A_348, %mul3A_349 : vector<64x128xf32>
    %add3A_351 = arith.addf %add3A_319, %sub3A_350 : vector<64x128xf32>
    %mul3A_352 = arith.mulf %add3A_351, %add3A_351 : vector<64x128xf32>
    %add3A_353 = arith.addf %add3A_321, %mul3A_352 : vector<64x128xf32>
    %sub3A_354 = arith.constant 10 : i32
    %sub3A_355 = vector.broadcast %sub3A_354 : i32 to vector<64x128xi32>
    %sub3A_356 = arith.subi %sub3A_355, %shift_right_arithmetic3A_14 : vector<64x128xi32>
    %abs3A_357 = math.absi %sub3A_356 : vector<64x128xi32>
    %eq3A_358 = arith.constant 0 : i32
    %eq3A_359 = vector.broadcast %eq3A_358 : i32 to vector<64x128xi32>
    %eq3A_360 = arith.cmpi eq, %abs3A_357, %eq3A_359 : vector<64x128xi32>
    %jit3A_361 = arith.constant 0.842599987 : f32
    %jit3A_362 = arith.constant 0.000000e+00 : f32
    %broadcast_in_dim3A_363 = vector.broadcast %jit3A_361 : f32 to vector<64x128xf32>
    %broadcast_in_dim3A_364 = vector.broadcast %jit3A_362 : f32 to vector<64x128xf32>
    %select_n3A_365 = arith.select %eq3A_360, %broadcast_in_dim3A_363, %broadcast_in_dim3A_364 : vector<64x128xi1>, vector<64x128xf32>
    %eq3A_366 = arith.constant 1 : i32
    %eq3A_367 = vector.broadcast %eq3A_366 : i32 to vector<64x128xi32>
    %eq3A_368 = arith.cmpi eq, %abs3A_357, %eq3A_367 : vector<64x128xi32>
    %jit3A_369 = arith.constant 7.630000e-02 : f32
    %broadcast_in_dim3A_370 = vector.broadcast %jit3A_369 : f32 to vector<64x128xf32>
    %select_n3A_371 = arith.select %eq3A_368, %broadcast_in_dim3A_370, %select_n3A_365 : vector<64x128xi1>, vector<64x128xf32>
    %eq3A_372 = arith.constant 2 : i32
    %eq3A_373 = vector.broadcast %eq3A_372 : i32 to vector<64x128xi32>
    %eq3A_374 = arith.cmpi eq, %abs3A_357, %eq3A_373 : vector<64x128xi32>
    %jit3A_375 = arith.constant 2.400000e-03 : f32
    %broadcast_in_dim3A_376 = vector.broadcast %jit3A_375 : f32 to vector<64x128xf32>
    %select_n3A_377 = arith.select %eq3A_374, %broadcast_in_dim3A_376, %select_n3A_371 : vector<64x128xi1>, vector<64x128xf32>
    %get3A_378 = arith.constant 0 : index
    %get3A_379 = arith.constant 0 : index
    %get3A_380 = vector.load %arg11[%get3A_378, %get3A_379] : memref<64x128xf32, #tpu.memory_space<vmem>>, vector<64x128xf32>
    %mul3A_381 = arith.mulf %select_n3A_377, %select_n3A_31 : vector<64x128xf32>
    %sub3A_382 = arith.subf %get3A_380, %mul3A_381 : vector<64x128xf32>
    %add3A_383 = arith.addf %add3A_351, %sub3A_382 : vector<64x128xf32>
    %mul3A_384 = arith.mulf %add3A_383, %add3A_383 : vector<64x128xf32>
    %add3A_385 = arith.addf %add3A_353, %mul3A_384 : vector<64x128xf32>
    %sub3A_386 = arith.constant 11 : i32
    %sub3A_387 = vector.broadcast %sub3A_386 : i32 to vector<64x128xi32>
    %sub3A_388 = arith.subi %sub3A_387, %shift_right_arithmetic3A_14 : vector<64x128xi32>
    %abs3A_389 = math.absi %sub3A_388 : vector<64x128xi32>
    %eq3A_390 = arith.constant 0 : i32
    %eq3A_391 = vector.broadcast %eq3A_390 : i32 to vector<64x128xi32>
    %eq3A_392 = arith.cmpi eq, %abs3A_389, %eq3A_391 : vector<64x128xi32>
    %jit3A_393 = arith.constant 0.842599987 : f32
    %jit3A_394 = arith.constant 0.000000e+00 : f32
    %broadcast_in_dim3A_395 = vector.broadcast %jit3A_393 : f32 to vector<64x128xf32>
    %broadcast_in_dim3A_396 = vector.broadcast %jit3A_394 : f32 to vector<64x128xf32>
    %select_n3A_397 = arith.select %eq3A_392, %broadcast_in_dim3A_395, %broadcast_in_dim3A_396 : vector<64x128xi1>, vector<64x128xf32>
    %eq3A_398 = arith.constant 1 : i32
    %eq3A_399 = vector.broadcast %eq3A_398 : i32 to vector<64x128xi32>
    %eq3A_400 = arith.cmpi eq, %abs3A_389, %eq3A_399 : vector<64x128xi32>
    %jit3A_401 = arith.constant 7.630000e-02 : f32
    %broadcast_in_dim3A_402 = vector.broadcast %jit3A_401 : f32 to vector<64x128xf32>
    %select_n3A_403 = arith.select %eq3A_400, %broadcast_in_dim3A_402, %select_n3A_397 : vector<64x128xi1>, vector<64x128xf32>
    %eq3A_404 = arith.constant 2 : i32
    %eq3A_405 = vector.broadcast %eq3A_404 : i32 to vector<64x128xi32>
    %eq3A_406 = arith.cmpi eq, %abs3A_389, %eq3A_405 : vector<64x128xi32>
    %jit3A_407 = arith.constant 2.400000e-03 : f32
    %broadcast_in_dim3A_408 = vector.broadcast %jit3A_407 : f32 to vector<64x128xf32>
    %select_n3A_409 = arith.select %eq3A_406, %broadcast_in_dim3A_408, %select_n3A_403 : vector<64x128xi1>, vector<64x128xf32>
    %get3A_410 = arith.constant 0 : index
    %get3A_411 = arith.constant 0 : index
    %get3A_412 = vector.load %arg12[%get3A_410, %get3A_411] : memref<64x128xf32, #tpu.memory_space<vmem>>, vector<64x128xf32>
    %mul3A_413 = arith.mulf %select_n3A_409, %select_n3A_31 : vector<64x128xf32>
    %sub3A_414 = arith.subf %get3A_412, %mul3A_413 : vector<64x128xf32>
    %add3A_415 = arith.addf %add3A_383, %sub3A_414 : vector<64x128xf32>
    %mul3A_416 = arith.mulf %add3A_415, %add3A_415 : vector<64x128xf32>
    %add3A_417 = arith.addf %add3A_385, %mul3A_416 : vector<64x128xf32>
    %sub3A_418 = arith.constant 12 : i32
    %sub3A_419 = vector.broadcast %sub3A_418 : i32 to vector<64x128xi32>
    %sub3A_420 = arith.subi %sub3A_419, %shift_right_arithmetic3A_14 : vector<64x128xi32>
    %abs3A_421 = math.absi %sub3A_420 : vector<64x128xi32>
    %eq3A_422 = arith.constant 0 : i32
    %eq3A_423 = vector.broadcast %eq3A_422 : i32 to vector<64x128xi32>
    %eq3A_424 = arith.cmpi eq, %abs3A_421, %eq3A_423 : vector<64x128xi32>
    %jit3A_425 = arith.constant 0.842599987 : f32
    %jit3A_426 = arith.constant 0.000000e+00 : f32
    %broadcast_in_dim3A_427 = vector.broadcast %jit3A_425 : f32 to vector<64x128xf32>
    %broadcast_in_dim3A_428 = vector.broadcast %jit3A_426 : f32 to vector<64x128xf32>
    %select_n3A_429 = arith.select %eq3A_424, %broadcast_in_dim3A_427, %broadcast_in_dim3A_428 : vector<64x128xi1>, vector<64x128xf32>
    %eq3A_430 = arith.constant 1 : i32
    %eq3A_431 = vector.broadcast %eq3A_430 : i32 to vector<64x128xi32>
    %eq3A_432 = arith.cmpi eq, %abs3A_421, %eq3A_431 : vector<64x128xi32>
    %jit3A_433 = arith.constant 7.630000e-02 : f32
    %broadcast_in_dim3A_434 = vector.broadcast %jit3A_433 : f32 to vector<64x128xf32>
    %select_n3A_435 = arith.select %eq3A_432, %broadcast_in_dim3A_434, %select_n3A_429 : vector<64x128xi1>, vector<64x128xf32>
    %eq3A_436 = arith.constant 2 : i32
    %eq3A_437 = vector.broadcast %eq3A_436 : i32 to vector<64x128xi32>
    %eq3A_438 = arith.cmpi eq, %abs3A_421, %eq3A_437 : vector<64x128xi32>
    %jit3A_439 = arith.constant 2.400000e-03 : f32
    %broadcast_in_dim3A_440 = vector.broadcast %jit3A_439 : f32 to vector<64x128xf32>
    %select_n3A_441 = arith.select %eq3A_438, %broadcast_in_dim3A_440, %select_n3A_435 : vector<64x128xi1>, vector<64x128xf32>
    %get3A_442 = arith.constant 0 : index
    %get3A_443 = arith.constant 0 : index
    %get3A_444 = vector.load %arg13[%get3A_442, %get3A_443] : memref<64x128xf32, #tpu.memory_space<vmem>>, vector<64x128xf32>
    %mul3A_445 = arith.mulf %select_n3A_441, %select_n3A_31 : vector<64x128xf32>
    %sub3A_446 = arith.subf %get3A_444, %mul3A_445 : vector<64x128xf32>
    %add3A_447 = arith.addf %add3A_415, %sub3A_446 : vector<64x128xf32>
    %mul3A_448 = arith.mulf %add3A_447, %add3A_447 : vector<64x128xf32>
    %add3A_449 = arith.addf %add3A_417, %mul3A_448 : vector<64x128xf32>
    %sub3A_450 = arith.constant 13 : i32
    %sub3A_451 = vector.broadcast %sub3A_450 : i32 to vector<64x128xi32>
    %sub3A_452 = arith.subi %sub3A_451, %shift_right_arithmetic3A_14 : vector<64x128xi32>
    %abs3A_453 = math.absi %sub3A_452 : vector<64x128xi32>
    %eq3A_454 = arith.constant 0 : i32
    %eq3A_455 = vector.broadcast %eq3A_454 : i32 to vector<64x128xi32>
    %eq3A_456 = arith.cmpi eq, %abs3A_453, %eq3A_455 : vector<64x128xi32>
    %jit3A_457 = arith.constant 0.842599987 : f32
    %jit3A_458 = arith.constant 0.000000e+00 : f32
    %broadcast_in_dim3A_459 = vector.broadcast %jit3A_457 : f32 to vector<64x128xf32>
    %broadcast_in_dim3A_460 = vector.broadcast %jit3A_458 : f32 to vector<64x128xf32>
    %select_n3A_461 = arith.select %eq3A_456, %broadcast_in_dim3A_459, %broadcast_in_dim3A_460 : vector<64x128xi1>, vector<64x128xf32>
    %eq3A_462 = arith.constant 1 : i32
    %eq3A_463 = vector.broadcast %eq3A_462 : i32 to vector<64x128xi32>
    %eq3A_464 = arith.cmpi eq, %abs3A_453, %eq3A_463 : vector<64x128xi32>
    %jit3A_465 = arith.constant 7.630000e-02 : f32
    %broadcast_in_dim3A_466 = vector.broadcast %jit3A_465 : f32 to vector<64x128xf32>
    %select_n3A_467 = arith.select %eq3A_464, %broadcast_in_dim3A_466, %select_n3A_461 : vector<64x128xi1>, vector<64x128xf32>
    %eq3A_468 = arith.constant 2 : i32
    %eq3A_469 = vector.broadcast %eq3A_468 : i32 to vector<64x128xi32>
    %eq3A_470 = arith.cmpi eq, %abs3A_453, %eq3A_469 : vector<64x128xi32>
    %jit3A_471 = arith.constant 2.400000e-03 : f32
    %broadcast_in_dim3A_472 = vector.broadcast %jit3A_471 : f32 to vector<64x128xf32>
    %select_n3A_473 = arith.select %eq3A_470, %broadcast_in_dim3A_472, %select_n3A_467 : vector<64x128xi1>, vector<64x128xf32>
    %get3A_474 = arith.constant 0 : index
    %get3A_475 = arith.constant 0 : index
    %get3A_476 = vector.load %arg14[%get3A_474, %get3A_475] : memref<64x128xf32, #tpu.memory_space<vmem>>, vector<64x128xf32>
    %mul3A_477 = arith.mulf %select_n3A_473, %select_n3A_31 : vector<64x128xf32>
    %sub3A_478 = arith.subf %get3A_476, %mul3A_477 : vector<64x128xf32>
    %add3A_479 = arith.addf %add3A_447, %sub3A_478 : vector<64x128xf32>
    %mul3A_480 = arith.mulf %add3A_479, %add3A_479 : vector<64x128xf32>
    %add3A_481 = arith.addf %add3A_449, %mul3A_480 : vector<64x128xf32>
    %sub3A_482 = arith.constant 14 : i32
    %sub3A_483 = vector.broadcast %sub3A_482 : i32 to vector<64x128xi32>
    %sub3A_484 = arith.subi %sub3A_483, %shift_right_arithmetic3A_14 : vector<64x128xi32>
    %abs3A_485 = math.absi %sub3A_484 : vector<64x128xi32>
    %eq3A_486 = arith.constant 0 : i32
    %eq3A_487 = vector.broadcast %eq3A_486 : i32 to vector<64x128xi32>
    %eq3A_488 = arith.cmpi eq, %abs3A_485, %eq3A_487 : vector<64x128xi32>
    %jit3A_489 = arith.constant 0.842599987 : f32
    %jit3A_490 = arith.constant 0.000000e+00 : f32
    %broadcast_in_dim3A_491 = vector.broadcast %jit3A_489 : f32 to vector<64x128xf32>
    %broadcast_in_dim3A_492 = vector.broadcast %jit3A_490 : f32 to vector<64x128xf32>
    %select_n3A_493 = arith.select %eq3A_488, %broadcast_in_dim3A_491, %broadcast_in_dim3A_492 : vector<64x128xi1>, vector<64x128xf32>
    %eq3A_494 = arith.constant 1 : i32
    %eq3A_495 = vector.broadcast %eq3A_494 : i32 to vector<64x128xi32>
    %eq3A_496 = arith.cmpi eq, %abs3A_485, %eq3A_495 : vector<64x128xi32>
    %jit3A_497 = arith.constant 7.630000e-02 : f32
    %broadcast_in_dim3A_498 = vector.broadcast %jit3A_497 : f32 to vector<64x128xf32>
    %select_n3A_499 = arith.select %eq3A_496, %broadcast_in_dim3A_498, %select_n3A_493 : vector<64x128xi1>, vector<64x128xf32>
    %eq3A_500 = arith.constant 2 : i32
    %eq3A_501 = vector.broadcast %eq3A_500 : i32 to vector<64x128xi32>
    %eq3A_502 = arith.cmpi eq, %abs3A_485, %eq3A_501 : vector<64x128xi32>
    %jit3A_503 = arith.constant 2.400000e-03 : f32
    %broadcast_in_dim3A_504 = vector.broadcast %jit3A_503 : f32 to vector<64x128xf32>
    %select_n3A_505 = arith.select %eq3A_502, %broadcast_in_dim3A_504, %select_n3A_499 : vector<64x128xi1>, vector<64x128xf32>
    %get3A_506 = arith.constant 0 : index
    %get3A_507 = arith.constant 0 : index
    %get3A_508 = vector.load %arg15[%get3A_506, %get3A_507] : memref<64x128xf32, #tpu.memory_space<vmem>>, vector<64x128xf32>
    %mul3A_509 = arith.mulf %select_n3A_505, %select_n3A_31 : vector<64x128xf32>
    %sub3A_510 = arith.subf %get3A_508, %mul3A_509 : vector<64x128xf32>
    %add3A_511 = arith.addf %add3A_479, %sub3A_510 : vector<64x128xf32>
    %mul3A_512 = arith.mulf %add3A_511, %add3A_511 : vector<64x128xf32>
    %add3A_513 = arith.addf %add3A_481, %mul3A_512 : vector<64x128xf32>
    %sub3A_514 = arith.constant 15 : i32
    %sub3A_515 = vector.broadcast %sub3A_514 : i32 to vector<64x128xi32>
    %sub3A_516 = arith.subi %sub3A_515, %shift_right_arithmetic3A_14 : vector<64x128xi32>
    %abs3A_517 = math.absi %sub3A_516 : vector<64x128xi32>
    %eq3A_518 = arith.constant 0 : i32
    %eq3A_519 = vector.broadcast %eq3A_518 : i32 to vector<64x128xi32>
    %eq3A_520 = arith.cmpi eq, %abs3A_517, %eq3A_519 : vector<64x128xi32>
    %jit3A_521 = arith.constant 0.842599987 : f32
    %jit3A_522 = arith.constant 0.000000e+00 : f32
    %broadcast_in_dim3A_523 = vector.broadcast %jit3A_521 : f32 to vector<64x128xf32>
    %broadcast_in_dim3A_524 = vector.broadcast %jit3A_522 : f32 to vector<64x128xf32>
    %select_n3A_525 = arith.select %eq3A_520, %broadcast_in_dim3A_523, %broadcast_in_dim3A_524 : vector<64x128xi1>, vector<64x128xf32>
    %eq3A_526 = arith.constant 1 : i32
    %eq3A_527 = vector.broadcast %eq3A_526 : i32 to vector<64x128xi32>
    %eq3A_528 = arith.cmpi eq, %abs3A_517, %eq3A_527 : vector<64x128xi32>
    %jit3A_529 = arith.constant 7.630000e-02 : f32
    %broadcast_in_dim3A_530 = vector.broadcast %jit3A_529 : f32 to vector<64x128xf32>
    %select_n3A_531 = arith.select %eq3A_528, %broadcast_in_dim3A_530, %select_n3A_525 : vector<64x128xi1>, vector<64x128xf32>
    %eq3A_532 = arith.constant 2 : i32
    %eq3A_533 = vector.broadcast %eq3A_532 : i32 to vector<64x128xi32>
    %eq3A_534 = arith.cmpi eq, %abs3A_517, %eq3A_533 : vector<64x128xi32>
    %jit3A_535 = arith.constant 2.400000e-03 : f32
    %broadcast_in_dim3A_536 = vector.broadcast %jit3A_535 : f32 to vector<64x128xf32>
    %select_n3A_537 = arith.select %eq3A_534, %broadcast_in_dim3A_536, %select_n3A_531 : vector<64x128xi1>, vector<64x128xf32>
    %get3A_538 = arith.constant 0 : index
    %get3A_539 = arith.constant 0 : index
    %get3A_540 = vector.load %arg16[%get3A_538, %get3A_539] : memref<64x128xf32, #tpu.memory_space<vmem>>, vector<64x128xf32>
    %mul3A_541 = arith.mulf %select_n3A_537, %select_n3A_31 : vector<64x128xf32>
    %sub3A_542 = arith.subf %get3A_540, %mul3A_541 : vector<64x128xf32>
    %add3A_543 = arith.addf %add3A_511, %sub3A_542 : vector<64x128xf32>
    %mul3A_544 = arith.mulf %add3A_543, %add3A_543 : vector<64x128xf32>
    %add3A_545 = arith.addf %add3A_513, %mul3A_544 : vector<64x128xf32>
    %sub3A_546 = arith.constant 16 : i32
    %sub3A_547 = vector.broadcast %sub3A_546 : i32 to vector<64x128xi32>
    %sub3A_548 = arith.subi %sub3A_547, %shift_right_arithmetic3A_14 : vector<64x128xi32>
    %abs3A_549 = math.absi %sub3A_548 : vector<64x128xi32>
    %eq3A_550 = arith.constant 0 : i32
    %eq3A_551 = vector.broadcast %eq3A_550 : i32 to vector<64x128xi32>
    %eq3A_552 = arith.cmpi eq, %abs3A_549, %eq3A_551 : vector<64x128xi32>
    %jit3A_553 = arith.constant 0.842599987 : f32
    %jit3A_554 = arith.constant 0.000000e+00 : f32
    %broadcast_in_dim3A_555 = vector.broadcast %jit3A_553 : f32 to vector<64x128xf32>
    %broadcast_in_dim3A_556 = vector.broadcast %jit3A_554 : f32 to vector<64x128xf32>
    %select_n3A_557 = arith.select %eq3A_552, %broadcast_in_dim3A_555, %broadcast_in_dim3A_556 : vector<64x128xi1>, vector<64x128xf32>
    %eq3A_558 = arith.constant 1 : i32
    %eq3A_559 = vector.broadcast %eq3A_558 : i32 to vector<64x128xi32>
    %eq3A_560 = arith.cmpi eq, %abs3A_549, %eq3A_559 : vector<64x128xi32>
    %jit3A_561 = arith.constant 7.630000e-02 : f32
    %broadcast_in_dim3A_562 = vector.broadcast %jit3A_561 : f32 to vector<64x128xf32>
    %select_n3A_563 = arith.select %eq3A_560, %broadcast_in_dim3A_562, %select_n3A_557 : vector<64x128xi1>, vector<64x128xf32>
    %eq3A_564 = arith.constant 2 : i32
    %eq3A_565 = vector.broadcast %eq3A_564 : i32 to vector<64x128xi32>
    %eq3A_566 = arith.cmpi eq, %abs3A_549, %eq3A_565 : vector<64x128xi32>
    %jit3A_567 = arith.constant 2.400000e-03 : f32
    %broadcast_in_dim3A_568 = vector.broadcast %jit3A_567 : f32 to vector<64x128xf32>
    %select_n3A_569 = arith.select %eq3A_566, %broadcast_in_dim3A_568, %select_n3A_563 : vector<64x128xi1>, vector<64x128xf32>
    %get3A_570 = arith.constant 0 : index
    %get3A_571 = arith.constant 0 : index
    %get3A_572 = vector.load %arg17[%get3A_570, %get3A_571] : memref<64x128xf32, #tpu.memory_space<vmem>>, vector<64x128xf32>
    %mul3A_573 = arith.mulf %select_n3A_569, %select_n3A_31 : vector<64x128xf32>
    %sub3A_574 = arith.subf %get3A_572, %mul3A_573 : vector<64x128xf32>
    %add3A_575 = arith.addf %add3A_543, %sub3A_574 : vector<64x128xf32>
    %mul3A_576 = arith.mulf %add3A_575, %add3A_575 : vector<64x128xf32>
    %add3A_577 = arith.addf %add3A_545, %mul3A_576 : vector<64x128xf32>
    %sub3A_578 = arith.constant 17 : i32
    %sub3A_579 = vector.broadcast %sub3A_578 : i32 to vector<64x128xi32>
    %sub3A_580 = arith.subi %sub3A_579, %shift_right_arithmetic3A_14 : vector<64x128xi32>
    %abs3A_581 = math.absi %sub3A_580 : vector<64x128xi32>
    %eq3A_582 = arith.constant 0 : i32
    %eq3A_583 = vector.broadcast %eq3A_582 : i32 to vector<64x128xi32>
    %eq3A_584 = arith.cmpi eq, %abs3A_581, %eq3A_583 : vector<64x128xi32>
    %jit3A_585 = arith.constant 0.842599987 : f32
    %jit3A_586 = arith.constant 0.000000e+00 : f32
    %broadcast_in_dim3A_587 = vector.broadcast %jit3A_585 : f32 to vector<64x128xf32>
    %broadcast_in_dim3A_588 = vector.broadcast %jit3A_586 : f32 to vector<64x128xf32>
    %select_n3A_589 = arith.select %eq3A_584, %broadcast_in_dim3A_587, %broadcast_in_dim3A_588 : vector<64x128xi1>, vector<64x128xf32>
    %eq3A_590 = arith.constant 1 : i32
    %eq3A_591 = vector.broadcast %eq3A_590 : i32 to vector<64x128xi32>
    %eq3A_592 = arith.cmpi eq, %abs3A_581, %eq3A_591 : vector<64x128xi32>
    %jit3A_593 = arith.constant 7.630000e-02 : f32
    %broadcast_in_dim3A_594 = vector.broadcast %jit3A_593 : f32 to vector<64x128xf32>
    %select_n3A_595 = arith.select %eq3A_592, %broadcast_in_dim3A_594, %select_n3A_589 : vector<64x128xi1>, vector<64x128xf32>
    %eq3A_596 = arith.constant 2 : i32
    %eq3A_597 = vector.broadcast %eq3A_596 : i32 to vector<64x128xi32>
    %eq3A_598 = arith.cmpi eq, %abs3A_581, %eq3A_597 : vector<64x128xi32>
    %jit3A_599 = arith.constant 2.400000e-03 : f32
    %broadcast_in_dim3A_600 = vector.broadcast %jit3A_599 : f32 to vector<64x128xf32>
    %select_n3A_601 = arith.select %eq3A_598, %broadcast_in_dim3A_600, %select_n3A_595 : vector<64x128xi1>, vector<64x128xf32>
    %get3A_602 = arith.constant 0 : index
    %get3A_603 = arith.constant 0 : index
    %get3A_604 = vector.load %arg18[%get3A_602, %get3A_603] : memref<64x128xf32, #tpu.memory_space<vmem>>, vector<64x128xf32>
    %mul3A_605 = arith.mulf %select_n3A_601, %select_n3A_31 : vector<64x128xf32>
    %sub3A_606 = arith.subf %get3A_604, %mul3A_605 : vector<64x128xf32>
    %add3A_607 = arith.addf %add3A_575, %sub3A_606 : vector<64x128xf32>
    %mul3A_608 = arith.mulf %add3A_607, %add3A_607 : vector<64x128xf32>
    %add3A_609 = arith.addf %add3A_577, %mul3A_608 : vector<64x128xf32>
    %sub3A_610 = arith.constant 18 : i32
    %sub3A_611 = vector.broadcast %sub3A_610 : i32 to vector<64x128xi32>
    %sub3A_612 = arith.subi %sub3A_611, %shift_right_arithmetic3A_14 : vector<64x128xi32>
    %abs3A_613 = math.absi %sub3A_612 : vector<64x128xi32>
    %eq3A_614 = arith.constant 0 : i32
    %eq3A_615 = vector.broadcast %eq3A_614 : i32 to vector<64x128xi32>
    %eq3A_616 = arith.cmpi eq, %abs3A_613, %eq3A_615 : vector<64x128xi32>
    %jit3A_617 = arith.constant 0.842599987 : f32
    %jit3A_618 = arith.constant 0.000000e+00 : f32
    %broadcast_in_dim3A_619 = vector.broadcast %jit3A_617 : f32 to vector<64x128xf32>
    %broadcast_in_dim3A_620 = vector.broadcast %jit3A_618 : f32 to vector<64x128xf32>
    %select_n3A_621 = arith.select %eq3A_616, %broadcast_in_dim3A_619, %broadcast_in_dim3A_620 : vector<64x128xi1>, vector<64x128xf32>
    %eq3A_622 = arith.constant 1 : i32
    %eq3A_623 = vector.broadcast %eq3A_622 : i32 to vector<64x128xi32>
    %eq3A_624 = arith.cmpi eq, %abs3A_613, %eq3A_623 : vector<64x128xi32>
    %jit3A_625 = arith.constant 7.630000e-02 : f32
    %broadcast_in_dim3A_626 = vector.broadcast %jit3A_625 : f32 to vector<64x128xf32>
    %select_n3A_627 = arith.select %eq3A_624, %broadcast_in_dim3A_626, %select_n3A_621 : vector<64x128xi1>, vector<64x128xf32>
    %eq3A_628 = arith.constant 2 : i32
    %eq3A_629 = vector.broadcast %eq3A_628 : i32 to vector<64x128xi32>
    %eq3A_630 = arith.cmpi eq, %abs3A_613, %eq3A_629 : vector<64x128xi32>
    %jit3A_631 = arith.constant 2.400000e-03 : f32
    %broadcast_in_dim3A_632 = vector.broadcast %jit3A_631 : f32 to vector<64x128xf32>
    %select_n3A_633 = arith.select %eq3A_630, %broadcast_in_dim3A_632, %select_n3A_627 : vector<64x128xi1>, vector<64x128xf32>
    %get3A_634 = arith.constant 0 : index
    %get3A_635 = arith.constant 0 : index
    %get3A_636 = vector.load %arg19[%get3A_634, %get3A_635] : memref<64x128xf32, #tpu.memory_space<vmem>>, vector<64x128xf32>
    %mul3A_637 = arith.mulf %select_n3A_633, %select_n3A_31 : vector<64x128xf32>
    %sub3A_638 = arith.subf %get3A_636, %mul3A_637 : vector<64x128xf32>
    %add3A_639 = arith.addf %add3A_607, %sub3A_638 : vector<64x128xf32>
    %mul3A_640 = arith.mulf %add3A_639, %add3A_639 : vector<64x128xf32>
    %add3A_641 = arith.addf %add3A_609, %mul3A_640 : vector<64x128xf32>
    %sub3A_642 = arith.constant 19 : i32
    %sub3A_643 = vector.broadcast %sub3A_642 : i32 to vector<64x128xi32>
    %sub3A_644 = arith.subi %sub3A_643, %shift_right_arithmetic3A_14 : vector<64x128xi32>
    %abs3A_645 = math.absi %sub3A_644 : vector<64x128xi32>
    %eq3A_646 = arith.constant 0 : i32
    %eq3A_647 = vector.broadcast %eq3A_646 : i32 to vector<64x128xi32>
    %eq3A_648 = arith.cmpi eq, %abs3A_645, %eq3A_647 : vector<64x128xi32>
    %jit3A_649 = arith.constant 0.842599987 : f32
    %jit3A_650 = arith.constant 0.000000e+00 : f32
    %broadcast_in_dim3A_651 = vector.broadcast %jit3A_649 : f32 to vector<64x128xf32>
    %broadcast_in_dim3A_652 = vector.broadcast %jit3A_650 : f32 to vector<64x128xf32>
    %select_n3A_653 = arith.select %eq3A_648, %broadcast_in_dim3A_651, %broadcast_in_dim3A_652 : vector<64x128xi1>, vector<64x128xf32>
    %eq3A_654 = arith.constant 1 : i32
    %eq3A_655 = vector.broadcast %eq3A_654 : i32 to vector<64x128xi32>
    %eq3A_656 = arith.cmpi eq, %abs3A_645, %eq3A_655 : vector<64x128xi32>
    %jit3A_657 = arith.constant 7.630000e-02 : f32
    %broadcast_in_dim3A_658 = vector.broadcast %jit3A_657 : f32 to vector<64x128xf32>
    %select_n3A_659 = arith.select %eq3A_656, %broadcast_in_dim3A_658, %select_n3A_653 : vector<64x128xi1>, vector<64x128xf32>
    %eq3A_660 = arith.constant 2 : i32
    %eq3A_661 = vector.broadcast %eq3A_660 : i32 to vector<64x128xi32>
    %eq3A_662 = arith.cmpi eq, %abs3A_645, %eq3A_661 : vector<64x128xi32>
    %jit3A_663 = arith.constant 2.400000e-03 : f32
    %broadcast_in_dim3A_664 = vector.broadcast %jit3A_663 : f32 to vector<64x128xf32>
    %select_n3A_665 = arith.select %eq3A_662, %broadcast_in_dim3A_664, %select_n3A_659 : vector<64x128xi1>, vector<64x128xf32>
    %get3A_666 = arith.constant 0 : index
    %get3A_667 = arith.constant 0 : index
    %get3A_668 = vector.load %arg20[%get3A_666, %get3A_667] : memref<64x128xf32, #tpu.memory_space<vmem>>, vector<64x128xf32>
    %mul3A_669 = arith.mulf %select_n3A_665, %select_n3A_31 : vector<64x128xf32>
    %sub3A_670 = arith.subf %get3A_668, %mul3A_669 : vector<64x128xf32>
    %add3A_671 = arith.addf %add3A_639, %sub3A_670 : vector<64x128xf32>
    %mul3A_672 = arith.mulf %add3A_671, %add3A_671 : vector<64x128xf32>
    %add3A_673 = arith.addf %add3A_641, %mul3A_672 : vector<64x128xf32>
    %mul3A_674 = arith.constant 5.000000e-02 : f32
    %mul3A_675 = vector.broadcast %mul3A_674 : f32 to vector<64x128xf32>
    %mul3A_676 = arith.mulf %add3A_673, %mul3A_675 : vector<64x128xf32>
    %add3A_677 = arith.constant 9.99999997E-7 : f32
    %add3A_678 = vector.broadcast %add3A_677 : f32 to vector<64x128xf32>
    %add3A_679 = arith.addf %mul3A_676, %add3A_678 : vector<64x128xf32>
    %sqrt3A = math.sqrt %add3A_679 : vector<64x128xf32>
    %eq3A_680 = arith.constant 0 : i32
    %eq3A_681 = arith.cmpi eq, %arg0, %eq3A_680 : i32
    %convert_element_type3A_682 = arith.extui %eq3A_681 : i1 to i32
    %cond3A = arith.constant 0 : i32
    %cond3A_683 = arith.cmpi ne, %convert_element_type3A_682, %cond3A : i32
    scf.if %cond3A_683 {
      %broadcast_in_dim3A_690 = arith.constant 0.000000e+00 : f32
      %broadcast_in_dim3A_691 = vector.broadcast %broadcast_in_dim3A_690 : f32 to vector<64x128xf32>
      %swap3A_692 = arith.constant 0 : index
      %swap3A_693 = arith.constant 0 : index
      %swap3A_694 = vector.load %arg22[%swap3A_692, %swap3A_693] : memref<64x128xf32, #tpu.memory_space<vmem>>, vector<64x128xf32>
      tpu.vector_store %arg22[%swap3A_692, %swap3A_693], %broadcast_in_dim3A_691 {strides = array<i32>} : memref<64x128xf32, #tpu.memory_space<vmem>>, vector<64x128xf32>,
    } else {
    }
    %get3A_684 = arith.constant 0 : index
    %get3A_685 = arith.constant 0 : index
    %get3A_686 = vector.load %arg22[%get3A_684, %get3A_685] : memref<64x128xf32, #tpu.memory_space<vmem>>, vector<64x128xf32>
    %add3A_687 = arith.addf %get3A_686, %sqrt3A : vector<64x128xf32>
    %swap3A = arith.constant 0 : index
    %swap3A_688 = arith.constant 0 : index
    %swap3A_689 = vector.load %arg22[%swap3A, %swap3A_688] : memref<64x128xf32, #tpu.memory_space<vmem>>, vector<64x128xf32>
    tpu.vector_store %arg22[%swap3A, %swap3A_688], %add3A_687 {strides = array<i32>} : memref<64x128xf32, #tpu.memory_space<vmem>>, vector<64x128xf32>,
    return
  }
  func.func @transform_0(%arg0: i32) -> (i32, i32) {
    %add3A = arith.constant 48 : i32
    %add3A_0 = arith.addi %add3A, %arg0 : i32
    %c0_i32 = arith.constant 0 : i32
    %c0_i32_1 = arith.constant 0 : i32
    return %add3A_0, %c0_i32 : i32, i32
  }
  func.func @transform_1(%arg0: i32) -> (i32, i32) {
    %add3A = arith.constant 176 : i32
    %add3A_0 = arith.addi %add3A, %arg0 : i32
    %c0_i32 = arith.constant 0 : i32
    %c0_i32_1 = arith.constant 0 : i32
    return %add3A_0, %c0_i32 : i32, i32
  }
  func.func @transform_2(%arg0: i32) -> (i32, i32) {
    %add3A = arith.constant 304 : i32
    %add3A_0 = arith.addi %add3A, %arg0 : i32
    %c0_i32 = arith.constant 0 : i32
    %c0_i32_1 = arith.constant 0 : i32
    return %add3A_0, %c0_i32 : i32, i32
  }
  func.func @transform_3(%arg0: i32) -> (i32, i32) {
    %add3A = arith.constant 432 : i32
    %add3A_0 = arith.addi %add3A, %arg0 : i32
    %c0_i32 = arith.constant 0 : i32
    %c0_i32_1 = arith.constant 0 : i32
    return %add3A_0, %c0_i32 : i32, i32
  }
  func.func @transform_4(%arg0: i32) -> (i32, i32) {
    %add3A = arith.constant 560 : i32
    %add3A_0 = arith.addi %add3A, %arg0 : i32
    %c0_i32 = arith.constant 0 : i32
    %c0_i32_1 = arith.constant 0 : i32
    return %add3A_0, %c0_i32 : i32, i32
  }
  func.func @transform_5(%arg0: i32) -> (i32, i32) {
    %add3A = arith.constant 688 : i32
    %add3A_0 = arith.addi %add3A, %arg0 : i32
    %c0_i32 = arith.constant 0 : i32
    %c0_i32_1 = arith.constant 0 : i32
    return %add3A_0, %c0_i32 : i32, i32
  }
  func.func @transform_6(%arg0: i32) -> (i32, i32) {
    %add3A = arith.constant 816 : i32
    %add3A_0 = arith.addi %add3A, %arg0 : i32
    %c0_i32 = arith.constant 0 : i32
    %c0_i32_1 = arith.constant 0 : i32
    return %add3A_0, %c0_i32 : i32, i32
  }
  func.func @transform_7(%arg0: i32) -> (i32, i32) {
    %add3A = arith.constant 944 : i32
    %add3A_0 = arith.addi %add3A, %arg0 : i32
    %c0_i32 = arith.constant 0 : i32
    %c0_i32_1 = arith.constant 0 : i32
    return %add3A_0, %c0_i32 : i32, i32
  }
  func.func @transform_8(%arg0: i32) -> (i32, i32) {
    %add3A = arith.constant 1072 : i32
    %add3A_0 = arith.addi %add3A, %arg0 : i32
    %c0_i32 = arith.constant 0 : i32
    %c0_i32_1 = arith.constant 0 : i32
    return %add3A_0, %c0_i32 : i32, i32
  }
  func.func @transform_9(%arg0: i32) -> (i32, i32) {
    %add3A = arith.constant 1200 : i32
    %add3A_0 = arith.addi %add3A, %arg0 : i32
    %c0_i32 = arith.constant 0 : i32
    %c0_i32_1 = arith.constant 0 : i32
    return %add3A_0, %c0_i32 : i32, i32
  }
  func.func @transform_10(%arg0: i32) -> (i32, i32) {
    %add3A = arith.constant 1328 : i32
    %add3A_0 = arith.addi %add3A, %arg0 : i32
    %c0_i32 = arith.constant 0 : i32
    %c0_i32_1 = arith.constant 0 : i32
    return %add3A_0, %c0_i32 : i32, i32
  }
  func.func @transform_11(%arg0: i32) -> (i32, i32) {
    %add3A = arith.constant 1456 : i32
    %add3A_0 = arith.addi %add3A, %arg0 : i32
    %c0_i32 = arith.constant 0 : i32
    %c0_i32_1 = arith.constant 0 : i32
    return %add3A_0, %c0_i32 : i32, i32
  }
  func.func @transform_12(%arg0: i32) -> (i32, i32) {
    %add3A = arith.constant 1584 : i32
    %add3A_0 = arith.addi %add3A, %arg0 : i32
    %c0_i32 = arith.constant 0 : i32
    %c0_i32_1 = arith.constant 0 : i32
    return %add3A_0, %c0_i32 : i32, i32
  }
  func.func @transform_13(%arg0: i32) -> (i32, i32) {
    %add3A = arith.constant 1712 : i32
    %add3A_0 = arith.addi %add3A, %arg0 : i32
    %c0_i32 = arith.constant 0 : i32
    %c0_i32_1 = arith.constant 0 : i32
    return %add3A_0, %c0_i32 : i32, i32
  }
  func.func @transform_14(%arg0: i32) -> (i32, i32) {
    %add3A = arith.constant 1840 : i32
    %add3A_0 = arith.addi %add3A, %arg0 : i32
    %c0_i32 = arith.constant 0 : i32
    %c0_i32_1 = arith.constant 0 : i32
    return %add3A_0, %c0_i32 : i32, i32
  }
  func.func @transform_15(%arg0: i32) -> (i32, i32) {
    %add3A = arith.constant 1968 : i32
    %add3A_0 = arith.addi %add3A, %arg0 : i32
    %c0_i32 = arith.constant 0 : i32
    %c0_i32_1 = arith.constant 0 : i32
    return %add3A_0, %c0_i32 : i32, i32
  }
  func.func @transform_16(%arg0: i32) -> (i32, i32) {
    %add3A = arith.constant 2096 : i32
    %add3A_0 = arith.addi %add3A, %arg0 : i32
    %c0_i32 = arith.constant 0 : i32
    %c0_i32_1 = arith.constant 0 : i32
    return %add3A_0, %c0_i32 : i32, i32
  }
  func.func @transform_17(%arg0: i32) -> (i32, i32) {
    %add3A = arith.constant 2224 : i32
    %add3A_0 = arith.addi %add3A, %arg0 : i32
    %c0_i32 = arith.constant 0 : i32
    %c0_i32_1 = arith.constant 0 : i32
    return %add3A_0, %c0_i32 : i32, i32
  }
  func.func @transform_18(%arg0: i32) -> (i32, i32) {
    %add3A = arith.constant 2352 : i32
    %add3A_0 = arith.addi %add3A, %arg0 : i32
    %c0_i32 = arith.constant 0 : i32
    %c0_i32_1 = arith.constant 0 : i32
    return %add3A_0, %c0_i32 : i32, i32
  }
  func.func @transform_19(%arg0: i32) -> (i32, i32) {
    %add3A = arith.constant 2480 : i32
    %add3A_0 = arith.addi %add3A, %arg0 : i32
    %c0_i32 = arith.constant 0 : i32
    %c0_i32_1 = arith.constant 0 : i32
    return %add3A_0, %c0_i32 : i32, i32
  }
  func.func @transform_20(%arg0: i32) -> (i32, i32) {
    %add3A = arith.constant 48 : i32
    %add3A_0 = arith.addi %add3A, %arg0 : i32
    %c0_i32 = arith.constant 0 : i32
    %c0_i32_1 = arith.constant 0 : i32
    return %add3A_0, %c0_i32 : i32, i32
  }
  func.func @transform_21(%arg0: i32) -> (i32, i32) {
    %c0_i32 = arith.constant 0 : i32
    %c0_i32_0 = arith.constant 0 : i32
    %c0_i32_1 = arith.constant 0 : i32
    return %c0_i32, %c0_i32_0 : i32, i32
  }
}

</mosaic_0001>

<sc_bundles>
// kernel: kernel.4.cloned.1.call-start
scs
__scs_entry_jumppad:
0x0: {  	(pc) =	sbr.rel $0x88, $3  }
0x1: {  	(tag) =	ssettag $0x0;
	lr =	simm.s32 $0x1  }
0x2: {  	[smem:$0x3F9F] =	sst lr;
	_ =	strace $0xD0000000  }
0x3: {  	_ = 	snop  }
0x4: {  	_ = 	snop  }
0x5: {  	_ = 	snop  }
0x6: {  	_ = 	snop  }
0x7: {  	_ = 	snop  }
__scs_overlays_trampoline_lowered:
0x8: {  	[smem:$0x3FAE] =	sst s0  }
0x9: {  	[smem:$0x3FAF] =	sst s1  }
0xa: {  	[smem:$0x3FB0] =	sst s2  }
0xb: {  	[smem:$0x3FB1] =	sst s3  }
0xc: {  	[smem:$0x3FB2] =	sst s4  }
0xd: {  	[smem:$0x3FB3] =	sst s5  }
0xe: {  	[smem:$0x3FB4] =	sst s6  }
0xf: {  	[smem:$0x3FB5] =	sst s7  }
0x10: {  	[smem:$0x3FB6] =	sst s8  }
0x11: {  	[smem:$0x3FB7] =	sst s9;
	s0 =	simm.s32 @!p0 $0x0  }
0x12: {  	s1 =	sld [smem:$0x3F9D];
	s0 =	simm.s32 @p0 $0x1  }
0x13: {  	[smem:$0x3FB8] =	sst s0;
	s0 =	simm.s32 @!p1 $0x0  }
0x14: {  	s2 =	sld [smem:$0x3F9C];
	s0 =	simm.s32 @p1 $0x1  }
0x15: {  	[smem:$0x3FB9] =	sst s0;
	s0 =	simm.s32 @!p2 $0x0  }
0x16: {  	s3 =	sld [smem:$0x3FDB];
	s0 =	simm.s32 @p2 $0x1  }
0x17: {  	s4 =	simm.s32 $0x1BF5;
	[smem:$0x3FBB] =	sst s0  }
0x18: {  	s0 =	sld [smem:$0x3F9E];
	_ =	swait.ge [sflag:s4], $0x0  }
0x19: {  	s7 =	sld [smem:$0x3F9F]  }
0x1a: {  	s8 =	sadd.s32 $0xFFFFE003, lr  }
0x1b: {  	s9 =	sadd.s32 $0xFFFFFEF7, lr;
	s5 =	simm.s32 $0xFFFFFFFF;
	p2 =	slt.u32 s8, $0xFFFFF086  }
0x1c: {  	p1 =	slt.u32 s9, $0xF7A;
	s5 =	simm.s32 @!p2 $0x0  }
0x1d: {  	s5 =	simm.s32 @p1 $0x1;
	p0 =	seq.s32 s7, s2  }
0x1e: {  	s7 =	smul.u32 @!p0 $0xF7A, s2;
	p2 =	seq.s32 @!p0 s5, $0x0  }
0x1f: {  	s9 =	smul.u32 $0xF7A, s1;
	s8 =	simm.s32 @!p0 $0x1BF5;
	p2 =	por !p2, p0  }
0x20: {  	[sflag:s8] =	ssyncset.s32 @!p0 $0xFFFFF086;
	s6 =	sadd.s32 @!p0 s3, s7;
	s7 =	simm.s32 @!p0 $0x108  }
0x21: {  	s3 =	sadd.s32 s3, s9;
	s6 =	sadd.s32 @!p0 $0x88, s6;
	s7 =	simm.s32 @p2 $0x1082  }
0x22: {  	[simem:s7], [sflag:s8] =	dma.local @!p0 [hbm:s6], $0xF7A  }
0x23: {  	s9 =	sor.u32 $0xD0000000, s2;
	s6 =	simm.s32 $0x108;
	_ =	swait.ge @!p0 [sflag:s8], $0x0  }
0x24: {  	s3 =	sadd.s32 $0x88, s3;
	s6 =	simm.s32 @!p1 $0x1082;
	[sflag:s4] =	ssyncset.s32 $0xFFFFF086  }
0x25: {  	[simem:s6], [sflag:s4] =	dma.local [hbm:s3], $0xF7A  }
0x26: {  	[smem:$0x3F9F] =	sst s1;
	(tag) =	ssettag s2;
	_ =	strace s9  }
0x27: {  	s1 =	sld [smem:$0x3FAF]  }
0x28: {  	s2 =	sld [smem:$0x3FB0]  }
0x29: {  	s4 =	sld [smem:$0x3FB2]  }
0x2a: {  	p0 =	seq.s32 s5, $0x0;
	s5 =	sld [smem:$0x3FB3]  }
0x2b: {  	s6 =	sld [smem:$0x3FB4]  }
0x2c: {  	s7 =	sld [smem:$0x3FB5]  }
0x2d: {  	s3 =	simm.s32 $0x108;
	s8 =	sld [smem:$0x3FB6]  }
0x2e: {  	s3 =	simm.s32 @!p0 $0x1082;
	s9 =	sld [smem:$0x3FB7]  }
0x2f: {  	lr =	sadd.s32 s0, s3;
	s0 =	sld [smem:$0x3FAE]  }
0x30: {  	s3 =	sld [smem:$0x3FB1]  }
0x31: {  	[smem:$0x3FBA] =	sst s10  }
0x32: {  	s10 =	sld [smem:$0x3FB8];
	_ =	sdelay $0x3  }
0x33: {  	p0 =	seq.s32 s10, $0x1;
	s10 =	sld [smem:$0x3FBA];
	_ =	sdelay $0x3  }
0x34: {  	[smem:$0x3FBA] =	sst s10  }
0x35: {  	s10 =	sld [smem:$0x3FB9];
	_ =	sdelay $0x3  }
0x36: {  	p1 =	seq.s32 s10, $0x1;
	s10 =	sld [smem:$0x3FBA];
	_ =	sdelay $0x3  }
0x37: {  	[smem:$0x3FBA] =	sst s10  }
0x38: {  	s10 =	sld [smem:$0x3FBB]  }
0x39: {  	_ = 	snop;
	(pc) =	sbr.ind lr, $3  }
0x3a: {  	_ = 	snop  }
0x3b: {  	_ = 	snop  }
0x3c: {  	p2 =	seq.s32 s10, $0x1;
	s10 =	sld [smem:$0x3FBA]  }
0x3d: {  	_ =	shalt  }
0x3e: {  	_ =	shalt  }
0x3f: {  	_ =	shalt  }
0x40: {  	_ =	shalt  }
0x41: {  	_ =	shalt  }
0x42: {  	_ =	shalt  }
0x43: {  	_ =	shalt  }
0x44: {  	_ =	shalt  }
0x45: {  	_ =	shalt  }
0x46: {  	_ =	shalt  }
0x47: {  	_ =	shalt  }
0x48: {  	_ =	shalt  }
0x49: {  	_ =	shalt  }
0x4a: {  	_ =	shalt  }
0x4b: {  	_ =	shalt  }
0x4c: {  	_ =	shalt  }
0x4d: {  	_ =	shalt  }
0x4e: {  	_ =	shalt  }
0x4f: {  	_ =	shalt  }
0x50: {  	_ =	shalt  }
0x51: {  	_ =	shalt  }
0x52: {  	_ =	shalt  }
0x53: {  	_ =	shalt  }
0x54: {  	_ =	shalt  }
0x55: {  	_ =	shalt  }
0x56: {  	_ =	shalt  }
0x57: {  	_ =	shalt  }
0x58: {  	_ =	shalt  }
0x59: {  	_ =	shalt  }
0x5a: {  	_ =	shalt  }
0x5b: {  	_ =	shalt  }
0x5c: {  	_ =	shalt  }
0x5d: {  	_ =	shalt  }
0x5e: {  	_ =	shalt  }
0x5f: {  	_ =	shalt  }
0x60: {  	_ =	shalt  }
0x61: {  	_ =	shalt  }
0x62: {  	_ =	shalt  }
0x63: {  	_ =	shalt  }
0x64: {  	_ =	shalt  }
0x65: {  	_ =	shalt  }
0x66: {  	_ =	shalt  }
0x67: {  	_ =	shalt  }
0x68: {  	_ =	shalt  }
0x69: {  	_ =	shalt  }
0x6a: {  	_ =	shalt  }
0x6b: {  	_ =	shalt  }
0x6c: {  	_ =	shalt  }
0x6d: {  	_ =	shalt  }
0x6e: {  	_ =	shalt  }
0x6f: {  	_ =	shalt  }
0x70: {  	_ =	shalt  }
0x71: {  	_ =	shalt  }
0x72: {  	_ =	shalt  }
0x73: {  	_ =	shalt  }
0x74: {  	_ =	shalt  }
0x75: {  	_ =	shalt  }
0x76: {  	_ =	shalt  }
0x77: {  	_ =	shalt  }
0x78: {  	_ =	shalt  }
0x79: {  	_ =	shalt  }
0x7a: {  	_ =	shalt  }
0x7b: {  	_ =	shalt  }
0x7c: {  	_ =	shalt  }
0x7d: {  	_ =	shalt  }
0x7e: {  	_ =	shalt  }
0x7f: {  	_ =	shalt  }
0x80: {  	_ =	shalt  }
0x81: {  	_ =	shalt  }
0x82: {  	_ =	shalt  }
0x83: {  	_ =	shalt  }
0x84: {  	_ =	shalt  }
0x85: {  	_ =	shalt  }
0x86: {  	_ =	shalt  }
0x87: {  	_ =	shalt  }
.Lfunc_end0:
.L_simem_size_0:
called_computation_lowered:
.L_overlay_start_0:
0x88: {  	s2 =	sld [smem:$0x3FD9]  }
0x89: {  	s3 =	sld [smem:$0x3FFE];
	_ =	sdelay $0x1  }
0x8a: {  	s1 =	srdreg.scid  }
0x8b: {  	s0 =	sand.u32 $0x1, s1  }
0x8c: {  	s17 =	sshll.u32 s0, $0xA;
	s2 =	sadd.s32 s3, s2  }
0x8d: {  	s2 =	sadd.s32 s2, s17  }
0x8e: {  	[smem:$0x3FC6] =	sst s2  }
0x8f: {  	_ = 	snop  }
0x90: {  	s2 =	sld [smem:$0x3FC8];
	(tm) =	ssettm $0x1  }
0x91: {  	s18 =	sld [smem:$0x3FFB];
	_ =	sdelay $0x3  }
0x92: {  	_ =	strace s18  }
0x93: {  	s3 =	sld [smem:$0x3FFC];
	_ =	sdelay $0x3  }
0x94: {  	_ =	strace s3  }
0x95: {  	s3 =	sld [smem:$0x3FFD];
	_ =	sdelay $0x3  }
0x96: {  	_ =	strace s3  }
0x97: {  	_ =	strace $0x8FFFFFFF  }
0x98: {  	s19 =	sld [smem:$0x3FDB];
	_ =	sdelay $0x1  }
0x99: {  	s4 =	simm.s32 $_scs_section_size  }
0x9a: {  	s5 =	simm.s32 $_size__tile_overlayer_lowered;
	s6 =	simm.s32 $_tile_overlayer_lowered  }
0x9b: {  	s22 =	simm.s32 $0x1BFF;
	s21 =	sshll.u32 s6, $0x1;
	s3 =	sadd.s32 s4, s19  }
0x9c: {  	s7 =	simm.s32 $0x0;
	s20 =	sshll.u32 s5, $0x1;
	s5 =	sadd.s32 s21, s3  }
0x9d: {  	[timem:s7], [sflag:s22] =	dma.local [hbm:s5], s20  }
0x9e: {  	_ =	swait.ge [sflag:s22], s20  }
0x9f: {  	s4 =	ssub.s32 $0x0, s20;
	[sflag:s22] =	ssyncset.done $0x0  }
0xa0: {  	[sflag:s22] =	ssyncadd.s32 s4;
	_ =	sdelay $0x1  }
0xa1: {  	s23 =	simm.s32 $0x1B8B  }
0xa2: {  	_ =	swait.ge [sflag:s23], $0x1  }
0xa3: {  	[sflag:s23] =	ssyncset.done $0x0  }
0xa4: {  	s25 =	simm.s32 $0x1B8E;
	s24 =	sld [smem:$0x3FFE];
	[sflag:s23] =	ssyncadd.s32 $0xFFFFFFFF  }
0xa5: {  	s26 =	simm.s32 $execute0_lowered;
	[smem:$0x3FD2] =	sst s25  }
0xa6: {  	s5 =	sshll.u32 s26, $0x1;
	_ =	strace $0x80000046;
	[dreg:$0x1] =	wrdreg $0xFFFFFFFF  }
0xa7: {  	s28 =	simm.s32 $_size_execute0_lowered;
	s3 =	sadd.s32 s3, s5;
	[dreg:$0x0] =	wrdreg $0x0  }
0xa8: {  	s5 =	sshll.u32 s28, $0x1;
	[dreg:$0x2] =	wrdreg s3  }
0xa9: {  	[dreg:$0x3] =	wrdreg s5  }
0xaa: {  	[dreg:$0x4] =	wrdreg $0xC0  }
0xab: {  	_ =	task [dreg:s7], $0x5FFFF  }
0xac: {  	[dreg:$0x1] =	wrdreg $0xFFFFFFFF  }
0xad: {  	[dreg:$0x0] =	wrdreg $0x60  }
0xae: {  	[dreg:$0x2] =	wrdreg s24  }
0xaf: {  	[dreg:$0x3] =	wrdreg s2  }
0xb0: {  	[dreg:$0x4] =	wrdreg $0x9  }
0xb1: {  	_ =	task.clear_ibuf [dreg:s7], $0x5FFFF;
	_ =	strace $0x90000046  }
0xb2: {  	s29 =	simm.s32 $0x9;
	_ =	strace $0x80000048  }
0xb3: {  	_ =	swait.ge [sflag:s29], $0x1  }
0xb4: {  	[sflag:s29] =	ssyncadd.s32 $0xFFFFFFFF  }
0xb5: {  	_ =	strace $0x90000048  }
0xb6: {  	_ =	sfence  }
0xb7: {  	s30 =	sld [smem:$0x0];
	_ =	sdelay $0x2  }
0xb8: {  	s31 =	sshll.u32 s1, $0xD;
	s1 =	sshrl.u32 s1, $0x2  }
0xb9: {  	s3 =	sand.u32 $0x4000, s31;
	s1 =	sadd.s32 s1, s30  }
0xba: {  	s0 =	sor.u32 s3, s0;
	s1 =	sshll.u32 s1, $0x11  }
0xbb: {  	s0 =	sor.u32 s1, s0  }
0xbc: {  	s0 =	sadd.s32 $0x8F2B, s0  }
0xbd: {  	[sflag:s0] =	ssyncadd.remote.s32 $0x1  }
0xbe: {  	_ =	sfence.sel $0xFFFF  }
0xbf: {  	[dreg:$0x0] =	wrdreg $0xFFFFFFFF;
	(pc) =	sbr.abs _section_cstart, $3  }
0xc0: {  	[dreg:$0x1] =	wrdreg $0xFFFFFFFF  }
0xc1: {  	_ =	task.clear_ibuf [dreg:s7], $0x2FFFF;
	_ =	strace $0x9FFFFFFF  }
0xc2: {  	(tm) =	ssettm $0x7FFFFFFF  }
0xc3: {  	_ =	shalt  }
tec
execute0_lowered:
.L_overlay_start_1:
0x0: {  	(tag) =	ssettag $0x1  }
0x1: {  	s2 =	rddreg [dreg:$0x0];
	s0 =	srdreg.scid  }
0x2: {  	s1 =	stileid.u32;
	s3 =	rddreg [dreg:$0x1]  }
0x3: {  	s4 =	simm.s32 $0x0;
	s0 =	sand.u32 $0x1, s0;
	s1 =	sshll.u32 s1, $0x1  }
0x4: {  	[smem:$0x7FF] =	sst s4;
	s6 =	sadd.s32 $0x280000, s2;
	s1 =	sor.u32 s0, s1  }
0x5: {  	s0 =	ssub.s32 $0x2, s0;
	s5 =	smul.u32 $0x3000, s1;
	s1 =	sshll.u32 s1, $0x1  }
0x6: {  	_ =	strace $0x80000047;
	s7 =	sshrl.u32 s0, $0x1;
	s1 =	sadd.s32 s1, s2  }
0x7: {  	[dreg:$0x3] =	wrdreg s6;
	s0 =	ssub.s32 s0, s7;
	s1 =	sadd.s32 $0x280400, s1  }
0x8: {  	s10 =	sshrl.u32 s5, $0x3;
	s0 =	smax.u32 s0, $0x1;
	[dreg:$0x15] =	wrdreg s1  }
0x9: {  	s6 =	sadd.s32 s3, s10;
	[dreg:$0x16] =	wrdreg s0  }
0xa: {  	s8 =	sadd.s32 s2, s10;
	[dreg:$0x13] =	wrdreg s6  }
0xb: {  	s11 =	sadd.s32 $0x20000, s8;
	[dreg:$0x4] =	wrdreg s8  }
0xc: {  	s12 =	sadd.s32 $0x40000, s8;
	[dreg:$0x5] =	wrdreg s11  }
0xd: {  	s13 =	sadd.s32 $0x60000, s8;
	[dreg:$0x6] =	wrdreg s12  }
0xe: {  	s14 =	sadd.s32 $0x80000, s8;
	[dreg:$0x7] =	wrdreg s13  }
0xf: {  	s15 =	sadd.s32 $0xA0000, s8;
	[dreg:$0x8] =	wrdreg s14  }
0x10: {  	s16 =	sadd.s32 $0xC0000, s8;
	[dreg:$0x9] =	wrdreg s15  }
0x11: {  	s17 =	sadd.s32 $0xE0000, s8;
	[dreg:$0xa] =	wrdreg s16  }
0x12: {  	s18 =	sadd.s32 $0x100000, s8;
	[dreg:$0xb] =	wrdreg s17  }
0x13: {  	s19 =	sadd.s32 $0x120000, s8;
	[dreg:$0xc] =	wrdreg s18  }
0x14: {  	s20 =	sadd.s32 $0x140000, s8;
	[dreg:$0xd] =	wrdreg s19  }
0x15: {  	s21 =	sadd.s32 $0x160000, s8;
	[dreg:$0xe] =	wrdreg s20  }
0x16: {  	s9 =	simm.s32 $0xE000;
	s22 =	sadd.s32 $0x180000, s8;
	[dreg:$0xf] =	wrdreg s21  }
0x17: {  	s28 =	simm.s32 $0x4;
	s23 =	sadd.s32 $0x1A0000, s8;
	[dreg:$0x10] =	wrdreg s22  }
0x18: {  	s7 =	simm.s32 $0xD000;
	s24 =	sadd.s32 $0x1C0000, s8;
	[dreg:$0x11] =	wrdreg s23  }
0x19: {  	s1 =	simm.s32 $0x15000;
	s25 =	sadd.s32 $0x1E0000, s8;
	[dreg:$0x12] =	wrdreg s24  }
0x1a: {  	s10 =	simm.s32 $0xE800;
	s26 =	sadd.s32 $0x200000, s8;
	[dreg:$0x17] =	wrdreg s25  }
0x1b: {  	s29 =	sadd.s32 $0x220000, s8;
	s30 =	sadd.s32 $0x240000, s8;
	[dreg:$0x18] =	wrdreg s26  }
0x1c: {  	v0 =	vlaneseq.u32;
	s31 =	sadd.s32 $0x260000, s8;
	s8 =	simm.s32 $0xD800;
	[dreg:$0x19] =	wrdreg s29  }
0x1d: {  	v1 =	vimm.f32 $0.0e+00;
	v2 =	vor.u32 $0x10, v0;
	s6 =	simm.s32 $0x0;
	s22 =	sor.u32 $0x800, s5;
	[dreg:$0x1a] =	wrdreg s30  }
0x1e: {  	v3 =	vor.u32 $0x20, v0;
	v4 =	vor.u32 $0x30, v0;
	v5 =	vor.u32 $0x40, v0;
	s5 =	sadd.s32 $0x1000, s5;
	[dreg:$0x1b] =	wrdreg s31;
	s11 =	simm.s32 $0xF000  }
0x1f: {  	v6 =	vor.u32 $0x50, v0;
	v7 =	vor.u32 $0x60, v0;
	v8 =	vor.u32 $0x70, v0;
	s12 =	simm.s32 $0xF800;
	s13 =	simm.s32 $0x10000;
	s14 =	simm.s32 $0x10800  }
0x20: {  	v9 =	vor.u32 $0x80, v0;
	v10 =	vor.u32 $0x90, v0;
	v11 =	vor.u32 $0xA0, v0;
	s15 =	simm.s32 $0x11000;
	s16 =	simm.s32 $0x11800;
	s17 =	simm.s32 $0x12000  }
0x21: {  	v12 =	vor.u32 $0xB0, v0;
	v13 =	vor.u32 $0xC0, v0;
	v14 =	vor.u32 $0xD0, v0;
	s18 =	simm.s32 $0x12800;
	s19 =	simm.s32 $0x13000;
	s20 =	simm.s32 $0x13800  }
0x22: {  	v15 =	vor.u32 $0xE0, v0;
	v16 =	vor.u32 $0xF0, v0;
	v17 =	vor.u32 $0x100, v0;
	s21 =	simm.s32 $0x14800;
	s24 =	simm.s32 $0x1;
	s25 =	simm.s32 $0x3  }
0x23: {  	v18 =	vor.u32 $0x110, v0;
	v19 =	vor.u32 $0x120, v0;
	v20 =	vor.u32 $0x130, v0;
	s26 =	simm.s32 $0x2;
	[dreg:$0x14] =	wrdreg s5;
	s5 =	simm.s32 $0x5  }
.LBB2_1:
0x24: {  	[dreg:$0x1c] =	wrdreg s6  }
0x25: {  	s0 =	rddreg [dreg:$0x3]  }
0x26: {  	[tilespmem:s1], [sflag:$0x5] =	stream.linear.gather [hbm4b:s0+s4], $0x2000, $0x38;
	[tilespmem:$0x17080] =	vst v63  }
0x27: {  	_ =	swait.ge [sflag:s5], $0x2000  }
0x28: {  	[sflag:s5] =	ssyncset.done $0x0  }
0x29: {  	[sflag:s5] =	ssyncadd.s32 $0xFFFFE000  }
0x2a: {  	s6 =	rddreg [dreg:$0x4];
	[tilespmem:$0x17000] =	vst v1  }
0x2b: {  	[tilespmem:s4], [sflag:$0x1] =	stream.linear.gather [hbm4b:s6+s4], $0x800, $0x38;
	[tilespmem:$0x17080] =	vst v63  }
0x2c: {  	s29 =	simm.s32 $0x800;
	s23 =	rddreg [dreg:$0x5]  }
0x2d: {  	[tilespmem:s29], [sflag:$0x1] =	stream.linear.gather [hbm4b:s23+s4], $0x800, $0x38;
	[tilespmem:$0x17080] =	vst v63  }
0x2e: {  	s31 =	simm.s32 $0x1000;
	s30 =	rddreg [dreg:$0x6]  }
0x2f: {  	[tilespmem:s31], [sflag:$0x1] =	stream.linear.gather [hbm4b:s30+s4], $0x800, $0x38;
	[tilespmem:$0x17080] =	vst v63  }
0x30: {  	s5 =	rddreg [dreg:$0x7];
	s6 =	simm.s32 $0x1800  }
0x31: {  	[tilespmem:s6], [sflag:$0x1] =	stream.linear.gather [hbm4b:s5+s4], $0x800, $0x38;
	[tilespmem:$0x17080] =	vst v63  }
0x32: {  	s23 =	rddreg [dreg:$0x8];
	s29 =	simm.s32 $0x2000  }
0x33: {  	[tilespmem:s29], [sflag:$0x1] =	stream.linear.gather [hbm4b:s23+s4], $0x800, $0x38;
	[tilespmem:$0x17080] =	vst v63  }
0x34: {  	s30 =	rddreg [dreg:$0x9];
	s31 =	simm.s32 $0x2800  }
0x35: {  	[tilespmem:s31], [sflag:$0x1] =	stream.linear.gather [hbm4b:s30+s4], $0x800, $0x38;
	[tilespmem:$0x17080] =	vst v63  }
0x36: {  	s5 =	rddreg [dreg:$0xa];
	s6 =	simm.s32 $0x3000  }
0x37: {  	[tilespmem:s6], [sflag:$0x1] =	stream.linear.gather [hbm4b:s5+s4], $0x800, $0x38;
	[tilespmem:$0x17080] =	vst v63  }
0x38: {  	s23 =	rddreg [dreg:$0xb];
	s29 =	simm.s32 $0x3800  }
0x39: {  	[tilespmem:s29], [sflag:$0x1] =	stream.linear.gather [hbm4b:s23+s4], $0x800, $0x38;
	[tilespmem:$0x17080] =	vst v63  }
0x3a: {  	s30 =	rddreg [dreg:$0xc];
	s31 =	simm.s32 $0x4000  }
0x3b: {  	[tilespmem:s31], [sflag:$0x1] =	stream.linear.gather [hbm4b:s30+s4], $0x800, $0x38;
	[tilespmem:$0x17080] =	vst v63  }
0x3c: {  	s5 =	rddreg [dreg:$0xd];
	s6 =	simm.s32 $0x4800  }
0x3d: {  	[tilespmem:s6], [sflag:$0x1] =	stream.linear.gather [hbm4b:s5+s4], $0x800, $0x38;
	[tilespmem:$0x17080] =	vst v63  }
0x3e: {  	s23 =	rddreg [dreg:$0xe];
	s29 =	simm.s32 $0x5000  }
0x3f: {  	[tilespmem:s29], [sflag:$0x1] =	stream.linear.gather [hbm4b:s23+s4], $0x800, $0x38;
	[tilespmem:$0x17080] =	vst v63  }
0x40: {  	s30 =	rddreg [dreg:$0xf];
	s31 =	simm.s32 $0x5800  }
0x41: {  	[tilespmem:s31], [sflag:$0x1] =	stream.linear.gather [hbm4b:s30+s4], $0x800, $0x38;
	[tilespmem:$0x17080] =	vst v63  }
0x42: {  	s5 =	rddreg [dreg:$0x10];
	s6 =	simm.s32 $0x6000  }
0x43: {  	[tilespmem:s6], [sflag:$0x1] =	stream.linear.gather [hbm4b:s5+s4], $0x800, $0x38;
	[tilespmem:$0x17080] =	vst v63  }
0x44: {  	s23 =	rddreg [dreg:$0x11];
	s29 =	simm.s32 $0x6800  }
0x45: {  	[tilespmem:s29], [sflag:$0x1] =	stream.linear.gather [hbm4b:s23+s4], $0x800, $0x38;
	[tilespmem:$0x17080] =	vst v63  }
0x46: {  	s30 =	rddreg [dreg:$0x12];
	s31 =	simm.s32 $0x7000  }
0x47: {  	[tilespmem:s31], [sflag:$0x1] =	stream.linear.gather [hbm4b:s30+s4], $0x800, $0x38;
	[tilespmem:$0x17080] =	vst v63  }
0x48: {  	s5 =	rddreg [dreg:$0x17];
	s6 =	simm.s32 $0x7800  }
0x49: {  	[tilespmem:s6], [sflag:$0x1] =	stream.linear.gather [hbm4b:s5+s4], $0x800, $0x38;
	[tilespmem:$0x17080] =	vst v63  }
0x4a: {  	s23 =	rddreg [dreg:$0x18];
	s29 =	simm.s32 $0x8000  }
0x4b: {  	[tilespmem:s29], [sflag:$0x1] =	stream.linear.gather [hbm4b:s23+s4], $0x800, $0x38;
	[tilespmem:$0x17080] =	vst v63  }
0x4c: {  	s30 =	rddreg [dreg:$0x19];
	s31 =	simm.s32 $0x8800  }
0x4d: {  	[tilespmem:s31], [sflag:$0x1] =	stream.linear.gather [hbm4b:s30+s4], $0x800, $0x38;
	[tilespmem:$0x17080] =	vst v63  }
0x4e: {  	s5 =	rddreg [dreg:$0x1a];
	s6 =	simm.s32 $0x9000  }
0x4f: {  	[tilespmem:s6], [sflag:$0x1] =	stream.linear.gather [hbm4b:s5+s4], $0x800, $0x38;
	[tilespmem:$0x17080] =	vst v63  }
0x50: {  	s23 =	rddreg [dreg:$0x1b];
	s29 =	simm.s32 $0x9800  }
0x51: {  	[tilespmem:s29], [sflag:$0x1] =	stream.linear.gather [hbm4b:s23+s4], $0x800, $0x38;
	[tilespmem:$0x17080] =	vst v63  }
0x52: {  	s30 =	rddreg [dreg:$0x13];
	s31 =	simm.s32 $0x14000;
	s23 =	simm.s32 $0x0  }
0x53: {  	[tilespmem:s31], [sflag:$0x3] =	stream.linear.gather [hbm4b:s30+s4], $0x800, $0x38;
	[tilespmem:$0x17080] =	vst v63  }
.LBB2_2:
0x54: {  	s29 =	sshll.u32 s23, $0xC  }
0x55: {  	s6 =	sadd.s32 s29, s22  }
0x56: {  	s30 =	sshrl.u32 s6, $0x3  }
0x57: {  	s0 =	simm.s32 $0xA000;
	s6 =	simm.s32 $0x0;
	s31 =	sadd.s32 s2, s30  }
0x58: {  	[tilespmem:s0], [sflag:$0x2] =	stream.linear.gather [hbm4b:s31+s6], $0x800, $0x38;
	[tilespmem:$0x17080] =	vst v63  }
0x59: {  	s31 =	sor.u32 $0x20000, s30  }
0x5a: {  	s5 =	simm.s32 $0xA800;
	s31 =	sadd.s32 s2, s31  }
0x5b: {  	[tilespmem:s5], [sflag:$0x2] =	stream.linear.gather [hbm4b:s31+s6], $0x800, $0x38;
	[tilespmem:$0x17080] =	vst v63  }
0x5c: {  	s31 =	sor.u32 $0x40000, s30  }
0x5d: {  	s5 =	simm.s32 $0xB000;
	s31 =	sadd.s32 s2, s31  }
0x5e: {  	[tilespmem:s5], [sflag:$0x2] =	stream.linear.gather [hbm4b:s31+s6], $0x800, $0x38;
	[tilespmem:$0x17080] =	vst v63  }
0x5f: {  	s31 =	sor.u32 $0x60000, s30  }
0x60: {  	s5 =	simm.s32 $0xB800;
	s31 =	sadd.s32 s2, s31  }
0x61: {  	[tilespmem:s5], [sflag:$0x2] =	stream.linear.gather [hbm4b:s31+s6], $0x800, $0x38;
	[tilespmem:$0x17080] =	vst v63  }
0x62: {  	s31 =	sor.u32 $0x80000, s30  }
0x63: {  	s5 =	simm.s32 $0xC000;
	s31 =	sadd.s32 s2, s31  }
0x64: {  	[tilespmem:s5], [sflag:$0x2] =	stream.linear.gather [hbm4b:s31+s6], $0x800, $0x38;
	[tilespmem:$0x17080] =	vst v63  }
0x65: {  	s31 =	sor.u32 $0xA0000, s30  }
0x66: {  	s5 =	simm.s32 $0xC800;
	s31 =	sadd.s32 s2, s31  }
0x67: {  	[tilespmem:s5], [sflag:$0x2] =	stream.linear.gather [hbm4b:s31+s6], $0x800, $0x38;
	[tilespmem:$0x17080] =	vst v63  }
0x68: {  	s31 =	sor.u32 $0xC0000, s30  }
0x69: {  	s31 =	sadd.s32 s2, s31  }
0x6a: {  	[tilespmem:s7], [sflag:$0x2] =	stream.linear.gather [hbm4b:s31+s6], $0x800, $0x38;
	[tilespmem:$0x17080] =	vst v63  }
0x6b: {  	s31 =	sor.u32 $0xE0000, s30  }
0x6c: {  	s31 =	sadd.s32 s2, s31  }
0x6d: {  	[tilespmem:s8], [sflag:$0x2] =	stream.linear.gather [hbm4b:s31+s6], $0x800, $0x38;
	[tilespmem:$0x17080] =	vst v63  }
0x6e: {  	s31 =	sor.u32 $0x100000, s30  }
0x6f: {  	s31 =	sadd.s32 s2, s31  }
0x70: {  	[tilespmem:s9], [sflag:$0x2] =	stream.linear.gather [hbm4b:s31+s6], $0x800, $0x38;
	[tilespmem:$0x17080] =	vst v63  }
0x71: {  	s31 =	sor.u32 $0x120000, s30  }
0x72: {  	s31 =	sadd.s32 s2, s31  }
0x73: {  	[tilespmem:s10], [sflag:$0x2] =	stream.linear.gather [hbm4b:s31+s6], $0x800, $0x38;
	[tilespmem:$0x17080] =	vst v63  }
0x74: {  	s31 =	sor.u32 $0x140000, s30  }
0x75: {  	s31 =	sadd.s32 s2, s31  }
0x76: {  	[tilespmem:s11], [sflag:$0x2] =	stream.linear.gather [hbm4b:s31+s6], $0x800, $0x38;
	[tilespmem:$0x17080] =	vst v63  }
0x77: {  	s31 =	sor.u32 $0x160000, s30  }
0x78: {  	s31 =	sadd.s32 s2, s31  }
0x79: {  	[tilespmem:s12], [sflag:$0x2] =	stream.linear.gather [hbm4b:s31+s6], $0x800, $0x38;
	[tilespmem:$0x17080] =	vst v63  }
0x7a: {  	s31 =	sor.u32 $0x180000, s30  }
0x7b: {  	s31 =	sadd.s32 s2, s31  }
0x7c: {  	[tilespmem:s13], [sflag:$0x2] =	stream.linear.gather [hbm4b:s31+s6], $0x800, $0x38;
	[tilespmem:$0x17080] =	vst v63  }
0x7d: {  	s31 =	sor.u32 $0x1A0000, s30  }
0x7e: {  	s31 =	sadd.s32 s2, s31  }
0x7f: {  	[tilespmem:s14], [sflag:$0x2] =	stream.linear.gather [hbm4b:s31+s6], $0x800, $0x38;
	[tilespmem:$0x17080] =	vst v63  }
0x80: {  	s31 =	sor.u32 $0x1C0000, s30  }
0x81: {  	s31 =	sadd.s32 s2, s31  }
0x82: {  	[tilespmem:s15], [sflag:$0x2] =	stream.linear.gather [hbm4b:s31+s6], $0x800, $0x38;
	[tilespmem:$0x17080] =	vst v63  }
0x83: {  	s31 =	sor.u32 $0x1E0000, s30  }
0x84: {  	s31 =	sadd.s32 s2, s31  }
0x85: {  	[tilespmem:s16], [sflag:$0x2] =	stream.linear.gather [hbm4b:s31+s6], $0x800, $0x38;
	[tilespmem:$0x17080] =	vst v63  }
0x86: {  	s31 =	sor.u32 $0x200000, s30  }
0x87: {  	s31 =	sadd.s32 s2, s31  }
0x88: {  	[tilespmem:s17], [sflag:$0x2] =	stream.linear.gather [hbm4b:s31+s6], $0x800, $0x38;
	[tilespmem:$0x17080] =	vst v63  }
0x89: {  	s31 =	sor.u32 $0x220000, s30  }
0x8a: {  	s31 =	sadd.s32 s2, s31  }
0x8b: {  	[tilespmem:s18], [sflag:$0x2] =	stream.linear.gather [hbm4b:s31+s6], $0x800, $0x38;
	[tilespmem:$0x17080] =	vst v63  }
0x8c: {  	s31 =	sor.u32 $0x240000, s30  }
0x8d: {  	s31 =	sadd.s32 s2, s31  }
0x8e: {  	[tilespmem:s19], [sflag:$0x2] =	stream.linear.gather [hbm4b:s31+s6], $0x800, $0x38;
	[tilespmem:$0x17080] =	vst v63  }
0x8f: {  	s31 =	sor.u32 $0x260000, s30  }
0x90: {  	s31 =	sadd.s32 s2, s31  }
0x91: {  	[tilespmem:s20], [sflag:$0x2] =	stream.linear.gather [hbm4b:s31+s6], $0x800, $0x38;
	[tilespmem:$0x17080] =	vst v63  }
0x92: {  	s30 =	sadd.s32 s3, s30  }
0x93: {  	[tilespmem:s21], [sflag:$0x4] =	stream.linear.gather [hbm4b:s30+s6], $0x800, $0x38;
	[tilespmem:$0x17080] =	vst v63  }
0x94: {  	_ =	swait.ge [sflag:s24], $0xA000  }
0x95: {  	[sflag:s24] =	ssyncset.done $0x0  }
0x96: {  	[sflag:s24] =	ssyncadd.s32 $0xFFFF6000  }
0x97: {  	s30 =	simm.s32 $0x0;
	_ =	swait.ge [sflag:s25], $0x800  }
0x98: {  	s6 =	sand.u32 $0x70, s6;
	s31 =	sand.u32 $0xFFFFFF80, s30;
	[sflag:s25] =	ssyncset.done $0x0  }
0x99: {  	s31 =	sor.u32 s6, s31;
	[sflag:s25] =	ssyncadd.s32 $0xFFFFF800  }
0x9a: {  	v21 =	vld [tilespmem:s31+$0x14000];
	_ =	sdelay $0x4  }
0x9b: {  	v21 =	vmul.f32 $1.000000000e+02, v21;
	_ =	sdelay $0x1  }
0x9c: {  	v21 =	vadd.f32 $-1.000000000e+02, v21;
	_ =	sdelay $0x1  }
0x9d: {  	v21 =	vtrunc.f32 v21  }
0x9e: {  	v21 =	vcvt.f32.s32 v21;
	_ =	sdelay $0x1  }
0x9f: {  	vm0 =	vgt.s32 v21, $0x0  }
0xa0: {  	v21 =	vnsel vm0, $0x0, v21  }
0xa1: {  	v21 =	vmin.u32 v21, $0x18F  }
0xa2: {  	v21 =	vmul.u32 $0xCCD, v21;
	_ =	sdelay $0x1  }
0xa3: {  	v21 =	vshrl.u32 v21, $0x10  }
0xa4: {  	v21 =	vmul.u32 $0x150, v21;
	_ =	sdelay $0x1  }
0xa5: {  	v22 =	vor.u32 v0, v21  }
0xa6: {  	s30 =	sand.u32 $0x3FFFFF80, s30  }
0xa7: {  	s6 =	sor.u32 s6, s30;
	v23 =	vadd.s32 v2, v21  }
0xa8: {  	v24 =	vld [tilespmem:s6+$0x1000]  }
0xa9: {  	v27 =	vld [tilespmem:s31+$0x0];
	v25 =	vadd.s32 v3, v21  }
0xaa: {  	v26 =	vadd.s32 v4, v21;
	v22 =	vld.idx.msk [tilespmem:v22+s1+$0x0], $0xffff  }
0xab: {  	v29 =	vld [tilespmem:s6+$0x800]  }
0xac: {  	v28 =	vadd.s32 v5, v21;
	v23 =	vld.idx.msk [tilespmem:v23+s1+$0x0], $0xffff  }
0xad: {  	v36 =	vld [tilespmem:s6+$0x1800]  }
0xae: {  	v30 =	vadd.s32 v6, v21;
	v25 =	vld.idx.msk [tilespmem:v25+s1+$0x0], $0xffff  }
0xaf: {  	v26 =	vld.idx.msk [tilespmem:v26+s1+$0x0], $0xffff;
	v22 =	vsub.f32 v27, v22  }
0xb0: {  	v37 =	vld [tilespmem:s6+$0x2000];
	v31 =	vadd.s32 v7, v21  }
0xb1: {  	v28 =	vld.idx.msk [tilespmem:v28+s1+$0x0], $0xffff;
	v23 =	vsub.f32 v29, v23;
	v22 =	vadd.f32 $0.0e+00, v22  }
0xb2: {  	v38 =	vld [tilespmem:s6+$0x2800];
	v32 =	vadd.s32 v8, v21  }
0xb3: {  	v30 =	vld.idx.msk [tilespmem:v30+s1+$0x0], $0xffff;
	v24 =	vsub.f32 v24, v25;
	v23 =	vadd.f32 v23, v22  }
0xb4: {  	v41 =	vld [tilespmem:s6+$0x3000];
	v33 =	vadd.s32 v9, v21;
	v26 =	vsub.f32 v36, v26  }
0xb5: {  	v39 =	vld.idx.msk [tilespmem:v31+s1+$0x0], $0xffff;
	v22 =	vmul.f32 v22, v22;
	v34 =	vmul.f32 v23, v23;
	v23 =	vadd.f32 v24, v23  }
0xb6: {  	v45 =	vld [tilespmem:s6+$0x3800];
	v40 =	vadd.s32 v10, v21;
	v28 =	vsub.f32 v37, v28  }
0xb7: {  	v42 =	vld.idx.msk [tilespmem:v32+s1+$0x0], $0xffff;
	v22 =	vadd.f32 v34, v22;
	v44 =	vmul.f32 v23, v23;
	v23 =	vadd.f32 v26, v23  }
0xb8: {  	v49 =	vld [tilespmem:s6+$0x4000];
	v43 =	vadd.s32 v11, v21;
	v25 =	vsub.f32 v38, v30  }
0xb9: {  	v46 =	vld.idx.msk [tilespmem:v33+s1+$0x0], $0xffff;
	v22 =	vadd.f32 v44, v22;
	v48 =	vmul.f32 v23, v23;
	v23 =	vadd.f32 v28, v23  }
0xba: {  	v53 =	vld [tilespmem:s6+$0x4800];
	v47 =	vadd.s32 v12, v21;
	v51 =	vadd.s32 v13, v21;
	v24 =	vsub.f32 v41, v39  }
0xbb: {  	v50 =	vld.idx.msk [tilespmem:v40+s1+$0x0], $0xffff;
	v22 =	vadd.f32 v48, v22;
	v52 =	vmul.f32 v23, v23;
	v23 =	vadd.f32 v25, v23  }
0xbc: {  	v57 =	vld [tilespmem:s6+$0x5000];
	v55 =	vadd.s32 v14, v21;
	v26 =	vsub.f32 v45, v42  }
0xbd: {  	v54 =	vld.idx.msk [tilespmem:v43+s1+$0x0], $0xffff;
	v22 =	vadd.f32 v52, v22;
	v56 =	vmul.f32 v23, v23;
	v23 =	vadd.f32 v24, v23  }
0xbe: {  	v61 =	vld [tilespmem:s6+$0x5800];
	v59 =	vadd.s32 v15, v21;
	v28 =	vsub.f32 v49, v46  }
0xbf: {  	v58 =	vld.idx.msk [tilespmem:v47+s1+$0x0], $0xffff;
	v22 =	vadd.f32 v56, v22;
	v60 =	vmul.f32 v23, v23;
	v23 =	vadd.f32 v26, v23  }
0xc0: {  	v63 =	vadd.s32 v16, v21;
	v62 =	vld.idx.msk [tilespmem:v51+s1+$0x0], $0xffff;
	v25 =	vsub.f32 v53, v50  }
0xc1: {  	v37 =	vld [tilespmem:s6+$0x6000];
	v22 =	vadd.f32 v60, v22;
	v36 =	vmul.f32 v23, v23;
	v23 =	vadd.f32 v28, v23  }
0xc2: {  	v38 =	vld.idx.msk [tilespmem:v55+s1+$0x0], $0xffff;
	v39 =	vadd.s32 v17, v21;
	v24 =	vsub.f32 v57, v54  }
0xc3: {  	v41 =	vld [tilespmem:s6+$0x6800];
	v22 =	vadd.f32 v36, v22;
	v40 =	vmul.f32 v23, v23;
	v23 =	vadd.f32 v25, v23  }
0xc4: {  	v42 =	vld.idx.msk [tilespmem:v59+s1+$0x0], $0xffff;
	v26 =	vsub.f32 v61, v58  }
0xc5: {  	v45 =	vld [tilespmem:s6+$0x7000];
	v22 =	vadd.f32 v40, v22;
	v44 =	vmul.f32 v23, v23;
	v23 =	vadd.f32 v24, v23  }
0xc6: {  	v43 =	vadd.s32 v18, v21;
	v47 =	vadd.s32 v19, v21;
	v27 =	vsub.f32 v37, v62;
	v46 =	vld.idx.msk [tilespmem:v63+s1+$0x0], $0xffff  }
0xc7: {  	v49 =	vld [tilespmem:s6+$0x7800];
	v22 =	vadd.f32 v44, v22;
	v48 =	vmul.f32 v23, v23;
	v23 =	vadd.f32 v26, v23  }
0xc8: {  	v21 =	vadd.s32 v20, v21;
	v50 =	vld.idx.msk [tilespmem:v39+s1+$0x0], $0xffff;
	v25 =	vsub.f32 v41, v38  }
0xc9: {  	v52 =	vld [tilespmem:s6+$0x8000];
	v22 =	vadd.f32 v48, v22;
	v51 =	vmul.f32 v23, v23;
	v23 =	vadd.f32 v27, v23  }
0xca: {  	v55 =	vld [tilespmem:s6+$0x8800];
	v24 =	vsub.f32 v45, v42  }
0xcb: {  	v53 =	vld.idx.msk [tilespmem:v43+s1+$0x0], $0xffff;
	v22 =	vadd.f32 v51, v22;
	v54 =	vmul.f32 v23, v23;
	v23 =	vadd.f32 v25, v23  }
0xcc: {  	v56 =	vld.idx.msk [tilespmem:v47+s1+$0x0], $0xffff;
	v26 =	vsub.f32 v49, v46  }
0xcd: {  	v58 =	vld [tilespmem:s6+$0x9000];
	v22 =	vadd.f32 v54, v22;
	v57 =	vmul.f32 v23, v23;
	v23 =	vadd.f32 v24, v23  }
0xce: {  	v21 =	vld.idx.msk [tilespmem:v21+s1+$0x0], $0xffff;
	v27 =	vsub.f32 v52, v50  }
0xcf: {  	v60 =	vld [tilespmem:s6+$0x9800];
	v22 =	vadd.f32 v57, v22;
	v59 =	vmul.f32 v23, v23;
	v23 =	vadd.f32 v26, v23  }
0xd0: {  	v25 =	vsub.f32 v55, v53  }
0xd1: {  	v22 =	vadd.f32 v59, v22;
	v61 =	vmul.f32 v23, v23;
	v23 =	vadd.f32 v27, v23  }
0xd2: {  	v24 =	vsub.f32 v58, v56  }
0xd3: {  	v22 =	vadd.f32 v61, v22;
	v27 =	vmul.f32 v23, v23;
	v23 =	vadd.f32 v25, v23  }
0xd4: {  	v21 =	vsub.f32 v60, v21  }
0xd5: {  	v22 =	vadd.f32 v27, v22;
	v25 =	vmul.f32 v23, v23;
	v23 =	vadd.f32 v24, v23;
	_ =	sdelay $0x1  }
0xd6: {  	v22 =	vadd.f32 v25, v22;
	v24 =	vmul.f32 v23, v23;
	v21 =	vadd.f32 v21, v23;
	_ =	sdelay $0x1  }
0xd7: {  	v22 =	vadd.f32 v24, v22;
	v21 =	vmul.f32 v21, v21;
	_ =	sdelay $0x1  }
0xd8: {  	v21 =	vadd.f32 v21, v22;
	_ =	sdelay $0x1  }
0xd9: {  	v21 =	vmul.f32 $5.000000070e-02, v21;
	_ =	sdelay $0x1  }
0xda: {  	v21 =	vadd.f32 $9.999999970e-07, v21;
	_ =	sdelay $0x1  }
0xdb: {  	v22 =	vshra.s32 v21, $0x1;
	v23 =	vmul.f32 $5.000000000e-01, v21  }
0xdc: {  	v22 =	vsub.s32 $0x5F3759DF, v22  }
0xdd: {  	v62 =	vmul.f32 v22, v23;
	_ =	sdelay $0x1  }
0xde: {  	v24 =	vmul.f32 v22, v62;
	_ =	sdelay $0x1  }
0xdf: {  	v24 =	vsub.f32 $1.500000000e+00, v24;
	_ =	sdelay $0x1  }
0xe0: {  	v22 =	vmul.f32 v22, v24;
	_ =	sdelay $0x1  }
0xe1: {  	v24 =	vmul.f32 v22, v23;
	_ =	sdelay $0x1  }
0xe2: {  	v24 =	vmul.f32 v24, v22;
	_ =	sdelay $0x1  }
0xe3: {  	v24 =	vsub.f32 $1.500000000e+00, v24;
	_ =	sdelay $0x1  }
0xe4: {  	v22 =	vmul.f32 v24, v22;
	_ =	sdelay $0x1  }
0xe5: {  	v23 =	vmul.f32 v22, v23;
	_ =	sdelay $0x1  }
0xe6: {  	v23 =	vmul.f32 v23, v22;
	_ =	sdelay $0x1  }
0xe7: {  	v23 =	vsub.f32 $1.500000000e+00, v23  }
0xe8: {  	v63 =	vld [tilespmem:$0x17000]  }
0xe9: {  	v22 =	vmul.f32 v23, v22;
	_ =	sdelay $0x1  }
0xea: {  	v21 =	vmul.f32 v22, v21;
	_ =	sdelay $0x1  }
0xeb: {  	s30 =	simm.s32 $0x2;
	s31 =	simm.s32 $0x10;
	s6 =	simm.s32 $0x10;
	v21 =	vadd.f32 v21, v63  }
.LBB2_3:
0xec: {  	p0 =	sne.s32 s30, $0x7F;
	s0 =	sand.u32 $0x70, s31;
	s5 =	sand.u32 $0xFFFFFF80, s6  }
0xed: {  	s5 =	sor.u32 s0, s5;
	[tilespmem:$0x17000] =	vst v21  }
0xee: {  	v21 =	vld [tilespmem:s5+$0x14000];
	_ =	sdelay $0x4  }
0xef: {  	v21 =	vmul.f32 $1.000000000e+02, v21;
	_ =	sdelay $0x1  }
0xf0: {  	v21 =	vadd.f32 $-1.000000000e+02, v21;
	_ =	sdelay $0x1  }
0xf1: {  	v21 =	vtrunc.f32 v21  }
0xf2: {  	v21 =	vcvt.f32.s32 v21;
	_ =	sdelay $0x1  }
0xf3: {  	vm0 =	vgt.s32 v21, $0x0  }
0xf4: {  	v21 =	vnsel vm0, $0x0, v21  }
0xf5: {  	v21 =	vmin.u32 v21, $0x18F  }
0xf6: {  	v21 =	vmul.u32 $0xCCD, v21;
	_ =	sdelay $0x1  }
0xf7: {  	v21 =	vshrl.u32 v21, $0x10  }
0xf8: {  	v21 =	vmul.u32 $0x150, v21;
	_ =	sdelay $0x1  }
0xf9: {  	v22 =	vor.u32 v0, v21;
	_ =	sdelay $0x1  }
0xfa: {  	s6 =	sand.u32 $0x3FFFFF80, s6;
	v23 =	vadd.s32 v2, v21  }
0xfb: {  	s6 =	sor.u32 s0, s6  }
0xfc: {  	v25 =	vadd.s32 v3, v21;
	v24 =	vld [tilespmem:s6+$0x1000]  }
0xfd: {  	v26 =	vadd.s32 v4, v21;
	v22 =	vld.idx.msk [tilespmem:v22+s1+$0x0], $0xffff  }
0xfe: {  	v27 =	vld [tilespmem:s5+$0x0]  }
0xff: {  	v28 =	vadd.s32 v5, v21;
	v23 =	vld.idx.msk [tilespmem:v23+s1+$0x0], $0xffff  }
0x100: {  	v29 =	vld [tilespmem:s6+$0x800]  }
0x101: {  	v30 =	vadd.s32 v6, v21;
	v25 =	vld.idx.msk [tilespmem:v25+s1+$0x0], $0xffff  }
0x102: {  	v26 =	vld.idx.msk [tilespmem:v26+s1+$0x0], $0xffff  }
0x103: {  	v31 =	vadd.s32 v7, v21;
	v22 =	vsub.f32 v27, v22;
	v27 =	vld [tilespmem:s6+$0x1800]  }
0x104: {  	v28 =	vld.idx.msk [tilespmem:v28+s1+$0x0], $0xffff  }
0x105: {  	v32 =	vadd.s32 v8, v21;
	v22 =	vadd.f32 $0.0e+00, v22;
	v23 =	vsub.f32 v29, v23;
	v29 =	vld [tilespmem:s6+$0x2000]  }
0x106: {  	v30 =	vld.idx.msk [tilespmem:v30+s1+$0x0], $0xffff  }
0x107: {  	v33 =	vadd.s32 v9, v21;
	v24 =	vsub.f32 v24, v25;
	v23 =	vadd.f32 v23, v22;
	v25 =	vld [tilespmem:s6+$0x2800]  }
0x108: {  	v26 =	vsub.f32 v27, v26;
	v27 =	vld.idx.msk [tilespmem:v31+s1+$0x0], $0xffff;
	v31 =	vadd.s32 v10, v21  }
0x109: {  	v22 =	vmul.f32 v22, v22;
	v34 =	vmul.f32 v23, v23;
	v23 =	vadd.f32 v24, v23;
	v24 =	vld [tilespmem:s6+$0x3000]  }
0x10a: {  	v28 =	vsub.f32 v29, v28;
	v29 =	vld.idx.msk [tilespmem:v32+s1+$0x0], $0xffff;
	v32 =	vadd.s32 v11, v21  }
0x10b: {  	v22 =	vadd.f32 v34, v22;
	v34 =	vmul.f32 v23, v23;
	v23 =	vadd.f32 v26, v23;
	v26 =	vld [tilespmem:s6+$0x3800]  }
0x10c: {  	v25 =	vsub.f32 v25, v30;
	v30 =	vld.idx.msk [tilespmem:v33+s1+$0x0], $0xffff;
	v33 =	vadd.s32 v12, v21  }
0x10d: {  	v22 =	vadd.f32 v34, v22;
	v34 =	vmul.f32 v23, v23;
	v23 =	vadd.f32 v28, v23;
	v28 =	vld [tilespmem:s6+$0x4000]  }
0x10e: {  	v24 =	vsub.f32 v24, v27;
	v27 =	vld.idx.msk [tilespmem:v31+s1+$0x0], $0xffff;
	v31 =	vadd.s32 v13, v21  }
0x10f: {  	v22 =	vadd.f32 v34, v22;
	v34 =	vmul.f32 v23, v23;
	v23 =	vadd.f32 v25, v23;
	v25 =	vld [tilespmem:s6+$0x4800]  }
0x110: {  	v26 =	vsub.f32 v26, v29;
	v29 =	vld.idx.msk [tilespmem:v32+s1+$0x0], $0xffff;
	v32 =	vadd.s32 v14, v21  }
0x111: {  	v22 =	vadd.f32 v34, v22;
	v34 =	vmul.f32 v23, v23;
	v23 =	vadd.f32 v24, v23;
	v24 =	vld [tilespmem:s6+$0x5000]  }
0x112: {  	v28 =	vsub.f32 v28, v30;
	v30 =	vld.idx.msk [tilespmem:v33+s1+$0x0], $0xffff;
	v33 =	vadd.s32 v15, v21  }
0x113: {  	v22 =	vadd.f32 v34, v22;
	v34 =	vmul.f32 v23, v23;
	v23 =	vadd.f32 v26, v23;
	v26 =	vld [tilespmem:s6+$0x5800]  }
0x114: {  	v25 =	vsub.f32 v25, v27;
	v27 =	vld.idx.msk [tilespmem:v31+s1+$0x0], $0xffff;
	v31 =	vadd.s32 v16, v21  }
0x115: {  	v22 =	vadd.f32 v34, v22;
	v34 =	vmul.f32 v23, v23;
	v23 =	vadd.f32 v28, v23;
	v28 =	vld [tilespmem:s6+$0x6000]  }
0x116: {  	v24 =	vsub.f32 v24, v29;
	v29 =	vld.idx.msk [tilespmem:v32+s1+$0x0], $0xffff;
	v32 =	vadd.s32 v17, v21  }
0x117: {  	v22 =	vadd.f32 v34, v22;
	v34 =	vmul.f32 v23, v23;
	v23 =	vadd.f32 v25, v23;
	v25 =	vld [tilespmem:s6+$0x6800]  }
0x118: {  	v26 =	vsub.f32 v26, v30;
	v30 =	vld.idx.msk [tilespmem:v33+s1+$0x0], $0xffff;
	v33 =	vadd.s32 v18, v21  }
0x119: {  	v22 =	vadd.f32 v34, v22;
	v34 =	vmul.f32 v23, v23;
	v23 =	vadd.f32 v24, v23;
	v24 =	vld [tilespmem:s6+$0x7000]  }
0x11a: {  	v27 =	vsub.f32 v28, v27;
	v28 =	vld.idx.msk [tilespmem:v31+s1+$0x0], $0xffff;
	v31 =	vadd.s32 v19, v21  }
0x11b: {  	v22 =	vadd.f32 v34, v22;
	v34 =	vmul.f32 v23, v23;
	v23 =	vadd.f32 v26, v23;
	v26 =	vld [tilespmem:s6+$0x7800]  }
0x11c: {  	v21 =	vadd.s32 v20, v21;
	v25 =	vsub.f32 v25, v29;
	v29 =	vld.idx.msk [tilespmem:v32+s1+$0x0], $0xffff  }
0x11d: {  	v22 =	vadd.f32 v34, v22;
	v32 =	vmul.f32 v23, v23;
	v23 =	vadd.f32 v27, v23;
	v27 =	vld [tilespmem:s6+$0x8000]  }
0x11e: {  	v24 =	vsub.f32 v24, v30;
	v30 =	vld.idx.msk [tilespmem:v33+s1+$0x0], $0xffff  }
0x11f: {  	v22 =	vadd.f32 v32, v22;
	v32 =	vmul.f32 v23, v23;
	v23 =	vadd.f32 v25, v23;
	v25 =	vld [tilespmem:s6+$0x8800]  }
0x120: {  	v26 =	vsub.f32 v26, v28;
	v28 =	vld.idx.msk [tilespmem:v31+s1+$0x0], $0xffff  }
0x121: {  	v22 =	vadd.f32 v32, v22;
	v31 =	vmul.f32 v23, v23;
	v23 =	vadd.f32 v24, v23;
	v24 =	vld [tilespmem:s6+$0x9000]  }
0x122: {  	v27 =	vsub.f32 v27, v29;
	v21 =	vld.idx.msk [tilespmem:v21+s1+$0x0], $0xffff  }
0x123: {  	v22 =	vadd.f32 v31, v22;
	v29 =	vmul.f32 v23, v23;
	v23 =	vadd.f32 v26, v23;
	v26 =	vld [tilespmem:s6+$0x9800]  }
0x124: {  	v25 =	vsub.f32 v25, v30  }
0x125: {  	v22 =	vadd.f32 v29, v22;
	v29 =	vmul.f32 v23, v23;
	v23 =	vadd.f32 v27, v23  }
0x126: {  	v24 =	vsub.f32 v24, v28  }
0x127: {  	v22 =	vadd.f32 v29, v22;
	v27 =	vmul.f32 v23, v23;
	v23 =	vadd.f32 v25, v23  }
0x128: {  	v21 =	vsub.f32 v26, v21  }
0x129: {  	v22 =	vadd.f32 v27, v22;
	v25 =	vmul.f32 v23, v23;
	v23 =	vadd.f32 v24, v23;
	_ =	sdelay $0x1  }
0x12a: {  	v22 =	vadd.f32 v25, v22;
	v24 =	vmul.f32 v23, v23;
	v21 =	vadd.f32 v21, v23;
	_ =	sdelay $0x1  }
0x12b: {  	v22 =	vadd.f32 v24, v22;
	v21 =	vmul.f32 v21, v21;
	_ =	sdelay $0x1  }
0x12c: {  	v21 =	vadd.f32 v21, v22;
	_ =	sdelay $0x1  }
0x12d: {  	v21 =	vmul.f32 $5.000000070e-02, v21;
	_ =	sdelay $0x1  }
0x12e: {  	v21 =	vadd.f32 $9.999999970e-07, v21;
	_ =	sdelay $0x1  }
0x12f: {  	v22 =	vshra.s32 v21, $0x1;
	v23 =	vmul.f32 $5.000000000e-01, v21  }
0x130: {  	v22 =	vsub.s32 $0x5F3759DF, v22  }
0x131: {  	v24 =	vmul.f32 v22, v23;
	_ =	sdelay $0x1  }
0x132: {  	v24 =	vmul.f32 v22, v24;
	_ =	sdelay $0x1  }
0x133: {  	v24 =	vsub.f32 $1.500000000e+00, v24;
	_ =	sdelay $0x1  }
0x134: {  	v22 =	vmul.f32 v22, v24;
	_ =	sdelay $0x1  }
0x135: {  	v24 =	vmul.f32 v22, v23;
	_ =	sdelay $0x1  }
0x136: {  	v24 =	vmul.f32 v24, v22;
	_ =	sdelay $0x1  }
0x137: {  	v24 =	vsub.f32 $1.500000000e+00, v24;
	_ =	sdelay $0x1  }
0x138: {  	v22 =	vmul.f32 v24, v22;
	_ =	sdelay $0x1  }
0x139: {  	v23 =	vmul.f32 v22, v23;
	_ =	sdelay $0x1  }
0x13a: {  	v23 =	vmul.f32 v23, v22;
	_ =	sdelay $0x1  }
0x13b: {  	v23 =	vsub.f32 $1.500000000e+00, v23  }
0x13c: {  	v24 =	vld [tilespmem:$0x17000]  }
.Ltmp0:
0x13d: {  	v22 =	vmul.f32 v23, v22;
	(pc) =	sbr.rel @p0 .LBB2_3-.Ltmp0, $3  }
0x13e: {  	_ = 	snop  }
0x13f: {  	v21 =	vmul.f32 v22, v21;
	_ =	sdelay $0x1  }
0x140: {  	s31 =	sadd.s32 $0x10, s31;
	s6 =	sshll.u32 s30, $0x4;
	s30 =	sadd.s32 $0x1, s30;
	v21 =	vadd.f32 v21, v24  }
0x141: {  	s0 =	sand.u32 $0x70, s31;
	s5 =	sand.u32 $0xFFFFFF80, s6  }
0x142: {  	s5 =	sor.u32 s0, s5;
	[tilespmem:$0x17000] =	vst v21  }
0x143: {  	v21 =	vld [tilespmem:s5+$0x14000];
	_ =	sdelay $0x4  }
0x144: {  	v21 =	vmul.f32 $1.000000000e+02, v21;
	_ =	sdelay $0x1  }
0x145: {  	v21 =	vadd.f32 $-1.000000000e+02, v21;
	_ =	sdelay $0x1  }
0x146: {  	v21 =	vtrunc.f32 v21  }
0x147: {  	v21 =	vcvt.f32.s32 v21;
	_ =	sdelay $0x1  }
0x148: {  	vm0 =	vgt.s32 v21, $0x0  }
0x149: {  	v21 =	vnsel vm0, $0x0, v21  }
0x14a: {  	v21 =	vmin.u32 v21, $0x18F  }
0x14b: {  	v21 =	vmul.u32 $0xCCD, v21;
	_ =	sdelay $0x1  }
0x14c: {  	v21 =	vshrl.u32 v21, $0x10  }
0x14d: {  	v21 =	vmul.u32 $0x150, v21;
	_ =	sdelay $0x1  }
0x14e: {  	v22 =	vor.u32 v0, v21  }
0x14f: {  	s31 =	sand.u32 $0x3FFFFF80, s6  }
0x150: {  	s6 =	sor.u32 s0, s31;
	v23 =	vadd.s32 v2, v21  }
0x151: {  	v24 =	vld [tilespmem:s6+$0x1000]  }
0x152: {  	v27 =	vld [tilespmem:s5+$0x0];
	v25 =	vadd.s32 v3, v21  }
0x153: {  	v26 =	vadd.s32 v4, v21;
	v22 =	vld.idx.msk [tilespmem:v22+s1+$0x0], $0xffff  }
0x154: {  	v29 =	vld [tilespmem:s6+$0x800]  }
0x155: {  	v28 =	vadd.s32 v5, v21;
	v23 =	vld.idx.msk [tilespmem:v23+s1+$0x0], $0xffff  }
0x156: {  	v36 =	vld [tilespmem:s6+$0x1800]  }
0x157: {  	v30 =	vadd.s32 v6, v21;
	v25 =	vld.idx.msk [tilespmem:v25+s1+$0x0], $0xffff  }
0x158: {  	v26 =	vld.idx.msk [tilespmem:v26+s1+$0x0], $0xffff;
	v22 =	vsub.f32 v27, v22  }
0x159: {  	v37 =	vld [tilespmem:s6+$0x2000];
	v31 =	vadd.s32 v7, v21  }
0x15a: {  	v28 =	vld.idx.msk [tilespmem:v28+s1+$0x0], $0xffff;
	v23 =	vsub.f32 v29, v23;
	v22 =	vadd.f32 $0.0e+00, v22  }
0x15b: {  	v38 =	vld [tilespmem:s6+$0x2800];
	v32 =	vadd.s32 v8, v21  }
0x15c: {  	v30 =	vld.idx.msk [tilespmem:v30+s1+$0x0], $0xffff;
	v24 =	vsub.f32 v24, v25;
	v23 =	vadd.f32 v23, v22  }
0x15d: {  	v41 =	vld [tilespmem:s6+$0x3000];
	v33 =	vadd.s32 v9, v21;
	v26 =	vsub.f32 v36, v26  }
0x15e: {  	v39 =	vld.idx.msk [tilespmem:v31+s1+$0x0], $0xffff;
	v22 =	vmul.f32 v22, v22;
	v34 =	vmul.f32 v23, v23;
	v23 =	vadd.f32 v24, v23  }
0x15f: {  	v45 =	vld [tilespmem:s6+$0x3800];
	v40 =	vadd.s32 v10, v21;
	v28 =	vsub.f32 v37, v28  }
0x160: {  	v42 =	vld.idx.msk [tilespmem:v32+s1+$0x0], $0xffff;
	v22 =	vadd.f32 v34, v22;
	v44 =	vmul.f32 v23, v23;
	v23 =	vadd.f32 v26, v23  }
0x161: {  	v49 =	vld [tilespmem:s6+$0x4000];
	v43 =	vadd.s32 v11, v21;
	v25 =	vsub.f32 v38, v30  }
0x162: {  	v46 =	vld.idx.msk [tilespmem:v33+s1+$0x0], $0xffff;
	v22 =	vadd.f32 v44, v22;
	v48 =	vmul.f32 v23, v23;
	v23 =	vadd.f32 v28, v23  }
0x163: {  	v53 =	vld [tilespmem:s6+$0x4800];
	v47 =	vadd.s32 v12, v21;
	v51 =	vadd.s32 v13, v21;
	v24 =	vsub.f32 v41, v39  }
0x164: {  	v50 =	vld.idx.msk [tilespmem:v40+s1+$0x0], $0xffff;
	v22 =	vadd.f32 v48, v22;
	v52 =	vmul.f32 v23, v23;
	v23 =	vadd.f32 v25, v23  }
0x165: {  	v57 =	vld [tilespmem:s6+$0x5000];
	v55 =	vadd.s32 v14, v21;
	v26 =	vsub.f32 v45, v42  }
0x166: {  	v54 =	vld.idx.msk [tilespmem:v43+s1+$0x0], $0xffff;
	v22 =	vadd.f32 v52, v22;
	v56 =	vmul.f32 v23, v23;
	v23 =	vadd.f32 v24, v23  }
0x167: {  	v61 =	vld [tilespmem:s6+$0x5800];
	v59 =	vadd.s32 v15, v21;
	v28 =	vsub.f32 v49, v46  }
0x168: {  	v58 =	vld.idx.msk [tilespmem:v47+s1+$0x0], $0xffff;
	v22 =	vadd.f32 v56, v22;
	v60 =	vmul.f32 v23, v23;
	v23 =	vadd.f32 v26, v23  }
0x169: {  	v63 =	vadd.s32 v16, v21;
	v62 =	vld.idx.msk [tilespmem:v51+s1+$0x0], $0xffff;
	v25 =	vsub.f32 v53, v50  }
0x16a: {  	v37 =	vld [tilespmem:s6+$0x6000];
	v22 =	vadd.f32 v60, v22;
	v36 =	vmul.f32 v23, v23;
	v23 =	vadd.f32 v28, v23  }
0x16b: {  	v38 =	vld.idx.msk [tilespmem:v55+s1+$0x0], $0xffff;
	v39 =	vadd.s32 v17, v21;
	v24 =	vsub.f32 v57, v54  }
0x16c: {  	v41 =	vld [tilespmem:s6+$0x6800];
	v22 =	vadd.f32 v36, v22;
	v40 =	vmul.f32 v23, v23;
	v23 =	vadd.f32 v25, v23  }
0x16d: {  	v42 =	vld.idx.msk [tilespmem:v59+s1+$0x0], $0xffff;
	v26 =	vsub.f32 v61, v58  }
0x16e: {  	v45 =	vld [tilespmem:s6+$0x7000];
	v22 =	vadd.f32 v40, v22;
	v44 =	vmul.f32 v23, v23;
	v23 =	vadd.f32 v24, v23  }
0x16f: {  	v43 =	vadd.s32 v18, v21;
	v47 =	vadd.s32 v19, v21;
	v27 =	vsub.f32 v37, v62;
	v46 =	vld.idx.msk [tilespmem:v63+s1+$0x0], $0xffff  }
0x170: {  	v49 =	vld [tilespmem:s6+$0x7800];
	v22 =	vadd.f32 v44, v22;
	v48 =	vmul.f32 v23, v23;
	v23 =	vadd.f32 v26, v23  }
0x171: {  	v21 =	vadd.s32 v20, v21;
	v50 =	vld.idx.msk [tilespmem:v39+s1+$0x0], $0xffff;
	v25 =	vsub.f32 v41, v38  }
0x172: {  	v52 =	vld [tilespmem:s6+$0x8000];
	v22 =	vadd.f32 v48, v22;
	v51 =	vmul.f32 v23, v23;
	v23 =	vadd.f32 v27, v23  }
0x173: {  	v55 =	vld [tilespmem:s6+$0x8800];
	v24 =	vsub.f32 v45, v42  }
0x174: {  	v53 =	vld.idx.msk [tilespmem:v43+s1+$0x0], $0xffff;
	v22 =	vadd.f32 v51, v22;
	v54 =	vmul.f32 v23, v23;
	v23 =	vadd.f32 v25, v23  }
0x175: {  	v56 =	vld.idx.msk [tilespmem:v47+s1+$0x0], $0xffff;
	v26 =	vsub.f32 v49, v46  }
0x176: {  	v58 =	vld [tilespmem:s6+$0x9000];
	v22 =	vadd.f32 v54, v22;
	v57 =	vmul.f32 v23, v23;
	v23 =	vadd.f32 v24, v23  }
0x177: {  	v21 =	vld.idx.msk [tilespmem:v21+s1+$0x0], $0xffff;
	v27 =	vsub.f32 v52, v50  }
0x178: {  	v60 =	vld [tilespmem:s6+$0x9800];
	v22 =	vadd.f32 v57, v22;
	v59 =	vmul.f32 v23, v23;
	v23 =	vadd.f32 v26, v23  }
0x179: {  	v25 =	vsub.f32 v55, v53  }
0x17a: {  	v22 =	vadd.f32 v59, v22;
	v61 =	vmul.f32 v23, v23;
	v23 =	vadd.f32 v27, v23  }
0x17b: {  	v24 =	vsub.f32 v58, v56  }
0x17c: {  	v22 =	vadd.f32 v61, v22;
	v27 =	vmul.f32 v23, v23;
	v23 =	vadd.f32 v25, v23  }
0x17d: {  	v21 =	vsub.f32 v60, v21  }
0x17e: {  	v22 =	vadd.f32 v27, v22;
	v25 =	vmul.f32 v23, v23;
	v23 =	vadd.f32 v24, v23;
	_ =	sdelay $0x1  }
0x17f: {  	v22 =	vadd.f32 v25, v22;
	v24 =	vmul.f32 v23, v23;
	v21 =	vadd.f32 v21, v23;
	_ =	sdelay $0x1  }
0x180: {  	v22 =	vadd.f32 v24, v22;
	v21 =	vmul.f32 v21, v21;
	_ =	sdelay $0x1  }
0x181: {  	v21 =	vadd.f32 v21, v22;
	_ =	sdelay $0x1  }
0x182: {  	v21 =	vmul.f32 $5.000000070e-02, v21;
	_ =	sdelay $0x1  }
0x183: {  	v21 =	vadd.f32 $9.999999970e-07, v21;
	_ =	sdelay $0x1  }
0x184: {  	v22 =	vshra.s32 v21, $0x1;
	v23 =	vmul.f32 $5.000000000e-01, v21  }
0x185: {  	v22 =	vsub.s32 $0x5F3759DF, v22  }
0x186: {  	v62 =	vmul.f32 v22, v23;
	_ =	sdelay $0x1  }
0x187: {  	v24 =	vmul.f32 v22, v62;
	_ =	sdelay $0x1  }
0x188: {  	v24 =	vsub.f32 $1.500000000e+00, v24;
	_ =	sdelay $0x1  }
0x189: {  	v22 =	vmul.f32 v22, v24;
	_ =	sdelay $0x1  }
0x18a: {  	v24 =	vmul.f32 v22, v23;
	_ =	sdelay $0x1  }
0x18b: {  	v24 =	vmul.f32 v24, v22;
	_ =	sdelay $0x1  }
0x18c: {  	v24 =	vsub.f32 $1.500000000e+00, v24;
	_ =	sdelay $0x1  }
0x18d: {  	v22 =	vmul.f32 v24, v22;
	_ =	sdelay $0x1  }
0x18e: {  	v23 =	vmul.f32 v22, v23;
	_ =	sdelay $0x1  }
0x18f: {  	v23 =	vmul.f32 v23, v22;
	_ =	sdelay $0x1  }
0x190: {  	v23 =	vsub.f32 $1.500000000e+00, v23  }
0x191: {  	v63 =	vld [tilespmem:$0x17000]  }
0x192: {  	v22 =	vmul.f32 v23, v22  }
0x193: {  	p0 =	seq.s32 s23, $0x2  }
.Ltmp1:
0x194: {  	v21 =	vmul.f32 v22, v21;
	(pc) =	sbr.rel @p0 .LBB2_6-.Ltmp1, $3  }
0x195: {  	_ = 	snop  }
0x196: {  	v21 =	vadd.f32 v21, v63;
	_ =	sdelay $0x1  }
0x197: {  	[tilespmem:$0x17000] =	vst v21  }
0x198: {  	s0 =	rddreg [dreg:$0x14]  }
0x199: {  	s0 =	sadd.s32 s29, s0  }
0x19a: {  	s0 =	sshrl.u32 s0, $0x3  }
0x19b: {  	s5 =	sadd.s32 s2, s0;
	s29 =	sor.u32 $0x20000, s0  }
0x19c: {  	[tilespmem:s4], [sflag:$0x1] =	stream.linear.gather [hbm4b:s5+s4], $0x800, $0x38;
	[tilespmem:$0x17080] =	vst v63  }
0x19d: {  	s6 =	simm.s32 $0x800;
	s30 =	sor.u32 $0x40000, s0;
	s5 =	sadd.s32 s2, s29  }
0x19e: {  	[tilespmem:s6], [sflag:$0x1] =	stream.linear.gather [hbm4b:s5+s4], $0x800, $0x38;
	[tilespmem:$0x17080] =	vst v63  }
0x19f: {  	s31 =	simm.s32 $0x1000;
	s5 =	sadd.s32 s2, s30;
	s6 =	sor.u32 $0x60000, s0  }
0x1a0: {  	[tilespmem:s31], [sflag:$0x1] =	stream.linear.gather [hbm4b:s5+s4], $0x800, $0x38;
	[tilespmem:$0x17080] =	vst v63  }
0x1a1: {  	s29 =	simm.s32 $0x1800;
	s30 =	sor.u32 $0x80000, s0;
	s5 =	sadd.s32 s2, s6  }
0x1a2: {  	[tilespmem:s29], [sflag:$0x1] =	stream.linear.gather [hbm4b:s5+s4], $0x800, $0x38;
	[tilespmem:$0x17080] =	vst v63  }
0x1a3: {  	s31 =	simm.s32 $0x2000;
	s6 =	sor.u32 $0xA0000, s0;
	s5 =	sadd.s32 s2, s30  }
0x1a4: {  	[tilespmem:s31], [sflag:$0x1] =	stream.linear.gather [hbm4b:s5+s4], $0x800, $0x38;
	[tilespmem:$0x17080] =	vst v63  }
0x1a5: {  	s29 =	simm.s32 $0x2800;
	s30 =	sor.u32 $0xC0000, s0;
	s5 =	sadd.s32 s2, s6  }
0x1a6: {  	[tilespmem:s29], [sflag:$0x1] =	stream.linear.gather [hbm4b:s5+s4], $0x800, $0x38;
	[tilespmem:$0x17080] =	vst v63  }
0x1a7: {  	s31 =	simm.s32 $0x3000;
	s6 =	sor.u32 $0xE0000, s0;
	s5 =	sadd.s32 s2, s30  }
0x1a8: {  	[tilespmem:s31], [sflag:$0x1] =	stream.linear.gather [hbm4b:s5+s4], $0x800, $0x38;
	[tilespmem:$0x17080] =	vst v63  }
0x1a9: {  	s29 =	simm.s32 $0x3800;
	s30 =	sor.u32 $0x100000, s0;
	s5 =	sadd.s32 s2, s6  }
0x1aa: {  	[tilespmem:s29], [sflag:$0x1] =	stream.linear.gather [hbm4b:s5+s4], $0x800, $0x38;
	[tilespmem:$0x17080] =	vst v63  }
0x1ab: {  	s31 =	simm.s32 $0x4000;
	s6 =	sor.u32 $0x120000, s0;
	s5 =	sadd.s32 s2, s30  }
0x1ac: {  	[tilespmem:s31], [sflag:$0x1] =	stream.linear.gather [hbm4b:s5+s4], $0x800, $0x38;
	[tilespmem:$0x17080] =	vst v63  }
0x1ad: {  	s29 =	simm.s32 $0x4800;
	s30 =	sor.u32 $0x140000, s0;
	s5 =	sadd.s32 s2, s6  }
0x1ae: {  	[tilespmem:s29], [sflag:$0x1] =	stream.linear.gather [hbm4b:s5+s4], $0x800, $0x38;
	[tilespmem:$0x17080] =	vst v63  }
0x1af: {  	s31 =	simm.s32 $0x5000;
	s6 =	sor.u32 $0x160000, s0;
	s5 =	sadd.s32 s2, s30  }
0x1b0: {  	[tilespmem:s31], [sflag:$0x1] =	stream.linear.gather [hbm4b:s5+s4], $0x800, $0x38;
	[tilespmem:$0x17080] =	vst v63  }
0x1b1: {  	s29 =	simm.s32 $0x5800;
	s30 =	sor.u32 $0x180000, s0;
	s5 =	sadd.s32 s2, s6  }
0x1b2: {  	[tilespmem:s29], [sflag:$0x1] =	stream.linear.gather [hbm4b:s5+s4], $0x800, $0x38;
	[tilespmem:$0x17080] =	vst v63  }
0x1b3: {  	s31 =	simm.s32 $0x6000;
	s6 =	sor.u32 $0x1A0000, s0;
	s5 =	sadd.s32 s2, s30  }
0x1b4: {  	[tilespmem:s31], [sflag:$0x1] =	stream.linear.gather [hbm4b:s5+s4], $0x800, $0x38;
	[tilespmem:$0x17080] =	vst v63  }
0x1b5: {  	s29 =	simm.s32 $0x6800;
	s30 =	sor.u32 $0x1C0000, s0;
	s5 =	sadd.s32 s2, s6  }
0x1b6: {  	[tilespmem:s29], [sflag:$0x1] =	stream.linear.gather [hbm4b:s5+s4], $0x800, $0x38;
	[tilespmem:$0x17080] =	vst v63  }
0x1b7: {  	s31 =	simm.s32 $0x7000;
	s6 =	sor.u32 $0x1E0000, s0;
	s5 =	sadd.s32 s2, s30  }
0x1b8: {  	[tilespmem:s31], [sflag:$0x1] =	stream.linear.gather [hbm4b:s5+s4], $0x800, $0x38;
	[tilespmem:$0x17080] =	vst v63  }
0x1b9: {  	s29 =	simm.s32 $0x7800;
	s30 =	sor.u32 $0x200000, s0;
	s5 =	sadd.s32 s2, s6  }
0x1ba: {  	[tilespmem:s29], [sflag:$0x1] =	stream.linear.gather [hbm4b:s5+s4], $0x800, $0x38;
	[tilespmem:$0x17080] =	vst v63  }
0x1bb: {  	s31 =	simm.s32 $0x8000;
	s6 =	sor.u32 $0x220000, s0;
	s5 =	sadd.s32 s2, s30  }
0x1bc: {  	[tilespmem:s31], [sflag:$0x1] =	stream.linear.gather [hbm4b:s5+s4], $0x800, $0x38;
	[tilespmem:$0x17080] =	vst v63  }
0x1bd: {  	s29 =	simm.s32 $0x8800;
	s30 =	sor.u32 $0x240000, s0;
	s5 =	sadd.s32 s2, s6  }
0x1be: {  	[tilespmem:s29], [sflag:$0x1] =	stream.linear.gather [hbm4b:s5+s4], $0x800, $0x38;
	[tilespmem:$0x17080] =	vst v63  }
0x1bf: {  	s31 =	simm.s32 $0x9000;
	s5 =	sadd.s32 s2, s30;
	s29 =	sor.u32 $0x260000, s0  }
0x1c0: {  	[tilespmem:s31], [sflag:$0x1] =	stream.linear.gather [hbm4b:s5+s4], $0x800, $0x38;
	[tilespmem:$0x17080] =	vst v63  }
0x1c1: {  	s30 =	simm.s32 $0x9800;
	s5 =	sadd.s32 s2, s29  }
0x1c2: {  	[tilespmem:s30], [sflag:$0x1] =	stream.linear.gather [hbm4b:s5+s4], $0x800, $0x38;
	[tilespmem:$0x17080] =	vst v63  }
0x1c3: {  	s0 =	sadd.s32 s3, s0;
	s31 =	simm.s32 $0x14000  }
0x1c4: {  	[tilespmem:s31], [sflag:$0x3] =	stream.linear.gather [hbm4b:s0+s4], $0x800, $0x38;
	[tilespmem:$0x17080] =	vst v63  }
.LBB2_6:
0x1c5: {  	_ =	swait.ge [sflag:s26], $0xA000  }
0x1c6: {  	[sflag:s26] =	ssyncset.done $0x0  }
0x1c7: {  	[sflag:s26] =	ssyncadd.s32 $0xFFFF6000  }
0x1c8: {  	s0 =	simm.s32 $0x0;
	s5 =	simm.s32 $0x0;
	_ =	swait.ge [sflag:s28], $0x800  }
0x1c9: {  	s0 =	sand.u32 $0x70, s0;
	s6 =	sand.u32 $0xFFFFFF80, s5;
	[sflag:s28] =	ssyncset.done $0x0  }
0x1ca: {  	s29 =	sor.u32 s0, s6;
	[sflag:s28] =	ssyncadd.s32 $0xFFFFF800  }
0x1cb: {  	v21 =	vld [tilespmem:s29+$0x14800];
	_ =	sdelay $0x4  }
0x1cc: {  	v21 =	vmul.f32 $1.000000000e+02, v21;
	_ =	sdelay $0x1  }
0x1cd: {  	v21 =	vadd.f32 $-1.000000000e+02, v21;
	_ =	sdelay $0x1  }
0x1ce: {  	v21 =	vtrunc.f32 v21  }
0x1cf: {  	v21 =	vcvt.f32.s32 v21;
	_ =	sdelay $0x1  }
0x1d0: {  	vm0 =	vgt.s32 v21, $0x0  }
0x1d1: {  	v21 =	vnsel vm0, $0x0, v21  }
0x1d2: {  	v21 =	vmin.u32 v21, $0x18F  }
0x1d3: {  	v21 =	vmul.u32 $0xCCD, v21;
	_ =	sdelay $0x1  }
0x1d4: {  	v21 =	vshrl.u32 v21, $0x10  }
0x1d5: {  	v21 =	vmul.u32 $0x150, v21;
	_ =	sdelay $0x1  }
0x1d6: {  	v22 =	vor.u32 v0, v21  }
0x1d7: {  	s5 =	sand.u32 $0x3FFFFF80, s5  }
0x1d8: {  	s31 =	sor.u32 s0, s5;
	v23 =	vadd.s32 v2, v21  }
0x1d9: {  	v24 =	vld [tilespmem:s31+$0xB000]  }
0x1da: {  	v27 =	vld [tilespmem:s29+$0xA000];
	v25 =	vadd.s32 v3, v21  }
0x1db: {  	v26 =	vadd.s32 v4, v21;
	v22 =	vld.idx.msk [tilespmem:v22+s1+$0x0], $0xffff  }
0x1dc: {  	v29 =	vld [tilespmem:s31+$0xA800]  }
0x1dd: {  	v28 =	vadd.s32 v5, v21;
	v23 =	vld.idx.msk [tilespmem:v23+s1+$0x0], $0xffff  }
0x1de: {  	v36 =	vld [tilespmem:s31+$0xB800]  }
0x1df: {  	v30 =	vadd.s32 v6, v21;
	v25 =	vld.idx.msk [tilespmem:v25+s1+$0x0], $0xffff  }
0x1e0: {  	v26 =	vld.idx.msk [tilespmem:v26+s1+$0x0], $0xffff;
	v22 =	vsub.f32 v27, v22  }
0x1e1: {  	v37 =	vld [tilespmem:s31+$0xC000];
	v31 =	vadd.s32 v7, v21  }
0x1e2: {  	v28 =	vld.idx.msk [tilespmem:v28+s1+$0x0], $0xffff;
	v23 =	vsub.f32 v29, v23;
	v22 =	vadd.f32 $0.0e+00, v22  }
0x1e3: {  	v38 =	vld [tilespmem:s31+$0xC800];
	v32 =	vadd.s32 v8, v21  }
0x1e4: {  	v30 =	vld.idx.msk [tilespmem:v30+s1+$0x0], $0xffff;
	v24 =	vsub.f32 v24, v25;
	v23 =	vadd.f32 v23, v22  }
0x1e5: {  	v41 =	vld [tilespmem:s31+$0xD000];
	v33 =	vadd.s32 v9, v21;
	v26 =	vsub.f32 v36, v26  }
0x1e6: {  	v39 =	vld.idx.msk [tilespmem:v31+s1+$0x0], $0xffff;
	v22 =	vmul.f32 v22, v22;
	v34 =	vmul.f32 v23, v23;
	v23 =	vadd.f32 v24, v23  }
0x1e7: {  	v45 =	vld [tilespmem:s31+$0xD800];
	v40 =	vadd.s32 v10, v21;
	v28 =	vsub.f32 v37, v28  }
0x1e8: {  	v42 =	vld.idx.msk [tilespmem:v32+s1+$0x0], $0xffff;
	v22 =	vadd.f32 v34, v22;
	v44 =	vmul.f32 v23, v23;
	v23 =	vadd.f32 v26, v23  }
0x1e9: {  	v49 =	vld [tilespmem:s31+$0xE000];
	v43 =	vadd.s32 v11, v21;
	v25 =	vsub.f32 v38, v30  }
0x1ea: {  	v46 =	vld.idx.msk [tilespmem:v33+s1+$0x0], $0xffff;
	v22 =	vadd.f32 v44, v22;
	v48 =	vmul.f32 v23, v23;
	v23 =	vadd.f32 v28, v23  }
0x1eb: {  	v53 =	vld [tilespmem:s31+$0xE800];
	v47 =	vadd.s32 v12, v21;
	v51 =	vadd.s32 v13, v21;
	v24 =	vsub.f32 v41, v39  }
0x1ec: {  	v50 =	vld.idx.msk [tilespmem:v40+s1+$0x0], $0xffff;
	v22 =	vadd.f32 v48, v22;
	v52 =	vmul.f32 v23, v23;
	v23 =	vadd.f32 v25, v23  }
0x1ed: {  	v57 =	vld [tilespmem:s31+$0xF000];
	v55 =	vadd.s32 v14, v21;
	v26 =	vsub.f32 v45, v42  }
0x1ee: {  	v54 =	vld.idx.msk [tilespmem:v43+s1+$0x0], $0xffff;
	v22 =	vadd.f32 v52, v22;
	v56 =	vmul.f32 v23, v23;
	v23 =	vadd.f32 v24, v23  }
0x1ef: {  	v61 =	vld [tilespmem:s31+$0xF800];
	v59 =	vadd.s32 v15, v21;
	v28 =	vsub.f32 v49, v46  }
0x1f0: {  	v58 =	vld.idx.msk [tilespmem:v47+s1+$0x0], $0xffff;
	v22 =	vadd.f32 v56, v22;
	v60 =	vmul.f32 v23, v23;
	v23 =	vadd.f32 v26, v23  }
0x1f1: {  	v63 =	vadd.s32 v16, v21;
	v62 =	vld.idx.msk [tilespmem:v51+s1+$0x0], $0xffff;
	v25 =	vsub.f32 v53, v50  }
0x1f2: {  	v37 =	vld [tilespmem:s31+$0x10000];
	v22 =	vadd.f32 v60, v22;
	v36 =	vmul.f32 v23, v23;
	v23 =	vadd.f32 v28, v23  }
0x1f3: {  	v38 =	vld.idx.msk [tilespmem:v55+s1+$0x0], $0xffff;
	v39 =	vadd.s32 v17, v21;
	v24 =	vsub.f32 v57, v54  }
0x1f4: {  	v41 =	vld [tilespmem:s31+$0x10800];
	v22 =	vadd.f32 v36, v22;
	v40 =	vmul.f32 v23, v23;
	v23 =	vadd.f32 v25, v23  }
0x1f5: {  	v42 =	vld.idx.msk [tilespmem:v59+s1+$0x0], $0xffff;
	v26 =	vsub.f32 v61, v58  }
0x1f6: {  	v45 =	vld [tilespmem:s31+$0x11000];
	v22 =	vadd.f32 v40, v22;
	v44 =	vmul.f32 v23, v23;
	v23 =	vadd.f32 v24, v23  }
0x1f7: {  	v43 =	vadd.s32 v18, v21;
	v47 =	vadd.s32 v19, v21;
	v27 =	vsub.f32 v37, v62;
	v46 =	vld.idx.msk [tilespmem:v63+s1+$0x0], $0xffff  }
0x1f8: {  	v49 =	vld [tilespmem:s31+$0x11800];
	v22 =	vadd.f32 v44, v22;
	v48 =	vmul.f32 v23, v23;
	v23 =	vadd.f32 v26, v23  }
0x1f9: {  	v21 =	vadd.s32 v20, v21;
	v50 =	vld.idx.msk [tilespmem:v39+s1+$0x0], $0xffff;
	v25 =	vsub.f32 v41, v38  }
0x1fa: {  	v52 =	vld [tilespmem:s31+$0x12000];
	v22 =	vadd.f32 v48, v22;
	v51 =	vmul.f32 v23, v23;
	v23 =	vadd.f32 v27, v23  }
0x1fb: {  	v55 =	vld [tilespmem:s31+$0x12800];
	v24 =	vsub.f32 v45, v42  }
0x1fc: {  	v53 =	vld.idx.msk [tilespmem:v43+s1+$0x0], $0xffff;
	v22 =	vadd.f32 v51, v22;
	v54 =	vmul.f32 v23, v23;
	v23 =	vadd.f32 v25, v23  }
0x1fd: {  	v56 =	vld.idx.msk [tilespmem:v47+s1+$0x0], $0xffff;
	v26 =	vsub.f32 v49, v46  }
0x1fe: {  	v58 =	vld [tilespmem:s31+$0x13000];
	v22 =	vadd.f32 v54, v22;
	v57 =	vmul.f32 v23, v23;
	v23 =	vadd.f32 v24, v23  }
0x1ff: {  	v21 =	vld.idx.msk [tilespmem:v21+s1+$0x0], $0xffff;
	v27 =	vsub.f32 v52, v50  }
0x200: {  	v60 =	vld [tilespmem:s31+$0x13800];
	v22 =	vadd.f32 v57, v22;
	v59 =	vmul.f32 v23, v23;
	v23 =	vadd.f32 v26, v23  }
0x201: {  	v25 =	vsub.f32 v55, v53  }
0x202: {  	v22 =	vadd.f32 v59, v22;
	v61 =	vmul.f32 v23, v23;
	v23 =	vadd.f32 v27, v23  }
0x203: {  	v24 =	vsub.f32 v58, v56  }
0x204: {  	v22 =	vadd.f32 v61, v22;
	v27 =	vmul.f32 v23, v23;
	v23 =	vadd.f32 v25, v23  }
0x205: {  	v21 =	vsub.f32 v60, v21  }
0x206: {  	v22 =	vadd.f32 v27, v22;
	v25 =	vmul.f32 v23, v23;
	v23 =	vadd.f32 v24, v23;
	_ =	sdelay $0x1  }
0x207: {  	v22 =	vadd.f32 v25, v22;
	v24 =	vmul.f32 v23, v23;
	v21 =	vadd.f32 v21, v23;
	_ =	sdelay $0x1  }
0x208: {  	v22 =	vadd.f32 v24, v22;
	v21 =	vmul.f32 v21, v21;
	_ =	sdelay $0x1  }
0x209: {  	v21 =	vadd.f32 v21, v22;
	_ =	sdelay $0x1  }
0x20a: {  	v21 =	vmul.f32 $5.000000070e-02, v21;
	_ =	sdelay $0x1  }
0x20b: {  	v21 =	vadd.f32 $9.999999970e-07, v21;
	_ =	sdelay $0x1  }
0x20c: {  	v22 =	vshra.s32 v21, $0x1;
	v23 =	vmul.f32 $5.000000000e-01, v21  }
0x20d: {  	v22 =	vsub.s32 $0x5F3759DF, v22  }
0x20e: {  	v62 =	vmul.f32 v22, v23;
	_ =	sdelay $0x1  }
0x20f: {  	v24 =	vmul.f32 v22, v62;
	_ =	sdelay $0x1  }
0x210: {  	v24 =	vsub.f32 $1.500000000e+00, v24;
	_ =	sdelay $0x1  }
0x211: {  	v22 =	vmul.f32 v22, v24;
	_ =	sdelay $0x1  }
0x212: {  	v24 =	vmul.f32 v22, v23;
	_ =	sdelay $0x1  }
0x213: {  	v24 =	vmul.f32 v24, v22;
	_ =	sdelay $0x1  }
0x214: {  	v24 =	vsub.f32 $1.500000000e+00, v24;
	_ =	sdelay $0x1  }
0x215: {  	v22 =	vmul.f32 v24, v22;
	_ =	sdelay $0x1  }
0x216: {  	v23 =	vmul.f32 v22, v23;
	_ =	sdelay $0x1  }
0x217: {  	v23 =	vmul.f32 v23, v22;
	_ =	sdelay $0x1  }
0x218: {  	v23 =	vsub.f32 $1.500000000e+00, v23  }
0x219: {  	v63 =	vld [tilespmem:$0x17000]  }
0x21a: {  	v22 =	vmul.f32 v23, v22;
	_ =	sdelay $0x1  }
0x21b: {  	v21 =	vmul.f32 v22, v21;
	_ =	sdelay $0x1  }
0x21c: {  	s30 =	simm.s32 $0x10;
	s6 =	simm.s32 $0x10;
	s29 =	simm.s32 $0x2;
	v21 =	vadd.f32 v21, v63  }
.LBB2_7:
0x21d: {  	p0 =	sne.s32 s29, $0x7F;
	s0 =	sand.u32 $0x70, s30;
	s5 =	sand.u32 $0xFFFFFF80, s6  }
0x21e: {  	s5 =	sor.u32 s0, s5;
	[tilespmem:$0x17000] =	vst v21  }
0x21f: {  	v21 =	vld [tilespmem:s5+$0x14800];
	_ =	sdelay $0x4  }
0x220: {  	v21 =	vmul.f32 $1.000000000e+02, v21;
	_ =	sdelay $0x1  }
0x221: {  	v21 =	vadd.f32 $-1.000000000e+02, v21;
	_ =	sdelay $0x1  }
0x222: {  	v21 =	vtrunc.f32 v21  }
0x223: {  	v21 =	vcvt.f32.s32 v21;
	_ =	sdelay $0x1  }
0x224: {  	vm0 =	vgt.s32 v21, $0x0  }
0x225: {  	v21 =	vnsel vm0, $0x0, v21  }
0x226: {  	v21 =	vmin.u32 v21, $0x18F  }
0x227: {  	v21 =	vmul.u32 $0xCCD, v21;
	_ =	sdelay $0x1  }
0x228: {  	v21 =	vshrl.u32 v21, $0x10  }
0x229: {  	v21 =	vmul.u32 $0x150, v21;
	_ =	sdelay $0x1  }
0x22a: {  	v22 =	vor.u32 v0, v21;
	_ =	sdelay $0x1  }
0x22b: {  	s6 =	sand.u32 $0x3FFFFF80, s6;
	v23 =	vadd.s32 v2, v21  }
0x22c: {  	s6 =	sor.u32 s0, s6  }
0x22d: {  	v25 =	vadd.s32 v3, v21;
	v24 =	vld [tilespmem:s6+$0xB000]  }
0x22e: {  	v26 =	vadd.s32 v4, v21;
	v22 =	vld.idx.msk [tilespmem:v22+s1+$0x0], $0xffff  }
0x22f: {  	v27 =	vld [tilespmem:s5+$0xA000]  }
0x230: {  	v28 =	vadd.s32 v5, v21;
	v23 =	vld.idx.msk [tilespmem:v23+s1+$0x0], $0xffff  }
0x231: {  	v29 =	vld [tilespmem:s6+$0xA800]  }
0x232: {  	v30 =	vadd.s32 v6, v21;
	v25 =	vld.idx.msk [tilespmem:v25+s1+$0x0], $0xffff  }
0x233: {  	v26 =	vld.idx.msk [tilespmem:v26+s1+$0x0], $0xffff  }
0x234: {  	v31 =	vadd.s32 v7, v21;
	v22 =	vsub.f32 v27, v22;
	v27 =	vld [tilespmem:s6+$0xB800]  }
0x235: {  	v28 =	vld.idx.msk [tilespmem:v28+s1+$0x0], $0xffff  }
0x236: {  	v32 =	vadd.s32 v8, v21;
	v22 =	vadd.f32 $0.0e+00, v22;
	v23 =	vsub.f32 v29, v23;
	v29 =	vld [tilespmem:s6+$0xC000]  }
0x237: {  	v30 =	vld.idx.msk [tilespmem:v30+s1+$0x0], $0xffff  }
0x238: {  	v33 =	vadd.s32 v9, v21;
	v24 =	vsub.f32 v24, v25;
	v23 =	vadd.f32 v23, v22;
	v25 =	vld [tilespmem:s6+$0xC800]  }
0x239: {  	v26 =	vsub.f32 v27, v26;
	v27 =	vld.idx.msk [tilespmem:v31+s1+$0x0], $0xffff;
	v31 =	vadd.s32 v10, v21  }
0x23a: {  	v22 =	vmul.f32 v22, v22;
	v34 =	vmul.f32 v23, v23;
	v23 =	vadd.f32 v24, v23;
	v24 =	vld [tilespmem:s6+$0xD000]  }
0x23b: {  	v28 =	vsub.f32 v29, v28;
	v29 =	vld.idx.msk [tilespmem:v32+s1+$0x0], $0xffff;
	v32 =	vadd.s32 v11, v21  }
0x23c: {  	v22 =	vadd.f32 v34, v22;
	v34 =	vmul.f32 v23, v23;
	v23 =	vadd.f32 v26, v23;
	v26 =	vld [tilespmem:s6+$0xD800]  }
0x23d: {  	v25 =	vsub.f32 v25, v30;
	v30 =	vld.idx.msk [tilespmem:v33+s1+$0x0], $0xffff;
	v33 =	vadd.s32 v12, v21  }
0x23e: {  	v22 =	vadd.f32 v34, v22;
	v34 =	vmul.f32 v23, v23;
	v23 =	vadd.f32 v28, v23;
	v28 =	vld [tilespmem:s6+$0xE000]  }
0x23f: {  	v24 =	vsub.f32 v24, v27;
	v27 =	vld.idx.msk [tilespmem:v31+s1+$0x0], $0xffff;
	v31 =	vadd.s32 v13, v21  }
0x240: {  	v22 =	vadd.f32 v34, v22;
	v34 =	vmul.f32 v23, v23;
	v23 =	vadd.f32 v25, v23;
	v25 =	vld [tilespmem:s6+$0xE800]  }
0x241: {  	v26 =	vsub.f32 v26, v29;
	v29 =	vld.idx.msk [tilespmem:v32+s1+$0x0], $0xffff;
	v32 =	vadd.s32 v14, v21  }
0x242: {  	v22 =	vadd.f32 v34, v22;
	v34 =	vmul.f32 v23, v23;
	v23 =	vadd.f32 v24, v23;
	v24 =	vld [tilespmem:s6+$0xF000]  }
0x243: {  	v28 =	vsub.f32 v28, v30;
	v30 =	vld.idx.msk [tilespmem:v33+s1+$0x0], $0xffff;
	v33 =	vadd.s32 v15, v21  }
0x244: {  	v22 =	vadd.f32 v34, v22;
	v34 =	vmul.f32 v23, v23;
	v23 =	vadd.f32 v26, v23;
	v26 =	vld [tilespmem:s6+$0xF800]  }
0x245: {  	v25 =	vsub.f32 v25, v27;
	v27 =	vld.idx.msk [tilespmem:v31+s1+$0x0], $0xffff;
	v31 =	vadd.s32 v16, v21  }
0x246: {  	v22 =	vadd.f32 v34, v22;
	v34 =	vmul.f32 v23, v23;
	v23 =	vadd.f32 v28, v23;
	v28 =	vld [tilespmem:s6+$0x10000]  }
0x247: {  	v24 =	vsub.f32 v24, v29;
	v29 =	vld.idx.msk [tilespmem:v32+s1+$0x0], $0xffff;
	v32 =	vadd.s32 v17, v21  }
0x248: {  	v22 =	vadd.f32 v34, v22;
	v34 =	vmul.f32 v23, v23;
	v23 =	vadd.f32 v25, v23;
	v25 =	vld [tilespmem:s6+$0x10800]  }
0x249: {  	v26 =	vsub.f32 v26, v30;
	v30 =	vld.idx.msk [tilespmem:v33+s1+$0x0], $0xffff;
	v33 =	vadd.s32 v18, v21  }
0x24a: {  	v22 =	vadd.f32 v34, v22;
	v34 =	vmul.f32 v23, v23;
	v23 =	vadd.f32 v24, v23;
	v24 =	vld [tilespmem:s6+$0x11000]  }
0x24b: {  	v27 =	vsub.f32 v28, v27;
	v28 =	vld.idx.msk [tilespmem:v31+s1+$0x0], $0xffff;
	v31 =	vadd.s32 v19, v21  }
0x24c: {  	v22 =	vadd.f32 v34, v22;
	v34 =	vmul.f32 v23, v23;
	v23 =	vadd.f32 v26, v23;
	v26 =	vld [tilespmem:s6+$0x11800]  }
0x24d: {  	v21 =	vadd.s32 v20, v21;
	v25 =	vsub.f32 v25, v29;
	v29 =	vld.idx.msk [tilespmem:v32+s1+$0x0], $0xffff  }
0x24e: {  	v22 =	vadd.f32 v34, v22;
	v32 =	vmul.f32 v23, v23;
	v23 =	vadd.f32 v27, v23;
	v27 =	vld [tilespmem:s6+$0x12000]  }
0x24f: {  	v24 =	vsub.f32 v24, v30;
	v30 =	vld.idx.msk [tilespmem:v33+s1+$0x0], $0xffff  }
0x250: {  	v22 =	vadd.f32 v32, v22;
	v32 =	vmul.f32 v23, v23;
	v23 =	vadd.f32 v25, v23;
	v25 =	vld [tilespmem:s6+$0x12800]  }
0x251: {  	v26 =	vsub.f32 v26, v28;
	v28 =	vld.idx.msk [tilespmem:v31+s1+$0x0], $0xffff  }
0x252: {  	v22 =	vadd.f32 v32, v22;
	v31 =	vmul.f32 v23, v23;
	v23 =	vadd.f32 v24, v23;
	v24 =	vld [tilespmem:s6+$0x13000]  }
0x253: {  	v27 =	vsub.f32 v27, v29;
	v21 =	vld.idx.msk [tilespmem:v21+s1+$0x0], $0xffff  }
0x254: {  	v22 =	vadd.f32 v31, v22;
	v29 =	vmul.f32 v23, v23;
	v23 =	vadd.f32 v26, v23;
	v26 =	vld [tilespmem:s6+$0x13800]  }
0x255: {  	v25 =	vsub.f32 v25, v30  }
0x256: {  	v22 =	vadd.f32 v29, v22;
	v29 =	vmul.f32 v23, v23;
	v23 =	vadd.f32 v27, v23  }
0x257: {  	v24 =	vsub.f32 v24, v28  }
0x258: {  	v22 =	vadd.f32 v29, v22;
	v27 =	vmul.f32 v23, v23;
	v23 =	vadd.f32 v25, v23  }
0x259: {  	v21 =	vsub.f32 v26, v21  }
0x25a: {  	v22 =	vadd.f32 v27, v22;
	v25 =	vmul.f32 v23, v23;
	v23 =	vadd.f32 v24, v23;
	_ =	sdelay $0x1  }
0x25b: {  	v22 =	vadd.f32 v25, v22;
	v24 =	vmul.f32 v23, v23;
	v21 =	vadd.f32 v21, v23;
	_ =	sdelay $0x1  }
0x25c: {  	v22 =	vadd.f32 v24, v22;
	v21 =	vmul.f32 v21, v21;
	_ =	sdelay $0x1  }
0x25d: {  	v21 =	vadd.f32 v21, v22;
	_ =	sdelay $0x1  }
0x25e: {  	v21 =	vmul.f32 $5.000000070e-02, v21;
	_ =	sdelay $0x1  }
0x25f: {  	v21 =	vadd.f32 $9.999999970e-07, v21;
	_ =	sdelay $0x1  }
0x260: {  	v22 =	vshra.s32 v21, $0x1;
	v23 =	vmul.f32 $5.000000000e-01, v21  }
0x261: {  	v22 =	vsub.s32 $0x5F3759DF, v22  }
0x262: {  	v24 =	vmul.f32 v22, v23;
	_ =	sdelay $0x1  }
0x263: {  	v24 =	vmul.f32 v22, v24;
	_ =	sdelay $0x1  }
0x264: {  	v24 =	vsub.f32 $1.500000000e+00, v24;
	_ =	sdelay $0x1  }
0x265: {  	v22 =	vmul.f32 v22, v24;
	_ =	sdelay $0x1  }
0x266: {  	v24 =	vmul.f32 v22, v23;
	_ =	sdelay $0x1  }
0x267: {  	v24 =	vmul.f32 v24, v22;
	_ =	sdelay $0x1  }
0x268: {  	v24 =	vsub.f32 $1.500000000e+00, v24;
	_ =	sdelay $0x1  }
0x269: {  	v22 =	vmul.f32 v24, v22;
	_ =	sdelay $0x1  }
0x26a: {  	v23 =	vmul.f32 v22, v23;
	_ =	sdelay $0x1  }
0x26b: {  	v23 =	vmul.f32 v23, v22;
	_ =	sdelay $0x1  }
0x26c: {  	v23 =	vsub.f32 $1.500000000e+00, v23  }
0x26d: {  	v24 =	vld [tilespmem:$0x17000]  }
.Ltmp2:
0x26e: {  	v22 =	vmul.f32 v23, v22;
	(pc) =	sbr.rel @p0 .LBB2_7-.Ltmp2, $3  }
0x26f: {  	_ = 	snop  }
0x270: {  	v21 =	vmul.f32 v22, v21;
	_ =	sdelay $0x1  }
0x271: {  	s30 =	sadd.s32 $0x10, s30;
	s6 =	sshll.u32 s29, $0x4;
	s29 =	sadd.s32 $0x1, s29;
	v21 =	vadd.f32 v21, v24  }
0x272: {  	s0 =	sand.u32 $0x70, s30;
	s5 =	sand.u32 $0xFFFFFF80, s6  }
0x273: {  	s5 =	sor.u32 s0, s5;
	[tilespmem:$0x17000] =	vst v21  }
0x274: {  	v21 =	vld [tilespmem:s5+$0x14800];
	_ =	sdelay $0x4  }
0x275: {  	v21 =	vmul.f32 $1.000000000e+02, v21;
	_ =	sdelay $0x1  }
0x276: {  	v21 =	vadd.f32 $-1.000000000e+02, v21;
	_ =	sdelay $0x1  }
0x277: {  	v21 =	vtrunc.f32 v21  }
0x278: {  	v21 =	vcvt.f32.s32 v21;
	_ =	sdelay $0x1  }
0x279: {  	vm0 =	vgt.s32 v21, $0x0  }
0x27a: {  	v21 =	vnsel vm0, $0x0, v21  }
0x27b: {  	v21 =	vmin.u32 v21, $0x18F  }
0x27c: {  	v21 =	vmul.u32 $0xCCD, v21;
	_ =	sdelay $0x1  }
0x27d: {  	v21 =	vshrl.u32 v21, $0x10  }
0x27e: {  	v21 =	vmul.u32 $0x150, v21;
	_ =	sdelay $0x1  }
0x27f: {  	v22 =	vor.u32 v0, v21  }
0x280: {  	s31 =	sand.u32 $0x3FFFFF80, s6  }
0x281: {  	s6 =	sor.u32 s0, s31;
	v23 =	vadd.s32 v2, v21  }
0x282: {  	v24 =	vld [tilespmem:s6+$0xB000]  }
0x283: {  	v27 =	vld [tilespmem:s5+$0xA000];
	v25 =	vadd.s32 v3, v21  }
0x284: {  	v26 =	vadd.s32 v4, v21;
	v22 =	vld.idx.msk [tilespmem:v22+s1+$0x0], $0xffff  }
0x285: {  	v29 =	vld [tilespmem:s6+$0xA800]  }
0x286: {  	v28 =	vadd.s32 v5, v21;
	v23 =	vld.idx.msk [tilespmem:v23+s1+$0x0], $0xffff  }
0x287: {  	v36 =	vld [tilespmem:s6+$0xB800]  }
0x288: {  	v30 =	vadd.s32 v6, v21;
	v25 =	vld.idx.msk [tilespmem:v25+s1+$0x0], $0xffff  }
0x289: {  	v26 =	vld.idx.msk [tilespmem:v26+s1+$0x0], $0xffff;
	v22 =	vsub.f32 v27, v22  }
0x28a: {  	v37 =	vld [tilespmem:s6+$0xC000];
	v31 =	vadd.s32 v7, v21  }
0x28b: {  	v28 =	vld.idx.msk [tilespmem:v28+s1+$0x0], $0xffff;
	v23 =	vsub.f32 v29, v23;
	v22 =	vadd.f32 $0.0e+00, v22  }
0x28c: {  	v38 =	vld [tilespmem:s6+$0xC800];
	v32 =	vadd.s32 v8, v21  }
0x28d: {  	v30 =	vld.idx.msk [tilespmem:v30+s1+$0x0], $0xffff;
	v24 =	vsub.f32 v24, v25;
	v23 =	vadd.f32 v23, v22  }
0x28e: {  	v41 =	vld [tilespmem:s6+$0xD000];
	v33 =	vadd.s32 v9, v21;
	v26 =	vsub.f32 v36, v26  }
0x28f: {  	v39 =	vld.idx.msk [tilespmem:v31+s1+$0x0], $0xffff;
	v22 =	vmul.f32 v22, v22;
	v34 =	vmul.f32 v23, v23;
	v23 =	vadd.f32 v24, v23  }
0x290: {  	v45 =	vld [tilespmem:s6+$0xD800];
	v40 =	vadd.s32 v10, v21;
	v28 =	vsub.f32 v37, v28  }
0x291: {  	v42 =	vld.idx.msk [tilespmem:v32+s1+$0x0], $0xffff;
	v22 =	vadd.f32 v34, v22;
	v44 =	vmul.f32 v23, v23;
	v23 =	vadd.f32 v26, v23  }
0x292: {  	v49 =	vld [tilespmem:s6+$0xE000];
	v43 =	vadd.s32 v11, v21;
	v25 =	vsub.f32 v38, v30  }
0x293: {  	v46 =	vld.idx.msk [tilespmem:v33+s1+$0x0], $0xffff;
	v22 =	vadd.f32 v44, v22;
	v48 =	vmul.f32 v23, v23;
	v23 =	vadd.f32 v28, v23  }
0x294: {  	v53 =	vld [tilespmem:s6+$0xE800];
	v47 =	vadd.s32 v12, v21;
	v51 =	vadd.s32 v13, v21;
	v24 =	vsub.f32 v41, v39  }
0x295: {  	v50 =	vld.idx.msk [tilespmem:v40+s1+$0x0], $0xffff;
	v22 =	vadd.f32 v48, v22;
	v52 =	vmul.f32 v23, v23;
	v23 =	vadd.f32 v25, v23  }
0x296: {  	v57 =	vld [tilespmem:s6+$0xF000];
	v55 =	vadd.s32 v14, v21;
	v26 =	vsub.f32 v45, v42  }
0x297: {  	v54 =	vld.idx.msk [tilespmem:v43+s1+$0x0], $0xffff;
	v22 =	vadd.f32 v52, v22;
	v56 =	vmul.f32 v23, v23;
	v23 =	vadd.f32 v24, v23  }
0x298: {  	v61 =	vld [tilespmem:s6+$0xF800];
	v59 =	vadd.s32 v15, v21;
	v28 =	vsub.f32 v49, v46  }
0x299: {  	v58 =	vld.idx.msk [tilespmem:v47+s1+$0x0], $0xffff;
	v22 =	vadd.f32 v56, v22;
	v60 =	vmul.f32 v23, v23;
	v23 =	vadd.f32 v26, v23  }
0x29a: {  	v63 =	vadd.s32 v16, v21;
	v62 =	vld.idx.msk [tilespmem:v51+s1+$0x0], $0xffff;
	v25 =	vsub.f32 v53, v50  }
0x29b: {  	v37 =	vld [tilespmem:s6+$0x10000];
	v22 =	vadd.f32 v60, v22;
	v36 =	vmul.f32 v23, v23;
	v23 =	vadd.f32 v28, v23  }
0x29c: {  	v38 =	vld.idx.msk [tilespmem:v55+s1+$0x0], $0xffff;
	v39 =	vadd.s32 v17, v21;
	v24 =	vsub.f32 v57, v54  }
0x29d: {  	v41 =	vld [tilespmem:s6+$0x10800];
	v22 =	vadd.f32 v36, v22;
	v40 =	vmul.f32 v23, v23;
	v23 =	vadd.f32 v25, v23  }
0x29e: {  	v42 =	vld.idx.msk [tilespmem:v59+s1+$0x0], $0xffff;
	v26 =	vsub.f32 v61, v58  }
0x29f: {  	v45 =	vld [tilespmem:s6+$0x11000];
	v22 =	vadd.f32 v40, v22;
	v44 =	vmul.f32 v23, v23;
	v23 =	vadd.f32 v24, v23  }
0x2a0: {  	v43 =	vadd.s32 v18, v21;
	v47 =	vadd.s32 v19, v21;
	v27 =	vsub.f32 v37, v62;
	v46 =	vld.idx.msk [tilespmem:v63+s1+$0x0], $0xffff  }
0x2a1: {  	v49 =	vld [tilespmem:s6+$0x11800];
	v22 =	vadd.f32 v44, v22;
	v48 =	vmul.f32 v23, v23;
	v23 =	vadd.f32 v26, v23  }
0x2a2: {  	v21 =	vadd.s32 v20, v21;
	v50 =	vld.idx.msk [tilespmem:v39+s1+$0x0], $0xffff;
	v25 =	vsub.f32 v41, v38  }
0x2a3: {  	v52 =	vld [tilespmem:s6+$0x12000];
	v22 =	vadd.f32 v48, v22;
	v51 =	vmul.f32 v23, v23;
	v23 =	vadd.f32 v27, v23  }
0x2a4: {  	v55 =	vld [tilespmem:s6+$0x12800];
	v24 =	vsub.f32 v45, v42  }
0x2a5: {  	v53 =	vld.idx.msk [tilespmem:v43+s1+$0x0], $0xffff;
	v22 =	vadd.f32 v51, v22;
	v54 =	vmul.f32 v23, v23;
	v23 =	vadd.f32 v25, v23  }
0x2a6: {  	v56 =	vld.idx.msk [tilespmem:v47+s1+$0x0], $0xffff;
	v26 =	vsub.f32 v49, v46  }
0x2a7: {  	v58 =	vld [tilespmem:s6+$0x13000];
	v22 =	vadd.f32 v54, v22;
	v57 =	vmul.f32 v23, v23;
	v23 =	vadd.f32 v24, v23  }
0x2a8: {  	v21 =	vld.idx.msk [tilespmem:v21+s1+$0x0], $0xffff;
	v27 =	vsub.f32 v52, v50  }
0x2a9: {  	v60 =	vld [tilespmem:s6+$0x13800];
	v22 =	vadd.f32 v57, v22;
	v59 =	vmul.f32 v23, v23;
	v23 =	vadd.f32 v26, v23  }
0x2aa: {  	v25 =	vsub.f32 v55, v53  }
0x2ab: {  	v22 =	vadd.f32 v59, v22;
	v61 =	vmul.f32 v23, v23;
	v23 =	vadd.f32 v27, v23  }
0x2ac: {  	v24 =	vsub.f32 v58, v56  }
0x2ad: {  	v22 =	vadd.f32 v61, v22;
	v27 =	vmul.f32 v23, v23;
	v23 =	vadd.f32 v25, v23  }
0x2ae: {  	v21 =	vsub.f32 v60, v21  }
0x2af: {  	v22 =	vadd.f32 v27, v22;
	v25 =	vmul.f32 v23, v23;
	v23 =	vadd.f32 v24, v23;
	_ =	sdelay $0x1  }
0x2b0: {  	v22 =	vadd.f32 v25, v22;
	v24 =	vmul.f32 v23, v23;
	v21 =	vadd.f32 v21, v23;
	_ =	sdelay $0x1  }
0x2b1: {  	v22 =	vadd.f32 v24, v22;
	v21 =	vmul.f32 v21, v21;
	_ =	sdelay $0x1  }
0x2b2: {  	v21 =	vadd.f32 v21, v22;
	_ =	sdelay $0x1  }
0x2b3: {  	v21 =	vmul.f32 $5.000000070e-02, v21;
	_ =	sdelay $0x1  }
0x2b4: {  	v21 =	vadd.f32 $9.999999970e-07, v21;
	_ =	sdelay $0x1  }
0x2b5: {  	v22 =	vshra.s32 v21, $0x1;
	v23 =	vmul.f32 $5.000000000e-01, v21  }
0x2b6: {  	v22 =	vsub.s32 $0x5F3759DF, v22  }
0x2b7: {  	v62 =	vmul.f32 v22, v23;
	_ =	sdelay $0x1  }
0x2b8: {  	v24 =	vmul.f32 v22, v62;
	_ =	sdelay $0x1  }
0x2b9: {  	v24 =	vsub.f32 $1.500000000e+00, v24;
	_ =	sdelay $0x1  }
0x2ba: {  	v22 =	vmul.f32 v22, v24;
	_ =	sdelay $0x1  }
0x2bb: {  	v24 =	vmul.f32 v22, v23;
	_ =	sdelay $0x1  }
0x2bc: {  	v24 =	vmul.f32 v24, v22;
	_ =	sdelay $0x1  }
0x2bd: {  	v24 =	vsub.f32 $1.500000000e+00, v24;
	_ =	sdelay $0x1  }
0x2be: {  	v22 =	vmul.f32 v24, v22;
	_ =	sdelay $0x1  }
0x2bf: {  	v23 =	vmul.f32 v22, v23;
	_ =	sdelay $0x1  }
0x2c0: {  	v23 =	vmul.f32 v23, v22;
	_ =	sdelay $0x1  }
0x2c1: {  	v23 =	vsub.f32 $1.500000000e+00, v23  }
0x2c2: {  	v63 =	vld [tilespmem:$0x17000]  }
0x2c3: {  	s23 =	sadd.s32 $0x1, s23;
	v22 =	vmul.f32 v23, v22  }
0x2c4: {  	p0 =	sne.s32 s23, $0x3  }
.Ltmp3:
0x2c5: {  	v21 =	vmul.f32 v22, v21;
	(pc) =	sbr.rel @p0 .LBB2_2-.Ltmp3, $3  }
0x2c6: {  	_ = 	snop  }
0x2c7: {  	v21 =	vadd.f32 v21, v63;
	_ =	sdelay $0x1  }
0x2c8: {  	[tilespmem:$0x17000] =	vst v21  }
0x2c9: {  	s0 =	rddreg [dreg:$0x15];
	s5 =	simm.s32 $0x17000  }
0x2ca: {  	[hbm4b:s0+s4] =	stream.linear.scatter [tilespmem:s5], [sflag:$0x5], $0x10, $0x38;
	[tilespmem:$0x17080] =	vst v63  }
0x2cb: {  	s5 =	simm.s32 $0x5  }
0x2cc: {  	_ =	swait.ge [sflag:s5], $0x10  }
0x2cd: {  	s6 =	rddreg [dreg:$0x1c]  }
0x2ce: {  	s31 =	rddreg [dreg:$0x16];
	s6 =	sadd.s32 $0x1, s6  }
0x2cf: {  	p0 =	sne.s32 s6, s31  }
.Ltmp4:
0x2d0: {  	_ = 	snop;
	(pc) =	sbr.rel @p0 .LBB2_1-.Ltmp4, $3  }
0x2d1: {  	_ =	sdelay $0x1  }
0x2d2: {  	[sflag:s5] =	ssyncset.done $0x0  }
0x2d3: {  	[sflag:s5] =	ssyncadd.s32 $0xFFFFFFF0  }
0x2d4: {  	_ =	sfence.sel $0x180000  }
0x2d5: {  	[bflag:$0x0] =	sbarrier.arrive $0xFFFF  }
0x2d6: {  	_ =	strace $0x90000047  }
0x2d7: {  	s0 =	stileid.u32;
	[bflag:$0x2] =	sbarrier.arrive $0xFFFF  }
0x2d8: {  	p0 =	sne.s32 s0, $0x0;
	s0 =	rddreg [dreg:$0x2]  }
0x2d9: {  	s0 =	sadd.s32 @!p0 $0x100000, s0  }
0x2da: {  	[sflag:s0] =	ssyncadd.tile.s32 @!p0 $0x1;
	_ =	shalt  }
.Lfunc_end2:
_tile_overlayer_lowered:
.L_overlay_start_2:
0x2db: {  	(tag) =	ssettag $0x2  }
0x2dc: {  	s0 =	rddreg [dreg:$0x0];
	s2 =	stileid.u32  }
0x2dd: {  	s1 =	rddreg [dreg:$0x1];
	p0 =	sne.s32 s2, $0x0  }
0x2de: {  	s3 =	rddreg [dreg:$0x2];
	[bflag:$0x3] =	sbarrier.arrive $0xFFFF;
	s2 =	simm.s32 @!p0 $0x1C05  }
0x2df: {  	[timem:s3], [sflag:s2] =	dma.local @!p0 [hbm:s0], s1  }
0x2e0: {  	s0 =	simm.s32 @!p0 $0x5  }
0x2e1: {  	_ =	swait.ge @!p0 [sflag:s0], s1  }
0x2e2: {  	s1 =	ssub.s32 @!p0 $0x0, s1;
	[sflag:s0] =	ssyncset.done @!p0 $0x0  }
0x2e3: {  	[sflag:s0] =	ssyncadd.s32 @!p0 s1  }
0x2e4: {  	[bflag:$0x3] =	sbarrier.arrive $0xFFFF  }
0x2e5: {  	_ =	shalt  }

</sc_bundles>
